<compile_context>
chip_gen: v7x
topology: tpu7x:2x2x1
jax: 0.10.2.dev20260603
libtpu: 0.0.44.dev20260713+nightly
codegen_flags: <defaults>
</compile_context>

<pallas_src>
import dataclasses
import functools

import jax
import jax.numpy as jnp
from jax import lax
from jax.experimental import pallas as pl
from jax.experimental.pallas import tpu as pltpu
from jax.experimental.pallas import tpu_sc as plsc

N = 10000
E = 320000
D_IN = 128
D = 384
C = 40
QW = 96
DV = 128
ROWB = 400
SCALE = 1.0 / (D ** 0.5)
PREC = lax.Precision.HIGHEST


def _dot(a, b):
    return jnp.dot(a, b, preferred_element_type=jnp.float32, precision=PREC)


def _split_vaug(qkv, ones):
    q = qkv[:, :D] * SCALE
    k = qkv[:, D:2 * D]
    v = qkv[:, 2 * D:]
    pad = jnp.zeros_like(ones)
    vq = [jnp.concatenate([v[:, QW * i:QW * (i + 1)], ones, pad], axis=1)
          for i in range(4)]
    return q, k, jnp.stack(vq, axis=0)


def _embed_qkv_kernel(x_ref, we_ref, be_ref, wq_ref, bq_ref,
                      qs_ref, k_ref, vaug_ref):
    h = _dot(x_ref[...], we_ref[...]) + be_ref[...]
    qkv = _dot(h, wq_ref[...]) + bq_ref[...]
    ones = jnp.ones((x_ref.shape[0], 16), jnp.float32)
    q, k, vaug = _split_vaug(qkv, ones)
    qs_ref[...] = q
    k_ref[...] = k
    vaug_ref[...] = vaug


def _embed_qkv(x, W_embed, b_embed, Wqkv, bqkv):
    grid = (N // ROWB,)
    return pl.pallas_call(
        _embed_qkv_kernel,
        grid=grid,
        in_specs=[
            pl.BlockSpec((ROWB, D_IN), lambda i: (i, 0)),
            pl.BlockSpec((D_IN, D), lambda i: (0, 0)),
            pl.BlockSpec((1, D), lambda i: (0, 0)),
            pl.BlockSpec((D, 3 * D), lambda i: (0, 0)),
            pl.BlockSpec((1, 3 * D), lambda i: (0, 0)),
        ],
        out_specs=[
            pl.BlockSpec((ROWB, D), lambda i: (i, 0)),
            pl.BlockSpec((ROWB, D), lambda i: (i, 0)),
            pl.BlockSpec((4, ROWB, DV), lambda i: (0, i, 0)),
        ],
        out_shape=[
            jax.ShapeDtypeStruct((N, D), jnp.float32),
            jax.ShapeDtypeStruct((N, D), jnp.float32),
            jax.ShapeDtypeStruct((4, N, DV), jnp.float32),
        ],
    )(x, W_embed, b_embed.reshape(1, D), Wqkv, bqkv.reshape(1, 3 * D))


def _scores_kernel(q_ref, k_ref, s_ref):
    s_ref[0] = lax.dot_general(
        q_ref[...], k_ref[...], (((1,), (1,)), ((), ())),
        preferred_element_type=jnp.float32, precision=lax.Precision.DEFAULT)


SBM = 1024
SGM = (N + SBM - 1) // SBM


def _scores(qs, k):
    return pl.pallas_call(
        _scores_kernel,
        grid=(SGM, SGM),
        in_specs=[
            pl.BlockSpec((SBM, D), lambda i, j: (i, 0)),
            pl.BlockSpec((SBM, D), lambda i, j: (j, 0)),
        ],
        out_specs=pl.BlockSpec((1, SBM, SBM), lambda i, j: (i * SGM + j, 0, 0)),
        out_shape=jax.ShapeDtypeStruct((SGM * SGM, SBM, SBM), jnp.float32),
    )(qs, k)


def _agg_from_acc(acc):
    den = acc[0][:, QW:QW + 1]
    agg = jnp.concatenate([acc[i][:, :QW] for i in range(4)], axis=1)
    return agg / (den + 1e-16)


def _proj_qkv_kernel(acc_ref, wo_ref, bo_ref, wq_ref, bq_ref,
                     qs_ref, k_ref, vaug_ref):
    agg = _agg_from_acc(acc_ref)
    t = _dot(agg, wo_ref[...]) + bo_ref[...]
    t = jnp.maximum(t, 0.0)
    qkv = _dot(t, wq_ref[...]) + bq_ref[...]
    ones = jnp.ones((acc_ref.shape[1], 16), jnp.float32)
    q, k, vaug = _split_vaug(qkv, ones)
    qs_ref[...] = q
    k_ref[...] = k
    vaug_ref[...] = vaug


def _proj_qkv(acc, Wo, bo, Wqkv, bqkv):
    grid = (N // ROWB,)
    return pl.pallas_call(
        _proj_qkv_kernel,
        grid=grid,
        in_specs=[
            pl.BlockSpec((4, ROWB, DV), lambda i: (0, i, 0)),
            pl.BlockSpec((D, D), lambda i: (0, 0)),
            pl.BlockSpec((1, D), lambda i: (0, 0)),
            pl.BlockSpec((D, 3 * D), lambda i: (0, 0)),
            pl.BlockSpec((1, 3 * D), lambda i: (0, 0)),
        ],
        out_specs=[
            pl.BlockSpec((ROWB, D), lambda i: (i, 0)),
            pl.BlockSpec((ROWB, D), lambda i: (i, 0)),
            pl.BlockSpec((4, ROWB, DV), lambda i: (0, i, 0)),
        ],
        out_shape=[
            jax.ShapeDtypeStruct((N, D), jnp.float32),
            jax.ShapeDtypeStruct((N, D), jnp.float32),
            jax.ShapeDtypeStruct((4, N, DV), jnp.float32),
        ],
    )(acc, Wo, bo.reshape(1, D), Wqkv, bqkv.reshape(1, 3 * D))


def _final_kernel(acc_ref, wo_ref, bo_ref, wl_ref, bl_ref, o_ref):
    agg = _agg_from_acc(acc_ref)
    t = _dot(agg, wo_ref[...]) + bo_ref[...]
    logits = _dot(t, wl_ref[...]) + bl_ref[...]
    m = jnp.max(logits, axis=1, keepdims=True)
    lse = jnp.log(jnp.sum(jnp.exp(logits - m), axis=1, keepdims=True)) + m
    o_ref[...] = logits - lse


def _final(acc, Wo, bo, W_lin, b_lin):
    grid = (N // ROWB,)
    return pl.pallas_call(
        _final_kernel,
        grid=grid,
        in_specs=[
            pl.BlockSpec((4, ROWB, DV), lambda i: (0, i, 0)),
            pl.BlockSpec((D, D), lambda i: (0, 0)),
            pl.BlockSpec((1, D), lambda i: (0, 0)),
            pl.BlockSpec((D, C), lambda i: (0, 0)),
            pl.BlockSpec((1, C), lambda i: (0, 0)),
        ],
        out_specs=pl.BlockSpec((ROWB, C), lambda i: (i, 0)),
        out_shape=jax.ShapeDtypeStruct((N, C), jnp.float32),
    )(acc, Wo, bo.reshape(1, D), W_lin, b_lin.reshape(1, C))


NSC = 2
NSUB = 16
LANES = 16
CHUNK = 80
EPC = E // NSUB
NCHUNK = EPC // CHUNK
STRIPE = 624
TAIL = N - NSUB * STRIPE


def _edge_phase_sc(Sflat, vtab, src2d, dst2, sidx2, zz):
    mesh = plsc.VectorSubcoreMesh(core_axis_name="c", subcore_axis_name="s")
    cp = pltpu.CompilerParams()
    if "needs_layout_passes" in pltpu.CompilerParams.__dataclass_fields__:
        cp = dataclasses.replace(cp, needs_layout_passes=False)
    if "use_tc_tiling_on_sc" in pltpu.CompilerParams.__dataclass_fields__:
        cp = dataclasses.replace(cp, use_tc_tiling_on_sc=False)

    @functools.partial(
        pl.kernel, mesh=mesh, compiler_params=cp,
        out_type=jax.ShapeDtypeStruct((4 * N, DV), jnp.float32),
        scratch_types=[
            pltpu.VMEM((NCHUNK, CHUNK), jnp.int32),
            pltpu.VMEM((1, CHUNK), jnp.int32),
            pltpu.VMEM((1, CHUNK), jnp.int32),
            pltpu.VMEM((1, CHUNK), jnp.int32),
            pltpu.VMEM((1, CHUNK), jnp.int32),
            pltpu.VMEM((CHUNK,), jnp.float32),
            pltpu.VMEM((CHUNK,), jnp.float32),
            pltpu.VMEM((CHUNK, DV), jnp.float32),
            pltpu.VMEM((CHUNK, DV), jnp.float32),
            pltpu.VMEM_SHARED((N, DV), jnp.float32),
            pltpu.SemaphoreType.DMA,
            pltpu.SemaphoreType.DMA,
            pltpu.SemaphoreType.DMA,
            pltpu.SemaphoreType.DMA,
            pltpu.SemaphoreType.DMA,
            pltpu.SemaphoreType.DMA,
        ],
    )
    def ker(sflat_hbm, vtab_hbm, src2d_hbm, dst2_hbm, sidx2_hbm, zz_hbm,
            out_hbm, dst_v, sia, sib, sra, srb, wa, wb, rowsa, rowsb, acc,
            isa_, isb_, gsa, gsb, ssa, ssb):
        core = lax.axis_index("c")
        sid = lax.axis_index("s")

        pltpu.sync_copy(dst2_hbm.at[pl.ds(sid * NCHUNK, NCHUNK)], dst_v)

        NT = NCHUNK // 2
        for p in range(2):
            q = 2 * core + p
            sbase = sid * NCHUNK
            rbase = (q * NSUB + sid) * NCHUNK

            def issue_idx(si_buf, sr_buf, isem, i):
                pltpu.async_copy(sidx2_hbm.at[pl.ds(sbase + i, 1)],
                                 si_buf, isem)
                pltpu.async_copy(src2d_hbm.at[pl.ds(rbase + i, 1)],
                                 sr_buf, isem)

            def wait_idx(si_buf, sr_buf, isem, i):
                pltpu.make_async_copy(sidx2_hbm.at[pl.ds(sbase + i, 1)],
                                      si_buf, isem).wait()
                pltpu.make_async_copy(src2d_hbm.at[pl.ds(rbase + i, 1)],
                                      sr_buf, isem).wait()

            def issue_gathers(si_buf, sr_buf, w_buf, rows_buf, gsem):
                pltpu.async_copy(sflat_hbm.at[si_buf.at[0]], w_buf, gsem)
                pltpu.async_copy(vtab_hbm.at[sr_buf.at[0]], rows_buf, gsem)

            def wait_gathers(si_buf, sr_buf, w_buf, rows_buf, gsem):
                pltpu.make_async_copy(sflat_hbm.at[si_buf.at[0]], w_buf,
                                      gsem).wait()
                pltpu.make_async_copy(vtab_hbm.at[sr_buf.at[0]], rows_buf,
                                      gsem).wait()

            def compute(w_buf, rows_buf):
                for c in range(CHUNK // LANES):
                    sl = pl.ds(c * LANES, LANES)
                    w_buf[sl] = jnp.exp(w_buf[sl])

                @pl.loop(0, CHUNK)
                def _(j):
                    wspl = plsc.load_gather(
                        w_buf, [jnp.full((LANES,), j, jnp.int32)])
                    for c in range(DV // LANES):
                        sl = pl.ds(c * LANES, LANES)
                        rows_buf[j, sl] = rows_buf[j, sl] * wspl

            def issue_scatter(rows_buf, ssem, i):
                pltpu.async_copy(rows_buf, acc.at[dst_v.at[i]], ssem,
                                 add=True)

            def wait_scatter(rows_buf, ssem, i):
                pltpu.make_async_copy(rows_buf, acc.at[dst_v.at[i]],
                                      ssem).wait()

            pltpu.sync_copy(zz_hbm, acc.at[pl.ds(sid * STRIPE, STRIPE)])

            @pl.when(sid == NSUB - 1)
            def _():
                pltpu.sync_copy(zz_hbm.at[pl.ds(0, TAIL)],
                                acc.at[pl.ds(NSUB * STRIPE, TAIL)])

            plsc.subcore_barrier()

            issue_idx(sia, sra, isa_, 0)
            issue_idx(sib, srb, isb_, 1)
            wait_idx(sia, sra, isa_, 0)
            issue_gathers(sia, sra, wa, rowsa, gsa)

            @pl.loop(0, NT)
            def _(t):
                i0 = 2 * t
                i1 = i0 + 1

                @pl.when(t > 0)
                def _():
                    wait_scatter(rowsb, ssb, i1 - 2)

                wait_idx(sib, srb, isb_, i1)
                issue_gathers(sib, srb, wb, rowsb, gsb)
                wait_gathers(sia, sra, wa, rowsa, gsa)

                @pl.when(t < NT - 1)
                def _():
                    issue_idx(sia, sra, isa_, i0 + 2)

                compute(wa, rowsa)
                issue_scatter(rowsa, ssa, i0)

                @pl.when(t < NT - 1)
                def _():
                    wait_scatter(rowsa, ssa, i0)
                    wait_idx(sia, sra, isa_, i0 + 2)
                    issue_gathers(sia, sra, wa, rowsa, gsa)

                wait_gathers(sib, srb, wb, rowsb, gsb)

                @pl.when(t < NT - 1)
                def _():
                    issue_idx(sib, srb, isb_, i1 + 2)

                compute(wb, rowsb)
                issue_scatter(rowsb, ssb, i1)

            wait_scatter(rowsa, ssa, NCHUNK - 2)
            wait_scatter(rowsb, ssb, NCHUNK - 1)
            plsc.subcore_barrier()
            pltpu.sync_copy(acc.at[pl.ds(sid * STRIPE, STRIPE)],
                            out_hbm.at[pl.ds(q * N + sid * STRIPE, STRIPE)])

            @pl.when(sid == NSUB - 1)
            def _():
                pltpu.sync_copy(
                    acc.at[pl.ds(NSUB * STRIPE, TAIL)],
                    out_hbm.at[pl.ds(q * N + NSUB * STRIPE, TAIL)])

    return ker(Sflat, vtab, src2d, dst2, sidx2, zz)


def _edge_phase(S, vaug, src2d, dst2, sidx2, zz):
    acc = _edge_phase_sc(S.reshape(-1), vaug.reshape(4 * N, DV),
                         src2d, dst2, sidx2, zz)
    return acc.reshape(4, N, DV)


def kernel(x, edge_index, W_embed, b_embed, Wqkv1, bqkv1, Wo1, bo1,
           Wqkv2, bqkv2, Wo2, bo2, W_lin, b_lin):
    src = edge_index[0].astype(jnp.int32)
    dst = edge_index[1].astype(jnp.int32)
    sidx = (((dst >> 10) * SGM + (src >> 10)) << 20) \
        + ((dst & (SBM - 1)) << 10) + (src & (SBM - 1))
    src4 = jnp.concatenate([src, src + N, src + 2 * N, src + 3 * N])
    src2d = src4.reshape(-1, CHUNK)
    dst2 = dst.reshape(-1, CHUNK)
    sidx2 = sidx.reshape(-1, CHUNK)
    zz = jnp.zeros((STRIPE, DV), jnp.float32)

    qs, k, vaug = _embed_qkv(x, W_embed, b_embed, Wqkv1, bqkv1)
    S = _scores(qs, k)
    acc = _edge_phase(S, vaug, src2d, dst2, sidx2, zz)
    qs2, k2, vaug2 = _proj_qkv(acc, Wo1, bo1, Wqkv2, bqkv2)
    S2 = _scores(qs2, k2)
    acc2 = _edge_phase(S2, vaug2, src2d, dst2, sidx2, zz)
    return _final(acc2, Wo2, bo2, W_lin, b_lin)

# --- scband reference (transcript-rebuilt; emitter-appended) ---
"""Pipeline reference for scband-ampgcn-25933012533532 (READ-ONLY COPY).

The authoritative reference and input builder live on the scoring server;
editing this copy changes nothing except your own understanding.
"""

import jax, jax.numpy as jnp
import numpy as np

N_NODES = 10000
N_EDGES = 320000
D_IN = 128
D = 3 * D_IN  # 384, hidden width after embed
N_CLASSES = 40
NUM_HEADS = 1


def setup_inputs(seed: int = 0) -> dict:
    key = jax.random.key(seed)
    ks = jax.random.split(key, 16)
    x = jax.random.normal(ks[0], (N_NODES, D_IN), dtype=jnp.float32)
    edge_index = jax.random.randint(ks[1], (2, N_EDGES), 0, N_NODES, dtype=jnp.int64)
    s = 0.05
    W_embed = jax.random.normal(ks[2], (D_IN, D), dtype=jnp.float32) * s
    b_embed = jnp.zeros((D,), dtype=jnp.float32)
    Wqkv1 = jax.random.normal(ks[3], (D, 3 * D), dtype=jnp.float32) * s
    bqkv1 = jnp.zeros((3 * D,), dtype=jnp.float32)
    Wo1 = jax.random.normal(ks[4], (D, D), dtype=jnp.float32) * s
    bo1 = jnp.zeros((D,), dtype=jnp.float32)
    Wqkv2 = jax.random.normal(ks[5], (D, 3 * D), dtype=jnp.float32) * s
    bqkv2 = jnp.zeros((3 * D,), dtype=jnp.float32)
    Wo2 = jax.random.normal(ks[6], (D, D), dtype=jnp.float32) * s
    bo2 = jnp.zeros((D,), dtype=jnp.float32)
    W_lin = jax.random.normal(ks[7], (D, N_CLASSES), dtype=jnp.float32) * s
    b_lin = jnp.zeros((N_CLASSES,), dtype=jnp.float32)
    return {"x": x, "edge_index": edge_index, "W_embed": W_embed, "b_embed": b_embed,
            "Wqkv1": Wqkv1, "bqkv1": bqkv1, "Wo1": Wo1, "bo1": bo1,
            "Wqkv2": Wqkv2, "bqkv2": bqkv2, "Wo2": Wo2, "bo2": bo2,
            "W_lin": W_lin, "b_lin": b_lin}


def _amp_conv(h, edge_index, Wqkv, bqkv, Wo, bo, num_heads):
    # Attention-based message passing (AMPConv): per-edge scaled dot-product
    # attention with segment-softmax over incoming edges of each dst node.
    N, Dm = h.shape
    src = edge_index[0]
    dst = edge_index[1]
    qkv = h @ Wqkv + bqkv
    q, k, v = jnp.split(qkv, 3, axis=1)
    H = num_heads
    dh = Dm // H
    qe = jnp.take(q, dst, axis=0).reshape(-1, H, dh)
    ke = jnp.take(k, src, axis=0).reshape(-1, H, dh)
    ve = jnp.take(v, src, axis=0).reshape(-1, H, dh)
    scores = (qe * ke).sum(axis=-1) / (dh ** 0.5)  # [E, H]
    m = jax.ops.segment_max(scores, dst, num_segments=N)
    m = jnp.where(jnp.isfinite(m), m, 0.0)
    ex = jnp.exp(scores - jnp.take(m, dst, axis=0))
    denom = jax.ops.segment_sum(ex, dst, num_segments=N)
    alpha = ex / (jnp.take(denom, dst, axis=0) + 1e-16)  # [E, H]
    agg = jax.ops.segment_sum(alpha[:, :, None] * ve, dst, num_segments=N)
    out = agg.reshape(N, Dm) @ Wo + bo
    return out


def reference(x, edge_index, W_embed, b_embed, Wqkv1, bqkv1, Wo1, bo1,
              Wqkv2, bqkv2, Wo2, bo2, W_lin, b_lin):
    h = x @ W_embed + b_embed
    h = _amp_conv(h, edge_index, Wqkv1, bqkv1, Wo1, bo1, NUM_HEADS)
    h = jax.nn.relu(h)
    # dropout is identity at inference (training=False)
    h = _amp_conv(h, edge_index, Wqkv2, bqkv2, Wo2, bo2, NUM_HEADS)
    logits = h @ W_lin + b_lin
    return jax.nn.log_softmax(logits, axis=1)

if __name__ == "__main__":
    import jax
    _d = setup_inputs()
    print(jax.jit(kernel)(*tuple(_d.values())))

</pallas_src>

<mosaic_0001>
#map = affine_map<(d0, d1) -> (0)>
#map1 = affine_map<(d0, d1) -> (0, 0)>
module attributes {stable_mosaic.version = 14 : i64} {
  func.func @ker(%arg0: i32, %arg1: i32, %arg2: memref<104857600xf32, #tpu.memory_space<hbm>>, %arg3: memref<40000x128xf32, #tpu.memory_space<hbm>>, %arg4: memref<16000x80xi32, #tpu.memory_space<hbm>>, %arg5: memref<4000x80xi32, #tpu.memory_space<hbm>>, %arg6: memref<4000x80xi32, #tpu.memory_space<hbm>>, %arg7: memref<624x128xf32, #tpu.memory_space<hbm>>, %arg8: memref<40000x128xf32, #tpu.memory_space<hbm>>, %arg9: memref<250x80xi32, #tpu.memory_space<vmem>>, %arg10: memref<1x80xi32, #tpu.memory_space<vmem>>, %arg11: memref<1x80xi32, #tpu.memory_space<vmem>>, %arg12: memref<1x80xi32, #tpu.memory_space<vmem>>, %arg13: memref<1x80xi32, #tpu.memory_space<vmem>>, %arg14: memref<80xf32, #tpu.memory_space<vmem>>, %arg15: memref<80xf32, #tpu.memory_space<vmem>>, %arg16: memref<80x128xf32, #tpu.memory_space<vmem>>, %arg17: memref<80x128xf32, #tpu.memory_space<vmem>>, %arg18: memref<10000x128xf32, #tpu.memory_space<vmem_shared>>, %arg19: memref<!tpu.dma_semaphore, #tpu.memory_space<semaphore_mem>>, %arg20: memref<!tpu.dma_semaphore, #tpu.memory_space<semaphore_mem>>, %arg21: memref<!tpu.dma_semaphore, #tpu.memory_space<semaphore_mem>>, %arg22: memref<!tpu.dma_semaphore, #tpu.memory_space<semaphore_mem>>, %arg23: memref<!tpu.dma_semaphore, #tpu.memory_space<semaphore_mem>>, %arg24: memref<!tpu.dma_semaphore, #tpu.memory_space<semaphore_mem>>) attributes {dimension_semantics = [#tpu.dimension_semantics<core_parallel>, #tpu.dimension_semantics<subcore_parallel>], iteration_bounds = array<i64: 2, 16>, scalar_prefetch = 0 : i64, scratch_operands = 16 : i64, tpu.core_type = #tpu.core_type<sc_vector_subcore>, window_params = [{transform_indices = #map}, {transform_indices = #map1}, {transform_indices = #map1}, {transform_indices = #map1}, {transform_indices = #map1}, {transform_indices = #map1}, {transform_indices = #map1}]} {
    %mul3A = arith.constant 250 : i32
    %mul3A_0 = arith.muli %arg1, %mul3A : i32
    "tpu.region"() ({
      %run_scoped3A = tpu.sem_alloc : memref<!tpu.dma_semaphore, #tpu.memory_space<semaphore_mem>>
      %dma_start3A_193 = arith.constant 0 : i32
      %dma_start3A_194 = tpu.memref_slice %arg5[%mul3A_0, %dma_start3A_193] : memref<4000x80xi32, #tpu.memory_space<hbm>> -> memref<250x80xi32, #tpu.memory_space<hbm>>
      %dma_start3A_195 = arith.constant 0 : i32
      %dma_start3A_196 = tpu.memref_slice %arg5[%mul3A_0, %dma_start3A_195] : memref<4000x80xi32, #tpu.memory_space<hbm>> -> memref<250x80xi32, #tpu.memory_space<hbm>>
      tpu.enqueue_dma source(%dma_start3A_196 : memref<250x80xi32, #tpu.memory_space<hbm>>) target(%arg9 : memref<250x80xi32, #tpu.memory_space<vmem>>) target_semaphore(%run_scoped3A : memref<!tpu.dma_semaphore, #tpu.memory_space<semaphore_mem>>)
      %dma_wait3A_197 = arith.constant 0 : i32
      %dma_wait3A_198 = tpu.memref_slice %arg5[%mul3A_0, %dma_wait3A_197] : memref<4000x80xi32, #tpu.memory_space<hbm>> -> memref<250x80xi32, #tpu.memory_space<hbm>>
      %dma_wait3A_199 = arith.constant 0 : i32
      %dma_wait3A_200 = tpu.memref_slice %arg5[%mul3A_0, %dma_wait3A_199] : memref<4000x80xi32, #tpu.memory_space<hbm>> -> memref<250x80xi32, #tpu.memory_space<hbm>>
      tpu.wait_dma2 semaphore(%run_scoped3A : memref<!tpu.dma_semaphore, #tpu.memory_space<semaphore_mem>>) src(%dma_wait3A_200 : memref<250x80xi32, #tpu.memory_space<hbm>>) dst(%arg9 : memref<250x80xi32, #tpu.memory_space<vmem>>)
      tpu.yield
    }) : () -> ()
    %mul3A_1 = arith.constant 2 : i32
    %mul3A_2 = arith.muli %mul3A_1, %arg0 : i32
    %add3A = arith.constant 0 : i32
    %add3A_3 = arith.addi %mul3A_2, %add3A : i32
    %mul3A_4 = arith.constant 250 : i32
    %mul3A_5 = arith.muli %arg1, %mul3A_4 : i32
    %mul3A_6 = arith.constant 16 : i32
    %mul3A_7 = arith.muli %add3A_3, %mul3A_6 : i32
    %add3A_8 = arith.addi %mul3A_7, %arg1 : i32
    %mul3A_9 = arith.constant 250 : i32
    %mul3A_10 = arith.muli %add3A_8, %mul3A_9 : i32
    %mul3A_11 = arith.constant 624 : i32
    %mul3A_12 = arith.muli %arg1, %mul3A_11 : i32
    "tpu.region"() ({
      %run_scoped3A = tpu.sem_alloc : memref<!tpu.dma_semaphore, #tpu.memory_space<semaphore_mem>>
      %dma_start3A_193 = arith.constant 0 : i32
      %dma_start3A_194 = tpu.memref_slice %arg18[%mul3A_12, %dma_start3A_193] : memref<10000x128xf32, #tpu.memory_space<vmem_shared>> -> memref<624x128xf32, #tpu.memory_space<vmem_shared>>
      tpu.enqueue_dma source(%arg7 : memref<624x128xf32, #tpu.memory_space<hbm>>) target(%dma_start3A_194 : memref<624x128xf32, #tpu.memory_space<vmem_shared>>) target_semaphore(%run_scoped3A : memref<!tpu.dma_semaphore, #tpu.memory_space<semaphore_mem>>)
      %dma_wait3A_195 = arith.constant 0 : i32
      %dma_wait3A_196 = tpu.memref_slice %arg18[%mul3A_12, %dma_wait3A_195] : memref<10000x128xf32, #tpu.memory_space<vmem_shared>> -> memref<624x128xf32, #tpu.memory_space<vmem_shared>>
      tpu.wait_dma2 semaphore(%run_scoped3A : memref<!tpu.dma_semaphore, #tpu.memory_space<semaphore_mem>>) src(%arg7 : memref<624x128xf32, #tpu.memory_space<hbm>>) dst(%dma_wait3A_196 : memref<624x128xf32, #tpu.memory_space<vmem_shared>>)
      tpu.yield
    }) : () -> ()
    %eq3A = arith.constant 15 : i32
    %eq3A_13 = arith.cmpi eq, %arg1, %eq3A : i32
    %convert_element_type3A = arith.extui %eq3A_13 : i1 to i32
    %cond3A = arith.constant 0 : i32
    %cond3A_14 = arith.cmpi ne, %convert_element_type3A, %cond3A : i32
    scf.if %cond3A_14 {
      "tpu.region"() ({
        %run_scoped3A = tpu.sem_alloc : memref<!tpu.dma_semaphore, #tpu.memory_space<semaphore_mem>>
        %dma_start3A_193 = arith.constant 9984 : i32
        %dma_start3A_194 = arith.constant 0 : i32
        %dma_start3A_195 = tpu.memref_slice %arg18[%dma_start3A_193, %dma_start3A_194] : memref<10000x128xf32, #tpu.memory_space<vmem_shared>> -> memref<16x128xf32, #tpu.memory_space<vmem_shared>>
        %dma_start3A_196 = arith.constant 0 : i32
        %dma_start3A_197 = arith.constant 0 : i32
        %dma_start3A_198 = tpu.memref_slice %arg7[%dma_start3A_196, %dma_start3A_197] : memref<624x128xf32, #tpu.memory_space<hbm>> -> memref<16x128xf32, #tpu.memory_space<hbm>>
        tpu.enqueue_dma source(%dma_start3A_198 : memref<16x128xf32, #tpu.memory_space<hbm>>) target(%dma_start3A_195 : memref<16x128xf32, #tpu.memory_space<vmem_shared>>) target_semaphore(%run_scoped3A : memref<!tpu.dma_semaphore, #tpu.memory_space<semaphore_mem>>)
        %dma_wait3A_199 = arith.constant 9984 : i32
        %dma_wait3A_200 = arith.constant 0 : i32
        %dma_wait3A_201 = tpu.memref_slice %arg18[%dma_wait3A_199, %dma_wait3A_200] : memref<10000x128xf32, #tpu.memory_space<vmem_shared>> -> memref<16x128xf32, #tpu.memory_space<vmem_shared>>
        %dma_wait3A_202 = arith.constant 0 : i32
        %dma_wait3A_203 = arith.constant 0 : i32
        %dma_wait3A_204 = tpu.memref_slice %arg7[%dma_wait3A_202, %dma_wait3A_203] : memref<624x128xf32, #tpu.memory_space<hbm>> -> memref<16x128xf32, #tpu.memory_space<hbm>>
        tpu.wait_dma2 semaphore(%run_scoped3A : memref<!tpu.dma_semaphore, #tpu.memory_space<semaphore_mem>>) src(%dma_wait3A_204 : memref<16x128xf32, #tpu.memory_space<hbm>>) dst(%dma_wait3A_201 : memref<16x128xf32, #tpu.memory_space<vmem_shared>>)
        tpu.yield
      }) : () -> ()
    } else {
    }
    %barrier3A = arith.constant 0 : index
    tpu.barrier barrier_id(%barrier3A)
    %add3A_15 = arith.constant 0 : i32
    %add3A_16 = arith.addi %mul3A_5, %add3A_15 : i32
    %dma_start3A = arith.constant 0 : i32
    %dma_start3A_17 = tpu.memref_slice %arg6[%add3A_16, %dma_start3A] : memref<4000x80xi32, #tpu.memory_space<hbm>> -> memref<1x80xi32, #tpu.memory_space<hbm>>
    %dma_start3A_18 = arith.constant 0 : i32
    %dma_start3A_19 = tpu.memref_slice %arg6[%add3A_16, %dma_start3A_18] : memref<4000x80xi32, #tpu.memory_space<hbm>> -> memref<1x80xi32, #tpu.memory_space<hbm>>
    tpu.enqueue_dma source(%dma_start3A_19 : memref<1x80xi32, #tpu.memory_space<hbm>>) target(%arg10 : memref<1x80xi32, #tpu.memory_space<vmem>>) target_semaphore(%arg19 : memref<!tpu.dma_semaphore, #tpu.memory_space<semaphore_mem>>)
    %add3A_20 = arith.constant 0 : i32
    %add3A_21 = arith.addi %mul3A_10, %add3A_20 : i32
    %dma_start3A_22 = arith.constant 0 : i32
    %dma_start3A_23 = tpu.memref_slice %arg4[%add3A_21, %dma_start3A_22] : memref<16000x80xi32, #tpu.memory_space<hbm>> -> memref<1x80xi32, #tpu.memory_space<hbm>>
    %dma_start3A_24 = arith.constant 0 : i32
    %dma_start3A_25 = tpu.memref_slice %arg4[%add3A_21, %dma_start3A_24] : memref<16000x80xi32, #tpu.memory_space<hbm>> -> memref<1x80xi32, #tpu.memory_space<hbm>>
    tpu.enqueue_dma source(%dma_start3A_25 : memref<1x80xi32, #tpu.memory_space<hbm>>) target(%arg12 : memref<1x80xi32, #tpu.memory_space<vmem>>) target_semaphore(%arg19 : memref<!tpu.dma_semaphore, #tpu.memory_space<semaphore_mem>>)
    %add3A_26 = arith.constant 1 : i32
    %add3A_27 = arith.addi %mul3A_5, %add3A_26 : i32
    %dma_start3A_28 = arith.constant 0 : i32
    %dma_start3A_29 = tpu.memref_slice %arg6[%add3A_27, %dma_start3A_28] : memref<4000x80xi32, #tpu.memory_space<hbm>> -> memref<1x80xi32, #tpu.memory_space<hbm>>
    %dma_start3A_30 = arith.constant 0 : i32
    %dma_start3A_31 = tpu.memref_slice %arg6[%add3A_27, %dma_start3A_30] : memref<4000x80xi32, #tpu.memory_space<hbm>> -> memref<1x80xi32, #tpu.memory_space<hbm>>
    tpu.enqueue_dma source(%dma_start3A_31 : memref<1x80xi32, #tpu.memory_space<hbm>>) target(%arg11 : memref<1x80xi32, #tpu.memory_space<vmem>>) target_semaphore(%arg20 : memref<!tpu.dma_semaphore, #tpu.memory_space<semaphore_mem>>)
    %add3A_32 = arith.constant 1 : i32
    %add3A_33 = arith.addi %mul3A_10, %add3A_32 : i32
    %dma_start3A_34 = arith.constant 0 : i32
    %dma_start3A_35 = tpu.memref_slice %arg4[%add3A_33, %dma_start3A_34] : memref<16000x80xi32, #tpu.memory_space<hbm>> -> memref<1x80xi32, #tpu.memory_space<hbm>>
    %dma_start3A_36 = arith.constant 0 : i32
    %dma_start3A_37 = tpu.memref_slice %arg4[%add3A_33, %dma_start3A_36] : memref<16000x80xi32, #tpu.memory_space<hbm>> -> memref<1x80xi32, #tpu.memory_space<hbm>>
    tpu.enqueue_dma source(%dma_start3A_37 : memref<1x80xi32, #tpu.memory_space<hbm>>) target(%arg13 : memref<1x80xi32, #tpu.memory_space<vmem>>) target_semaphore(%arg20 : memref<!tpu.dma_semaphore, #tpu.memory_space<semaphore_mem>>)
    %add3A_38 = arith.constant 0 : i32
    %add3A_39 = arith.addi %mul3A_5, %add3A_38 : i32
    %dma_wait3A = arith.constant 0 : i32
    %dma_wait3A_40 = tpu.memref_slice %arg6[%add3A_39, %dma_wait3A] : memref<4000x80xi32, #tpu.memory_space<hbm>> -> memref<1x80xi32, #tpu.memory_space<hbm>>
    %dma_wait3A_41 = arith.constant 0 : i32
    %dma_wait3A_42 = tpu.memref_slice %arg6[%add3A_39, %dma_wait3A_41] : memref<4000x80xi32, #tpu.memory_space<hbm>> -> memref<1x80xi32, #tpu.memory_space<hbm>>
    tpu.wait_dma2 semaphore(%arg19 : memref<!tpu.dma_semaphore, #tpu.memory_space<semaphore_mem>>) src(%dma_wait3A_42 : memref<1x80xi32, #tpu.memory_space<hbm>>) dst(%arg10 : memref<1x80xi32, #tpu.memory_space<vmem>>)
    %add3A_43 = arith.constant 0 : i32
    %add3A_44 = arith.addi %mul3A_10, %add3A_43 : i32
    %dma_wait3A_45 = arith.constant 0 : i32
    %dma_wait3A_46 = tpu.memref_slice %arg4[%add3A_44, %dma_wait3A_45] : memref<16000x80xi32, #tpu.memory_space<hbm>> -> memref<1x80xi32, #tpu.memory_space<hbm>>
    %dma_wait3A_47 = arith.constant 0 : i32
    %dma_wait3A_48 = tpu.memref_slice %arg4[%add3A_44, %dma_wait3A_47] : memref<16000x80xi32, #tpu.memory_space<hbm>> -> memref<1x80xi32, #tpu.memory_space<hbm>>
    tpu.wait_dma2 semaphore(%arg19 : memref<!tpu.dma_semaphore, #tpu.memory_space<semaphore_mem>>) src(%dma_wait3A_48 : memref<1x80xi32, #tpu.memory_space<hbm>>) dst(%arg12 : memref<1x80xi32, #tpu.memory_space<vmem>>)
    %dma_start3A_49 = arith.constant 0 : i32
    %dma_start3A_50 = arith.constant 0 : i32
    %dma_start3A_51 = tpu.memref_slice %arg10[%dma_start3A_49, %dma_start3A_50] : memref<1x80xi32, #tpu.memory_space<vmem>> -> memref<1x80xi32, #tpu.memory_space<vmem>>
    %dma_start3A_52 = tpu.memref_squeeze %dma_start3A_51 : memref<1x80xi32, #tpu.memory_space<vmem>> -> memref<80xi32, #tpu.memory_space<vmem>>
    %dma_start3A_53 = arith.constant 0 : i32
    %dma_start3A_54 = tpu.memref_slice %arg2[%dma_start3A_53] : memref<104857600xf32, #tpu.memory_space<hbm>> -> memref<104857600xf32, #tpu.memory_space<hbm>>
    tpu.enqueue_indirect_dma source(%dma_start3A_54 : memref<104857600xf32, #tpu.memory_space<hbm>>) target(%arg14 : memref<80xf32, #tpu.memory_space<vmem>>) offsets(%dma_start3A_52 : memref<80xi32, #tpu.memory_space<vmem>>) semaphore(%arg21 : memref<!tpu.dma_semaphore, #tpu.memory_space<semaphore_mem>>)
    %dma_start3A_55 = arith.constant 0 : i32
    %dma_start3A_56 = arith.constant 0 : i32
    %dma_start3A_57 = tpu.memref_slice %arg12[%dma_start3A_55, %dma_start3A_56] : memref<1x80xi32, #tpu.memory_space<vmem>> -> memref<1x80xi32, #tpu.memory_space<vmem>>
    %dma_start3A_58 = tpu.memref_squeeze %dma_start3A_57 : memref<1x80xi32, #tpu.memory_space<vmem>> -> memref<80xi32, #tpu.memory_space<vmem>>
    %dma_start3A_59 = arith.constant 0 : i32
    %dma_start3A_60 = arith.constant 0 : i32
    %dma_start3A_61 = tpu.memref_slice %arg3[%dma_start3A_59, %dma_start3A_60] : memref<40000x128xf32, #tpu.memory_space<hbm>> -> memref<40000x128xf32, #tpu.memory_space<hbm>>
    tpu.enqueue_indirect_dma source(%dma_start3A_61 : memref<40000x128xf32, #tpu.memory_space<hbm>>) target(%arg16 : memref<80x128xf32, #tpu.memory_space<vmem>>) offsets(%dma_start3A_58 : memref<80xi32, #tpu.memory_space<vmem>>) semaphore(%arg21 : memref<!tpu.dma_semaphore, #tpu.memory_space<semaphore_mem>>)
    %scan3A = arith.constant 0 : i32
    %scan3A_62 = arith.constant 125 : i32
    %scan3A_63 = arith.addi %scan3A, %scan3A_62 : i32
    %scan3A_64 = arith.constant 1 : i32
    scf.for %scan3A_193 = %scan3A to %scan3A_63 step %scan3A_64  : i32 {
      %mul3A_194 = arith.constant 1 : i32
      %mul3A_195 = arith.muli %scan3A_193, %mul3A_194 : i32
      %add3A_196 = arith.constant 0 : i32
      %add3A_197 = arith.addi %add3A_196, %mul3A_195 : i32
      %mul3A_198 = arith.constant 2 : i32
      %mul3A_199 = arith.muli %mul3A_198, %add3A_197 : i32
      %add3A_200 = arith.constant 1 : i32
      %add3A_201 = arith.addi %mul3A_199, %add3A_200 : i32
      %gt3A = arith.constant 0 : i32
      %gt3A_202 = arith.cmpi sgt, %add3A_197, %gt3A : i32
      %convert_element_type3A_203 = arith.extui %gt3A_202 : i1 to i32
      %cond3A_204 = arith.constant 0 : i32
      %cond3A_205 = arith.cmpi ne, %convert_element_type3A_203, %cond3A_204 : i32
      scf.if %cond3A_205 {
        %sub3A = arith.constant 2 : i32
        %sub3A_338 = arith.subi %add3A_201, %sub3A : i32
        %dma_wait3A_339 = arith.constant 0 : i32
        %dma_wait3A_340 = tpu.memref_slice %arg9[%sub3A_338, %dma_wait3A_339] : memref<250x80xi32, #tpu.memory_space<vmem>> -> memref<1x80xi32, #tpu.memory_space<vmem>>
        %dma_wait3A_341 = tpu.memref_squeeze %dma_wait3A_340 : memref<1x80xi32, #tpu.memory_space<vmem>> -> memref<80xi32, #tpu.memory_space<vmem>>
        %dma_wait3A_342 = arith.constant 0 : i32
        %dma_wait3A_343 = arith.constant 0 : i32
        %dma_wait3A_344 = tpu.memref_slice %arg18[%dma_wait3A_342, %dma_wait3A_343] : memref<10000x128xf32, #tpu.memory_space<vmem_shared>> -> memref<10000x128xf32, #tpu.memory_space<vmem_shared>>
        tpu.wait_indirect_dma semaphore(%arg24 : memref<!tpu.dma_semaphore, #tpu.memory_space<semaphore_mem>>) src(%arg17 : memref<80x128xf32, #tpu.memory_space<vmem>>) dst(%dma_wait3A_344 : memref<10000x128xf32, #tpu.memory_space<vmem_shared>>)
      } else {
      }
      %add3A_206 = arith.addi %mul3A_5, %add3A_201 : i32
      %dma_wait3A_207 = arith.constant 0 : i32
      %dma_wait3A_208 = tpu.memref_slice %arg6[%add3A_206, %dma_wait3A_207] : memref<4000x80xi32, #tpu.memory_space<hbm>> -> memref<1x80xi32, #tpu.memory_space<hbm>>
      %dma_wait3A_209 = arith.constant 0 : i32
      %dma_wait3A_210 = tpu.memref_slice %arg6[%add3A_206, %dma_wait3A_209] : memref<4000x80xi32, #tpu.memory_space<hbm>> -> memref<1x80xi32, #tpu.memory_space<hbm>>
      tpu.wait_dma2 semaphore(%arg20 : memref<!tpu.dma_semaphore, #tpu.memory_space<semaphore_mem>>) src(%dma_wait3A_210 : memref<1x80xi32, #tpu.memory_space<hbm>>) dst(%arg11 : memref<1x80xi32, #tpu.memory_space<vmem>>)
      %add3A_211 = arith.addi %mul3A_10, %add3A_201 : i32
      %dma_wait3A_212 = arith.constant 0 : i32
      %dma_wait3A_213 = tpu.memref_slice %arg4[%add3A_211, %dma_wait3A_212] : memref<16000x80xi32, #tpu.memory_space<hbm>> -> memref<1x80xi32, #tpu.memory_space<hbm>>
      %dma_wait3A_214 = arith.constant 0 : i32
      %dma_wait3A_215 = tpu.memref_slice %arg4[%add3A_211, %dma_wait3A_214] : memref<16000x80xi32, #tpu.memory_space<hbm>> -> memref<1x80xi32, #tpu.memory_space<hbm>>
      tpu.wait_dma2 semaphore(%arg20 : memref<!tpu.dma_semaphore, #tpu.memory_space<semaphore_mem>>) src(%dma_wait3A_215 : memref<1x80xi32, #tpu.memory_space<hbm>>) dst(%arg13 : memref<1x80xi32, #tpu.memory_space<vmem>>)
      %dma_start3A_216 = arith.constant 0 : i32
      %dma_start3A_217 = arith.constant 0 : i32
      %dma_start3A_218 = tpu.memref_slice %arg11[%dma_start3A_216, %dma_start3A_217] : memref<1x80xi32, #tpu.memory_space<vmem>> -> memref<1x80xi32, #tpu.memory_space<vmem>>
      %dma_start3A_219 = tpu.memref_squeeze %dma_start3A_218 : memref<1x80xi32, #tpu.memory_space<vmem>> -> memref<80xi32, #tpu.memory_space<vmem>>
      %dma_start3A_220 = arith.constant 0 : i32
      %dma_start3A_221 = tpu.memref_slice %arg2[%dma_start3A_220] : memref<104857600xf32, #tpu.memory_space<hbm>> -> memref<104857600xf32, #tpu.memory_space<hbm>>
      tpu.enqueue_indirect_dma source(%dma_start3A_221 : memref<104857600xf32, #tpu.memory_space<hbm>>) target(%arg15 : memref<80xf32, #tpu.memory_space<vmem>>) offsets(%dma_start3A_219 : memref<80xi32, #tpu.memory_space<vmem>>) semaphore(%arg22 : memref<!tpu.dma_semaphore, #tpu.memory_space<semaphore_mem>>)
      %dma_start3A_222 = arith.constant 0 : i32
      %dma_start3A_223 = arith.constant 0 : i32
      %dma_start3A_224 = tpu.memref_slice %arg13[%dma_start3A_222, %dma_start3A_223] : memref<1x80xi32, #tpu.memory_space<vmem>> -> memref<1x80xi32, #tpu.memory_space<vmem>>
      %dma_start3A_225 = tpu.memref_squeeze %dma_start3A_224 : memref<1x80xi32, #tpu.memory_space<vmem>> -> memref<80xi32, #tpu.memory_space<vmem>>
      %dma_start3A_226 = arith.constant 0 : i32
      %dma_start3A_227 = arith.constant 0 : i32
      %dma_start3A_228 = tpu.memref_slice %arg3[%dma_start3A_226, %dma_start3A_227] : memref<40000x128xf32, #tpu.memory_space<hbm>> -> memref<40000x128xf32, #tpu.memory_space<hbm>>
      tpu.enqueue_indirect_dma source(%dma_start3A_228 : memref<40000x128xf32, #tpu.memory_space<hbm>>) target(%arg17 : memref<80x128xf32, #tpu.memory_space<vmem>>) offsets(%dma_start3A_225 : memref<80xi32, #tpu.memory_space<vmem>>) semaphore(%arg22 : memref<!tpu.dma_semaphore, #tpu.memory_space<semaphore_mem>>)
      %dma_wait3A_229 = arith.constant 0 : i32
      %dma_wait3A_230 = arith.constant 0 : i32
      %dma_wait3A_231 = tpu.memref_slice %arg10[%dma_wait3A_229, %dma_wait3A_230] : memref<1x80xi32, #tpu.memory_space<vmem>> -> memref<1x80xi32, #tpu.memory_space<vmem>>
      %dma_wait3A_232 = tpu.memref_squeeze %dma_wait3A_231 : memref<1x80xi32, #tpu.memory_space<vmem>> -> memref<80xi32, #tpu.memory_space<vmem>>
      %dma_wait3A_233 = arith.constant 0 : i32
      %dma_wait3A_234 = tpu.memref_slice %arg2[%dma_wait3A_233] : memref<104857600xf32, #tpu.memory_space<hbm>> -> memref<104857600xf32, #tpu.memory_space<hbm>>
      tpu.wait_indirect_dma semaphore(%arg21 : memref<!tpu.dma_semaphore, #tpu.memory_space<semaphore_mem>>) src(%dma_wait3A_234 : memref<104857600xf32, #tpu.memory_space<hbm>>) dst(%arg14 : memref<80xf32, #tpu.memory_space<vmem>>)
      %dma_wait3A_235 = arith.constant 0 : i32
      %dma_wait3A_236 = arith.constant 0 : i32
      %dma_wait3A_237 = tpu.memref_slice %arg12[%dma_wait3A_235, %dma_wait3A_236] : memref<1x80xi32, #tpu.memory_space<vmem>> -> memref<1x80xi32, #tpu.memory_space<vmem>>
      %dma_wait3A_238 = tpu.memref_squeeze %dma_wait3A_237 : memref<1x80xi32, #tpu.memory_space<vmem>> -> memref<80xi32, #tpu.memory_space<vmem>>
      %dma_wait3A_239 = arith.constant 0 : i32
      %dma_wait3A_240 = arith.constant 0 : i32
      %dma_wait3A_241 = tpu.memref_slice %arg3[%dma_wait3A_239, %dma_wait3A_240] : memref<40000x128xf32, #tpu.memory_space<hbm>> -> memref<40000x128xf32, #tpu.memory_space<hbm>>
      tpu.wait_indirect_dma semaphore(%arg21 : memref<!tpu.dma_semaphore, #tpu.memory_space<semaphore_mem>>) src(%dma_wait3A_241 : memref<40000x128xf32, #tpu.memory_space<hbm>>) dst(%arg16 : memref<80x128xf32, #tpu.memory_space<vmem>>)
      %lt3A = arith.constant 124 : i32
      %lt3A_242 = arith.cmpi slt, %add3A_197, %lt3A : i32
      %convert_element_type3A_243 = arith.extui %lt3A_242 : i1 to i32
      %cond3A_244 = arith.constant 0 : i32
      %cond3A_245 = arith.cmpi ne, %convert_element_type3A_243, %cond3A_244 : i32
      scf.if %cond3A_245 {
        %add3A_338 = arith.constant 2 : i32
        %add3A_339 = arith.addi %mul3A_199, %add3A_338 : i32
        %add3A_340 = arith.addi %mul3A_5, %add3A_339 : i32
        %dma_start3A_341 = arith.constant 0 : i32
        %dma_start3A_342 = tpu.memref_slice %arg6[%add3A_340, %dma_start3A_341] : memref<4000x80xi32, #tpu.memory_space<hbm>> -> memref<1x80xi32, #tpu.memory_space<hbm>>
        %dma_start3A_343 = arith.constant 0 : i32
        %dma_start3A_344 = tpu.memref_slice %arg6[%add3A_340, %dma_start3A_343] : memref<4000x80xi32, #tpu.memory_space<hbm>> -> memref<1x80xi32, #tpu.memory_space<hbm>>
        tpu.enqueue_dma source(%dma_start3A_344 : memref<1x80xi32, #tpu.memory_space<hbm>>) target(%arg10 : memref<1x80xi32, #tpu.memory_space<vmem>>) target_semaphore(%arg19 : memref<!tpu.dma_semaphore, #tpu.memory_space<semaphore_mem>>)
        %add3A_345 = arith.addi %mul3A_10, %add3A_339 : i32
        %dma_start3A_346 = arith.constant 0 : i32
        %dma_start3A_347 = tpu.memref_slice %arg4[%add3A_345, %dma_start3A_346] : memref<16000x80xi32, #tpu.memory_space<hbm>> -> memref<1x80xi32, #tpu.memory_space<hbm>>
        %dma_start3A_348 = arith.constant 0 : i32
        %dma_start3A_349 = tpu.memref_slice %arg4[%add3A_345, %dma_start3A_348] : memref<16000x80xi32, #tpu.memory_space<hbm>> -> memref<1x80xi32, #tpu.memory_space<hbm>>
        tpu.enqueue_dma source(%dma_start3A_349 : memref<1x80xi32, #tpu.memory_space<hbm>>) target(%arg12 : memref<1x80xi32, #tpu.memory_space<vmem>>) target_semaphore(%arg19 : memref<!tpu.dma_semaphore, #tpu.memory_space<semaphore_mem>>)
      } else {
      }
      %get3A = arith.constant 0 : index
      %get3A_246 = tpu.vector_load %arg14[%get3A] {strides = array<i32>} : memref<80xf32, #tpu.memory_space<vmem>>, vector<16xf32>,
      %exp3A = math.exp %get3A_246 : vector<16xf32>
      %swap3A = arith.constant 0 : index
      %swap3A_247 = tpu.vector_load %arg14[%swap3A] {strides = array<i32>} : memref<80xf32, #tpu.memory_space<vmem>>, vector<16xf32>,
      tpu.vector_store %arg14[%swap3A], %exp3A {strides = array<i32>} : memref<80xf32, #tpu.memory_space<vmem>>, vector<16xf32>,
      %get3A_248 = arith.constant 16 : index
      %get3A_249 = tpu.vector_load %arg14[%get3A_248] {strides = array<i32>} : memref<80xf32, #tpu.memory_space<vmem>>, vector<16xf32>,
      %exp3A_250 = math.exp %get3A_249 : vector<16xf32>
      %swap3A_251 = arith.constant 16 : index
      %swap3A_252 = tpu.vector_load %arg14[%swap3A_251] {strides = array<i32>} : memref<80xf32, #tpu.memory_space<vmem>>, vector<16xf32>,
      tpu.vector_store %arg14[%swap3A_251], %exp3A_250 {strides = array<i32>} : memref<80xf32, #tpu.memory_space<vmem>>, vector<16xf32>,
      %get3A_253 = arith.constant 32 : index
      %get3A_254 = tpu.vector_load %arg14[%get3A_253] {strides = array<i32>} : memref<80xf32, #tpu.memory_space<vmem>>, vector<16xf32>,
      %exp3A_255 = math.exp %get3A_254 : vector<16xf32>
      %swap3A_256 = arith.constant 32 : index
      %swap3A_257 = tpu.vector_load %arg14[%swap3A_256] {strides = array<i32>} : memref<80xf32, #tpu.memory_space<vmem>>, vector<16xf32>,
      tpu.vector_store %arg14[%swap3A_256], %exp3A_255 {strides = array<i32>} : memref<80xf32, #tpu.memory_space<vmem>>, vector<16xf32>,
      %get3A_258 = arith.constant 48 : index
      %get3A_259 = tpu.vector_load %arg14[%get3A_258] {strides = array<i32>} : memref<80xf32, #tpu.memory_space<vmem>>, vector<16xf32>,
      %exp3A_260 = math.exp %get3A_259 : vector<16xf32>
      %swap3A_261 = arith.constant 48 : index
      %swap3A_262 = tpu.vector_load %arg14[%swap3A_261] {strides = array<i32>} : memref<80xf32, #tpu.memory_space<vmem>>, vector<16xf32>,
      tpu.vector_store %arg14[%swap3A_261], %exp3A_260 {strides = array<i32>} : memref<80xf32, #tpu.memory_space<vmem>>, vector<16xf32>,
      %get3A_263 = arith.constant 64 : index
      %get3A_264 = tpu.vector_load %arg14[%get3A_263] {strides = array<i32>} : memref<80xf32, #tpu.memory_space<vmem>>, vector<16xf32>,
      %exp3A_265 = math.exp %get3A_264 : vector<16xf32>
      %swap3A_266 = arith.constant 64 : index
      %swap3A_267 = tpu.vector_load %arg14[%swap3A_266] {strides = array<i32>} : memref<80xf32, #tpu.memory_space<vmem>>, vector<16xf32>,
      tpu.vector_store %arg14[%swap3A_266], %exp3A_265 {strides = array<i32>} : memref<80xf32, #tpu.memory_space<vmem>>, vector<16xf32>,
      %scan3A_268 = arith.constant 0 : i32
      %scan3A_269 = arith.constant 80 : i32
      %scan3A_270 = arith.addi %scan3A_268, %scan3A_269 : i32
      %scan3A_271 = arith.constant 1 : i32
      scf.for %scan3A_338 = %scan3A_268 to %scan3A_270 step %scan3A_271  : i32 {
        %mul3A_339 = arith.constant 1 : i32
        %mul3A_340 = arith.muli %scan3A_338, %mul3A_339 : i32
        %add3A_341 = arith.constant 0 : i32
        %add3A_342 = arith.addi %add3A_341, %mul3A_340 : i32
        %broadcast_in_dim3A = vector.broadcast %add3A_342 : i32 to vector<16xi32>
        %gather3A = tpu.vector_load_idx %arg14[%broadcast_in_dim3A] : memref<80xf32, #tpu.memory_space<vmem>>[vector<16xi32>], vector<16xf32>,
        %get3A_343 = arith.index_cast %add3A_342 : i32 to index
        %get3A_344 = arith.constant 0 : index
        %get3A_345 = tpu.vector_load %arg16[%get3A_343, %get3A_344] {strides = array<i32>} : memref<80x128xf32, #tpu.memory_space<vmem>>, vector<16xf32>,
        %mul3A_346 = arith.mulf %get3A_345, %gather3A : vector<16xf32>
        %swap3A_347 = arith.index_cast %add3A_342 : i32 to index
        %swap3A_348 = arith.constant 0 : index
        %swap3A_349 = tpu.vector_load %arg16[%swap3A_347, %swap3A_348] {strides = array<i32>} : memref<80x128xf32, #tpu.memory_space<vmem>>, vector<16xf32>,
        tpu.vector_store %arg16[%swap3A_347, %swap3A_348], %mul3A_346 {strides = array<i32>} : memref<80x128xf32, #tpu.memory_space<vmem>>, vector<16xf32>,
        %get3A_350 = arith.index_cast %add3A_342 : i32 to index
        %get3A_351 = arith.constant 16 : index
        %get3A_352 = tpu.vector_load %arg16[%get3A_350, %get3A_351] {strides = array<i32>} : memref<80x128xf32, #tpu.memory_space<vmem>>, vector<16xf32>,
        %mul3A_353 = arith.mulf %get3A_352, %gather3A : vector<16xf32>
        %swap3A_354 = arith.index_cast %add3A_342 : i32 to index
        %swap3A_355 = arith.constant 16 : index
        %swap3A_356 = tpu.vector_load %arg16[%swap3A_354, %swap3A_355] {strides = array<i32>} : memref<80x128xf32, #tpu.memory_space<vmem>>, vector<16xf32>,
        tpu.vector_store %arg16[%swap3A_354, %swap3A_355], %mul3A_353 {strides = array<i32>} : memref<80x128xf32, #tpu.memory_space<vmem>>, vector<16xf32>,
        %get3A_357 = arith.index_cast %add3A_342 : i32 to index
        %get3A_358 = arith.constant 32 : index
        %get3A_359 = tpu.vector_load %arg16[%get3A_357, %get3A_358] {strides = array<i32>} : memref<80x128xf32, #tpu.memory_space<vmem>>, vector<16xf32>,
        %mul3A_360 = arith.mulf %get3A_359, %gather3A : vector<16xf32>
        %swap3A_361 = arith.index_cast %add3A_342 : i32 to index
        %swap3A_362 = arith.constant 32 : index
        %swap3A_363 = tpu.vector_load %arg16[%swap3A_361, %swap3A_362] {strides = array<i32>} : memref<80x128xf32, #tpu.memory_space<vmem>>, vector<16xf32>,
        tpu.vector_store %arg16[%swap3A_361, %swap3A_362], %mul3A_360 {strides = array<i32>} : memref<80x128xf32, #tpu.memory_space<vmem>>, vector<16xf32>,
        %get3A_364 = arith.index_cast %add3A_342 : i32 to index
        %get3A_365 = arith.constant 48 : index
        %get3A_366 = tpu.vector_load %arg16[%get3A_364, %get3A_365] {strides = array<i32>} : memref<80x128xf32, #tpu.memory_space<vmem>>, vector<16xf32>,
        %mul3A_367 = arith.mulf %get3A_366, %gather3A : vector<16xf32>
        %swap3A_368 = arith.index_cast %add3A_342 : i32 to index
        %swap3A_369 = arith.constant 48 : index
        %swap3A_370 = tpu.vector_load %arg16[%swap3A_368, %swap3A_369] {strides = array<i32>} : memref<80x128xf32, #tpu.memory_space<vmem>>, vector<16xf32>,
        tpu.vector_store %arg16[%swap3A_368, %swap3A_369], %mul3A_367 {strides = array<i32>} : memref<80x128xf32, #tpu.memory_space<vmem>>, vector<16xf32>,
        %get3A_371 = arith.index_cast %add3A_342 : i32 to index
        %get3A_372 = arith.constant 64 : index
        %get3A_373 = tpu.vector_load %arg16[%get3A_371, %get3A_372] {strides = array<i32>} : memref<80x128xf32, #tpu.memory_space<vmem>>, vector<16xf32>,
        %mul3A_374 = arith.mulf %get3A_373, %gather3A : vector<16xf32>
        %swap3A_375 = arith.index_cast %add3A_342 : i32 to index
        %swap3A_376 = arith.constant 64 : index
        %swap3A_377 = tpu.vector_load %arg16[%swap3A_375, %swap3A_376] {strides = array<i32>} : memref<80x128xf32, #tpu.memory_space<vmem>>, vector<16xf32>,
        tpu.vector_store %arg16[%swap3A_375, %swap3A_376], %mul3A_374 {strides = array<i32>} : memref<80x128xf32, #tpu.memory_space<vmem>>, vector<16xf32>,
        %get3A_378 = arith.index_cast %add3A_342 : i32 to index
        %get3A_379 = arith.constant 80 : index
        %get3A_380 = tpu.vector_load %arg16[%get3A_378, %get3A_379] {strides = array<i32>} : memref<80x128xf32, #tpu.memory_space<vmem>>, vector<16xf32>,
        %mul3A_381 = arith.mulf %get3A_380, %gather3A : vector<16xf32>
        %swap3A_382 = arith.index_cast %add3A_342 : i32 to index
        %swap3A_383 = arith.constant 80 : index
        %swap3A_384 = tpu.vector_load %arg16[%swap3A_382, %swap3A_383] {strides = array<i32>} : memref<80x128xf32, #tpu.memory_space<vmem>>, vector<16xf32>,
        tpu.vector_store %arg16[%swap3A_382, %swap3A_383], %mul3A_381 {strides = array<i32>} : memref<80x128xf32, #tpu.memory_space<vmem>>, vector<16xf32>,
        %get3A_385 = arith.index_cast %add3A_342 : i32 to index
        %get3A_386 = arith.constant 96 : index
        %get3A_387 = tpu.vector_load %arg16[%get3A_385, %get3A_386] {strides = array<i32>} : memref<80x128xf32, #tpu.memory_space<vmem>>, vector<16xf32>,
        %mul3A_388 = arith.mulf %get3A_387, %gather3A : vector<16xf32>
        %swap3A_389 = arith.index_cast %add3A_342 : i32 to index
        %swap3A_390 = arith.constant 96 : index
        %swap3A_391 = tpu.vector_load %arg16[%swap3A_389, %swap3A_390] {strides = array<i32>} : memref<80x128xf32, #tpu.memory_space<vmem>>, vector<16xf32>,
        tpu.vector_store %arg16[%swap3A_389, %swap3A_390], %mul3A_388 {strides = array<i32>} : memref<80x128xf32, #tpu.memory_space<vmem>>, vector<16xf32>,
        %get3A_392 = arith.index_cast %add3A_342 : i32 to index
        %get3A_393 = arith.constant 112 : index
        %get3A_394 = tpu.vector_load %arg16[%get3A_392, %get3A_393] {strides = array<i32>} : memref<80x128xf32, #tpu.memory_space<vmem>>, vector<16xf32>,
        %mul3A_395 = arith.mulf %get3A_394, %gather3A : vector<16xf32>
        %swap3A_396 = arith.index_cast %add3A_342 : i32 to index
        %swap3A_397 = arith.constant 112 : index
        %swap3A_398 = tpu.vector_load %arg16[%swap3A_396, %swap3A_397] {strides = array<i32>} : memref<80x128xf32, #tpu.memory_space<vmem>>, vector<16xf32>,
        tpu.vector_store %arg16[%swap3A_396, %swap3A_397], %mul3A_395 {strides = array<i32>} : memref<80x128xf32, #tpu.memory_space<vmem>>, vector<16xf32>,
      }
      %scan3A_272 = arith.constant 80 : i32
      %dma_start3A_273 = arith.constant 0 : i32
      %dma_start3A_274 = tpu.memref_slice %arg9[%mul3A_199, %dma_start3A_273] : memref<250x80xi32, #tpu.memory_space<vmem>> -> memref<1x80xi32, #tpu.memory_space<vmem>>
      %dma_start3A_275 = tpu.memref_squeeze %dma_start3A_274 : memref<1x80xi32, #tpu.memory_space<vmem>> -> memref<80xi32, #tpu.memory_space<vmem>>
      %dma_start3A_276 = arith.constant 0 : i32
      %dma_start3A_277 = arith.constant 0 : i32
      %dma_start3A_278 = tpu.memref_slice %arg18[%dma_start3A_276, %dma_start3A_277] : memref<10000x128xf32, #tpu.memory_space<vmem_shared>> -> memref<10000x128xf32, #tpu.memory_space<vmem_shared>>
      tpu.enqueue_indirect_dma source(%arg16 : memref<80x128xf32, #tpu.memory_space<vmem>>) target(%dma_start3A_278 : memref<10000x128xf32, #tpu.memory_space<vmem_shared>>) offsets(%dma_start3A_275 : memref<80xi32, #tpu.memory_space<vmem>>) semaphore(%arg23 : memref<!tpu.dma_semaphore, #tpu.memory_space<semaphore_mem>>) {add = true}
      %lt3A_279 = arith.constant 124 : i32
      %lt3A_280 = arith.cmpi slt, %add3A_197, %lt3A_279 : i32
      %convert_element_type3A_281 = arith.extui %lt3A_280 : i1 to i32
      %cond3A_282 = arith.constant 0 : i32
      %cond3A_283 = arith.cmpi ne, %convert_element_type3A_281, %cond3A_282 : i32
      scf.if %cond3A_283 {
        %dma_wait3A_338 = arith.constant 0 : i32
        %dma_wait3A_339 = tpu.memref_slice %arg9[%mul3A_199, %dma_wait3A_338] : memref<250x80xi32, #tpu.memory_space<vmem>> -> memref<1x80xi32, #tpu.memory_space<vmem>>
        %dma_wait3A_340 = tpu.memref_squeeze %dma_wait3A_339 : memref<1x80xi32, #tpu.memory_space<vmem>> -> memref<80xi32, #tpu.memory_space<vmem>>
        %dma_wait3A_341 = arith.constant 0 : i32
        %dma_wait3A_342 = arith.constant 0 : i32
        %dma_wait3A_343 = tpu.memref_slice %arg18[%dma_wait3A_341, %dma_wait3A_342] : memref<10000x128xf32, #tpu.memory_space<vmem_shared>> -> memref<10000x128xf32, #tpu.memory_space<vmem_shared>>
        tpu.wait_indirect_dma semaphore(%arg23 : memref<!tpu.dma_semaphore, #tpu.memory_space<semaphore_mem>>) src(%arg16 : memref<80x128xf32, #tpu.memory_space<vmem>>) dst(%dma_wait3A_343 : memref<10000x128xf32, #tpu.memory_space<vmem_shared>>)
        %add3A_344 = arith.constant 2 : i32
        %add3A_345 = arith.addi %mul3A_199, %add3A_344 : i32
        %add3A_346 = arith.addi %mul3A_5, %add3A_345 : i32
        %dma_wait3A_347 = arith.constant 0 : i32
        %dma_wait3A_348 = tpu.memref_slice %arg6[%add3A_346, %dma_wait3A_347] : memref<4000x80xi32, #tpu.memory_space<hbm>> -> memref<1x80xi32, #tpu.memory_space<hbm>>
        %dma_wait3A_349 = arith.constant 0 : i32
        %dma_wait3A_350 = tpu.memref_slice %arg6[%add3A_346, %dma_wait3A_349] : memref<4000x80xi32, #tpu.memory_space<hbm>> -> memref<1x80xi32, #tpu.memory_space<hbm>>
        tpu.wait_dma2 semaphore(%arg19 : memref<!tpu.dma_semaphore, #tpu.memory_space<semaphore_mem>>) src(%dma_wait3A_350 : memref<1x80xi32, #tpu.memory_space<hbm>>) dst(%arg10 : memref<1x80xi32, #tpu.memory_space<vmem>>)
        %add3A_351 = arith.addi %mul3A_10, %add3A_345 : i32
        %dma_wait3A_352 = arith.constant 0 : i32
        %dma_wait3A_353 = tpu.memref_slice %arg4[%add3A_351, %dma_wait3A_352] : memref<16000x80xi32, #tpu.memory_space<hbm>> -> memref<1x80xi32, #tpu.memory_space<hbm>>
        %dma_wait3A_354 = arith.constant 0 : i32
        %dma_wait3A_355 = tpu.memref_slice %arg4[%add3A_351, %dma_wait3A_354] : memref<16000x80xi32, #tpu.memory_space<hbm>> -> memref<1x80xi32, #tpu.memory_space<hbm>>
        tpu.wait_dma2 semaphore(%arg19 : memref<!tpu.dma_semaphore, #tpu.memory_space<semaphore_mem>>) src(%dma_wait3A_355 : memref<1x80xi32, #tpu.memory_space<hbm>>) dst(%arg12 : memref<1x80xi32, #tpu.memory_space<vmem>>)
        %dma_start3A_356 = arith.constant 0 : i32
        %dma_start3A_357 = arith.constant 0 : i32
        %dma_start3A_358 = tpu.memref_slice %arg10[%dma_start3A_356, %dma_start3A_357] : memref<1x80xi32, #tpu.memory_space<vmem>> -> memref<1x80xi32, #tpu.memory_space<vmem>>
        %dma_start3A_359 = tpu.memref_squeeze %dma_start3A_358 : memref<1x80xi32, #tpu.memory_space<vmem>> -> memref<80xi32, #tpu.memory_space<vmem>>
        %dma_start3A_360 = arith.constant 0 : i32
        %dma_start3A_361 = tpu.memref_slice %arg2[%dma_start3A_360] : memref<104857600xf32, #tpu.memory_space<hbm>> -> memref<104857600xf32, #tpu.memory_space<hbm>>
        tpu.enqueue_indirect_dma source(%dma_start3A_361 : memref<104857600xf32, #tpu.memory_space<hbm>>) target(%arg14 : memref<80xf32, #tpu.memory_space<vmem>>) offsets(%dma_start3A_359 : memref<80xi32, #tpu.memory_space<vmem>>) semaphore(%arg21 : memref<!tpu.dma_semaphore, #tpu.memory_space<semaphore_mem>>)
        %dma_start3A_362 = arith.constant 0 : i32
        %dma_start3A_363 = arith.constant 0 : i32
        %dma_start3A_364 = tpu.memref_slice %arg12[%dma_start3A_362, %dma_start3A_363] : memref<1x80xi32, #tpu.memory_space<vmem>> -> memref<1x80xi32, #tpu.memory_space<vmem>>
        %dma_start3A_365 = tpu.memref_squeeze %dma_start3A_364 : memref<1x80xi32, #tpu.memory_space<vmem>> -> memref<80xi32, #tpu.memory_space<vmem>>
        %dma_start3A_366 = arith.constant 0 : i32
        %dma_start3A_367 = arith.constant 0 : i32
        %dma_start3A_368 = tpu.memref_slice %arg3[%dma_start3A_366, %dma_start3A_367] : memref<40000x128xf32, #tpu.memory_space<hbm>> -> memref<40000x128xf32, #tpu.memory_space<hbm>>
        tpu.enqueue_indirect_dma source(%dma_start3A_368 : memref<40000x128xf32, #tpu.memory_space<hbm>>) target(%arg16 : memref<80x128xf32, #tpu.memory_space<vmem>>) offsets(%dma_start3A_365 : memref<80xi32, #tpu.memory_space<vmem>>) semaphore(%arg21 : memref<!tpu.dma_semaphore, #tpu.memory_space<semaphore_mem>>)
      } else {
      }
      %dma_wait3A_284 = arith.constant 0 : i32
      %dma_wait3A_285 = arith.constant 0 : i32
      %dma_wait3A_286 = tpu.memref_slice %arg11[%dma_wait3A_284, %dma_wait3A_285] : memref<1x80xi32, #tpu.memory_space<vmem>> -> memref<1x80xi32, #tpu.memory_space<vmem>>
      %dma_wait3A_287 = tpu.memref_squeeze %dma_wait3A_286 : memref<1x80xi32, #tpu.memory_space<vmem>> -> memref<80xi32, #tpu.memory_space<vmem>>
      %dma_wait3A_288 = arith.constant 0 : i32
      %dma_wait3A_289 = tpu.memref_slice %arg2[%dma_wait3A_288] : memref<104857600xf32, #tpu.memory_space<hbm>> -> memref<104857600xf32, #tpu.memory_space<hbm>>
      tpu.wait_indirect_dma semaphore(%arg22 : memref<!tpu.dma_semaphore, #tpu.memory_space<semaphore_mem>>) src(%dma_wait3A_289 : memref<104857600xf32, #tpu.memory_space<hbm>>) dst(%arg15 : memref<80xf32, #tpu.memory_space<vmem>>)
      %dma_wait3A_290 = arith.constant 0 : i32
      %dma_wait3A_291 = arith.constant 0 : i32
      %dma_wait3A_292 = tpu.memref_slice %arg13[%dma_wait3A_290, %dma_wait3A_291] : memref<1x80xi32, #tpu.memory_space<vmem>> -> memref<1x80xi32, #tpu.memory_space<vmem>>
      %dma_wait3A_293 = tpu.memref_squeeze %dma_wait3A_292 : memref<1x80xi32, #tpu.memory_space<vmem>> -> memref<80xi32, #tpu.memory_space<vmem>>
      %dma_wait3A_294 = arith.constant 0 : i32
      %dma_wait3A_295 = arith.constant 0 : i32
      %dma_wait3A_296 = tpu.memref_slice %arg3[%dma_wait3A_294, %dma_wait3A_295] : memref<40000x128xf32, #tpu.memory_space<hbm>> -> memref<40000x128xf32, #tpu.memory_space<hbm>>
      tpu.wait_indirect_dma semaphore(%arg22 : memref<!tpu.dma_semaphore, #tpu.memory_space<semaphore_mem>>) src(%dma_wait3A_296 : memref<40000x128xf32, #tpu.memory_space<hbm>>) dst(%arg17 : memref<80x128xf32, #tpu.memory_space<vmem>>)
      %lt3A_297 = arith.constant 124 : i32
      %lt3A_298 = arith.cmpi slt, %add3A_197, %lt3A_297 : i32
      %convert_element_type3A_299 = arith.extui %lt3A_298 : i1 to i32
      %cond3A_300 = arith.constant 0 : i32
      %cond3A_301 = arith.cmpi ne, %convert_element_type3A_299, %cond3A_300 : i32
      scf.if %cond3A_301 {
        %add3A_338 = arith.constant 2 : i32
        %add3A_339 = arith.addi %add3A_201, %add3A_338 : i32
        %add3A_340 = arith.addi %mul3A_5, %add3A_339 : i32
        %dma_start3A_341 = arith.constant 0 : i32
        %dma_start3A_342 = tpu.memref_slice %arg6[%add3A_340, %dma_start3A_341] : memref<4000x80xi32, #tpu.memory_space<hbm>> -> memref<1x80xi32, #tpu.memory_space<hbm>>
        %dma_start3A_343 = arith.constant 0 : i32
        %dma_start3A_344 = tpu.memref_slice %arg6[%add3A_340, %dma_start3A_343] : memref<4000x80xi32, #tpu.memory_space<hbm>> -> memref<1x80xi32, #tpu.memory_space<hbm>>
        tpu.enqueue_dma source(%dma_start3A_344 : memref<1x80xi32, #tpu.memory_space<hbm>>) target(%arg11 : memref<1x80xi32, #tpu.memory_space<vmem>>) target_semaphore(%arg20 : memref<!tpu.dma_semaphore, #tpu.memory_space<semaphore_mem>>)
        %add3A_345 = arith.addi %mul3A_10, %add3A_339 : i32
        %dma_start3A_346 = arith.constant 0 : i32
        %dma_start3A_347 = tpu.memref_slice %arg4[%add3A_345, %dma_start3A_346] : memref<16000x80xi32, #tpu.memory_space<hbm>> -> memref<1x80xi32, #tpu.memory_space<hbm>>
        %dma_start3A_348 = arith.constant 0 : i32
        %dma_start3A_349 = tpu.memref_slice %arg4[%add3A_345, %dma_start3A_348] : memref<16000x80xi32, #tpu.memory_space<hbm>> -> memref<1x80xi32, #tpu.memory_space<hbm>>
        tpu.enqueue_dma source(%dma_start3A_349 : memref<1x80xi32, #tpu.memory_space<hbm>>) target(%arg13 : memref<1x80xi32, #tpu.memory_space<vmem>>) target_semaphore(%arg20 : memref<!tpu.dma_semaphore, #tpu.memory_space<semaphore_mem>>)
      } else {
      }
      %get3A_302 = arith.constant 0 : index
      %get3A_303 = tpu.vector_load %arg15[%get3A_302] {strides = array<i32>} : memref<80xf32, #tpu.memory_space<vmem>>, vector<16xf32>,
      %exp3A_304 = math.exp %get3A_303 : vector<16xf32>
      %swap3A_305 = arith.constant 0 : index
      %swap3A_306 = tpu.vector_load %arg15[%swap3A_305] {strides = array<i32>} : memref<80xf32, #tpu.memory_space<vmem>>, vector<16xf32>,
      tpu.vector_store %arg15[%swap3A_305], %exp3A_304 {strides = array<i32>} : memref<80xf32, #tpu.memory_space<vmem>>, vector<16xf32>,
      %get3A_307 = arith.constant 16 : index
      %get3A_308 = tpu.vector_load %arg15[%get3A_307] {strides = array<i32>} : memref<80xf32, #tpu.memory_space<vmem>>, vector<16xf32>,
      %exp3A_309 = math.exp %get3A_308 : vector<16xf32>
      %swap3A_310 = arith.constant 16 : index
      %swap3A_311 = tpu.vector_load %arg15[%swap3A_310] {strides = array<i32>} : memref<80xf32, #tpu.memory_space<vmem>>, vector<16xf32>,
      tpu.vector_store %arg15[%swap3A_310], %exp3A_309 {strides = array<i32>} : memref<80xf32, #tpu.memory_space<vmem>>, vector<16xf32>,
      %get3A_312 = arith.constant 32 : index
      %get3A_313 = tpu.vector_load %arg15[%get3A_312] {strides = array<i32>} : memref<80xf32, #tpu.memory_space<vmem>>, vector<16xf32>,
      %exp3A_314 = math.exp %get3A_313 : vector<16xf32>
      %swap3A_315 = arith.constant 32 : index
      %swap3A_316 = tpu.vector_load %arg15[%swap3A_315] {strides = array<i32>} : memref<80xf32, #tpu.memory_space<vmem>>, vector<16xf32>,
      tpu.vector_store %arg15[%swap3A_315], %exp3A_314 {strides = array<i32>} : memref<80xf32, #tpu.memory_space<vmem>>, vector<16xf32>,
      %get3A_317 = arith.constant 48 : index
      %get3A_318 = tpu.vector_load %arg15[%get3A_317] {strides = array<i32>} : memref<80xf32, #tpu.memory_space<vmem>>, vector<16xf32>,
      %exp3A_319 = math.exp %get3A_318 : vector<16xf32>
      %swap3A_320 = arith.constant 48 : index
      %swap3A_321 = tpu.vector_load %arg15[%swap3A_320] {strides = array<i32>} : memref<80xf32, #tpu.memory_space<vmem>>, vector<16xf32>,
      tpu.vector_store %arg15[%swap3A_320], %exp3A_319 {strides = array<i32>} : memref<80xf32, #tpu.memory_space<vmem>>, vector<16xf32>,
      %get3A_322 = arith.constant 64 : index
      %get3A_323 = tpu.vector_load %arg15[%get3A_322] {strides = array<i32>} : memref<80xf32, #tpu.memory_space<vmem>>, vector<16xf32>,
      %exp3A_324 = math.exp %get3A_323 : vector<16xf32>
      %swap3A_325 = arith.constant 64 : index
      %swap3A_326 = tpu.vector_load %arg15[%swap3A_325] {strides = array<i32>} : memref<80xf32, #tpu.memory_space<vmem>>, vector<16xf32>,
      tpu.vector_store %arg15[%swap3A_325], %exp3A_324 {strides = array<i32>} : memref<80xf32, #tpu.memory_space<vmem>>, vector<16xf32>,
      %scan3A_327 = arith.constant 0 : i32
      %scan3A_328 = arith.constant 80 : i32
      %scan3A_329 = arith.addi %scan3A_327, %scan3A_328 : i32
      %scan3A_330 = arith.constant 1 : i32
      scf.for %scan3A_338 = %scan3A_327 to %scan3A_329 step %scan3A_330  : i32 {
        %mul3A_339 = arith.constant 1 : i32
        %mul3A_340 = arith.muli %scan3A_338, %mul3A_339 : i32
        %add3A_341 = arith.constant 0 : i32
        %add3A_342 = arith.addi %add3A_341, %mul3A_340 : i32
        %broadcast_in_dim3A = vector.broadcast %add3A_342 : i32 to vector<16xi32>
        %gather3A = tpu.vector_load_idx %arg15[%broadcast_in_dim3A] : memref<80xf32, #tpu.memory_space<vmem>>[vector<16xi32>], vector<16xf32>,
        %get3A_343 = arith.index_cast %add3A_342 : i32 to index
        %get3A_344 = arith.constant 0 : index
        %get3A_345 = tpu.vector_load %arg17[%get3A_343, %get3A_344] {strides = array<i32>} : memref<80x128xf32, #tpu.memory_space<vmem>>, vector<16xf32>,
        %mul3A_346 = arith.mulf %get3A_345, %gather3A : vector<16xf32>
        %swap3A_347 = arith.index_cast %add3A_342 : i32 to index
        %swap3A_348 = arith.constant 0 : index
        %swap3A_349 = tpu.vector_load %arg17[%swap3A_347, %swap3A_348] {strides = array<i32>} : memref<80x128xf32, #tpu.memory_space<vmem>>, vector<16xf32>,
        tpu.vector_store %arg17[%swap3A_347, %swap3A_348], %mul3A_346 {strides = array<i32>} : memref<80x128xf32, #tpu.memory_space<vmem>>, vector<16xf32>,
        %get3A_350 = arith.index_cast %add3A_342 : i32 to index
        %get3A_351 = arith.constant 16 : index
        %get3A_352 = tpu.vector_load %arg17[%get3A_350, %get3A_351] {strides = array<i32>} : memref<80x128xf32, #tpu.memory_space<vmem>>, vector<16xf32>,
        %mul3A_353 = arith.mulf %get3A_352, %gather3A : vector<16xf32>
        %swap3A_354 = arith.index_cast %add3A_342 : i32 to index
        %swap3A_355 = arith.constant 16 : index
        %swap3A_356 = tpu.vector_load %arg17[%swap3A_354, %swap3A_355] {strides = array<i32>} : memref<80x128xf32, #tpu.memory_space<vmem>>, vector<16xf32>,
        tpu.vector_store %arg17[%swap3A_354, %swap3A_355], %mul3A_353 {strides = array<i32>} : memref<80x128xf32, #tpu.memory_space<vmem>>, vector<16xf32>,
        %get3A_357 = arith.index_cast %add3A_342 : i32 to index
        %get3A_358 = arith.constant 32 : index
        %get3A_359 = tpu.vector_load %arg17[%get3A_357, %get3A_358] {strides = array<i32>} : memref<80x128xf32, #tpu.memory_space<vmem>>, vector<16xf32>,
        %mul3A_360 = arith.mulf %get3A_359, %gather3A : vector<16xf32>
        %swap3A_361 = arith.index_cast %add3A_342 : i32 to index
        %swap3A_362 = arith.constant 32 : index
        %swap3A_363 = tpu.vector_load %arg17[%swap3A_361, %swap3A_362] {strides = array<i32>} : memref<80x128xf32, #tpu.memory_space<vmem>>, vector<16xf32>,
        tpu.vector_store %arg17[%swap3A_361, %swap3A_362], %mul3A_360 {strides = array<i32>} : memref<80x128xf32, #tpu.memory_space<vmem>>, vector<16xf32>,
        %get3A_364 = arith.index_cast %add3A_342 : i32 to index
        %get3A_365 = arith.constant 48 : index
        %get3A_366 = tpu.vector_load %arg17[%get3A_364, %get3A_365] {strides = array<i32>} : memref<80x128xf32, #tpu.memory_space<vmem>>, vector<16xf32>,
        %mul3A_367 = arith.mulf %get3A_366, %gather3A : vector<16xf32>
        %swap3A_368 = arith.index_cast %add3A_342 : i32 to index
        %swap3A_369 = arith.constant 48 : index
        %swap3A_370 = tpu.vector_load %arg17[%swap3A_368, %swap3A_369] {strides = array<i32>} : memref<80x128xf32, #tpu.memory_space<vmem>>, vector<16xf32>,
        tpu.vector_store %arg17[%swap3A_368, %swap3A_369], %mul3A_367 {strides = array<i32>} : memref<80x128xf32, #tpu.memory_space<vmem>>, vector<16xf32>,
        %get3A_371 = arith.index_cast %add3A_342 : i32 to index
        %get3A_372 = arith.constant 64 : index
        %get3A_373 = tpu.vector_load %arg17[%get3A_371, %get3A_372] {strides = array<i32>} : memref<80x128xf32, #tpu.memory_space<vmem>>, vector<16xf32>,
        %mul3A_374 = arith.mulf %get3A_373, %gather3A : vector<16xf32>
        %swap3A_375 = arith.index_cast %add3A_342 : i32 to index
        %swap3A_376 = arith.constant 64 : index
        %swap3A_377 = tpu.vector_load %arg17[%swap3A_375, %swap3A_376] {strides = array<i32>} : memref<80x128xf32, #tpu.memory_space<vmem>>, vector<16xf32>,
        tpu.vector_store %arg17[%swap3A_375, %swap3A_376], %mul3A_374 {strides = array<i32>} : memref<80x128xf32, #tpu.memory_space<vmem>>, vector<16xf32>,
        %get3A_378 = arith.index_cast %add3A_342 : i32 to index
        %get3A_379 = arith.constant 80 : index
        %get3A_380 = tpu.vector_load %arg17[%get3A_378, %get3A_379] {strides = array<i32>} : memref<80x128xf32, #tpu.memory_space<vmem>>, vector<16xf32>,
        %mul3A_381 = arith.mulf %get3A_380, %gather3A : vector<16xf32>
        %swap3A_382 = arith.index_cast %add3A_342 : i32 to index
        %swap3A_383 = arith.constant 80 : index
        %swap3A_384 = tpu.vector_load %arg17[%swap3A_382, %swap3A_383] {strides = array<i32>} : memref<80x128xf32, #tpu.memory_space<vmem>>, vector<16xf32>,
        tpu.vector_store %arg17[%swap3A_382, %swap3A_383], %mul3A_381 {strides = array<i32>} : memref<80x128xf32, #tpu.memory_space<vmem>>, vector<16xf32>,
        %get3A_385 = arith.index_cast %add3A_342 : i32 to index
        %get3A_386 = arith.constant 96 : index
        %get3A_387 = tpu.vector_load %arg17[%get3A_385, %get3A_386] {strides = array<i32>} : memref<80x128xf32, #tpu.memory_space<vmem>>, vector<16xf32>,
        %mul3A_388 = arith.mulf %get3A_387, %gather3A : vector<16xf32>
        %swap3A_389 = arith.index_cast %add3A_342 : i32 to index
        %swap3A_390 = arith.constant 96 : index
        %swap3A_391 = tpu.vector_load %arg17[%swap3A_389, %swap3A_390] {strides = array<i32>} : memref<80x128xf32, #tpu.memory_space<vmem>>, vector<16xf32>,
        tpu.vector_store %arg17[%swap3A_389, %swap3A_390], %mul3A_388 {strides = array<i32>} : memref<80x128xf32, #tpu.memory_space<vmem>>, vector<16xf32>,
        %get3A_392 = arith.index_cast %add3A_342 : i32 to index
        %get3A_393 = arith.constant 112 : index
        %get3A_394 = tpu.vector_load %arg17[%get3A_392, %get3A_393] {strides = array<i32>} : memref<80x128xf32, #tpu.memory_space<vmem>>, vector<16xf32>,
        %mul3A_395 = arith.mulf %get3A_394, %gather3A : vector<16xf32>
        %swap3A_396 = arith.index_cast %add3A_342 : i32 to index
        %swap3A_397 = arith.constant 112 : index
        %swap3A_398 = tpu.vector_load %arg17[%swap3A_396, %swap3A_397] {strides = array<i32>} : memref<80x128xf32, #tpu.memory_space<vmem>>, vector<16xf32>,
        tpu.vector_store %arg17[%swap3A_396, %swap3A_397], %mul3A_395 {strides = array<i32>} : memref<80x128xf32, #tpu.memory_space<vmem>>, vector<16xf32>,
      }
      %scan3A_331 = arith.constant 80 : i32
      %dma_start3A_332 = arith.constant 0 : i32
      %dma_start3A_333 = tpu.memref_slice %arg9[%add3A_201, %dma_start3A_332] : memref<250x80xi32, #tpu.memory_space<vmem>> -> memref<1x80xi32, #tpu.memory_space<vmem>>
      %dma_start3A_334 = tpu.memref_squeeze %dma_start3A_333 : memref<1x80xi32, #tpu.memory_space<vmem>> -> memref<80xi32, #tpu.memory_space<vmem>>
      %dma_start3A_335 = arith.constant 0 : i32
      %dma_start3A_336 = arith.constant 0 : i32
      %dma_start3A_337 = tpu.memref_slice %arg18[%dma_start3A_335, %dma_start3A_336] : memref<10000x128xf32, #tpu.memory_space<vmem_shared>> -> memref<10000x128xf32, #tpu.memory_space<vmem_shared>>
      tpu.enqueue_indirect_dma source(%arg17 : memref<80x128xf32, #tpu.memory_space<vmem>>) target(%dma_start3A_337 : memref<10000x128xf32, #tpu.memory_space<vmem_shared>>) offsets(%dma_start3A_334 : memref<80xi32, #tpu.memory_space<vmem>>) semaphore(%arg24 : memref<!tpu.dma_semaphore, #tpu.memory_space<semaphore_mem>>) {add = true}
    }
    %scan3A_65 = arith.constant 125 : i32
    %dma_wait3A_66 = arith.constant 248 : i32
    %dma_wait3A_67 = arith.constant 0 : i32
    %dma_wait3A_68 = tpu.memref_slice %arg9[%dma_wait3A_66, %dma_wait3A_67] : memref<250x80xi32, #tpu.memory_space<vmem>> -> memref<1x80xi32, #tpu.memory_space<vmem>>
    %dma_wait3A_69 = tpu.memref_squeeze %dma_wait3A_68 : memref<1x80xi32, #tpu.memory_space<vmem>> -> memref<80xi32, #tpu.memory_space<vmem>>
    %dma_wait3A_70 = arith.constant 0 : i32
    %dma_wait3A_71 = arith.constant 0 : i32
    %dma_wait3A_72 = tpu.memref_slice %arg18[%dma_wait3A_70, %dma_wait3A_71] : memref<10000x128xf32, #tpu.memory_space<vmem_shared>> -> memref<10000x128xf32, #tpu.memory_space<vmem_shared>>
    tpu.wait_indirect_dma semaphore(%arg23 : memref<!tpu.dma_semaphore, #tpu.memory_space<semaphore_mem>>) src(%arg16 : memref<80x128xf32, #tpu.memory_space<vmem>>) dst(%dma_wait3A_72 : memref<10000x128xf32, #tpu.memory_space<vmem_shared>>)
    %dma_wait3A_73 = arith.constant 249 : i32
    %dma_wait3A_74 = arith.constant 0 : i32
    %dma_wait3A_75 = tpu.memref_slice %arg9[%dma_wait3A_73, %dma_wait3A_74] : memref<250x80xi32, #tpu.memory_space<vmem>> -> memref<1x80xi32, #tpu.memory_space<vmem>>
    %dma_wait3A_76 = tpu.memref_squeeze %dma_wait3A_75 : memref<1x80xi32, #tpu.memory_space<vmem>> -> memref<80xi32, #tpu.memory_space<vmem>>
    %dma_wait3A_77 = arith.constant 0 : i32
    %dma_wait3A_78 = arith.constant 0 : i32
    %dma_wait3A_79 = tpu.memref_slice %arg18[%dma_wait3A_77, %dma_wait3A_78] : memref<10000x128xf32, #tpu.memory_space<vmem_shared>> -> memref<10000x128xf32, #tpu.memory_space<vmem_shared>>
    tpu.wait_indirect_dma semaphore(%arg24 : memref<!tpu.dma_semaphore, #tpu.memory_space<semaphore_mem>>) src(%arg17 : memref<80x128xf32, #tpu.memory_space<vmem>>) dst(%dma_wait3A_79 : memref<10000x128xf32, #tpu.memory_space<vmem_shared>>)
    %barrier3A_80 = arith.constant 0 : index
    tpu.barrier barrier_id(%barrier3A_80)
    %mul3A_81 = arith.constant 624 : i32
    %mul3A_82 = arith.muli %arg1, %mul3A_81 : i32
    %mul3A_83 = arith.constant 10000 : i32
    %mul3A_84 = arith.muli %add3A_3, %mul3A_83 : i32
    %mul3A_85 = arith.constant 624 : i32
    %mul3A_86 = arith.muli %arg1, %mul3A_85 : i32
    %add3A_87 = arith.addi %mul3A_84, %mul3A_86 : i32
    "tpu.region"() ({
      %run_scoped3A = tpu.sem_alloc : memref<!tpu.dma_semaphore, #tpu.memory_space<semaphore_mem>>
      %dma_start3A_193 = arith.constant 0 : i32
      %dma_start3A_194 = tpu.memref_slice %arg8[%add3A_87, %dma_start3A_193] : memref<40000x128xf32, #tpu.memory_space<hbm>> -> memref<624x128xf32, #tpu.memory_space<hbm>>
      %dma_start3A_195 = arith.constant 0 : i32
      %dma_start3A_196 = tpu.memref_slice %arg18[%mul3A_82, %dma_start3A_195] : memref<10000x128xf32, #tpu.memory_space<vmem_shared>> -> memref<624x128xf32, #tpu.memory_space<vmem_shared>>
      tpu.enqueue_dma source(%dma_start3A_196 : memref<624x128xf32, #tpu.memory_space<vmem_shared>>) target(%dma_start3A_194 : memref<624x128xf32, #tpu.memory_space<hbm>>) target_semaphore(%run_scoped3A : memref<!tpu.dma_semaphore, #tpu.memory_space<semaphore_mem>>)
      %dma_wait3A_197 = arith.constant 0 : i32
      %dma_wait3A_198 = tpu.memref_slice %arg8[%add3A_87, %dma_wait3A_197] : memref<40000x128xf32, #tpu.memory_space<hbm>> -> memref<624x128xf32, #tpu.memory_space<hbm>>
      %dma_wait3A_199 = arith.constant 0 : i32
      %dma_wait3A_200 = tpu.memref_slice %arg18[%mul3A_82, %dma_wait3A_199] : memref<10000x128xf32, #tpu.memory_space<vmem_shared>> -> memref<624x128xf32, #tpu.memory_space<vmem_shared>>
      tpu.wait_dma2 semaphore(%run_scoped3A : memref<!tpu.dma_semaphore, #tpu.memory_space<semaphore_mem>>) src(%dma_wait3A_200 : memref<624x128xf32, #tpu.memory_space<vmem_shared>>) dst(%dma_wait3A_198 : memref<624x128xf32, #tpu.memory_space<hbm>>)
      tpu.yield
    }) : () -> ()
    %eq3A_88 = arith.constant 15 : i32
    %eq3A_89 = arith.cmpi eq, %arg1, %eq3A_88 : i32
    %convert_element_type3A_90 = arith.extui %eq3A_89 : i1 to i32
    %cond3A_91 = arith.constant 0 : i32
    %cond3A_92 = arith.cmpi ne, %convert_element_type3A_90, %cond3A_91 : i32
    scf.if %cond3A_92 {
      %mul3A_193 = arith.constant 10000 : i32
      %mul3A_194 = arith.muli %add3A_3, %mul3A_193 : i32
      %add3A_195 = arith.constant 9984 : i32
      %add3A_196 = arith.addi %mul3A_194, %add3A_195 : i32
      "tpu.region"() ({
        %run_scoped3A = tpu.sem_alloc : memref<!tpu.dma_semaphore, #tpu.memory_space<semaphore_mem>>
        %dma_start3A_197 = arith.constant 0 : i32
        %dma_start3A_198 = tpu.memref_slice %arg8[%add3A_196, %dma_start3A_197] : memref<40000x128xf32, #tpu.memory_space<hbm>> -> memref<16x128xf32, #tpu.memory_space<hbm>>
        %dma_start3A_199 = arith.constant 9984 : i32
        %dma_start3A_200 = arith.constant 0 : i32
        %dma_start3A_201 = tpu.memref_slice %arg18[%dma_start3A_199, %dma_start3A_200] : memref<10000x128xf32, #tpu.memory_space<vmem_shared>> -> memref<16x128xf32, #tpu.memory_space<vmem_shared>>
        tpu.enqueue_dma source(%dma_start3A_201 : memref<16x128xf32, #tpu.memory_space<vmem_shared>>) target(%dma_start3A_198 : memref<16x128xf32, #tpu.memory_space<hbm>>) target_semaphore(%run_scoped3A : memref<!tpu.dma_semaphore, #tpu.memory_space<semaphore_mem>>)
        %dma_wait3A_202 = arith.constant 0 : i32
        %dma_wait3A_203 = tpu.memref_slice %arg8[%add3A_196, %dma_wait3A_202] : memref<40000x128xf32, #tpu.memory_space<hbm>> -> memref<16x128xf32, #tpu.memory_space<hbm>>
        %dma_wait3A_204 = arith.constant 9984 : i32
        %dma_wait3A_205 = arith.constant 0 : i32
        %dma_wait3A_206 = tpu.memref_slice %arg18[%dma_wait3A_204, %dma_wait3A_205] : memref<10000x128xf32, #tpu.memory_space<vmem_shared>> -> memref<16x128xf32, #tpu.memory_space<vmem_shared>>
        tpu.wait_dma2 semaphore(%run_scoped3A : memref<!tpu.dma_semaphore, #tpu.memory_space<semaphore_mem>>) src(%dma_wait3A_206 : memref<16x128xf32, #tpu.memory_space<vmem_shared>>) dst(%dma_wait3A_203 : memref<16x128xf32, #tpu.memory_space<hbm>>)
        tpu.yield
      }) : () -> ()
    } else {
    }
    %mul3A_93 = arith.constant 2 : i32
    %mul3A_94 = arith.muli %mul3A_93, %arg0 : i32
    %add3A_95 = arith.constant 1 : i32
    %add3A_96 = arith.addi %mul3A_94, %add3A_95 : i32
    %mul3A_97 = arith.constant 250 : i32
    %mul3A_98 = arith.muli %arg1, %mul3A_97 : i32
    %mul3A_99 = arith.constant 16 : i32
    %mul3A_100 = arith.muli %add3A_96, %mul3A_99 : i32
    %add3A_101 = arith.addi %mul3A_100, %arg1 : i32
    %mul3A_102 = arith.constant 250 : i32
    %mul3A_103 = arith.muli %add3A_101, %mul3A_102 : i32
    %mul3A_104 = arith.constant 624 : i32
    %mul3A_105 = arith.muli %arg1, %mul3A_104 : i32
    "tpu.region"() ({
      %run_scoped3A = tpu.sem_alloc : memref<!tpu.dma_semaphore, #tpu.memory_space<semaphore_mem>>
      %dma_start3A_193 = arith.constant 0 : i32
      %dma_start3A_194 = tpu.memref_slice %arg18[%mul3A_105, %dma_start3A_193] : memref<10000x128xf32, #tpu.memory_space<vmem_shared>> -> memref<624x128xf32, #tpu.memory_space<vmem_shared>>
      tpu.enqueue_dma source(%arg7 : memref<624x128xf32, #tpu.memory_space<hbm>>) target(%dma_start3A_194 : memref<624x128xf32, #tpu.memory_space<vmem_shared>>) target_semaphore(%run_scoped3A : memref<!tpu.dma_semaphore, #tpu.memory_space<semaphore_mem>>)
      %dma_wait3A_195 = arith.constant 0 : i32
      %dma_wait3A_196 = tpu.memref_slice %arg18[%mul3A_105, %dma_wait3A_195] : memref<10000x128xf32, #tpu.memory_space<vmem_shared>> -> memref<624x128xf32, #tpu.memory_space<vmem_shared>>
      tpu.wait_dma2 semaphore(%run_scoped3A : memref<!tpu.dma_semaphore, #tpu.memory_space<semaphore_mem>>) src(%arg7 : memref<624x128xf32, #tpu.memory_space<hbm>>) dst(%dma_wait3A_196 : memref<624x128xf32, #tpu.memory_space<vmem_shared>>)
      tpu.yield
    }) : () -> ()
    %eq3A_106 = arith.constant 15 : i32
    %eq3A_107 = arith.cmpi eq, %arg1, %eq3A_106 : i32
    %convert_element_type3A_108 = arith.extui %eq3A_107 : i1 to i32
    %cond3A_109 = arith.constant 0 : i32
    %cond3A_110 = arith.cmpi ne, %convert_element_type3A_108, %cond3A_109 : i32
    scf.if %cond3A_110 {
      "tpu.region"() ({
        %run_scoped3A = tpu.sem_alloc : memref<!tpu.dma_semaphore, #tpu.memory_space<semaphore_mem>>
        %dma_start3A_193 = arith.constant 9984 : i32
        %dma_start3A_194 = arith.constant 0 : i32
        %dma_start3A_195 = tpu.memref_slice %arg18[%dma_start3A_193, %dma_start3A_194] : memref<10000x128xf32, #tpu.memory_space<vmem_shared>> -> memref<16x128xf32, #tpu.memory_space<vmem_shared>>
        %dma_start3A_196 = arith.constant 0 : i32
        %dma_start3A_197 = arith.constant 0 : i32
        %dma_start3A_198 = tpu.memref_slice %arg7[%dma_start3A_196, %dma_start3A_197] : memref<624x128xf32, #tpu.memory_space<hbm>> -> memref<16x128xf32, #tpu.memory_space<hbm>>
        tpu.enqueue_dma source(%dma_start3A_198 : memref<16x128xf32, #tpu.memory_space<hbm>>) target(%dma_start3A_195 : memref<16x128xf32, #tpu.memory_space<vmem_shared>>) target_semaphore(%run_scoped3A : memref<!tpu.dma_semaphore, #tpu.memory_space<semaphore_mem>>)
        %dma_wait3A_199 = arith.constant 9984 : i32
        %dma_wait3A_200 = arith.constant 0 : i32
        %dma_wait3A_201 = tpu.memref_slice %arg18[%dma_wait3A_199, %dma_wait3A_200] : memref<10000x128xf32, #tpu.memory_space<vmem_shared>> -> memref<16x128xf32, #tpu.memory_space<vmem_shared>>
        %dma_wait3A_202 = arith.constant 0 : i32
        %dma_wait3A_203 = arith.constant 0 : i32
        %dma_wait3A_204 = tpu.memref_slice %arg7[%dma_wait3A_202, %dma_wait3A_203] : memref<624x128xf32, #tpu.memory_space<hbm>> -> memref<16x128xf32, #tpu.memory_space<hbm>>
        tpu.wait_dma2 semaphore(%run_scoped3A : memref<!tpu.dma_semaphore, #tpu.memory_space<semaphore_mem>>) src(%dma_wait3A_204 : memref<16x128xf32, #tpu.memory_space<hbm>>) dst(%dma_wait3A_201 : memref<16x128xf32, #tpu.memory_space<vmem_shared>>)
        tpu.yield
      }) : () -> ()
    } else {
    }
    %barrier3A_111 = arith.constant 0 : index
    tpu.barrier barrier_id(%barrier3A_111)
    %add3A_112 = arith.constant 0 : i32
    %add3A_113 = arith.addi %mul3A_98, %add3A_112 : i32
    %dma_start3A_114 = arith.constant 0 : i32
    %dma_start3A_115 = tpu.memref_slice %arg6[%add3A_113, %dma_start3A_114] : memref<4000x80xi32, #tpu.memory_space<hbm>> -> memref<1x80xi32, #tpu.memory_space<hbm>>
    %dma_start3A_116 = arith.constant 0 : i32
    %dma_start3A_117 = tpu.memref_slice %arg6[%add3A_113, %dma_start3A_116] : memref<4000x80xi32, #tpu.memory_space<hbm>> -> memref<1x80xi32, #tpu.memory_space<hbm>>
    tpu.enqueue_dma source(%dma_start3A_117 : memref<1x80xi32, #tpu.memory_space<hbm>>) target(%arg10 : memref<1x80xi32, #tpu.memory_space<vmem>>) target_semaphore(%arg19 : memref<!tpu.dma_semaphore, #tpu.memory_space<semaphore_mem>>)
    %add3A_118 = arith.constant 0 : i32
    %add3A_119 = arith.addi %mul3A_103, %add3A_118 : i32
    %dma_start3A_120 = arith.constant 0 : i32
    %dma_start3A_121 = tpu.memref_slice %arg4[%add3A_119, %dma_start3A_120] : memref<16000x80xi32, #tpu.memory_space<hbm>> -> memref<1x80xi32, #tpu.memory_space<hbm>>
    %dma_start3A_122 = arith.constant 0 : i32
    %dma_start3A_123 = tpu.memref_slice %arg4[%add3A_119, %dma_start3A_122] : memref<16000x80xi32, #tpu.memory_space<hbm>> -> memref<1x80xi32, #tpu.memory_space<hbm>>
    tpu.enqueue_dma source(%dma_start3A_123 : memref<1x80xi32, #tpu.memory_space<hbm>>) target(%arg12 : memref<1x80xi32, #tpu.memory_space<vmem>>) target_semaphore(%arg19 : memref<!tpu.dma_semaphore, #tpu.memory_space<semaphore_mem>>)
    %add3A_124 = arith.constant 1 : i32
    %add3A_125 = arith.addi %mul3A_98, %add3A_124 : i32
    %dma_start3A_126 = arith.constant 0 : i32
    %dma_start3A_127 = tpu.memref_slice %arg6[%add3A_125, %dma_start3A_126] : memref<4000x80xi32, #tpu.memory_space<hbm>> -> memref<1x80xi32, #tpu.memory_space<hbm>>
    %dma_start3A_128 = arith.constant 0 : i32
    %dma_start3A_129 = tpu.memref_slice %arg6[%add3A_125, %dma_start3A_128] : memref<4000x80xi32, #tpu.memory_space<hbm>> -> memref<1x80xi32, #tpu.memory_space<hbm>>
    tpu.enqueue_dma source(%dma_start3A_129 : memref<1x80xi32, #tpu.memory_space<hbm>>) target(%arg11 : memref<1x80xi32, #tpu.memory_space<vmem>>) target_semaphore(%arg20 : memref<!tpu.dma_semaphore, #tpu.memory_space<semaphore_mem>>)
    %add3A_130 = arith.constant 1 : i32
    %add3A_131 = arith.addi %mul3A_103, %add3A_130 : i32
    %dma_start3A_132 = arith.constant 0 : i32
    %dma_start3A_133 = tpu.memref_slice %arg4[%add3A_131, %dma_start3A_132] : memref<16000x80xi32, #tpu.memory_space<hbm>> -> memref<1x80xi32, #tpu.memory_space<hbm>>
    %dma_start3A_134 = arith.constant 0 : i32
    %dma_start3A_135 = tpu.memref_slice %arg4[%add3A_131, %dma_start3A_134] : memref<16000x80xi32, #tpu.memory_space<hbm>> -> memref<1x80xi32, #tpu.memory_space<hbm>>
    tpu.enqueue_dma source(%dma_start3A_135 : memref<1x80xi32, #tpu.memory_space<hbm>>) target(%arg13 : memref<1x80xi32, #tpu.memory_space<vmem>>) target_semaphore(%arg20 : memref<!tpu.dma_semaphore, #tpu.memory_space<semaphore_mem>>)
    %add3A_136 = arith.constant 0 : i32
    %add3A_137 = arith.addi %mul3A_98, %add3A_136 : i32
    %dma_wait3A_138 = arith.constant 0 : i32
    %dma_wait3A_139 = tpu.memref_slice %arg6[%add3A_137, %dma_wait3A_138] : memref<4000x80xi32, #tpu.memory_space<hbm>> -> memref<1x80xi32, #tpu.memory_space<hbm>>
    %dma_wait3A_140 = arith.constant 0 : i32
    %dma_wait3A_141 = tpu.memref_slice %arg6[%add3A_137, %dma_wait3A_140] : memref<4000x80xi32, #tpu.memory_space<hbm>> -> memref<1x80xi32, #tpu.memory_space<hbm>>
    tpu.wait_dma2 semaphore(%arg19 : memref<!tpu.dma_semaphore, #tpu.memory_space<semaphore_mem>>) src(%dma_wait3A_141 : memref<1x80xi32, #tpu.memory_space<hbm>>) dst(%arg10 : memref<1x80xi32, #tpu.memory_space<vmem>>)
    %add3A_142 = arith.constant 0 : i32
    %add3A_143 = arith.addi %mul3A_103, %add3A_142 : i32
    %dma_wait3A_144 = arith.constant 0 : i32
    %dma_wait3A_145 = tpu.memref_slice %arg4[%add3A_143, %dma_wait3A_144] : memref<16000x80xi32, #tpu.memory_space<hbm>> -> memref<1x80xi32, #tpu.memory_space<hbm>>
    %dma_wait3A_146 = arith.constant 0 : i32
    %dma_wait3A_147 = tpu.memref_slice %arg4[%add3A_143, %dma_wait3A_146] : memref<16000x80xi32, #tpu.memory_space<hbm>> -> memref<1x80xi32, #tpu.memory_space<hbm>>
    tpu.wait_dma2 semaphore(%arg19 : memref<!tpu.dma_semaphore, #tpu.memory_space<semaphore_mem>>) src(%dma_wait3A_147 : memref<1x80xi32, #tpu.memory_space<hbm>>) dst(%arg12 : memref<1x80xi32, #tpu.memory_space<vmem>>)
    %dma_start3A_148 = arith.constant 0 : i32
    %dma_start3A_149 = arith.constant 0 : i32
    %dma_start3A_150 = tpu.memref_slice %arg10[%dma_start3A_148, %dma_start3A_149] : memref<1x80xi32, #tpu.memory_space<vmem>> -> memref<1x80xi32, #tpu.memory_space<vmem>>
    %dma_start3A_151 = tpu.memref_squeeze %dma_start3A_150 : memref<1x80xi32, #tpu.memory_space<vmem>> -> memref<80xi32, #tpu.memory_space<vmem>>
    %dma_start3A_152 = arith.constant 0 : i32
    %dma_start3A_153 = tpu.memref_slice %arg2[%dma_start3A_152] : memref<104857600xf32, #tpu.memory_space<hbm>> -> memref<104857600xf32, #tpu.memory_space<hbm>>
    tpu.enqueue_indirect_dma source(%dma_start3A_153 : memref<104857600xf32, #tpu.memory_space<hbm>>) target(%arg14 : memref<80xf32, #tpu.memory_space<vmem>>) offsets(%dma_start3A_151 : memref<80xi32, #tpu.memory_space<vmem>>) semaphore(%arg21 : memref<!tpu.dma_semaphore, #tpu.memory_space<semaphore_mem>>)
    %dma_start3A_154 = arith.constant 0 : i32
    %dma_start3A_155 = arith.constant 0 : i32
    %dma_start3A_156 = tpu.memref_slice %arg12[%dma_start3A_154, %dma_start3A_155] : memref<1x80xi32, #tpu.memory_space<vmem>> -> memref<1x80xi32, #tpu.memory_space<vmem>>
    %dma_start3A_157 = tpu.memref_squeeze %dma_start3A_156 : memref<1x80xi32, #tpu.memory_space<vmem>> -> memref<80xi32, #tpu.memory_space<vmem>>
    %dma_start3A_158 = arith.constant 0 : i32
    %dma_start3A_159 = arith.constant 0 : i32
    %dma_start3A_160 = tpu.memref_slice %arg3[%dma_start3A_158, %dma_start3A_159] : memref<40000x128xf32, #tpu.memory_space<hbm>> -> memref<40000x128xf32, #tpu.memory_space<hbm>>
    tpu.enqueue_indirect_dma source(%dma_start3A_160 : memref<40000x128xf32, #tpu.memory_space<hbm>>) target(%arg16 : memref<80x128xf32, #tpu.memory_space<vmem>>) offsets(%dma_start3A_157 : memref<80xi32, #tpu.memory_space<vmem>>) semaphore(%arg21 : memref<!tpu.dma_semaphore, #tpu.memory_space<semaphore_mem>>)
    %scan3A_161 = arith.constant 0 : i32
    %scan3A_162 = arith.constant 125 : i32
    %scan3A_163 = arith.addi %scan3A_161, %scan3A_162 : i32
    %scan3A_164 = arith.constant 1 : i32
    scf.for %scan3A_193 = %scan3A_161 to %scan3A_163 step %scan3A_164  : i32 {
      %mul3A_194 = arith.constant 1 : i32
      %mul3A_195 = arith.muli %scan3A_193, %mul3A_194 : i32
      %add3A_196 = arith.constant 0 : i32
      %add3A_197 = arith.addi %add3A_196, %mul3A_195 : i32
      %mul3A_198 = arith.constant 2 : i32
      %mul3A_199 = arith.muli %mul3A_198, %add3A_197 : i32
      %add3A_200 = arith.constant 1 : i32
      %add3A_201 = arith.addi %mul3A_199, %add3A_200 : i32
      %gt3A = arith.constant 0 : i32
      %gt3A_202 = arith.cmpi sgt, %add3A_197, %gt3A : i32
      %convert_element_type3A_203 = arith.extui %gt3A_202 : i1 to i32
      %cond3A_204 = arith.constant 0 : i32
      %cond3A_205 = arith.cmpi ne, %convert_element_type3A_203, %cond3A_204 : i32
      scf.if %cond3A_205 {
        %sub3A = arith.constant 2 : i32
        %sub3A_338 = arith.subi %add3A_201, %sub3A : i32
        %dma_wait3A_339 = arith.constant 0 : i32
        %dma_wait3A_340 = tpu.memref_slice %arg9[%sub3A_338, %dma_wait3A_339] : memref<250x80xi32, #tpu.memory_space<vmem>> -> memref<1x80xi32, #tpu.memory_space<vmem>>
        %dma_wait3A_341 = tpu.memref_squeeze %dma_wait3A_340 : memref<1x80xi32, #tpu.memory_space<vmem>> -> memref<80xi32, #tpu.memory_space<vmem>>
        %dma_wait3A_342 = arith.constant 0 : i32
        %dma_wait3A_343 = arith.constant 0 : i32
        %dma_wait3A_344 = tpu.memref_slice %arg18[%dma_wait3A_342, %dma_wait3A_343] : memref<10000x128xf32, #tpu.memory_space<vmem_shared>> -> memref<10000x128xf32, #tpu.memory_space<vmem_shared>>
        tpu.wait_indirect_dma semaphore(%arg24 : memref<!tpu.dma_semaphore, #tpu.memory_space<semaphore_mem>>) src(%arg17 : memref<80x128xf32, #tpu.memory_space<vmem>>) dst(%dma_wait3A_344 : memref<10000x128xf32, #tpu.memory_space<vmem_shared>>)
      } else {
      }
      %add3A_206 = arith.addi %mul3A_98, %add3A_201 : i32
      %dma_wait3A_207 = arith.constant 0 : i32
      %dma_wait3A_208 = tpu.memref_slice %arg6[%add3A_206, %dma_wait3A_207] : memref<4000x80xi32, #tpu.memory_space<hbm>> -> memref<1x80xi32, #tpu.memory_space<hbm>>
      %dma_wait3A_209 = arith.constant 0 : i32
      %dma_wait3A_210 = tpu.memref_slice %arg6[%add3A_206, %dma_wait3A_209] : memref<4000x80xi32, #tpu.memory_space<hbm>> -> memref<1x80xi32, #tpu.memory_space<hbm>>
      tpu.wait_dma2 semaphore(%arg20 : memref<!tpu.dma_semaphore, #tpu.memory_space<semaphore_mem>>) src(%dma_wait3A_210 : memref<1x80xi32, #tpu.memory_space<hbm>>) dst(%arg11 : memref<1x80xi32, #tpu.memory_space<vmem>>)
      %add3A_211 = arith.addi %mul3A_103, %add3A_201 : i32
      %dma_wait3A_212 = arith.constant 0 : i32
      %dma_wait3A_213 = tpu.memref_slice %arg4[%add3A_211, %dma_wait3A_212] : memref<16000x80xi32, #tpu.memory_space<hbm>> -> memref<1x80xi32, #tpu.memory_space<hbm>>
      %dma_wait3A_214 = arith.constant 0 : i32
      %dma_wait3A_215 = tpu.memref_slice %arg4[%add3A_211, %dma_wait3A_214] : memref<16000x80xi32, #tpu.memory_space<hbm>> -> memref<1x80xi32, #tpu.memory_space<hbm>>
      tpu.wait_dma2 semaphore(%arg20 : memref<!tpu.dma_semaphore, #tpu.memory_space<semaphore_mem>>) src(%dma_wait3A_215 : memref<1x80xi32, #tpu.memory_space<hbm>>) dst(%arg13 : memref<1x80xi32, #tpu.memory_space<vmem>>)
      %dma_start3A_216 = arith.constant 0 : i32
      %dma_start3A_217 = arith.constant 0 : i32
      %dma_start3A_218 = tpu.memref_slice %arg11[%dma_start3A_216, %dma_start3A_217] : memref<1x80xi32, #tpu.memory_space<vmem>> -> memref<1x80xi32, #tpu.memory_space<vmem>>
      %dma_start3A_219 = tpu.memref_squeeze %dma_start3A_218 : memref<1x80xi32, #tpu.memory_space<vmem>> -> memref<80xi32, #tpu.memory_space<vmem>>
      %dma_start3A_220 = arith.constant 0 : i32
      %dma_start3A_221 = tpu.memref_slice %arg2[%dma_start3A_220] : memref<104857600xf32, #tpu.memory_space<hbm>> -> memref<104857600xf32, #tpu.memory_space<hbm>>
      tpu.enqueue_indirect_dma source(%dma_start3A_221 : memref<104857600xf32, #tpu.memory_space<hbm>>) target(%arg15 : memref<80xf32, #tpu.memory_space<vmem>>) offsets(%dma_start3A_219 : memref<80xi32, #tpu.memory_space<vmem>>) semaphore(%arg22 : memref<!tpu.dma_semaphore, #tpu.memory_space<semaphore_mem>>)
      %dma_start3A_222 = arith.constant 0 : i32
      %dma_start3A_223 = arith.constant 0 : i32
      %dma_start3A_224 = tpu.memref_slice %arg13[%dma_start3A_222, %dma_start3A_223] : memref<1x80xi32, #tpu.memory_space<vmem>> -> memref<1x80xi32, #tpu.memory_space<vmem>>
      %dma_start3A_225 = tpu.memref_squeeze %dma_start3A_224 : memref<1x80xi32, #tpu.memory_space<vmem>> -> memref<80xi32, #tpu.memory_space<vmem>>
      %dma_start3A_226 = arith.constant 0 : i32
      %dma_start3A_227 = arith.constant 0 : i32
      %dma_start3A_228 = tpu.memref_slice %arg3[%dma_start3A_226, %dma_start3A_227] : memref<40000x128xf32, #tpu.memory_space<hbm>> -> memref<40000x128xf32, #tpu.memory_space<hbm>>
      tpu.enqueue_indirect_dma source(%dma_start3A_228 : memref<40000x128xf32, #tpu.memory_space<hbm>>) target(%arg17 : memref<80x128xf32, #tpu.memory_space<vmem>>) offsets(%dma_start3A_225 : memref<80xi32, #tpu.memory_space<vmem>>) semaphore(%arg22 : memref<!tpu.dma_semaphore, #tpu.memory_space<semaphore_mem>>)
      %dma_wait3A_229 = arith.constant 0 : i32
      %dma_wait3A_230 = arith.constant 0 : i32
      %dma_wait3A_231 = tpu.memref_slice %arg10[%dma_wait3A_229, %dma_wait3A_230] : memref<1x80xi32, #tpu.memory_space<vmem>> -> memref<1x80xi32, #tpu.memory_space<vmem>>
      %dma_wait3A_232 = tpu.memref_squeeze %dma_wait3A_231 : memref<1x80xi32, #tpu.memory_space<vmem>> -> memref<80xi32, #tpu.memory_space<vmem>>
      %dma_wait3A_233 = arith.constant 0 : i32
      %dma_wait3A_234 = tpu.memref_slice %arg2[%dma_wait3A_233] : memref<104857600xf32, #tpu.memory_space<hbm>> -> memref<104857600xf32, #tpu.memory_space<hbm>>
      tpu.wait_indirect_dma semaphore(%arg21 : memref<!tpu.dma_semaphore, #tpu.memory_space<semaphore_mem>>) src(%dma_wait3A_234 : memref<104857600xf32, #tpu.memory_space<hbm>>) dst(%arg14 : memref<80xf32, #tpu.memory_space<vmem>>)
      %dma_wait3A_235 = arith.constant 0 : i32
      %dma_wait3A_236 = arith.constant 0 : i32
      %dma_wait3A_237 = tpu.memref_slice %arg12[%dma_wait3A_235, %dma_wait3A_236] : memref<1x80xi32, #tpu.memory_space<vmem>> -> memref<1x80xi32, #tpu.memory_space<vmem>>
      %dma_wait3A_238 = tpu.memref_squeeze %dma_wait3A_237 : memref<1x80xi32, #tpu.memory_space<vmem>> -> memref<80xi32, #tpu.memory_space<vmem>>
      %dma_wait3A_239 = arith.constant 0 : i32
      %dma_wait3A_240 = arith.constant 0 : i32
      %dma_wait3A_241 = tpu.memref_slice %arg3[%dma_wait3A_239, %dma_wait3A_240] : memref<40000x128xf32, #tpu.memory_space<hbm>> -> memref<40000x128xf32, #tpu.memory_space<hbm>>
      tpu.wait_indirect_dma semaphore(%arg21 : memref<!tpu.dma_semaphore, #tpu.memory_space<semaphore_mem>>) src(%dma_wait3A_241 : memref<40000x128xf32, #tpu.memory_space<hbm>>) dst(%arg16 : memref<80x128xf32, #tpu.memory_space<vmem>>)
      %lt3A = arith.constant 124 : i32
      %lt3A_242 = arith.cmpi slt, %add3A_197, %lt3A : i32
      %convert_element_type3A_243 = arith.extui %lt3A_242 : i1 to i32
      %cond3A_244 = arith.constant 0 : i32
      %cond3A_245 = arith.cmpi ne, %convert_element_type3A_243, %cond3A_244 : i32
      scf.if %cond3A_245 {
        %add3A_338 = arith.constant 2 : i32
        %add3A_339 = arith.addi %mul3A_199, %add3A_338 : i32
        %add3A_340 = arith.addi %mul3A_98, %add3A_339 : i32
        %dma_start3A_341 = arith.constant 0 : i32
        %dma_start3A_342 = tpu.memref_slice %arg6[%add3A_340, %dma_start3A_341] : memref<4000x80xi32, #tpu.memory_space<hbm>> -> memref<1x80xi32, #tpu.memory_space<hbm>>
        %dma_start3A_343 = arith.constant 0 : i32
        %dma_start3A_344 = tpu.memref_slice %arg6[%add3A_340, %dma_start3A_343] : memref<4000x80xi32, #tpu.memory_space<hbm>> -> memref<1x80xi32, #tpu.memory_space<hbm>>
        tpu.enqueue_dma source(%dma_start3A_344 : memref<1x80xi32, #tpu.memory_space<hbm>>) target(%arg10 : memref<1x80xi32, #tpu.memory_space<vmem>>) target_semaphore(%arg19 : memref<!tpu.dma_semaphore, #tpu.memory_space<semaphore_mem>>)
        %add3A_345 = arith.addi %mul3A_103, %add3A_339 : i32
        %dma_start3A_346 = arith.constant 0 : i32
        %dma_start3A_347 = tpu.memref_slice %arg4[%add3A_345, %dma_start3A_346] : memref<16000x80xi32, #tpu.memory_space<hbm>> -> memref<1x80xi32, #tpu.memory_space<hbm>>
        %dma_start3A_348 = arith.constant 0 : i32
        %dma_start3A_349 = tpu.memref_slice %arg4[%add3A_345, %dma_start3A_348] : memref<16000x80xi32, #tpu.memory_space<hbm>> -> memref<1x80xi32, #tpu.memory_space<hbm>>
        tpu.enqueue_dma source(%dma_start3A_349 : memref<1x80xi32, #tpu.memory_space<hbm>>) target(%arg12 : memref<1x80xi32, #tpu.memory_space<vmem>>) target_semaphore(%arg19 : memref<!tpu.dma_semaphore, #tpu.memory_space<semaphore_mem>>)
      } else {
      }
      %get3A = arith.constant 0 : index
      %get3A_246 = tpu.vector_load %arg14[%get3A] {strides = array<i32>} : memref<80xf32, #tpu.memory_space<vmem>>, vector<16xf32>,
      %exp3A = math.exp %get3A_246 : vector<16xf32>
      %swap3A = arith.constant 0 : index
      %swap3A_247 = tpu.vector_load %arg14[%swap3A] {strides = array<i32>} : memref<80xf32, #tpu.memory_space<vmem>>, vector<16xf32>,
      tpu.vector_store %arg14[%swap3A], %exp3A {strides = array<i32>} : memref<80xf32, #tpu.memory_space<vmem>>, vector<16xf32>,
      %get3A_248 = arith.constant 16 : index
      %get3A_249 = tpu.vector_load %arg14[%get3A_248] {strides = array<i32>} : memref<80xf32, #tpu.memory_space<vmem>>, vector<16xf32>,
      %exp3A_250 = math.exp %get3A_249 : vector<16xf32>
      %swap3A_251 = arith.constant 16 : index
      %swap3A_252 = tpu.vector_load %arg14[%swap3A_251] {strides = array<i32>} : memref<80xf32, #tpu.memory_space<vmem>>, vector<16xf32>,
      tpu.vector_store %arg14[%swap3A_251], %exp3A_250 {strides = array<i32>} : memref<80xf32, #tpu.memory_space<vmem>>, vector<16xf32>,
      %get3A_253 = arith.constant 32 : index
      %get3A_254 = tpu.vector_load %arg14[%get3A_253] {strides = array<i32>} : memref<80xf32, #tpu.memory_space<vmem>>, vector<16xf32>,
      %exp3A_255 = math.exp %get3A_254 : vector<16xf32>
      %swap3A_256 = arith.constant 32 : index
      %swap3A_257 = tpu.vector_load %arg14[%swap3A_256] {strides = array<i32>} : memref<80xf32, #tpu.memory_space<vmem>>, vector<16xf32>,
      tpu.vector_store %arg14[%swap3A_256], %exp3A_255 {strides = array<i32>} : memref<80xf32, #tpu.memory_space<vmem>>, vector<16xf32>,
      %get3A_258 = arith.constant 48 : index
      %get3A_259 = tpu.vector_load %arg14[%get3A_258] {strides = array<i32>} : memref<80xf32, #tpu.memory_space<vmem>>, vector<16xf32>,
      %exp3A_260 = math.exp %get3A_259 : vector<16xf32>
      %swap3A_261 = arith.constant 48 : index
      %swap3A_262 = tpu.vector_load %arg14[%swap3A_261] {strides = array<i32>} : memref<80xf32, #tpu.memory_space<vmem>>, vector<16xf32>,
      tpu.vector_store %arg14[%swap3A_261], %exp3A_260 {strides = array<i32>} : memref<80xf32, #tpu.memory_space<vmem>>, vector<16xf32>,
      %get3A_263 = arith.constant 64 : index
      %get3A_264 = tpu.vector_load %arg14[%get3A_263] {strides = array<i32>} : memref<80xf32, #tpu.memory_space<vmem>>, vector<16xf32>,
      %exp3A_265 = math.exp %get3A_264 : vector<16xf32>
      %swap3A_266 = arith.constant 64 : index
      %swap3A_267 = tpu.vector_load %arg14[%swap3A_266] {strides = array<i32>} : memref<80xf32, #tpu.memory_space<vmem>>, vector<16xf32>,
      tpu.vector_store %arg14[%swap3A_266], %exp3A_265 {strides = array<i32>} : memref<80xf32, #tpu.memory_space<vmem>>, vector<16xf32>,
      %scan3A_268 = arith.constant 0 : i32
      %scan3A_269 = arith.constant 80 : i32
      %scan3A_270 = arith.addi %scan3A_268, %scan3A_269 : i32
      %scan3A_271 = arith.constant 1 : i32
      scf.for %scan3A_338 = %scan3A_268 to %scan3A_270 step %scan3A_271  : i32 {
        %mul3A_339 = arith.constant 1 : i32
        %mul3A_340 = arith.muli %scan3A_338, %mul3A_339 : i32
        %add3A_341 = arith.constant 0 : i32
        %add3A_342 = arith.addi %add3A_341, %mul3A_340 : i32
        %broadcast_in_dim3A = vector.broadcast %add3A_342 : i32 to vector<16xi32>
        %gather3A = tpu.vector_load_idx %arg14[%broadcast_in_dim3A] : memref<80xf32, #tpu.memory_space<vmem>>[vector<16xi32>], vector<16xf32>,
        %get3A_343 = arith.index_cast %add3A_342 : i32 to index
        %get3A_344 = arith.constant 0 : index
        %get3A_345 = tpu.vector_load %arg16[%get3A_343, %get3A_344] {strides = array<i32>} : memref<80x128xf32, #tpu.memory_space<vmem>>, vector<16xf32>,
        %mul3A_346 = arith.mulf %get3A_345, %gather3A : vector<16xf32>
        %swap3A_347 = arith.index_cast %add3A_342 : i32 to index
        %swap3A_348 = arith.constant 0 : index
        %swap3A_349 = tpu.vector_load %arg16[%swap3A_347, %swap3A_348] {strides = array<i32>} : memref<80x128xf32, #tpu.memory_space<vmem>>, vector<16xf32>,
        tpu.vector_store %arg16[%swap3A_347, %swap3A_348], %mul3A_346 {strides = array<i32>} : memref<80x128xf32, #tpu.memory_space<vmem>>, vector<16xf32>,
        %get3A_350 = arith.index_cast %add3A_342 : i32 to index
        %get3A_351 = arith.constant 16 : index
        %get3A_352 = tpu.vector_load %arg16[%get3A_350, %get3A_351] {strides = array<i32>} : memref<80x128xf32, #tpu.memory_space<vmem>>, vector<16xf32>,
        %mul3A_353 = arith.mulf %get3A_352, %gather3A : vector<16xf32>
        %swap3A_354 = arith.index_cast %add3A_342 : i32 to index
        %swap3A_355 = arith.constant 16 : index
        %swap3A_356 = tpu.vector_load %arg16[%swap3A_354, %swap3A_355] {strides = array<i32>} : memref<80x128xf32, #tpu.memory_space<vmem>>, vector<16xf32>,
        tpu.vector_store %arg16[%swap3A_354, %swap3A_355], %mul3A_353 {strides = array<i32>} : memref<80x128xf32, #tpu.memory_space<vmem>>, vector<16xf32>,
        %get3A_357 = arith.index_cast %add3A_342 : i32 to index
        %get3A_358 = arith.constant 32 : index
        %get3A_359 = tpu.vector_load %arg16[%get3A_357, %get3A_358] {strides = array<i32>} : memref<80x128xf32, #tpu.memory_space<vmem>>, vector<16xf32>,
        %mul3A_360 = arith.mulf %get3A_359, %gather3A : vector<16xf32>
        %swap3A_361 = arith.index_cast %add3A_342 : i32 to index
        %swap3A_362 = arith.constant 32 : index
        %swap3A_363 = tpu.vector_load %arg16[%swap3A_361, %swap3A_362] {strides = array<i32>} : memref<80x128xf32, #tpu.memory_space<vmem>>, vector<16xf32>,
        tpu.vector_store %arg16[%swap3A_361, %swap3A_362], %mul3A_360 {strides = array<i32>} : memref<80x128xf32, #tpu.memory_space<vmem>>, vector<16xf32>,
        %get3A_364 = arith.index_cast %add3A_342 : i32 to index
        %get3A_365 = arith.constant 48 : index
        %get3A_366 = tpu.vector_load %arg16[%get3A_364, %get3A_365] {strides = array<i32>} : memref<80x128xf32, #tpu.memory_space<vmem>>, vector<16xf32>,
        %mul3A_367 = arith.mulf %get3A_366, %gather3A : vector<16xf32>
        %swap3A_368 = arith.index_cast %add3A_342 : i32 to index
        %swap3A_369 = arith.constant 48 : index
        %swap3A_370 = tpu.vector_load %arg16[%swap3A_368, %swap3A_369] {strides = array<i32>} : memref<80x128xf32, #tpu.memory_space<vmem>>, vector<16xf32>,
        tpu.vector_store %arg16[%swap3A_368, %swap3A_369], %mul3A_367 {strides = array<i32>} : memref<80x128xf32, #tpu.memory_space<vmem>>, vector<16xf32>,
        %get3A_371 = arith.index_cast %add3A_342 : i32 to index
        %get3A_372 = arith.constant 64 : index
        %get3A_373 = tpu.vector_load %arg16[%get3A_371, %get3A_372] {strides = array<i32>} : memref<80x128xf32, #tpu.memory_space<vmem>>, vector<16xf32>,
        %mul3A_374 = arith.mulf %get3A_373, %gather3A : vector<16xf32>
        %swap3A_375 = arith.index_cast %add3A_342 : i32 to index
        %swap3A_376 = arith.constant 64 : index
        %swap3A_377 = tpu.vector_load %arg16[%swap3A_375, %swap3A_376] {strides = array<i32>} : memref<80x128xf32, #tpu.memory_space<vmem>>, vector<16xf32>,
        tpu.vector_store %arg16[%swap3A_375, %swap3A_376], %mul3A_374 {strides = array<i32>} : memref<80x128xf32, #tpu.memory_space<vmem>>, vector<16xf32>,
        %get3A_378 = arith.index_cast %add3A_342 : i32 to index
        %get3A_379 = arith.constant 80 : index
        %get3A_380 = tpu.vector_load %arg16[%get3A_378, %get3A_379] {strides = array<i32>} : memref<80x128xf32, #tpu.memory_space<vmem>>, vector<16xf32>,
        %mul3A_381 = arith.mulf %get3A_380, %gather3A : vector<16xf32>
        %swap3A_382 = arith.index_cast %add3A_342 : i32 to index
        %swap3A_383 = arith.constant 80 : index
        %swap3A_384 = tpu.vector_load %arg16[%swap3A_382, %swap3A_383] {strides = array<i32>} : memref<80x128xf32, #tpu.memory_space<vmem>>, vector<16xf32>,
        tpu.vector_store %arg16[%swap3A_382, %swap3A_383], %mul3A_381 {strides = array<i32>} : memref<80x128xf32, #tpu.memory_space<vmem>>, vector<16xf32>,
        %get3A_385 = arith.index_cast %add3A_342 : i32 to index
        %get3A_386 = arith.constant 96 : index
        %get3A_387 = tpu.vector_load %arg16[%get3A_385, %get3A_386] {strides = array<i32>} : memref<80x128xf32, #tpu.memory_space<vmem>>, vector<16xf32>,
        %mul3A_388 = arith.mulf %get3A_387, %gather3A : vector<16xf32>
        %swap3A_389 = arith.index_cast %add3A_342 : i32 to index
        %swap3A_390 = arith.constant 96 : index
        %swap3A_391 = tpu.vector_load %arg16[%swap3A_389, %swap3A_390] {strides = array<i32>} : memref<80x128xf32, #tpu.memory_space<vmem>>, vector<16xf32>,
        tpu.vector_store %arg16[%swap3A_389, %swap3A_390], %mul3A_388 {strides = array<i32>} : memref<80x128xf32, #tpu.memory_space<vmem>>, vector<16xf32>,
        %get3A_392 = arith.index_cast %add3A_342 : i32 to index
        %get3A_393 = arith.constant 112 : index
        %get3A_394 = tpu.vector_load %arg16[%get3A_392, %get3A_393] {strides = array<i32>} : memref<80x128xf32, #tpu.memory_space<vmem>>, vector<16xf32>,
        %mul3A_395 = arith.mulf %get3A_394, %gather3A : vector<16xf32>
        %swap3A_396 = arith.index_cast %add3A_342 : i32 to index
        %swap3A_397 = arith.constant 112 : index
        %swap3A_398 = tpu.vector_load %arg16[%swap3A_396, %swap3A_397] {strides = array<i32>} : memref<80x128xf32, #tpu.memory_space<vmem>>, vector<16xf32>,
        tpu.vector_store %arg16[%swap3A_396, %swap3A_397], %mul3A_395 {strides = array<i32>} : memref<80x128xf32, #tpu.memory_space<vmem>>, vector<16xf32>,
      }
      %scan3A_272 = arith.constant 80 : i32
      %dma_start3A_273 = arith.constant 0 : i32
      %dma_start3A_274 = tpu.memref_slice %arg9[%mul3A_199, %dma_start3A_273] : memref<250x80xi32, #tpu.memory_space<vmem>> -> memref<1x80xi32, #tpu.memory_space<vmem>>
      %dma_start3A_275 = tpu.memref_squeeze %dma_start3A_274 : memref<1x80xi32, #tpu.memory_space<vmem>> -> memref<80xi32, #tpu.memory_space<vmem>>
      %dma_start3A_276 = arith.constant 0 : i32
      %dma_start3A_277 = arith.constant 0 : i32
      %dma_start3A_278 = tpu.memref_slice %arg18[%dma_start3A_276, %dma_start3A_277] : memref<10000x128xf32, #tpu.memory_space<vmem_shared>> -> memref<10000x128xf32, #tpu.memory_space<vmem_shared>>
      tpu.enqueue_indirect_dma source(%arg16 : memref<80x128xf32, #tpu.memory_space<vmem>>) target(%dma_start3A_278 : memref<10000x128xf32, #tpu.memory_space<vmem_shared>>) offsets(%dma_start3A_275 : memref<80xi32, #tpu.memory_space<vmem>>) semaphore(%arg23 : memref<!tpu.dma_semaphore, #tpu.memory_space<semaphore_mem>>) {add = true}
      %lt3A_279 = arith.constant 124 : i32
      %lt3A_280 = arith.cmpi slt, %add3A_197, %lt3A_279 : i32
      %convert_element_type3A_281 = arith.extui %lt3A_280 : i1 to i32
      %cond3A_282 = arith.constant 0 : i32
      %cond3A_283 = arith.cmpi ne, %convert_element_type3A_281, %cond3A_282 : i32
      scf.if %cond3A_283 {
        %dma_wait3A_338 = arith.constant 0 : i32
        %dma_wait3A_339 = tpu.memref_slice %arg9[%mul3A_199, %dma_wait3A_338] : memref<250x80xi32, #tpu.memory_space<vmem>> -> memref<1x80xi32, #tpu.memory_space<vmem>>
        %dma_wait3A_340 = tpu.memref_squeeze %dma_wait3A_339 : memref<1x80xi32, #tpu.memory_space<vmem>> -> memref<80xi32, #tpu.memory_space<vmem>>
        %dma_wait3A_341 = arith.constant 0 : i32
        %dma_wait3A_342 = arith.constant 0 : i32
        %dma_wait3A_343 = tpu.memref_slice %arg18[%dma_wait3A_341, %dma_wait3A_342] : memref<10000x128xf32, #tpu.memory_space<vmem_shared>> -> memref<10000x128xf32, #tpu.memory_space<vmem_shared>>
        tpu.wait_indirect_dma semaphore(%arg23 : memref<!tpu.dma_semaphore, #tpu.memory_space<semaphore_mem>>) src(%arg16 : memref<80x128xf32, #tpu.memory_space<vmem>>) dst(%dma_wait3A_343 : memref<10000x128xf32, #tpu.memory_space<vmem_shared>>)
        %add3A_344 = arith.constant 2 : i32
        %add3A_345 = arith.addi %mul3A_199, %add3A_344 : i32
        %add3A_346 = arith.addi %mul3A_98, %add3A_345 : i32
        %dma_wait3A_347 = arith.constant 0 : i32
        %dma_wait3A_348 = tpu.memref_slice %arg6[%add3A_346, %dma_wait3A_347] : memref<4000x80xi32, #tpu.memory_space<hbm>> -> memref<1x80xi32, #tpu.memory_space<hbm>>
        %dma_wait3A_349 = arith.constant 0 : i32
        %dma_wait3A_350 = tpu.memref_slice %arg6[%add3A_346, %dma_wait3A_349] : memref<4000x80xi32, #tpu.memory_space<hbm>> -> memref<1x80xi32, #tpu.memory_space<hbm>>
        tpu.wait_dma2 semaphore(%arg19 : memref<!tpu.dma_semaphore, #tpu.memory_space<semaphore_mem>>) src(%dma_wait3A_350 : memref<1x80xi32, #tpu.memory_space<hbm>>) dst(%arg10 : memref<1x80xi32, #tpu.memory_space<vmem>>)
        %add3A_351 = arith.addi %mul3A_103, %add3A_345 : i32
        %dma_wait3A_352 = arith.constant 0 : i32
        %dma_wait3A_353 = tpu.memref_slice %arg4[%add3A_351, %dma_wait3A_352] : memref<16000x80xi32, #tpu.memory_space<hbm>> -> memref<1x80xi32, #tpu.memory_space<hbm>>
        %dma_wait3A_354 = arith.constant 0 : i32
        %dma_wait3A_355 = tpu.memref_slice %arg4[%add3A_351, %dma_wait3A_354] : memref<16000x80xi32, #tpu.memory_space<hbm>> -> memref<1x80xi32, #tpu.memory_space<hbm>>
        tpu.wait_dma2 semaphore(%arg19 : memref<!tpu.dma_semaphore, #tpu.memory_space<semaphore_mem>>) src(%dma_wait3A_355 : memref<1x80xi32, #tpu.memory_space<hbm>>) dst(%arg12 : memref<1x80xi32, #tpu.memory_space<vmem>>)
        %dma_start3A_356 = arith.constant 0 : i32
        %dma_start3A_357 = arith.constant 0 : i32
        %dma_start3A_358 = tpu.memref_slice %arg10[%dma_start3A_356, %dma_start3A_357] : memref<1x80xi32, #tpu.memory_space<vmem>> -> memref<1x80xi32, #tpu.memory_space<vmem>>
        %dma_start3A_359 = tpu.memref_squeeze %dma_start3A_358 : memref<1x80xi32, #tpu.memory_space<vmem>> -> memref<80xi32, #tpu.memory_space<vmem>>
        %dma_start3A_360 = arith.constant 0 : i32
        %dma_start3A_361 = tpu.memref_slice %arg2[%dma_start3A_360] : memref<104857600xf32, #tpu.memory_space<hbm>> -> memref<104857600xf32, #tpu.memory_space<hbm>>
        tpu.enqueue_indirect_dma source(%dma_start3A_361 : memref<104857600xf32, #tpu.memory_space<hbm>>) target(%arg14 : memref<80xf32, #tpu.memory_space<vmem>>) offsets(%dma_start3A_359 : memref<80xi32, #tpu.memory_space<vmem>>) semaphore(%arg21 : memref<!tpu.dma_semaphore, #tpu.memory_space<semaphore_mem>>)
        %dma_start3A_362 = arith.constant 0 : i32
        %dma_start3A_363 = arith.constant 0 : i32
        %dma_start3A_364 = tpu.memref_slice %arg12[%dma_start3A_362, %dma_start3A_363] : memref<1x80xi32, #tpu.memory_space<vmem>> -> memref<1x80xi32, #tpu.memory_space<vmem>>
        %dma_start3A_365 = tpu.memref_squeeze %dma_start3A_364 : memref<1x80xi32, #tpu.memory_space<vmem>> -> memref<80xi32, #tpu.memory_space<vmem>>
        %dma_start3A_366 = arith.constant 0 : i32
        %dma_start3A_367 = arith.constant 0 : i32
        %dma_start3A_368 = tpu.memref_slice %arg3[%dma_start3A_366, %dma_start3A_367] : memref<40000x128xf32, #tpu.memory_space<hbm>> -> memref<40000x128xf32, #tpu.memory_space<hbm>>
        tpu.enqueue_indirect_dma source(%dma_start3A_368 : memref<40000x128xf32, #tpu.memory_space<hbm>>) target(%arg16 : memref<80x128xf32, #tpu.memory_space<vmem>>) offsets(%dma_start3A_365 : memref<80xi32, #tpu.memory_space<vmem>>) semaphore(%arg21 : memref<!tpu.dma_semaphore, #tpu.memory_space<semaphore_mem>>)
      } else {
      }
      %dma_wait3A_284 = arith.constant 0 : i32
      %dma_wait3A_285 = arith.constant 0 : i32
      %dma_wait3A_286 = tpu.memref_slice %arg11[%dma_wait3A_284, %dma_wait3A_285] : memref<1x80xi32, #tpu.memory_space<vmem>> -> memref<1x80xi32, #tpu.memory_space<vmem>>
      %dma_wait3A_287 = tpu.memref_squeeze %dma_wait3A_286 : memref<1x80xi32, #tpu.memory_space<vmem>> -> memref<80xi32, #tpu.memory_space<vmem>>
      %dma_wait3A_288 = arith.constant 0 : i32
      %dma_wait3A_289 = tpu.memref_slice %arg2[%dma_wait3A_288] : memref<104857600xf32, #tpu.memory_space<hbm>> -> memref<104857600xf32, #tpu.memory_space<hbm>>
      tpu.wait_indirect_dma semaphore(%arg22 : memref<!tpu.dma_semaphore, #tpu.memory_space<semaphore_mem>>) src(%dma_wait3A_289 : memref<104857600xf32, #tpu.memory_space<hbm>>) dst(%arg15 : memref<80xf32, #tpu.memory_space<vmem>>)
      %dma_wait3A_290 = arith.constant 0 : i32
      %dma_wait3A_291 = arith.constant 0 : i32
      %dma_wait3A_292 = tpu.memref_slice %arg13[%dma_wait3A_290, %dma_wait3A_291] : memref<1x80xi32, #tpu.memory_space<vmem>> -> memref<1x80xi32, #tpu.memory_space<vmem>>
      %dma_wait3A_293 = tpu.memref_squeeze %dma_wait3A_292 : memref<1x80xi32, #tpu.memory_space<vmem>> -> memref<80xi32, #tpu.memory_space<vmem>>
      %dma_wait3A_294 = arith.constant 0 : i32
      %dma_wait3A_295 = arith.constant 0 : i32
      %dma_wait3A_296 = tpu.memref_slice %arg3[%dma_wait3A_294, %dma_wait3A_295] : memref<40000x128xf32, #tpu.memory_space<hbm>> -> memref<40000x128xf32, #tpu.memory_space<hbm>>
      tpu.wait_indirect_dma semaphore(%arg22 : memref<!tpu.dma_semaphore, #tpu.memory_space<semaphore_mem>>) src(%dma_wait3A_296 : memref<40000x128xf32, #tpu.memory_space<hbm>>) dst(%arg17 : memref<80x128xf32, #tpu.memory_space<vmem>>)
      %lt3A_297 = arith.constant 124 : i32
      %lt3A_298 = arith.cmpi slt, %add3A_197, %lt3A_297 : i32
      %convert_element_type3A_299 = arith.extui %lt3A_298 : i1 to i32
      %cond3A_300 = arith.constant 0 : i32
      %cond3A_301 = arith.cmpi ne, %convert_element_type3A_299, %cond3A_300 : i32
      scf.if %cond3A_301 {
        %add3A_338 = arith.constant 2 : i32
        %add3A_339 = arith.addi %add3A_201, %add3A_338 : i32
        %add3A_340 = arith.addi %mul3A_98, %add3A_339 : i32
        %dma_start3A_341 = arith.constant 0 : i32
        %dma_start3A_342 = tpu.memref_slice %arg6[%add3A_340, %dma_start3A_341] : memref<4000x80xi32, #tpu.memory_space<hbm>> -> memref<1x80xi32, #tpu.memory_space<hbm>>
        %dma_start3A_343 = arith.constant 0 : i32
        %dma_start3A_344 = tpu.memref_slice %arg6[%add3A_340, %dma_start3A_343] : memref<4000x80xi32, #tpu.memory_space<hbm>> -> memref<1x80xi32, #tpu.memory_space<hbm>>
        tpu.enqueue_dma source(%dma_start3A_344 : memref<1x80xi32, #tpu.memory_space<hbm>>) target(%arg11 : memref<1x80xi32, #tpu.memory_space<vmem>>) target_semaphore(%arg20 : memref<!tpu.dma_semaphore, #tpu.memory_space<semaphore_mem>>)
        %add3A_345 = arith.addi %mul3A_103, %add3A_339 : i32
        %dma_start3A_346 = arith.constant 0 : i32
        %dma_start3A_347 = tpu.memref_slice %arg4[%add3A_345, %dma_start3A_346] : memref<16000x80xi32, #tpu.memory_space<hbm>> -> memref<1x80xi32, #tpu.memory_space<hbm>>
        %dma_start3A_348 = arith.constant 0 : i32
        %dma_start3A_349 = tpu.memref_slice %arg4[%add3A_345, %dma_start3A_348] : memref<16000x80xi32, #tpu.memory_space<hbm>> -> memref<1x80xi32, #tpu.memory_space<hbm>>
        tpu.enqueue_dma source(%dma_start3A_349 : memref<1x80xi32, #tpu.memory_space<hbm>>) target(%arg13 : memref<1x80xi32, #tpu.memory_space<vmem>>) target_semaphore(%arg20 : memref<!tpu.dma_semaphore, #tpu.memory_space<semaphore_mem>>)
      } else {
      }
      %get3A_302 = arith.constant 0 : index
      %get3A_303 = tpu.vector_load %arg15[%get3A_302] {strides = array<i32>} : memref<80xf32, #tpu.memory_space<vmem>>, vector<16xf32>,
      %exp3A_304 = math.exp %get3A_303 : vector<16xf32>
      %swap3A_305 = arith.constant 0 : index
      %swap3A_306 = tpu.vector_load %arg15[%swap3A_305] {strides = array<i32>} : memref<80xf32, #tpu.memory_space<vmem>>, vector<16xf32>,
      tpu.vector_store %arg15[%swap3A_305], %exp3A_304 {strides = array<i32>} : memref<80xf32, #tpu.memory_space<vmem>>, vector<16xf32>,
      %get3A_307 = arith.constant 16 : index
      %get3A_308 = tpu.vector_load %arg15[%get3A_307] {strides = array<i32>} : memref<80xf32, #tpu.memory_space<vmem>>, vector<16xf32>,
      %exp3A_309 = math.exp %get3A_308 : vector<16xf32>
      %swap3A_310 = arith.constant 16 : index
      %swap3A_311 = tpu.vector_load %arg15[%swap3A_310] {strides = array<i32>} : memref<80xf32, #tpu.memory_space<vmem>>, vector<16xf32>,
      tpu.vector_store %arg15[%swap3A_310], %exp3A_309 {strides = array<i32>} : memref<80xf32, #tpu.memory_space<vmem>>, vector<16xf32>,
      %get3A_312 = arith.constant 32 : index
      %get3A_313 = tpu.vector_load %arg15[%get3A_312] {strides = array<i32>} : memref<80xf32, #tpu.memory_space<vmem>>, vector<16xf32>,
      %exp3A_314 = math.exp %get3A_313 : vector<16xf32>
      %swap3A_315 = arith.constant 32 : index
      %swap3A_316 = tpu.vector_load %arg15[%swap3A_315] {strides = array<i32>} : memref<80xf32, #tpu.memory_space<vmem>>, vector<16xf32>,
      tpu.vector_store %arg15[%swap3A_315], %exp3A_314 {strides = array<i32>} : memref<80xf32, #tpu.memory_space<vmem>>, vector<16xf32>,
      %get3A_317 = arith.constant 48 : index
      %get3A_318 = tpu.vector_load %arg15[%get3A_317] {strides = array<i32>} : memref<80xf32, #tpu.memory_space<vmem>>, vector<16xf32>,
      %exp3A_319 = math.exp %get3A_318 : vector<16xf32>
      %swap3A_320 = arith.constant 48 : index
      %swap3A_321 = tpu.vector_load %arg15[%swap3A_320] {strides = array<i32>} : memref<80xf32, #tpu.memory_space<vmem>>, vector<16xf32>,
      tpu.vector_store %arg15[%swap3A_320], %exp3A_319 {strides = array<i32>} : memref<80xf32, #tpu.memory_space<vmem>>, vector<16xf32>,
      %get3A_322 = arith.constant 64 : index
      %get3A_323 = tpu.vector_load %arg15[%get3A_322] {strides = array<i32>} : memref<80xf32, #tpu.memory_space<vmem>>, vector<16xf32>,
      %exp3A_324 = math.exp %get3A_323 : vector<16xf32>
      %swap3A_325 = arith.constant 64 : index
      %swap3A_326 = tpu.vector_load %arg15[%swap3A_325] {strides = array<i32>} : memref<80xf32, #tpu.memory_space<vmem>>, vector<16xf32>,
      tpu.vector_store %arg15[%swap3A_325], %exp3A_324 {strides = array<i32>} : memref<80xf32, #tpu.memory_space<vmem>>, vector<16xf32>,
      %scan3A_327 = arith.constant 0 : i32
      %scan3A_328 = arith.constant 80 : i32
      %scan3A_329 = arith.addi %scan3A_327, %scan3A_328 : i32
      %scan3A_330 = arith.constant 1 : i32
      scf.for %scan3A_338 = %scan3A_327 to %scan3A_329 step %scan3A_330  : i32 {
        %mul3A_339 = arith.constant 1 : i32
        %mul3A_340 = arith.muli %scan3A_338, %mul3A_339 : i32
        %add3A_341 = arith.constant 0 : i32
        %add3A_342 = arith.addi %add3A_341, %mul3A_340 : i32
        %broadcast_in_dim3A = vector.broadcast %add3A_342 : i32 to vector<16xi32>
        %gather3A = tpu.vector_load_idx %arg15[%broadcast_in_dim3A] : memref<80xf32, #tpu.memory_space<vmem>>[vector<16xi32>], vector<16xf32>,
        %get3A_343 = arith.index_cast %add3A_342 : i32 to index
        %get3A_344 = arith.constant 0 : index
        %get3A_345 = tpu.vector_load %arg17[%get3A_343, %get3A_344] {strides = array<i32>} : memref<80x128xf32, #tpu.memory_space<vmem>>, vector<16xf32>,
        %mul3A_346 = arith.mulf %get3A_345, %gather3A : vector<16xf32>
        %swap3A_347 = arith.index_cast %add3A_342 : i32 to index
        %swap3A_348 = arith.constant 0 : index
        %swap3A_349 = tpu.vector_load %arg17[%swap3A_347, %swap3A_348] {strides = array<i32>} : memref<80x128xf32, #tpu.memory_space<vmem>>, vector<16xf32>,
        tpu.vector_store %arg17[%swap3A_347, %swap3A_348], %mul3A_346 {strides = array<i32>} : memref<80x128xf32, #tpu.memory_space<vmem>>, vector<16xf32>,
        %get3A_350 = arith.index_cast %add3A_342 : i32 to index
        %get3A_351 = arith.constant 16 : index
        %get3A_352 = tpu.vector_load %arg17[%get3A_350, %get3A_351] {strides = array<i32>} : memref<80x128xf32, #tpu.memory_space<vmem>>, vector<16xf32>,
        %mul3A_353 = arith.mulf %get3A_352, %gather3A : vector<16xf32>
        %swap3A_354 = arith.index_cast %add3A_342 : i32 to index
        %swap3A_355 = arith.constant 16 : index
        %swap3A_356 = tpu.vector_load %arg17[%swap3A_354, %swap3A_355] {strides = array<i32>} : memref<80x128xf32, #tpu.memory_space<vmem>>, vector<16xf32>,
        tpu.vector_store %arg17[%swap3A_354, %swap3A_355], %mul3A_353 {strides = array<i32>} : memref<80x128xf32, #tpu.memory_space<vmem>>, vector<16xf32>,
        %get3A_357 = arith.index_cast %add3A_342 : i32 to index
        %get3A_358 = arith.constant 32 : index
        %get3A_359 = tpu.vector_load %arg17[%get3A_357, %get3A_358] {strides = array<i32>} : memref<80x128xf32, #tpu.memory_space<vmem>>, vector<16xf32>,
        %mul3A_360 = arith.mulf %get3A_359, %gather3A : vector<16xf32>
        %swap3A_361 = arith.index_cast %add3A_342 : i32 to index
        %swap3A_362 = arith.constant 32 : index
        %swap3A_363 = tpu.vector_load %arg17[%swap3A_361, %swap3A_362] {strides = array<i32>} : memref<80x128xf32, #tpu.memory_space<vmem>>, vector<16xf32>,
        tpu.vector_store %arg17[%swap3A_361, %swap3A_362], %mul3A_360 {strides = array<i32>} : memref<80x128xf32, #tpu.memory_space<vmem>>, vector<16xf32>,
        %get3A_364 = arith.index_cast %add3A_342 : i32 to index
        %get3A_365 = arith.constant 48 : index
        %get3A_366 = tpu.vector_load %arg17[%get3A_364, %get3A_365] {strides = array<i32>} : memref<80x128xf32, #tpu.memory_space<vmem>>, vector<16xf32>,
        %mul3A_367 = arith.mulf %get3A_366, %gather3A : vector<16xf32>
        %swap3A_368 = arith.index_cast %add3A_342 : i32 to index
        %swap3A_369 = arith.constant 48 : index
        %swap3A_370 = tpu.vector_load %arg17[%swap3A_368, %swap3A_369] {strides = array<i32>} : memref<80x128xf32, #tpu.memory_space<vmem>>, vector<16xf32>,
        tpu.vector_store %arg17[%swap3A_368, %swap3A_369], %mul3A_367 {strides = array<i32>} : memref<80x128xf32, #tpu.memory_space<vmem>>, vector<16xf32>,
        %get3A_371 = arith.index_cast %add3A_342 : i32 to index
        %get3A_372 = arith.constant 64 : index
        %get3A_373 = tpu.vector_load %arg17[%get3A_371, %get3A_372] {strides = array<i32>} : memref<80x128xf32, #tpu.memory_space<vmem>>, vector<16xf32>,
        %mul3A_374 = arith.mulf %get3A_373, %gather3A : vector<16xf32>
        %swap3A_375 = arith.index_cast %add3A_342 : i32 to index
        %swap3A_376 = arith.constant 64 : index
        %swap3A_377 = tpu.vector_load %arg17[%swap3A_375, %swap3A_376] {strides = array<i32>} : memref<80x128xf32, #tpu.memory_space<vmem>>, vector<16xf32>,
        tpu.vector_store %arg17[%swap3A_375, %swap3A_376], %mul3A_374 {strides = array<i32>} : memref<80x128xf32, #tpu.memory_space<vmem>>, vector<16xf32>,
        %get3A_378 = arith.index_cast %add3A_342 : i32 to index
        %get3A_379 = arith.constant 80 : index
        %get3A_380 = tpu.vector_load %arg17[%get3A_378, %get3A_379] {strides = array<i32>} : memref<80x128xf32, #tpu.memory_space<vmem>>, vector<16xf32>,
        %mul3A_381 = arith.mulf %get3A_380, %gather3A : vector<16xf32>
        %swap3A_382 = arith.index_cast %add3A_342 : i32 to index
        %swap3A_383 = arith.constant 80 : index
        %swap3A_384 = tpu.vector_load %arg17[%swap3A_382, %swap3A_383] {strides = array<i32>} : memref<80x128xf32, #tpu.memory_space<vmem>>, vector<16xf32>,
        tpu.vector_store %arg17[%swap3A_382, %swap3A_383], %mul3A_381 {strides = array<i32>} : memref<80x128xf32, #tpu.memory_space<vmem>>, vector<16xf32>,
        %get3A_385 = arith.index_cast %add3A_342 : i32 to index
        %get3A_386 = arith.constant 96 : index
        %get3A_387 = tpu.vector_load %arg17[%get3A_385, %get3A_386] {strides = array<i32>} : memref<80x128xf32, #tpu.memory_space<vmem>>, vector<16xf32>,
        %mul3A_388 = arith.mulf %get3A_387, %gather3A : vector<16xf32>
        %swap3A_389 = arith.index_cast %add3A_342 : i32 to index
        %swap3A_390 = arith.constant 96 : index
        %swap3A_391 = tpu.vector_load %arg17[%swap3A_389, %swap3A_390] {strides = array<i32>} : memref<80x128xf32, #tpu.memory_space<vmem>>, vector<16xf32>,
        tpu.vector_store %arg17[%swap3A_389, %swap3A_390], %mul3A_388 {strides = array<i32>} : memref<80x128xf32, #tpu.memory_space<vmem>>, vector<16xf32>,
        %get3A_392 = arith.index_cast %add3A_342 : i32 to index
        %get3A_393 = arith.constant 112 : index
        %get3A_394 = tpu.vector_load %arg17[%get3A_392, %get3A_393] {strides = array<i32>} : memref<80x128xf32, #tpu.memory_space<vmem>>, vector<16xf32>,
        %mul3A_395 = arith.mulf %get3A_394, %gather3A : vector<16xf32>
        %swap3A_396 = arith.index_cast %add3A_342 : i32 to index
        %swap3A_397 = arith.constant 112 : index
        %swap3A_398 = tpu.vector_load %arg17[%swap3A_396, %swap3A_397] {strides = array<i32>} : memref<80x128xf32, #tpu.memory_space<vmem>>, vector<16xf32>,
        tpu.vector_store %arg17[%swap3A_396, %swap3A_397], %mul3A_395 {strides = array<i32>} : memref<80x128xf32, #tpu.memory_space<vmem>>, vector<16xf32>,
      }
      %scan3A_331 = arith.constant 80 : i32
      %dma_start3A_332 = arith.constant 0 : i32
      %dma_start3A_333 = tpu.memref_slice %arg9[%add3A_201, %dma_start3A_332] : memref<250x80xi32, #tpu.memory_space<vmem>> -> memref<1x80xi32, #tpu.memory_space<vmem>>
      %dma_start3A_334 = tpu.memref_squeeze %dma_start3A_333 : memref<1x80xi32, #tpu.memory_space<vmem>> -> memref<80xi32, #tpu.memory_space<vmem>>
      %dma_start3A_335 = arith.constant 0 : i32
      %dma_start3A_336 = arith.constant 0 : i32
      %dma_start3A_337 = tpu.memref_slice %arg18[%dma_start3A_335, %dma_start3A_336] : memref<10000x128xf32, #tpu.memory_space<vmem_shared>> -> memref<10000x128xf32, #tpu.memory_space<vmem_shared>>
      tpu.enqueue_indirect_dma source(%arg17 : memref<80x128xf32, #tpu.memory_space<vmem>>) target(%dma_start3A_337 : memref<10000x128xf32, #tpu.memory_space<vmem_shared>>) offsets(%dma_start3A_334 : memref<80xi32, #tpu.memory_space<vmem>>) semaphore(%arg24 : memref<!tpu.dma_semaphore, #tpu.memory_space<semaphore_mem>>) {add = true}
    }
    %scan3A_165 = arith.constant 125 : i32
    %dma_wait3A_166 = arith.constant 248 : i32
    %dma_wait3A_167 = arith.constant 0 : i32
    %dma_wait3A_168 = tpu.memref_slice %arg9[%dma_wait3A_166, %dma_wait3A_167] : memref<250x80xi32, #tpu.memory_space<vmem>> -> memref<1x80xi32, #tpu.memory_space<vmem>>
    %dma_wait3A_169 = tpu.memref_squeeze %dma_wait3A_168 : memref<1x80xi32, #tpu.memory_space<vmem>> -> memref<80xi32, #tpu.memory_space<vmem>>
    %dma_wait3A_170 = arith.constant 0 : i32
    %dma_wait3A_171 = arith.constant 0 : i32
    %dma_wait3A_172 = tpu.memref_slice %arg18[%dma_wait3A_170, %dma_wait3A_171] : memref<10000x128xf32, #tpu.memory_space<vmem_shared>> -> memref<10000x128xf32, #tpu.memory_space<vmem_shared>>
    tpu.wait_indirect_dma semaphore(%arg23 : memref<!tpu.dma_semaphore, #tpu.memory_space<semaphore_mem>>) src(%arg16 : memref<80x128xf32, #tpu.memory_space<vmem>>) dst(%dma_wait3A_172 : memref<10000x128xf32, #tpu.memory_space<vmem_shared>>)
    %dma_wait3A_173 = arith.constant 249 : i32
    %dma_wait3A_174 = arith.constant 0 : i32
    %dma_wait3A_175 = tpu.memref_slice %arg9[%dma_wait3A_173, %dma_wait3A_174] : memref<250x80xi32, #tpu.memory_space<vmem>> -> memref<1x80xi32, #tpu.memory_space<vmem>>
    %dma_wait3A_176 = tpu.memref_squeeze %dma_wait3A_175 : memref<1x80xi32, #tpu.memory_space<vmem>> -> memref<80xi32, #tpu.memory_space<vmem>>
    %dma_wait3A_177 = arith.constant 0 : i32
    %dma_wait3A_178 = arith.constant 0 : i32
    %dma_wait3A_179 = tpu.memref_slice %arg18[%dma_wait3A_177, %dma_wait3A_178] : memref<10000x128xf32, #tpu.memory_space<vmem_shared>> -> memref<10000x128xf32, #tpu.memory_space<vmem_shared>>
    tpu.wait_indirect_dma semaphore(%arg24 : memref<!tpu.dma_semaphore, #tpu.memory_space<semaphore_mem>>) src(%arg17 : memref<80x128xf32, #tpu.memory_space<vmem>>) dst(%dma_wait3A_179 : memref<10000x128xf32, #tpu.memory_space<vmem_shared>>)
    %barrier3A_180 = arith.constant 0 : index
    tpu.barrier barrier_id(%barrier3A_180)
    %mul3A_181 = arith.constant 624 : i32
    %mul3A_182 = arith.muli %arg1, %mul3A_181 : i32
    %mul3A_183 = arith.constant 10000 : i32
    %mul3A_184 = arith.muli %add3A_96, %mul3A_183 : i32
    %mul3A_185 = arith.constant 624 : i32
    %mul3A_186 = arith.muli %arg1, %mul3A_185 : i32
    %add3A_187 = arith.addi %mul3A_184, %mul3A_186 : i32
    "tpu.region"() ({
      %run_scoped3A = tpu.sem_alloc : memref<!tpu.dma_semaphore, #tpu.memory_space<semaphore_mem>>
      %dma_start3A_193 = arith.constant 0 : i32
      %dma_start3A_194 = tpu.memref_slice %arg8[%add3A_187, %dma_start3A_193] : memref<40000x128xf32, #tpu.memory_space<hbm>> -> memref<624x128xf32, #tpu.memory_space<hbm>>
      %dma_start3A_195 = arith.constant 0 : i32
      %dma_start3A_196 = tpu.memref_slice %arg18[%mul3A_182, %dma_start3A_195] : memref<10000x128xf32, #tpu.memory_space<vmem_shared>> -> memref<624x128xf32, #tpu.memory_space<vmem_shared>>
      tpu.enqueue_dma source(%dma_start3A_196 : memref<624x128xf32, #tpu.memory_space<vmem_shared>>) target(%dma_start3A_194 : memref<624x128xf32, #tpu.memory_space<hbm>>) target_semaphore(%run_scoped3A : memref<!tpu.dma_semaphore, #tpu.memory_space<semaphore_mem>>)
      %dma_wait3A_197 = arith.constant 0 : i32
      %dma_wait3A_198 = tpu.memref_slice %arg8[%add3A_187, %dma_wait3A_197] : memref<40000x128xf32, #tpu.memory_space<hbm>> -> memref<624x128xf32, #tpu.memory_space<hbm>>
      %dma_wait3A_199 = arith.constant 0 : i32
      %dma_wait3A_200 = tpu.memref_slice %arg18[%mul3A_182, %dma_wait3A_199] : memref<10000x128xf32, #tpu.memory_space<vmem_shared>> -> memref<624x128xf32, #tpu.memory_space<vmem_shared>>
      tpu.wait_dma2 semaphore(%run_scoped3A : memref<!tpu.dma_semaphore, #tpu.memory_space<semaphore_mem>>) src(%dma_wait3A_200 : memref<624x128xf32, #tpu.memory_space<vmem_shared>>) dst(%dma_wait3A_198 : memref<624x128xf32, #tpu.memory_space<hbm>>)
      tpu.yield
    }) : () -> ()
    %eq3A_188 = arith.constant 15 : i32
    %eq3A_189 = arith.cmpi eq, %arg1, %eq3A_188 : i32
    %convert_element_type3A_190 = arith.extui %eq3A_189 : i1 to i32
    %cond3A_191 = arith.constant 0 : i32
    %cond3A_192 = arith.cmpi ne, %convert_element_type3A_190, %cond3A_191 : i32
    scf.if %cond3A_192 {
      %mul3A_193 = arith.constant 10000 : i32
      %mul3A_194 = arith.muli %add3A_96, %mul3A_193 : i32
      %add3A_195 = arith.constant 9984 : i32
      %add3A_196 = arith.addi %mul3A_194, %add3A_195 : i32
      "tpu.region"() ({
        %run_scoped3A = tpu.sem_alloc : memref<!tpu.dma_semaphore, #tpu.memory_space<semaphore_mem>>
        %dma_start3A_197 = arith.constant 0 : i32
        %dma_start3A_198 = tpu.memref_slice %arg8[%add3A_196, %dma_start3A_197] : memref<40000x128xf32, #tpu.memory_space<hbm>> -> memref<16x128xf32, #tpu.memory_space<hbm>>
        %dma_start3A_199 = arith.constant 9984 : i32
        %dma_start3A_200 = arith.constant 0 : i32
        %dma_start3A_201 = tpu.memref_slice %arg18[%dma_start3A_199, %dma_start3A_200] : memref<10000x128xf32, #tpu.memory_space<vmem_shared>> -> memref<16x128xf32, #tpu.memory_space<vmem_shared>>
        tpu.enqueue_dma source(%dma_start3A_201 : memref<16x128xf32, #tpu.memory_space<vmem_shared>>) target(%dma_start3A_198 : memref<16x128xf32, #tpu.memory_space<hbm>>) target_semaphore(%run_scoped3A : memref<!tpu.dma_semaphore, #tpu.memory_space<semaphore_mem>>)
        %dma_wait3A_202 = arith.constant 0 : i32
        %dma_wait3A_203 = tpu.memref_slice %arg8[%add3A_196, %dma_wait3A_202] : memref<40000x128xf32, #tpu.memory_space<hbm>> -> memref<16x128xf32, #tpu.memory_space<hbm>>
        %dma_wait3A_204 = arith.constant 9984 : i32
        %dma_wait3A_205 = arith.constant 0 : i32
        %dma_wait3A_206 = tpu.memref_slice %arg18[%dma_wait3A_204, %dma_wait3A_205] : memref<10000x128xf32, #tpu.memory_space<vmem_shared>> -> memref<16x128xf32, #tpu.memory_space<vmem_shared>>
        tpu.wait_dma2 semaphore(%run_scoped3A : memref<!tpu.dma_semaphore, #tpu.memory_space<semaphore_mem>>) src(%dma_wait3A_206 : memref<16x128xf32, #tpu.memory_space<vmem_shared>>) dst(%dma_wait3A_203 : memref<16x128xf32, #tpu.memory_space<hbm>>)
        tpu.yield
      }) : () -> ()
    } else {
    }
    return
  }
}

#map = affine_map<(d0, d1) -> (0)>
#map1 = affine_map<(d0, d1) -> (0, 0)>
module attributes {stable_mosaic.version = 14 : i64} {
  func.func @ker(%arg0: i32, %arg1: i32, %arg2: memref<104857600xf32, #tpu.memory_space<hbm>>, %arg3: memref<40000x128xf32, #tpu.memory_space<hbm>>, %arg4: memref<16000x80xi32, #tpu.memory_space<hbm>>, %arg5: memref<4000x80xi32, #tpu.memory_space<hbm>>, %arg6: memref<4000x80xi32, #tpu.memory_space<hbm>>, %arg7: memref<624x128xf32, #tpu.memory_space<hbm>>, %arg8: memref<40000x128xf32, #tpu.memory_space<hbm>>, %arg9: memref<250x80xi32, #tpu.memory_space<vmem>>, %arg10: memref<1x80xi32, #tpu.memory_space<vmem>>, %arg11: memref<1x80xi32, #tpu.memory_space<vmem>>, %arg12: memref<1x80xi32, #tpu.memory_space<vmem>>, %arg13: memref<1x80xi32, #tpu.memory_space<vmem>>, %arg14: memref<80xf32, #tpu.memory_space<vmem>>, %arg15: memref<80xf32, #tpu.memory_space<vmem>>, %arg16: memref<80x128xf32, #tpu.memory_space<vmem>>, %arg17: memref<80x128xf32, #tpu.memory_space<vmem>>, %arg18: memref<10000x128xf32, #tpu.memory_space<vmem_shared>>, %arg19: memref<!tpu.dma_semaphore, #tpu.memory_space<semaphore_mem>>, %arg20: memref<!tpu.dma_semaphore, #tpu.memory_space<semaphore_mem>>, %arg21: memref<!tpu.dma_semaphore, #tpu.memory_space<semaphore_mem>>, %arg22: memref<!tpu.dma_semaphore, #tpu.memory_space<semaphore_mem>>, %arg23: memref<!tpu.dma_semaphore, #tpu.memory_space<semaphore_mem>>, %arg24: memref<!tpu.dma_semaphore, #tpu.memory_space<semaphore_mem>>) attributes {dimension_semantics = [#tpu.dimension_semantics<core_parallel>, #tpu.dimension_semantics<subcore_parallel>], iteration_bounds = array<i64: 2, 16>, scalar_prefetch = 0 : i64, scratch_operands = 16 : i64, tpu.core_type = #tpu.core_type<sc_vector_subcore>, window_params = [{transform_indices = #map}, {transform_indices = #map1}, {transform_indices = #map1}, {transform_indices = #map1}, {transform_indices = #map1}, {transform_indices = #map1}, {transform_indices = #map1}]} {
    %mul3A = arith.constant 250 : i32
    %mul3A_0 = arith.muli %arg1, %mul3A : i32
    "tpu.region"() ({
      %run_scoped3A = tpu.sem_alloc : memref<!tpu.dma_semaphore, #tpu.memory_space<semaphore_mem>>
      %dma_start3A_193 = arith.constant 0 : i32
      %dma_start3A_194 = tpu.memref_slice %arg5[%mul3A_0, %dma_start3A_193] : memref<4000x80xi32, #tpu.memory_space<hbm>> -> memref<250x80xi32, #tpu.memory_space<hbm>>
      %dma_start3A_195 = arith.constant 0 : i32
      %dma_start3A_196 = tpu.memref_slice %arg5[%mul3A_0, %dma_start3A_195] : memref<4000x80xi32, #tpu.memory_space<hbm>> -> memref<250x80xi32, #tpu.memory_space<hbm>>
      tpu.enqueue_dma source(%dma_start3A_196 : memref<250x80xi32, #tpu.memory_space<hbm>>) target(%arg9 : memref<250x80xi32, #tpu.memory_space<vmem>>) target_semaphore(%run_scoped3A : memref<!tpu.dma_semaphore, #tpu.memory_space<semaphore_mem>>)
      %dma_wait3A_197 = arith.constant 0 : i32
      %dma_wait3A_198 = tpu.memref_slice %arg5[%mul3A_0, %dma_wait3A_197] : memref<4000x80xi32, #tpu.memory_space<hbm>> -> memref<250x80xi32, #tpu.memory_space<hbm>>
      %dma_wait3A_199 = arith.constant 0 : i32
      %dma_wait3A_200 = tpu.memref_slice %arg5[%mul3A_0, %dma_wait3A_199] : memref<4000x80xi32, #tpu.memory_space<hbm>> -> memref<250x80xi32, #tpu.memory_space<hbm>>
      tpu.wait_dma2 semaphore(%run_scoped3A : memref<!tpu.dma_semaphore, #tpu.memory_space<semaphore_mem>>) src(%dma_wait3A_200 : memref<250x80xi32, #tpu.memory_space<hbm>>) dst(%arg9 : memref<250x80xi32, #tpu.memory_space<vmem>>)
      tpu.yield
    }) : () -> ()
    %mul3A_1 = arith.constant 2 : i32
    %mul3A_2 = arith.muli %mul3A_1, %arg0 : i32
    %add3A = arith.constant 0 : i32
    %add3A_3 = arith.addi %mul3A_2, %add3A : i32
    %mul3A_4 = arith.constant 250 : i32
    %mul3A_5 = arith.muli %arg1, %mul3A_4 : i32
    %mul3A_6 = arith.constant 16 : i32
    %mul3A_7 = arith.muli %add3A_3, %mul3A_6 : i32
    %add3A_8 = arith.addi %mul3A_7, %arg1 : i32
    %mul3A_9 = arith.constant 250 : i32
    %mul3A_10 = arith.muli %add3A_8, %mul3A_9 : i32
    %mul3A_11 = arith.constant 624 : i32
    %mul3A_12 = arith.muli %arg1, %mul3A_11 : i32
    "tpu.region"() ({
      %run_scoped3A = tpu.sem_alloc : memref<!tpu.dma_semaphore, #tpu.memory_space<semaphore_mem>>
      %dma_start3A_193 = arith.constant 0 : i32
      %dma_start3A_194 = tpu.memref_slice %arg18[%mul3A_12, %dma_start3A_193] : memref<10000x128xf32, #tpu.memory_space<vmem_shared>> -> memref<624x128xf32, #tpu.memory_space<vmem_shared>>
      tpu.enqueue_dma source(%arg7 : memref<624x128xf32, #tpu.memory_space<hbm>>) target(%dma_start3A_194 : memref<624x128xf32, #tpu.memory_space<vmem_shared>>) target_semaphore(%run_scoped3A : memref<!tpu.dma_semaphore, #tpu.memory_space<semaphore_mem>>)
      %dma_wait3A_195 = arith.constant 0 : i32
      %dma_wait3A_196 = tpu.memref_slice %arg18[%mul3A_12, %dma_wait3A_195] : memref<10000x128xf32, #tpu.memory_space<vmem_shared>> -> memref<624x128xf32, #tpu.memory_space<vmem_shared>>
      tpu.wait_dma2 semaphore(%run_scoped3A : memref<!tpu.dma_semaphore, #tpu.memory_space<semaphore_mem>>) src(%arg7 : memref<624x128xf32, #tpu.memory_space<hbm>>) dst(%dma_wait3A_196 : memref<624x128xf32, #tpu.memory_space<vmem_shared>>)
      tpu.yield
    }) : () -> ()
    %eq3A = arith.constant 15 : i32
    %eq3A_13 = arith.cmpi eq, %arg1, %eq3A : i32
    %convert_element_type3A = arith.extui %eq3A_13 : i1 to i32
    %cond3A = arith.constant 0 : i32
    %cond3A_14 = arith.cmpi ne, %convert_element_type3A, %cond3A : i32
    scf.if %cond3A_14 {
      "tpu.region"() ({
        %run_scoped3A = tpu.sem_alloc : memref<!tpu.dma_semaphore, #tpu.memory_space<semaphore_mem>>
        %dma_start3A_193 = arith.constant 9984 : i32
        %dma_start3A_194 = arith.constant 0 : i32
        %dma_start3A_195 = tpu.memref_slice %arg18[%dma_start3A_193, %dma_start3A_194] : memref<10000x128xf32, #tpu.memory_space<vmem_shared>> -> memref<16x128xf32, #tpu.memory_space<vmem_shared>>
        %dma_start3A_196 = arith.constant 0 : i32
        %dma_start3A_197 = arith.constant 0 : i32
        %dma_start3A_198 = tpu.memref_slice %arg7[%dma_start3A_196, %dma_start3A_197] : memref<624x128xf32, #tpu.memory_space<hbm>> -> memref<16x128xf32, #tpu.memory_space<hbm>>
        tpu.enqueue_dma source(%dma_start3A_198 : memref<16x128xf32, #tpu.memory_space<hbm>>) target(%dma_start3A_195 : memref<16x128xf32, #tpu.memory_space<vmem_shared>>) target_semaphore(%run_scoped3A : memref<!tpu.dma_semaphore, #tpu.memory_space<semaphore_mem>>)
        %dma_wait3A_199 = arith.constant 9984 : i32
        %dma_wait3A_200 = arith.constant 0 : i32
        %dma_wait3A_201 = tpu.memref_slice %arg18[%dma_wait3A_199, %dma_wait3A_200] : memref<10000x128xf32, #tpu.memory_space<vmem_shared>> -> memref<16x128xf32, #tpu.memory_space<vmem_shared>>
        %dma_wait3A_202 = arith.constant 0 : i32
        %dma_wait3A_203 = arith.constant 0 : i32
        %dma_wait3A_204 = tpu.memref_slice %arg7[%dma_wait3A_202, %dma_wait3A_203] : memref<624x128xf32, #tpu.memory_space<hbm>> -> memref<16x128xf32, #tpu.memory_space<hbm>>
        tpu.wait_dma2 semaphore(%run_scoped3A : memref<!tpu.dma_semaphore, #tpu.memory_space<semaphore_mem>>) src(%dma_wait3A_204 : memref<16x128xf32, #tpu.memory_space<hbm>>) dst(%dma_wait3A_201 : memref<16x128xf32, #tpu.memory_space<vmem_shared>>)
        tpu.yield
      }) : () -> ()
    } else {
    }
    %barrier3A = arith.constant 0 : index
    tpu.barrier barrier_id(%barrier3A)
    %add3A_15 = arith.constant 0 : i32
    %add3A_16 = arith.addi %mul3A_5, %add3A_15 : i32
    %dma_start3A = arith.constant 0 : i32
    %dma_start3A_17 = tpu.memref_slice %arg6[%add3A_16, %dma_start3A] : memref<4000x80xi32, #tpu.memory_space<hbm>> -> memref<1x80xi32, #tpu.memory_space<hbm>>
    %dma_start3A_18 = arith.constant 0 : i32
    %dma_start3A_19 = tpu.memref_slice %arg6[%add3A_16, %dma_start3A_18] : memref<4000x80xi32, #tpu.memory_space<hbm>> -> memref<1x80xi32, #tpu.memory_space<hbm>>
    tpu.enqueue_dma source(%dma_start3A_19 : memref<1x80xi32, #tpu.memory_space<hbm>>) target(%arg10 : memref<1x80xi32, #tpu.memory_space<vmem>>) target_semaphore(%arg19 : memref<!tpu.dma_semaphore, #tpu.memory_space<semaphore_mem>>)
    %add3A_20 = arith.constant 0 : i32
    %add3A_21 = arith.addi %mul3A_10, %add3A_20 : i32
    %dma_start3A_22 = arith.constant 0 : i32
    %dma_start3A_23 = tpu.memref_slice %arg4[%add3A_21, %dma_start3A_22] : memref<16000x80xi32, #tpu.memory_space<hbm>> -> memref<1x80xi32, #tpu.memory_space<hbm>>
    %dma_start3A_24 = arith.constant 0 : i32
    %dma_start3A_25 = tpu.memref_slice %arg4[%add3A_21, %dma_start3A_24] : memref<16000x80xi32, #tpu.memory_space<hbm>> -> memref<1x80xi32, #tpu.memory_space<hbm>>
    tpu.enqueue_dma source(%dma_start3A_25 : memref<1x80xi32, #tpu.memory_space<hbm>>) target(%arg12 : memref<1x80xi32, #tpu.memory_space<vmem>>) target_semaphore(%arg19 : memref<!tpu.dma_semaphore, #tpu.memory_space<semaphore_mem>>)
    %add3A_26 = arith.constant 1 : i32
    %add3A_27 = arith.addi %mul3A_5, %add3A_26 : i32
    %dma_start3A_28 = arith.constant 0 : i32
    %dma_start3A_29 = tpu.memref_slice %arg6[%add3A_27, %dma_start3A_28] : memref<4000x80xi32, #tpu.memory_space<hbm>> -> memref<1x80xi32, #tpu.memory_space<hbm>>
    %dma_start3A_30 = arith.constant 0 : i32
    %dma_start3A_31 = tpu.memref_slice %arg6[%add3A_27, %dma_start3A_30] : memref<4000x80xi32, #tpu.memory_space<hbm>> -> memref<1x80xi32, #tpu.memory_space<hbm>>
    tpu.enqueue_dma source(%dma_start3A_31 : memref<1x80xi32, #tpu.memory_space<hbm>>) target(%arg11 : memref<1x80xi32, #tpu.memory_space<vmem>>) target_semaphore(%arg20 : memref<!tpu.dma_semaphore, #tpu.memory_space<semaphore_mem>>)
    %add3A_32 = arith.constant 1 : i32
    %add3A_33 = arith.addi %mul3A_10, %add3A_32 : i32
    %dma_start3A_34 = arith.constant 0 : i32
    %dma_start3A_35 = tpu.memref_slice %arg4[%add3A_33, %dma_start3A_34] : memref<16000x80xi32, #tpu.memory_space<hbm>> -> memref<1x80xi32, #tpu.memory_space<hbm>>
    %dma_start3A_36 = arith.constant 0 : i32
    %dma_start3A_37 = tpu.memref_slice %arg4[%add3A_33, %dma_start3A_36] : memref<16000x80xi32, #tpu.memory_space<hbm>> -> memref<1x80xi32, #tpu.memory_space<hbm>>
    tpu.enqueue_dma source(%dma_start3A_37 : memref<1x80xi32, #tpu.memory_space<hbm>>) target(%arg13 : memref<1x80xi32, #tpu.memory_space<vmem>>) target_semaphore(%arg20 : memref<!tpu.dma_semaphore, #tpu.memory_space<semaphore_mem>>)
    %add3A_38 = arith.constant 0 : i32
    %add3A_39 = arith.addi %mul3A_5, %add3A_38 : i32
    %dma_wait3A = arith.constant 0 : i32
    %dma_wait3A_40 = tpu.memref_slice %arg6[%add3A_39, %dma_wait3A] : memref<4000x80xi32, #tpu.memory_space<hbm>> -> memref<1x80xi32, #tpu.memory_space<hbm>>
    %dma_wait3A_41 = arith.constant 0 : i32
    %dma_wait3A_42 = tpu.memref_slice %arg6[%add3A_39, %dma_wait3A_41] : memref<4000x80xi32, #tpu.memory_space<hbm>> -> memref<1x80xi32, #tpu.memory_space<hbm>>
    tpu.wait_dma2 semaphore(%arg19 : memref<!tpu.dma_semaphore, #tpu.memory_space<semaphore_mem>>) src(%dma_wait3A_42 : memref<1x80xi32, #tpu.memory_space<hbm>>) dst(%arg10 : memref<1x80xi32, #tpu.memory_space<vmem>>)
    %add3A_43 = arith.constant 0 : i32
    %add3A_44 = arith.addi %mul3A_10, %add3A_43 : i32
    %dma_wait3A_45 = arith.constant 0 : i32
    %dma_wait3A_46 = tpu.memref_slice %arg4[%add3A_44, %dma_wait3A_45] : memref<16000x80xi32, #tpu.memory_space<hbm>> -> memref<1x80xi32, #tpu.memory_space<hbm>>
    %dma_wait3A_47 = arith.constant 0 : i32
    %dma_wait3A_48 = tpu.memref_slice %arg4[%add3A_44, %dma_wait3A_47] : memref<16000x80xi32, #tpu.memory_space<hbm>> -> memref<1x80xi32, #tpu.memory_space<hbm>>
    tpu.wait_dma2 semaphore(%arg19 : memref<!tpu.dma_semaphore, #tpu.memory_space<semaphore_mem>>) src(%dma_wait3A_48 : memref<1x80xi32, #tpu.memory_space<hbm>>) dst(%arg12 : memref<1x80xi32, #tpu.memory_space<vmem>>)
    %dma_start3A_49 = arith.constant 0 : i32
    %dma_start3A_50 = arith.constant 0 : i32
    %dma_start3A_51 = tpu.memref_slice %arg10[%dma_start3A_49, %dma_start3A_50] : memref<1x80xi32, #tpu.memory_space<vmem>> -> memref<1x80xi32, #tpu.memory_space<vmem>>
    %dma_start3A_52 = tpu.memref_squeeze %dma_start3A_51 : memref<1x80xi32, #tpu.memory_space<vmem>> -> memref<80xi32, #tpu.memory_space<vmem>>
    %dma_start3A_53 = arith.constant 0 : i32
    %dma_start3A_54 = tpu.memref_slice %arg2[%dma_start3A_53] : memref<104857600xf32, #tpu.memory_space<hbm>> -> memref<104857600xf32, #tpu.memory_space<hbm>>
    tpu.enqueue_indirect_dma source(%dma_start3A_54 : memref<104857600xf32, #tpu.memory_space<hbm>>) target(%arg14 : memref<80xf32, #tpu.memory_space<vmem>>) offsets(%dma_start3A_52 : memref<80xi32, #tpu.memory_space<vmem>>) semaphore(%arg21 : memref<!tpu.dma_semaphore, #tpu.memory_space<semaphore_mem>>)
    %dma_start3A_55 = arith.constant 0 : i32
    %dma_start3A_56 = arith.constant 0 : i32
    %dma_start3A_57 = tpu.memref_slice %arg12[%dma_start3A_55, %dma_start3A_56] : memref<1x80xi32, #tpu.memory_space<vmem>> -> memref<1x80xi32, #tpu.memory_space<vmem>>
    %dma_start3A_58 = tpu.memref_squeeze %dma_start3A_57 : memref<1x80xi32, #tpu.memory_space<vmem>> -> memref<80xi32, #tpu.memory_space<vmem>>
    %dma_start3A_59 = arith.constant 0 : i32
    %dma_start3A_60 = arith.constant 0 : i32
    %dma_start3A_61 = tpu.memref_slice %arg3[%dma_start3A_59, %dma_start3A_60] : memref<40000x128xf32, #tpu.memory_space<hbm>> -> memref<40000x128xf32, #tpu.memory_space<hbm>>
    tpu.enqueue_indirect_dma source(%dma_start3A_61 : memref<40000x128xf32, #tpu.memory_space<hbm>>) target(%arg16 : memref<80x128xf32, #tpu.memory_space<vmem>>) offsets(%dma_start3A_58 : memref<80xi32, #tpu.memory_space<vmem>>) semaphore(%arg21 : memref<!tpu.dma_semaphore, #tpu.memory_space<semaphore_mem>>)
    %scan3A = arith.constant 0 : i32
    %scan3A_62 = arith.constant 125 : i32
    %scan3A_63 = arith.addi %scan3A, %scan3A_62 : i32
    %scan3A_64 = arith.constant 1 : i32
    scf.for %scan3A_193 = %scan3A to %scan3A_63 step %scan3A_64  : i32 {
      %mul3A_194 = arith.constant 1 : i32
      %mul3A_195 = arith.muli %scan3A_193, %mul3A_194 : i32
      %add3A_196 = arith.constant 0 : i32
      %add3A_197 = arith.addi %add3A_196, %mul3A_195 : i32
      %mul3A_198 = arith.constant 2 : i32
      %mul3A_199 = arith.muli %mul3A_198, %add3A_197 : i32
      %add3A_200 = arith.constant 1 : i32
      %add3A_201 = arith.addi %mul3A_199, %add3A_200 : i32
      %gt3A = arith.constant 0 : i32
      %gt3A_202 = arith.cmpi sgt, %add3A_197, %gt3A : i32
      %convert_element_type3A_203 = arith.extui %gt3A_202 : i1 to i32
      %cond3A_204 = arith.constant 0 : i32
      %cond3A_205 = arith.cmpi ne, %convert_element_type3A_203, %cond3A_204 : i32
      scf.if %cond3A_205 {
        %sub3A = arith.constant 2 : i32
        %sub3A_338 = arith.subi %add3A_201, %sub3A : i32
        %dma_wait3A_339 = arith.constant 0 : i32
        %dma_wait3A_340 = tpu.memref_slice %arg9[%sub3A_338, %dma_wait3A_339] : memref<250x80xi32, #tpu.memory_space<vmem>> -> memref<1x80xi32, #tpu.memory_space<vmem>>
        %dma_wait3A_341 = tpu.memref_squeeze %dma_wait3A_340 : memref<1x80xi32, #tpu.memory_space<vmem>> -> memref<80xi32, #tpu.memory_space<vmem>>
        %dma_wait3A_342 = arith.constant 0 : i32
        %dma_wait3A_343 = arith.constant 0 : i32
        %dma_wait3A_344 = tpu.memref_slice %arg18[%dma_wait3A_342, %dma_wait3A_343] : memref<10000x128xf32, #tpu.memory_space<vmem_shared>> -> memref<10000x128xf32, #tpu.memory_space<vmem_shared>>
        tpu.wait_indirect_dma semaphore(%arg24 : memref<!tpu.dma_semaphore, #tpu.memory_space<semaphore_mem>>) src(%arg17 : memref<80x128xf32, #tpu.memory_space<vmem>>) dst(%dma_wait3A_344 : memref<10000x128xf32, #tpu.memory_space<vmem_shared>>)
      } else {
      }
      %add3A_206 = arith.addi %mul3A_5, %add3A_201 : i32
      %dma_wait3A_207 = arith.constant 0 : i32
      %dma_wait3A_208 = tpu.memref_slice %arg6[%add3A_206, %dma_wait3A_207] : memref<4000x80xi32, #tpu.memory_space<hbm>> -> memref<1x80xi32, #tpu.memory_space<hbm>>
      %dma_wait3A_209 = arith.constant 0 : i32
      %dma_wait3A_210 = tpu.memref_slice %arg6[%add3A_206, %dma_wait3A_209] : memref<4000x80xi32, #tpu.memory_space<hbm>> -> memref<1x80xi32, #tpu.memory_space<hbm>>
      tpu.wait_dma2 semaphore(%arg20 : memref<!tpu.dma_semaphore, #tpu.memory_space<semaphore_mem>>) src(%dma_wait3A_210 : memref<1x80xi32, #tpu.memory_space<hbm>>) dst(%arg11 : memref<1x80xi32, #tpu.memory_space<vmem>>)
      %add3A_211 = arith.addi %mul3A_10, %add3A_201 : i32
      %dma_wait3A_212 = arith.constant 0 : i32
      %dma_wait3A_213 = tpu.memref_slice %arg4[%add3A_211, %dma_wait3A_212] : memref<16000x80xi32, #tpu.memory_space<hbm>> -> memref<1x80xi32, #tpu.memory_space<hbm>>
      %dma_wait3A_214 = arith.constant 0 : i32
      %dma_wait3A_215 = tpu.memref_slice %arg4[%add3A_211, %dma_wait3A_214] : memref<16000x80xi32, #tpu.memory_space<hbm>> -> memref<1x80xi32, #tpu.memory_space<hbm>>
      tpu.wait_dma2 semaphore(%arg20 : memref<!tpu.dma_semaphore, #tpu.memory_space<semaphore_mem>>) src(%dma_wait3A_215 : memref<1x80xi32, #tpu.memory_space<hbm>>) dst(%arg13 : memref<1x80xi32, #tpu.memory_space<vmem>>)
      %dma_start3A_216 = arith.constant 0 : i32
      %dma_start3A_217 = arith.constant 0 : i32
      %dma_start3A_218 = tpu.memref_slice %arg11[%dma_start3A_216, %dma_start3A_217] : memref<1x80xi32, #tpu.memory_space<vmem>> -> memref<1x80xi32, #tpu.memory_space<vmem>>
      %dma_start3A_219 = tpu.memref_squeeze %dma_start3A_218 : memref<1x80xi32, #tpu.memory_space<vmem>> -> memref<80xi32, #tpu.memory_space<vmem>>
      %dma_start3A_220 = arith.constant 0 : i32
      %dma_start3A_221 = tpu.memref_slice %arg2[%dma_start3A_220] : memref<104857600xf32, #tpu.memory_space<hbm>> -> memref<104857600xf32, #tpu.memory_space<hbm>>
      tpu.enqueue_indirect_dma source(%dma_start3A_221 : memref<104857600xf32, #tpu.memory_space<hbm>>) target(%arg15 : memref<80xf32, #tpu.memory_space<vmem>>) offsets(%dma_start3A_219 : memref<80xi32, #tpu.memory_space<vmem>>) semaphore(%arg22 : memref<!tpu.dma_semaphore, #tpu.memory_space<semaphore_mem>>)
      %dma_start3A_222 = arith.constant 0 : i32
      %dma_start3A_223 = arith.constant 0 : i32
      %dma_start3A_224 = tpu.memref_slice %arg13[%dma_start3A_222, %dma_start3A_223] : memref<1x80xi32, #tpu.memory_space<vmem>> -> memref<1x80xi32, #tpu.memory_space<vmem>>
      %dma_start3A_225 = tpu.memref_squeeze %dma_start3A_224 : memref<1x80xi32, #tpu.memory_space<vmem>> -> memref<80xi32, #tpu.memory_space<vmem>>
      %dma_start3A_226 = arith.constant 0 : i32
      %dma_start3A_227 = arith.constant 0 : i32
      %dma_start3A_228 = tpu.memref_slice %arg3[%dma_start3A_226, %dma_start3A_227] : memref<40000x128xf32, #tpu.memory_space<hbm>> -> memref<40000x128xf32, #tpu.memory_space<hbm>>
      tpu.enqueue_indirect_dma source(%dma_start3A_228 : memref<40000x128xf32, #tpu.memory_space<hbm>>) target(%arg17 : memref<80x128xf32, #tpu.memory_space<vmem>>) offsets(%dma_start3A_225 : memref<80xi32, #tpu.memory_space<vmem>>) semaphore(%arg22 : memref<!tpu.dma_semaphore, #tpu.memory_space<semaphore_mem>>)
      %dma_wait3A_229 = arith.constant 0 : i32
      %dma_wait3A_230 = arith.constant 0 : i32
      %dma_wait3A_231 = tpu.memref_slice %arg10[%dma_wait3A_229, %dma_wait3A_230] : memref<1x80xi32, #tpu.memory_space<vmem>> -> memref<1x80xi32, #tpu.memory_space<vmem>>
      %dma_wait3A_232 = tpu.memref_squeeze %dma_wait3A_231 : memref<1x80xi32, #tpu.memory_space<vmem>> -> memref<80xi32, #tpu.memory_space<vmem>>
      %dma_wait3A_233 = arith.constant 0 : i32
      %dma_wait3A_234 = tpu.memref_slice %arg2[%dma_wait3A_233] : memref<104857600xf32, #tpu.memory_space<hbm>> -> memref<104857600xf32, #tpu.memory_space<hbm>>
      tpu.wait_indirect_dma semaphore(%arg21 : memref<!tpu.dma_semaphore, #tpu.memory_space<semaphore_mem>>) src(%dma_wait3A_234 : memref<104857600xf32, #tpu.memory_space<hbm>>) dst(%arg14 : memref<80xf32, #tpu.memory_space<vmem>>)
      %dma_wait3A_235 = arith.constant 0 : i32
      %dma_wait3A_236 = arith.constant 0 : i32
      %dma_wait3A_237 = tpu.memref_slice %arg12[%dma_wait3A_235, %dma_wait3A_236] : memref<1x80xi32, #tpu.memory_space<vmem>> -> memref<1x80xi32, #tpu.memory_space<vmem>>
      %dma_wait3A_238 = tpu.memref_squeeze %dma_wait3A_237 : memref<1x80xi32, #tpu.memory_space<vmem>> -> memref<80xi32, #tpu.memory_space<vmem>>
      %dma_wait3A_239 = arith.constant 0 : i32
      %dma_wait3A_240 = arith.constant 0 : i32
      %dma_wait3A_241 = tpu.memref_slice %arg3[%dma_wait3A_239, %dma_wait3A_240] : memref<40000x128xf32, #tpu.memory_space<hbm>> -> memref<40000x128xf32, #tpu.memory_space<hbm>>
      tpu.wait_indirect_dma semaphore(%arg21 : memref<!tpu.dma_semaphore, #tpu.memory_space<semaphore_mem>>) src(%dma_wait3A_241 : memref<40000x128xf32, #tpu.memory_space<hbm>>) dst(%arg16 : memref<80x128xf32, #tpu.memory_space<vmem>>)
      %lt3A = arith.constant 124 : i32
      %lt3A_242 = arith.cmpi slt, %add3A_197, %lt3A : i32
      %convert_element_type3A_243 = arith.extui %lt3A_242 : i1 to i32
      %cond3A_244 = arith.constant 0 : i32
      %cond3A_245 = arith.cmpi ne, %convert_element_type3A_243, %cond3A_244 : i32
      scf.if %cond3A_245 {
        %add3A_338 = arith.constant 2 : i32
        %add3A_339 = arith.addi %mul3A_199, %add3A_338 : i32
        %add3A_340 = arith.addi %mul3A_5, %add3A_339 : i32
        %dma_start3A_341 = arith.constant 0 : i32
        %dma_start3A_342 = tpu.memref_slice %arg6[%add3A_340, %dma_start3A_341] : memref<4000x80xi32, #tpu.memory_space<hbm>> -> memref<1x80xi32, #tpu.memory_space<hbm>>
        %dma_start3A_343 = arith.constant 0 : i32
        %dma_start3A_344 = tpu.memref_slice %arg6[%add3A_340, %dma_start3A_343] : memref<4000x80xi32, #tpu.memory_space<hbm>> -> memref<1x80xi32, #tpu.memory_space<hbm>>
        tpu.enqueue_dma source(%dma_start3A_344 : memref<1x80xi32, #tpu.memory_space<hbm>>) target(%arg10 : memref<1x80xi32, #tpu.memory_space<vmem>>) target_semaphore(%arg19 : memref<!tpu.dma_semaphore, #tpu.memory_space<semaphore_mem>>)
        %add3A_345 = arith.addi %mul3A_10, %add3A_339 : i32
        %dma_start3A_346 = arith.constant 0 : i32
        %dma_start3A_347 = tpu.memref_slice %arg4[%add3A_345, %dma_start3A_346] : memref<16000x80xi32, #tpu.memory_space<hbm>> -> memref<1x80xi32, #tpu.memory_space<hbm>>
        %dma_start3A_348 = arith.constant 0 : i32
        %dma_start3A_349 = tpu.memref_slice %arg4[%add3A_345, %dma_start3A_348] : memref<16000x80xi32, #tpu.memory_space<hbm>> -> memref<1x80xi32, #tpu.memory_space<hbm>>
        tpu.enqueue_dma source(%dma_start3A_349 : memref<1x80xi32, #tpu.memory_space<hbm>>) target(%arg12 : memref<1x80xi32, #tpu.memory_space<vmem>>) target_semaphore(%arg19 : memref<!tpu.dma_semaphore, #tpu.memory_space<semaphore_mem>>)
      } else {
      }
      %get3A = arith.constant 0 : index
      %get3A_246 = tpu.vector_load %arg14[%get3A] {strides = array<i32>} : memref<80xf32, #tpu.memory_space<vmem>>, vector<16xf32>,
      %exp3A = math.exp %get3A_246 : vector<16xf32>
      %swap3A = arith.constant 0 : index
      %swap3A_247 = tpu.vector_load %arg14[%swap3A] {strides = array<i32>} : memref<80xf32, #tpu.memory_space<vmem>>, vector<16xf32>,
      tpu.vector_store %arg14[%swap3A], %exp3A {strides = array<i32>} : memref<80xf32, #tpu.memory_space<vmem>>, vector<16xf32>,
      %get3A_248 = arith.constant 16 : index
      %get3A_249 = tpu.vector_load %arg14[%get3A_248] {strides = array<i32>} : memref<80xf32, #tpu.memory_space<vmem>>, vector<16xf32>,
      %exp3A_250 = math.exp %get3A_249 : vector<16xf32>
      %swap3A_251 = arith.constant 16 : index
      %swap3A_252 = tpu.vector_load %arg14[%swap3A_251] {strides = array<i32>} : memref<80xf32, #tpu.memory_space<vmem>>, vector<16xf32>,
      tpu.vector_store %arg14[%swap3A_251], %exp3A_250 {strides = array<i32>} : memref<80xf32, #tpu.memory_space<vmem>>, vector<16xf32>,
      %get3A_253 = arith.constant 32 : index
      %get3A_254 = tpu.vector_load %arg14[%get3A_253] {strides = array<i32>} : memref<80xf32, #tpu.memory_space<vmem>>, vector<16xf32>,
      %exp3A_255 = math.exp %get3A_254 : vector<16xf32>
      %swap3A_256 = arith.constant 32 : index
      %swap3A_257 = tpu.vector_load %arg14[%swap3A_256] {strides = array<i32>} : memref<80xf32, #tpu.memory_space<vmem>>, vector<16xf32>,
      tpu.vector_store %arg14[%swap3A_256], %exp3A_255 {strides = array<i32>} : memref<80xf32, #tpu.memory_space<vmem>>, vector<16xf32>,
      %get3A_258 = arith.constant 48 : index
      %get3A_259 = tpu.vector_load %arg14[%get3A_258] {strides = array<i32>} : memref<80xf32, #tpu.memory_space<vmem>>, vector<16xf32>,
      %exp3A_260 = math.exp %get3A_259 : vector<16xf32>
      %swap3A_261 = arith.constant 48 : index
      %swap3A_262 = tpu.vector_load %arg14[%swap3A_261] {strides = array<i32>} : memref<80xf32, #tpu.memory_space<vmem>>, vector<16xf32>,
      tpu.vector_store %arg14[%swap3A_261], %exp3A_260 {strides = array<i32>} : memref<80xf32, #tpu.memory_space<vmem>>, vector<16xf32>,
      %get3A_263 = arith.constant 64 : index
      %get3A_264 = tpu.vector_load %arg14[%get3A_263] {strides = array<i32>} : memref<80xf32, #tpu.memory_space<vmem>>, vector<16xf32>,
      %exp3A_265 = math.exp %get3A_264 : vector<16xf32>
      %swap3A_266 = arith.constant 64 : index
      %swap3A_267 = tpu.vector_load %arg14[%swap3A_266] {strides = array<i32>} : memref<80xf32, #tpu.memory_space<vmem>>, vector<16xf32>,
      tpu.vector_store %arg14[%swap3A_266], %exp3A_265 {strides = array<i32>} : memref<80xf32, #tpu.memory_space<vmem>>, vector<16xf32>,
      %scan3A_268 = arith.constant 0 : i32
      %scan3A_269 = arith.constant 80 : i32
      %scan3A_270 = arith.addi %scan3A_268, %scan3A_269 : i32
      %scan3A_271 = arith.constant 1 : i32
      scf.for %scan3A_338 = %scan3A_268 to %scan3A_270 step %scan3A_271  : i32 {
        %mul3A_339 = arith.constant 1 : i32
        %mul3A_340 = arith.muli %scan3A_338, %mul3A_339 : i32
        %add3A_341 = arith.constant 0 : i32
        %add3A_342 = arith.addi %add3A_341, %mul3A_340 : i32
        %broadcast_in_dim3A = vector.broadcast %add3A_342 : i32 to vector<16xi32>
        %gather3A = tpu.vector_load_idx %arg14[%broadcast_in_dim3A] : memref<80xf32, #tpu.memory_space<vmem>>[vector<16xi32>], vector<16xf32>,
        %get3A_343 = arith.index_cast %add3A_342 : i32 to index
        %get3A_344 = arith.constant 0 : index
        %get3A_345 = tpu.vector_load %arg16[%get3A_343, %get3A_344] {strides = array<i32>} : memref<80x128xf32, #tpu.memory_space<vmem>>, vector<16xf32>,
        %mul3A_346 = arith.mulf %get3A_345, %gather3A : vector<16xf32>
        %swap3A_347 = arith.index_cast %add3A_342 : i32 to index
        %swap3A_348 = arith.constant 0 : index
        %swap3A_349 = tpu.vector_load %arg16[%swap3A_347, %swap3A_348] {strides = array<i32>} : memref<80x128xf32, #tpu.memory_space<vmem>>, vector<16xf32>,
        tpu.vector_store %arg16[%swap3A_347, %swap3A_348], %mul3A_346 {strides = array<i32>} : memref<80x128xf32, #tpu.memory_space<vmem>>, vector<16xf32>,
        %get3A_350 = arith.index_cast %add3A_342 : i32 to index
        %get3A_351 = arith.constant 16 : index
        %get3A_352 = tpu.vector_load %arg16[%get3A_350, %get3A_351] {strides = array<i32>} : memref<80x128xf32, #tpu.memory_space<vmem>>, vector<16xf32>,
        %mul3A_353 = arith.mulf %get3A_352, %gather3A : vector<16xf32>
        %swap3A_354 = arith.index_cast %add3A_342 : i32 to index
        %swap3A_355 = arith.constant 16 : index
        %swap3A_356 = tpu.vector_load %arg16[%swap3A_354, %swap3A_355] {strides = array<i32>} : memref<80x128xf32, #tpu.memory_space<vmem>>, vector<16xf32>,
        tpu.vector_store %arg16[%swap3A_354, %swap3A_355], %mul3A_353 {strides = array<i32>} : memref<80x128xf32, #tpu.memory_space<vmem>>, vector<16xf32>,
        %get3A_357 = arith.index_cast %add3A_342 : i32 to index
        %get3A_358 = arith.constant 32 : index
        %get3A_359 = tpu.vector_load %arg16[%get3A_357, %get3A_358] {strides = array<i32>} : memref<80x128xf32, #tpu.memory_space<vmem>>, vector<16xf32>,
        %mul3A_360 = arith.mulf %get3A_359, %gather3A : vector<16xf32>
        %swap3A_361 = arith.index_cast %add3A_342 : i32 to index
        %swap3A_362 = arith.constant 32 : index
        %swap3A_363 = tpu.vector_load %arg16[%swap3A_361, %swap3A_362] {strides = array<i32>} : memref<80x128xf32, #tpu.memory_space<vmem>>, vector<16xf32>,
        tpu.vector_store %arg16[%swap3A_361, %swap3A_362], %mul3A_360 {strides = array<i32>} : memref<80x128xf32, #tpu.memory_space<vmem>>, vector<16xf32>,
        %get3A_364 = arith.index_cast %add3A_342 : i32 to index
        %get3A_365 = arith.constant 48 : index
        %get3A_366 = tpu.vector_load %arg16[%get3A_364, %get3A_365] {strides = array<i32>} : memref<80x128xf32, #tpu.memory_space<vmem>>, vector<16xf32>,
        %mul3A_367 = arith.mulf %get3A_366, %gather3A : vector<16xf32>
        %swap3A_368 = arith.index_cast %add3A_342 : i32 to index
        %swap3A_369 = arith.constant 48 : index
        %swap3A_370 = tpu.vector_load %arg16[%swap3A_368, %swap3A_369] {strides = array<i32>} : memref<80x128xf32, #tpu.memory_space<vmem>>, vector<16xf32>,
        tpu.vector_store %arg16[%swap3A_368, %swap3A_369], %mul3A_367 {strides = array<i32>} : memref<80x128xf32, #tpu.memory_space<vmem>>, vector<16xf32>,
        %get3A_371 = arith.index_cast %add3A_342 : i32 to index
        %get3A_372 = arith.constant 64 : index
        %get3A_373 = tpu.vector_load %arg16[%get3A_371, %get3A_372] {strides = array<i32>} : memref<80x128xf32, #tpu.memory_space<vmem>>, vector<16xf32>,
        %mul3A_374 = arith.mulf %get3A_373, %gather3A : vector<16xf32>
        %swap3A_375 = arith.index_cast %add3A_342 : i32 to index
        %swap3A_376 = arith.constant 64 : index
        %swap3A_377 = tpu.vector_load %arg16[%swap3A_375, %swap3A_376] {strides = array<i32>} : memref<80x128xf32, #tpu.memory_space<vmem>>, vector<16xf32>,
        tpu.vector_store %arg16[%swap3A_375, %swap3A_376], %mul3A_374 {strides = array<i32>} : memref<80x128xf32, #tpu.memory_space<vmem>>, vector<16xf32>,
        %get3A_378 = arith.index_cast %add3A_342 : i32 to index
        %get3A_379 = arith.constant 80 : index
        %get3A_380 = tpu.vector_load %arg16[%get3A_378, %get3A_379] {strides = array<i32>} : memref<80x128xf32, #tpu.memory_space<vmem>>, vector<16xf32>,
        %mul3A_381 = arith.mulf %get3A_380, %gather3A : vector<16xf32>
        %swap3A_382 = arith.index_cast %add3A_342 : i32 to index
        %swap3A_383 = arith.constant 80 : index
        %swap3A_384 = tpu.vector_load %arg16[%swap3A_382, %swap3A_383] {strides = array<i32>} : memref<80x128xf32, #tpu.memory_space<vmem>>, vector<16xf32>,
        tpu.vector_store %arg16[%swap3A_382, %swap3A_383], %mul3A_381 {strides = array<i32>} : memref<80x128xf32, #tpu.memory_space<vmem>>, vector<16xf32>,
        %get3A_385 = arith.index_cast %add3A_342 : i32 to index
        %get3A_386 = arith.constant 96 : index
        %get3A_387 = tpu.vector_load %arg16[%get3A_385, %get3A_386] {strides = array<i32>} : memref<80x128xf32, #tpu.memory_space<vmem>>, vector<16xf32>,
        %mul3A_388 = arith.mulf %get3A_387, %gather3A : vector<16xf32>
        %swap3A_389 = arith.index_cast %add3A_342 : i32 to index
        %swap3A_390 = arith.constant 96 : index
        %swap3A_391 = tpu.vector_load %arg16[%swap3A_389, %swap3A_390] {strides = array<i32>} : memref<80x128xf32, #tpu.memory_space<vmem>>, vector<16xf32>,
        tpu.vector_store %arg16[%swap3A_389, %swap3A_390], %mul3A_388 {strides = array<i32>} : memref<80x128xf32, #tpu.memory_space<vmem>>, vector<16xf32>,
        %get3A_392 = arith.index_cast %add3A_342 : i32 to index
        %get3A_393 = arith.constant 112 : index
        %get3A_394 = tpu.vector_load %arg16[%get3A_392, %get3A_393] {strides = array<i32>} : memref<80x128xf32, #tpu.memory_space<vmem>>, vector<16xf32>,
        %mul3A_395 = arith.mulf %get3A_394, %gather3A : vector<16xf32>
        %swap3A_396 = arith.index_cast %add3A_342 : i32 to index
        %swap3A_397 = arith.constant 112 : index
        %swap3A_398 = tpu.vector_load %arg16[%swap3A_396, %swap3A_397] {strides = array<i32>} : memref<80x128xf32, #tpu.memory_space<vmem>>, vector<16xf32>,
        tpu.vector_store %arg16[%swap3A_396, %swap3A_397], %mul3A_395 {strides = array<i32>} : memref<80x128xf32, #tpu.memory_space<vmem>>, vector<16xf32>,
      }
      %scan3A_272 = arith.constant 80 : i32
      %dma_start3A_273 = arith.constant 0 : i32
      %dma_start3A_274 = tpu.memref_slice %arg9[%mul3A_199, %dma_start3A_273] : memref<250x80xi32, #tpu.memory_space<vmem>> -> memref<1x80xi32, #tpu.memory_space<vmem>>
      %dma_start3A_275 = tpu.memref_squeeze %dma_start3A_274 : memref<1x80xi32, #tpu.memory_space<vmem>> -> memref<80xi32, #tpu.memory_space<vmem>>
      %dma_start3A_276 = arith.constant 0 : i32
      %dma_start3A_277 = arith.constant 0 : i32
      %dma_start3A_278 = tpu.memref_slice %arg18[%dma_start3A_276, %dma_start3A_277] : memref<10000x128xf32, #tpu.memory_space<vmem_shared>> -> memref<10000x128xf32, #tpu.memory_space<vmem_shared>>
      tpu.enqueue_indirect_dma source(%arg16 : memref<80x128xf32, #tpu.memory_space<vmem>>) target(%dma_start3A_278 : memref<10000x128xf32, #tpu.memory_space<vmem_shared>>) offsets(%dma_start3A_275 : memref<80xi32, #tpu.memory_space<vmem>>) semaphore(%arg23 : memref<!tpu.dma_semaphore, #tpu.memory_space<semaphore_mem>>) {add = true}
      %lt3A_279 = arith.constant 124 : i32
      %lt3A_280 = arith.cmpi slt, %add3A_197, %lt3A_279 : i32
      %convert_element_type3A_281 = arith.extui %lt3A_280 : i1 to i32
      %cond3A_282 = arith.constant 0 : i32
      %cond3A_283 = arith.cmpi ne, %convert_element_type3A_281, %cond3A_282 : i32
      scf.if %cond3A_283 {
        %dma_wait3A_338 = arith.constant 0 : i32
        %dma_wait3A_339 = tpu.memref_slice %arg9[%mul3A_199, %dma_wait3A_338] : memref<250x80xi32, #tpu.memory_space<vmem>> -> memref<1x80xi32, #tpu.memory_space<vmem>>
        %dma_wait3A_340 = tpu.memref_squeeze %dma_wait3A_339 : memref<1x80xi32, #tpu.memory_space<vmem>> -> memref<80xi32, #tpu.memory_space<vmem>>
        %dma_wait3A_341 = arith.constant 0 : i32
        %dma_wait3A_342 = arith.constant 0 : i32
        %dma_wait3A_343 = tpu.memref_slice %arg18[%dma_wait3A_341, %dma_wait3A_342] : memref<10000x128xf32, #tpu.memory_space<vmem_shared>> -> memref<10000x128xf32, #tpu.memory_space<vmem_shared>>
        tpu.wait_indirect_dma semaphore(%arg23 : memref<!tpu.dma_semaphore, #tpu.memory_space<semaphore_mem>>) src(%arg16 : memref<80x128xf32, #tpu.memory_space<vmem>>) dst(%dma_wait3A_343 : memref<10000x128xf32, #tpu.memory_space<vmem_shared>>)
        %add3A_344 = arith.constant 2 : i32
        %add3A_345 = arith.addi %mul3A_199, %add3A_344 : i32
        %add3A_346 = arith.addi %mul3A_5, %add3A_345 : i32
        %dma_wait3A_347 = arith.constant 0 : i32
        %dma_wait3A_348 = tpu.memref_slice %arg6[%add3A_346, %dma_wait3A_347] : memref<4000x80xi32, #tpu.memory_space<hbm>> -> memref<1x80xi32, #tpu.memory_space<hbm>>
        %dma_wait3A_349 = arith.constant 0 : i32
        %dma_wait3A_350 = tpu.memref_slice %arg6[%add3A_346, %dma_wait3A_349] : memref<4000x80xi32, #tpu.memory_space<hbm>> -> memref<1x80xi32, #tpu.memory_space<hbm>>
        tpu.wait_dma2 semaphore(%arg19 : memref<!tpu.dma_semaphore, #tpu.memory_space<semaphore_mem>>) src(%dma_wait3A_350 : memref<1x80xi32, #tpu.memory_space<hbm>>) dst(%arg10 : memref<1x80xi32, #tpu.memory_space<vmem>>)
        %add3A_351 = arith.addi %mul3A_10, %add3A_345 : i32
        %dma_wait3A_352 = arith.constant 0 : i32
        %dma_wait3A_353 = tpu.memref_slice %arg4[%add3A_351, %dma_wait3A_352] : memref<16000x80xi32, #tpu.memory_space<hbm>> -> memref<1x80xi32, #tpu.memory_space<hbm>>
        %dma_wait3A_354 = arith.constant 0 : i32
        %dma_wait3A_355 = tpu.memref_slice %arg4[%add3A_351, %dma_wait3A_354] : memref<16000x80xi32, #tpu.memory_space<hbm>> -> memref<1x80xi32, #tpu.memory_space<hbm>>
        tpu.wait_dma2 semaphore(%arg19 : memref<!tpu.dma_semaphore, #tpu.memory_space<semaphore_mem>>) src(%dma_wait3A_355 : memref<1x80xi32, #tpu.memory_space<hbm>>) dst(%arg12 : memref<1x80xi32, #tpu.memory_space<vmem>>)
        %dma_start3A_356 = arith.constant 0 : i32
        %dma_start3A_357 = arith.constant 0 : i32
        %dma_start3A_358 = tpu.memref_slice %arg10[%dma_start3A_356, %dma_start3A_357] : memref<1x80xi32, #tpu.memory_space<vmem>> -> memref<1x80xi32, #tpu.memory_space<vmem>>
        %dma_start3A_359 = tpu.memref_squeeze %dma_start3A_358 : memref<1x80xi32, #tpu.memory_space<vmem>> -> memref<80xi32, #tpu.memory_space<vmem>>
        %dma_start3A_360 = arith.constant 0 : i32
        %dma_start3A_361 = tpu.memref_slice %arg2[%dma_start3A_360] : memref<104857600xf32, #tpu.memory_space<hbm>> -> memref<104857600xf32, #tpu.memory_space<hbm>>
        tpu.enqueue_indirect_dma source(%dma_start3A_361 : memref<104857600xf32, #tpu.memory_space<hbm>>) target(%arg14 : memref<80xf32, #tpu.memory_space<vmem>>) offsets(%dma_start3A_359 : memref<80xi32, #tpu.memory_space<vmem>>) semaphore(%arg21 : memref<!tpu.dma_semaphore, #tpu.memory_space<semaphore_mem>>)
        %dma_start3A_362 = arith.constant 0 : i32
        %dma_start3A_363 = arith.constant 0 : i32
        %dma_start3A_364 = tpu.memref_slice %arg12[%dma_start3A_362, %dma_start3A_363] : memref<1x80xi32, #tpu.memory_space<vmem>> -> memref<1x80xi32, #tpu.memory_space<vmem>>
        %dma_start3A_365 = tpu.memref_squeeze %dma_start3A_364 : memref<1x80xi32, #tpu.memory_space<vmem>> -> memref<80xi32, #tpu.memory_space<vmem>>
        %dma_start3A_366 = arith.constant 0 : i32
        %dma_start3A_367 = arith.constant 0 : i32
        %dma_start3A_368 = tpu.memref_slice %arg3[%dma_start3A_366, %dma_start3A_367] : memref<40000x128xf32, #tpu.memory_space<hbm>> -> memref<40000x128xf32, #tpu.memory_space<hbm>>
        tpu.enqueue_indirect_dma source(%dma_start3A_368 : memref<40000x128xf32, #tpu.memory_space<hbm>>) target(%arg16 : memref<80x128xf32, #tpu.memory_space<vmem>>) offsets(%dma_start3A_365 : memref<80xi32, #tpu.memory_space<vmem>>) semaphore(%arg21 : memref<!tpu.dma_semaphore, #tpu.memory_space<semaphore_mem>>)
      } else {
      }
      %dma_wait3A_284 = arith.constant 0 : i32
      %dma_wait3A_285 = arith.constant 0 : i32
      %dma_wait3A_286 = tpu.memref_slice %arg11[%dma_wait3A_284, %dma_wait3A_285] : memref<1x80xi32, #tpu.memory_space<vmem>> -> memref<1x80xi32, #tpu.memory_space<vmem>>
      %dma_wait3A_287 = tpu.memref_squeeze %dma_wait3A_286 : memref<1x80xi32, #tpu.memory_space<vmem>> -> memref<80xi32, #tpu.memory_space<vmem>>
      %dma_wait3A_288 = arith.constant 0 : i32
      %dma_wait3A_289 = tpu.memref_slice %arg2[%dma_wait3A_288] : memref<104857600xf32, #tpu.memory_space<hbm>> -> memref<104857600xf32, #tpu.memory_space<hbm>>
      tpu.wait_indirect_dma semaphore(%arg22 : memref<!tpu.dma_semaphore, #tpu.memory_space<semaphore_mem>>) src(%dma_wait3A_289 : memref<104857600xf32, #tpu.memory_space<hbm>>) dst(%arg15 : memref<80xf32, #tpu.memory_space<vmem>>)
      %dma_wait3A_290 = arith.constant 0 : i32
      %dma_wait3A_291 = arith.constant 0 : i32
      %dma_wait3A_292 = tpu.memref_slice %arg13[%dma_wait3A_290, %dma_wait3A_291] : memref<1x80xi32, #tpu.memory_space<vmem>> -> memref<1x80xi32, #tpu.memory_space<vmem>>
      %dma_wait3A_293 = tpu.memref_squeeze %dma_wait3A_292 : memref<1x80xi32, #tpu.memory_space<vmem>> -> memref<80xi32, #tpu.memory_space<vmem>>
      %dma_wait3A_294 = arith.constant 0 : i32
      %dma_wait3A_295 = arith.constant 0 : i32
      %dma_wait3A_296 = tpu.memref_slice %arg3[%dma_wait3A_294, %dma_wait3A_295] : memref<40000x128xf32, #tpu.memory_space<hbm>> -> memref<40000x128xf32, #tpu.memory_space<hbm>>
      tpu.wait_indirect_dma semaphore(%arg22 : memref<!tpu.dma_semaphore, #tpu.memory_space<semaphore_mem>>) src(%dma_wait3A_296 : memref<40000x128xf32, #tpu.memory_space<hbm>>) dst(%arg17 : memref<80x128xf32, #tpu.memory_space<vmem>>)
      %lt3A_297 = arith.constant 124 : i32
      %lt3A_298 = arith.cmpi slt, %add3A_197, %lt3A_297 : i32
      %convert_element_type3A_299 = arith.extui %lt3A_298 : i1 to i32
      %cond3A_300 = arith.constant 0 : i32
      %cond3A_301 = arith.cmpi ne, %convert_element_type3A_299, %cond3A_300 : i32
      scf.if %cond3A_301 {
        %add3A_338 = arith.constant 2 : i32
        %add3A_339 = arith.addi %add3A_201, %add3A_338 : i32
        %add3A_340 = arith.addi %mul3A_5, %add3A_339 : i32
        %dma_start3A_341 = arith.constant 0 : i32
        %dma_start3A_342 = tpu.memref_slice %arg6[%add3A_340, %dma_start3A_341] : memref<4000x80xi32, #tpu.memory_space<hbm>> -> memref<1x80xi32, #tpu.memory_space<hbm>>
        %dma_start3A_343 = arith.constant 0 : i32
        %dma_start3A_344 = tpu.memref_slice %arg6[%add3A_340, %dma_start3A_343] : memref<4000x80xi32, #tpu.memory_space<hbm>> -> memref<1x80xi32, #tpu.memory_space<hbm>>
        tpu.enqueue_dma source(%dma_start3A_344 : memref<1x80xi32, #tpu.memory_space<hbm>>) target(%arg11 : memref<1x80xi32, #tpu.memory_space<vmem>>) target_semaphore(%arg20 : memref<!tpu.dma_semaphore, #tpu.memory_space<semaphore_mem>>)
        %add3A_345 = arith.addi %mul3A_10, %add3A_339 : i32
        %dma_start3A_346 = arith.constant 0 : i32
        %dma_start3A_347 = tpu.memref_slice %arg4[%add3A_345, %dma_start3A_346] : memref<16000x80xi32, #tpu.memory_space<hbm>> -> memref<1x80xi32, #tpu.memory_space<hbm>>
        %dma_start3A_348 = arith.constant 0 : i32
        %dma_start3A_349 = tpu.memref_slice %arg4[%add3A_345, %dma_start3A_348] : memref<16000x80xi32, #tpu.memory_space<hbm>> -> memref<1x80xi32, #tpu.memory_space<hbm>>
        tpu.enqueue_dma source(%dma_start3A_349 : memref<1x80xi32, #tpu.memory_space<hbm>>) target(%arg13 : memref<1x80xi32, #tpu.memory_space<vmem>>) target_semaphore(%arg20 : memref<!tpu.dma_semaphore, #tpu.memory_space<semaphore_mem>>)
      } else {
      }
      %get3A_302 = arith.constant 0 : index
      %get3A_303 = tpu.vector_load %arg15[%get3A_302] {strides = array<i32>} : memref<80xf32, #tpu.memory_space<vmem>>, vector<16xf32>,
      %exp3A_304 = math.exp %get3A_303 : vector<16xf32>
      %swap3A_305 = arith.constant 0 : index
      %swap3A_306 = tpu.vector_load %arg15[%swap3A_305] {strides = array<i32>} : memref<80xf32, #tpu.memory_space<vmem>>, vector<16xf32>,
      tpu.vector_store %arg15[%swap3A_305], %exp3A_304 {strides = array<i32>} : memref<80xf32, #tpu.memory_space<vmem>>, vector<16xf32>,
      %get3A_307 = arith.constant 16 : index
      %get3A_308 = tpu.vector_load %arg15[%get3A_307] {strides = array<i32>} : memref<80xf32, #tpu.memory_space<vmem>>, vector<16xf32>,
      %exp3A_309 = math.exp %get3A_308 : vector<16xf32>
      %swap3A_310 = arith.constant 16 : index
      %swap3A_311 = tpu.vector_load %arg15[%swap3A_310] {strides = array<i32>} : memref<80xf32, #tpu.memory_space<vmem>>, vector<16xf32>,
      tpu.vector_store %arg15[%swap3A_310], %exp3A_309 {strides = array<i32>} : memref<80xf32, #tpu.memory_space<vmem>>, vector<16xf32>,
      %get3A_312 = arith.constant 32 : index
      %get3A_313 = tpu.vector_load %arg15[%get3A_312] {strides = array<i32>} : memref<80xf32, #tpu.memory_space<vmem>>, vector<16xf32>,
      %exp3A_314 = math.exp %get3A_313 : vector<16xf32>
      %swap3A_315 = arith.constant 32 : index
      %swap3A_316 = tpu.vector_load %arg15[%swap3A_315] {strides = array<i32>} : memref<80xf32, #tpu.memory_space<vmem>>, vector<16xf32>,
      tpu.vector_store %arg15[%swap3A_315], %exp3A_314 {strides = array<i32>} : memref<80xf32, #tpu.memory_space<vmem>>, vector<16xf32>,
      %get3A_317 = arith.constant 48 : index
      %get3A_318 = tpu.vector_load %arg15[%get3A_317] {strides = array<i32>} : memref<80xf32, #tpu.memory_space<vmem>>, vector<16xf32>,
      %exp3A_319 = math.exp %get3A_318 : vector<16xf32>
      %swap3A_320 = arith.constant 48 : index
      %swap3A_321 = tpu.vector_load %arg15[%swap3A_320] {strides = array<i32>} : memref<80xf32, #tpu.memory_space<vmem>>, vector<16xf32>,
      tpu.vector_store %arg15[%swap3A_320], %exp3A_319 {strides = array<i32>} : memref<80xf32, #tpu.memory_space<vmem>>, vector<16xf32>,
      %get3A_322 = arith.constant 64 : index
      %get3A_323 = tpu.vector_load %arg15[%get3A_322] {strides = array<i32>} : memref<80xf32, #tpu.memory_space<vmem>>, vector<16xf32>,
      %exp3A_324 = math.exp %get3A_323 : vector<16xf32>
      %swap3A_325 = arith.constant 64 : index
      %swap3A_326 = tpu.vector_load %arg15[%swap3A_325] {strides = array<i32>} : memref<80xf32, #tpu.memory_space<vmem>>, vector<16xf32>,
      tpu.vector_store %arg15[%swap3A_325], %exp3A_324 {strides = array<i32>} : memref<80xf32, #tpu.memory_space<vmem>>, vector<16xf32>,
      %scan3A_327 = arith.constant 0 : i32
      %scan3A_328 = arith.constant 80 : i32
      %scan3A_329 = arith.addi %scan3A_327, %scan3A_328 : i32
      %scan3A_330 = arith.constant 1 : i32
      scf.for %scan3A_338 = %scan3A_327 to %scan3A_329 step %scan3A_330  : i32 {
        %mul3A_339 = arith.constant 1 : i32
        %mul3A_340 = arith.muli %scan3A_338, %mul3A_339 : i32
        %add3A_341 = arith.constant 0 : i32
        %add3A_342 = arith.addi %add3A_341, %mul3A_340 : i32
        %broadcast_in_dim3A = vector.broadcast %add3A_342 : i32 to vector<16xi32>
        %gather3A = tpu.vector_load_idx %arg15[%broadcast_in_dim3A] : memref<80xf32, #tpu.memory_space<vmem>>[vector<16xi32>], vector<16xf32>,
        %get3A_343 = arith.index_cast %add3A_342 : i32 to index
        %get3A_344 = arith.constant 0 : index
        %get3A_345 = tpu.vector_load %arg17[%get3A_343, %get3A_344] {strides = array<i32>} : memref<80x128xf32, #tpu.memory_space<vmem>>, vector<16xf32>,
        %mul3A_346 = arith.mulf %get3A_345, %gather3A : vector<16xf32>
        %swap3A_347 = arith.index_cast %add3A_342 : i32 to index
        %swap3A_348 = arith.constant 0 : index
        %swap3A_349 = tpu.vector_load %arg17[%swap3A_347, %swap3A_348] {strides = array<i32>} : memref<80x128xf32, #tpu.memory_space<vmem>>, vector<16xf32>,
        tpu.vector_store %arg17[%swap3A_347, %swap3A_348], %mul3A_346 {strides = array<i32>} : memref<80x128xf32, #tpu.memory_space<vmem>>, vector<16xf32>,
        %get3A_350 = arith.index_cast %add3A_342 : i32 to index
        %get3A_351 = arith.constant 16 : index
        %get3A_352 = tpu.vector_load %arg17[%get3A_350, %get3A_351] {strides = array<i32>} : memref<80x128xf32, #tpu.memory_space<vmem>>, vector<16xf32>,
        %mul3A_353 = arith.mulf %get3A_352, %gather3A : vector<16xf32>
        %swap3A_354 = arith.index_cast %add3A_342 : i32 to index
        %swap3A_355 = arith.constant 16 : index
        %swap3A_356 = tpu.vector_load %arg17[%swap3A_354, %swap3A_355] {strides = array<i32>} : memref<80x128xf32, #tpu.memory_space<vmem>>, vector<16xf32>,
        tpu.vector_store %arg17[%swap3A_354, %swap3A_355], %mul3A_353 {strides = array<i32>} : memref<80x128xf32, #tpu.memory_space<vmem>>, vector<16xf32>,
        %get3A_357 = arith.index_cast %add3A_342 : i32 to index
        %get3A_358 = arith.constant 32 : index
        %get3A_359 = tpu.vector_load %arg17[%get3A_357, %get3A_358] {strides = array<i32>} : memref<80x128xf32, #tpu.memory_space<vmem>>, vector<16xf32>,
        %mul3A_360 = arith.mulf %get3A_359, %gather3A : vector<16xf32>
        %swap3A_361 = arith.index_cast %add3A_342 : i32 to index
        %swap3A_362 = arith.constant 32 : index
        %swap3A_363 = tpu.vector_load %arg17[%swap3A_361, %swap3A_362] {strides = array<i32>} : memref<80x128xf32, #tpu.memory_space<vmem>>, vector<16xf32>,
        tpu.vector_store %arg17[%swap3A_361, %swap3A_362], %mul3A_360 {strides = array<i32>} : memref<80x128xf32, #tpu.memory_space<vmem>>, vector<16xf32>,
        %get3A_364 = arith.index_cast %add3A_342 : i32 to index
        %get3A_365 = arith.constant 48 : index
        %get3A_366 = tpu.vector_load %arg17[%get3A_364, %get3A_365] {strides = array<i32>} : memref<80x128xf32, #tpu.memory_space<vmem>>, vector<16xf32>,
        %mul3A_367 = arith.mulf %get3A_366, %gather3A : vector<16xf32>
        %swap3A_368 = arith.index_cast %add3A_342 : i32 to index
        %swap3A_369 = arith.constant 48 : index
        %swap3A_370 = tpu.vector_load %arg17[%swap3A_368, %swap3A_369] {strides = array<i32>} : memref<80x128xf32, #tpu.memory_space<vmem>>, vector<16xf32>,
        tpu.vector_store %arg17[%swap3A_368, %swap3A_369], %mul3A_367 {strides = array<i32>} : memref<80x128xf32, #tpu.memory_space<vmem>>, vector<16xf32>,
        %get3A_371 = arith.index_cast %add3A_342 : i32 to index
        %get3A_372 = arith.constant 64 : index
        %get3A_373 = tpu.vector_load %arg17[%get3A_371, %get3A_372] {strides = array<i32>} : memref<80x128xf32, #tpu.memory_space<vmem>>, vector<16xf32>,
        %mul3A_374 = arith.mulf %get3A_373, %gather3A : vector<16xf32>
        %swap3A_375 = arith.index_cast %add3A_342 : i32 to index
        %swap3A_376 = arith.constant 64 : index
        %swap3A_377 = tpu.vector_load %arg17[%swap3A_375, %swap3A_376] {strides = array<i32>} : memref<80x128xf32, #tpu.memory_space<vmem>>, vector<16xf32>,
        tpu.vector_store %arg17[%swap3A_375, %swap3A_376], %mul3A_374 {strides = array<i32>} : memref<80x128xf32, #tpu.memory_space<vmem>>, vector<16xf32>,
        %get3A_378 = arith.index_cast %add3A_342 : i32 to index
        %get3A_379 = arith.constant 80 : index
        %get3A_380 = tpu.vector_load %arg17[%get3A_378, %get3A_379] {strides = array<i32>} : memref<80x128xf32, #tpu.memory_space<vmem>>, vector<16xf32>,
        %mul3A_381 = arith.mulf %get3A_380, %gather3A : vector<16xf32>
        %swap3A_382 = arith.index_cast %add3A_342 : i32 to index
        %swap3A_383 = arith.constant 80 : index
        %swap3A_384 = tpu.vector_load %arg17[%swap3A_382, %swap3A_383] {strides = array<i32>} : memref<80x128xf32, #tpu.memory_space<vmem>>, vector<16xf32>,
        tpu.vector_store %arg17[%swap3A_382, %swap3A_383], %mul3A_381 {strides = array<i32>} : memref<80x128xf32, #tpu.memory_space<vmem>>, vector<16xf32>,
        %get3A_385 = arith.index_cast %add3A_342 : i32 to index
        %get3A_386 = arith.constant 96 : index
        %get3A_387 = tpu.vector_load %arg17[%get3A_385, %get3A_386] {strides = array<i32>} : memref<80x128xf32, #tpu.memory_space<vmem>>, vector<16xf32>,
        %mul3A_388 = arith.mulf %get3A_387, %gather3A : vector<16xf32>
        %swap3A_389 = arith.index_cast %add3A_342 : i32 to index
        %swap3A_390 = arith.constant 96 : index
        %swap3A_391 = tpu.vector_load %arg17[%swap3A_389, %swap3A_390] {strides = array<i32>} : memref<80x128xf32, #tpu.memory_space<vmem>>, vector<16xf32>,
        tpu.vector_store %arg17[%swap3A_389, %swap3A_390], %mul3A_388 {strides = array<i32>} : memref<80x128xf32, #tpu.memory_space<vmem>>, vector<16xf32>,
        %get3A_392 = arith.index_cast %add3A_342 : i32 to index
        %get3A_393 = arith.constant 112 : index
        %get3A_394 = tpu.vector_load %arg17[%get3A_392, %get3A_393] {strides = array<i32>} : memref<80x128xf32, #tpu.memory_space<vmem>>, vector<16xf32>,
        %mul3A_395 = arith.mulf %get3A_394, %gather3A : vector<16xf32>
        %swap3A_396 = arith.index_cast %add3A_342 : i32 to index
        %swap3A_397 = arith.constant 112 : index
        %swap3A_398 = tpu.vector_load %arg17[%swap3A_396, %swap3A_397] {strides = array<i32>} : memref<80x128xf32, #tpu.memory_space<vmem>>, vector<16xf32>,
        tpu.vector_store %arg17[%swap3A_396, %swap3A_397], %mul3A_395 {strides = array<i32>} : memref<80x128xf32, #tpu.memory_space<vmem>>, vector<16xf32>,
      }
      %scan3A_331 = arith.constant 80 : i32
      %dma_start3A_332 = arith.constant 0 : i32
      %dma_start3A_333 = tpu.memref_slice %arg9[%add3A_201, %dma_start3A_332] : memref<250x80xi32, #tpu.memory_space<vmem>> -> memref<1x80xi32, #tpu.memory_space<vmem>>
      %dma_start3A_334 = tpu.memref_squeeze %dma_start3A_333 : memref<1x80xi32, #tpu.memory_space<vmem>> -> memref<80xi32, #tpu.memory_space<vmem>>
      %dma_start3A_335 = arith.constant 0 : i32
      %dma_start3A_336 = arith.constant 0 : i32
      %dma_start3A_337 = tpu.memref_slice %arg18[%dma_start3A_335, %dma_start3A_336] : memref<10000x128xf32, #tpu.memory_space<vmem_shared>> -> memref<10000x128xf32, #tpu.memory_space<vmem_shared>>
      tpu.enqueue_indirect_dma source(%arg17 : memref<80x128xf32, #tpu.memory_space<vmem>>) target(%dma_start3A_337 : memref<10000x128xf32, #tpu.memory_space<vmem_shared>>) offsets(%dma_start3A_334 : memref<80xi32, #tpu.memory_space<vmem>>) semaphore(%arg24 : memref<!tpu.dma_semaphore, #tpu.memory_space<semaphore_mem>>) {add = true}
    }
    %scan3A_65 = arith.constant 125 : i32
    %dma_wait3A_66 = arith.constant 248 : i32
    %dma_wait3A_67 = arith.constant 0 : i32
    %dma_wait3A_68 = tpu.memref_slice %arg9[%dma_wait3A_66, %dma_wait3A_67] : memref<250x80xi32, #tpu.memory_space<vmem>> -> memref<1x80xi32, #tpu.memory_space<vmem>>
    %dma_wait3A_69 = tpu.memref_squeeze %dma_wait3A_68 : memref<1x80xi32, #tpu.memory_space<vmem>> -> memref<80xi32, #tpu.memory_space<vmem>>
    %dma_wait3A_70 = arith.constant 0 : i32
    %dma_wait3A_71 = arith.constant 0 : i32
    %dma_wait3A_72 = tpu.memref_slice %arg18[%dma_wait3A_70, %dma_wait3A_71] : memref<10000x128xf32, #tpu.memory_space<vmem_shared>> -> memref<10000x128xf32, #tpu.memory_space<vmem_shared>>
    tpu.wait_indirect_dma semaphore(%arg23 : memref<!tpu.dma_semaphore, #tpu.memory_space<semaphore_mem>>) src(%arg16 : memref<80x128xf32, #tpu.memory_space<vmem>>) dst(%dma_wait3A_72 : memref<10000x128xf32, #tpu.memory_space<vmem_shared>>)
    %dma_wait3A_73 = arith.constant 249 : i32
    %dma_wait3A_74 = arith.constant 0 : i32
    %dma_wait3A_75 = tpu.memref_slice %arg9[%dma_wait3A_73, %dma_wait3A_74] : memref<250x80xi32, #tpu.memory_space<vmem>> -> memref<1x80xi32, #tpu.memory_space<vmem>>
    %dma_wait3A_76 = tpu.memref_squeeze %dma_wait3A_75 : memref<1x80xi32, #tpu.memory_space<vmem>> -> memref<80xi32, #tpu.memory_space<vmem>>
    %dma_wait3A_77 = arith.constant 0 : i32
    %dma_wait3A_78 = arith.constant 0 : i32
    %dma_wait3A_79 = tpu.memref_slice %arg18[%dma_wait3A_77, %dma_wait3A_78] : memref<10000x128xf32, #tpu.memory_space<vmem_shared>> -> memref<10000x128xf32, #tpu.memory_space<vmem_shared>>
    tpu.wait_indirect_dma semaphore(%arg24 : memref<!tpu.dma_semaphore, #tpu.memory_space<semaphore_mem>>) src(%arg17 : memref<80x128xf32, #tpu.memory_space<vmem>>) dst(%dma_wait3A_79 : memref<10000x128xf32, #tpu.memory_space<vmem_shared>>)
    %barrier3A_80 = arith.constant 0 : index
    tpu.barrier barrier_id(%barrier3A_80)
    %mul3A_81 = arith.constant 624 : i32
    %mul3A_82 = arith.muli %arg1, %mul3A_81 : i32
    %mul3A_83 = arith.constant 10000 : i32
    %mul3A_84 = arith.muli %add3A_3, %mul3A_83 : i32
    %mul3A_85 = arith.constant 624 : i32
    %mul3A_86 = arith.muli %arg1, %mul3A_85 : i32
    %add3A_87 = arith.addi %mul3A_84, %mul3A_86 : i32
    "tpu.region"() ({
      %run_scoped3A = tpu.sem_alloc : memref<!tpu.dma_semaphore, #tpu.memory_space<semaphore_mem>>
      %dma_start3A_193 = arith.constant 0 : i32
      %dma_start3A_194 = tpu.memref_slice %arg8[%add3A_87, %dma_start3A_193] : memref<40000x128xf32, #tpu.memory_space<hbm>> -> memref<624x128xf32, #tpu.memory_space<hbm>>
      %dma_start3A_195 = arith.constant 0 : i32
      %dma_start3A_196 = tpu.memref_slice %arg18[%mul3A_82, %dma_start3A_195] : memref<10000x128xf32, #tpu.memory_space<vmem_shared>> -> memref<624x128xf32, #tpu.memory_space<vmem_shared>>
      tpu.enqueue_dma source(%dma_start3A_196 : memref<624x128xf32, #tpu.memory_space<vmem_shared>>) target(%dma_start3A_194 : memref<624x128xf32, #tpu.memory_space<hbm>>) target_semaphore(%run_scoped3A : memref<!tpu.dma_semaphore, #tpu.memory_space<semaphore_mem>>)
      %dma_wait3A_197 = arith.constant 0 : i32
      %dma_wait3A_198 = tpu.memref_slice %arg8[%add3A_87, %dma_wait3A_197] : memref<40000x128xf32, #tpu.memory_space<hbm>> -> memref<624x128xf32, #tpu.memory_space<hbm>>
      %dma_wait3A_199 = arith.constant 0 : i32
      %dma_wait3A_200 = tpu.memref_slice %arg18[%mul3A_82, %dma_wait3A_199] : memref<10000x128xf32, #tpu.memory_space<vmem_shared>> -> memref<624x128xf32, #tpu.memory_space<vmem_shared>>
      tpu.wait_dma2 semaphore(%run_scoped3A : memref<!tpu.dma_semaphore, #tpu.memory_space<semaphore_mem>>) src(%dma_wait3A_200 : memref<624x128xf32, #tpu.memory_space<vmem_shared>>) dst(%dma_wait3A_198 : memref<624x128xf32, #tpu.memory_space<hbm>>)
      tpu.yield
    }) : () -> ()
    %eq3A_88 = arith.constant 15 : i32
    %eq3A_89 = arith.cmpi eq, %arg1, %eq3A_88 : i32
    %convert_element_type3A_90 = arith.extui %eq3A_89 : i1 to i32
    %cond3A_91 = arith.constant 0 : i32
    %cond3A_92 = arith.cmpi ne, %convert_element_type3A_90, %cond3A_91 : i32
    scf.if %cond3A_92 {
      %mul3A_193 = arith.constant 10000 : i32
      %mul3A_194 = arith.muli %add3A_3, %mul3A_193 : i32
      %add3A_195 = arith.constant 9984 : i32
      %add3A_196 = arith.addi %mul3A_194, %add3A_195 : i32
      "tpu.region"() ({
        %run_scoped3A = tpu.sem_alloc : memref<!tpu.dma_semaphore, #tpu.memory_space<semaphore_mem>>
        %dma_start3A_197 = arith.constant 0 : i32
        %dma_start3A_198 = tpu.memref_slice %arg8[%add3A_196, %dma_start3A_197] : memref<40000x128xf32, #tpu.memory_space<hbm>> -> memref<16x128xf32, #tpu.memory_space<hbm>>
        %dma_start3A_199 = arith.constant 9984 : i32
        %dma_start3A_200 = arith.constant 0 : i32
        %dma_start3A_201 = tpu.memref_slice %arg18[%dma_start3A_199, %dma_start3A_200] : memref<10000x128xf32, #tpu.memory_space<vmem_shared>> -> memref<16x128xf32, #tpu.memory_space<vmem_shared>>
        tpu.enqueue_dma source(%dma_start3A_201 : memref<16x128xf32, #tpu.memory_space<vmem_shared>>) target(%dma_start3A_198 : memref<16x128xf32, #tpu.memory_space<hbm>>) target_semaphore(%run_scoped3A : memref<!tpu.dma_semaphore, #tpu.memory_space<semaphore_mem>>)
        %dma_wait3A_202 = arith.constant 0 : i32
        %dma_wait3A_203 = tpu.memref_slice %arg8[%add3A_196, %dma_wait3A_202] : memref<40000x128xf32, #tpu.memory_space<hbm>> -> memref<16x128xf32, #tpu.memory_space<hbm>>
        %dma_wait3A_204 = arith.constant 9984 : i32
        %dma_wait3A_205 = arith.constant 0 : i32
        %dma_wait3A_206 = tpu.memref_slice %arg18[%dma_wait3A_204, %dma_wait3A_205] : memref<10000x128xf32, #tpu.memory_space<vmem_shared>> -> memref<16x128xf32, #tpu.memory_space<vmem_shared>>
        tpu.wait_dma2 semaphore(%run_scoped3A : memref<!tpu.dma_semaphore, #tpu.memory_space<semaphore_mem>>) src(%dma_wait3A_206 : memref<16x128xf32, #tpu.memory_space<vmem_shared>>) dst(%dma_wait3A_203 : memref<16x128xf32, #tpu.memory_space<hbm>>)
        tpu.yield
      }) : () -> ()
    } else {
    }
    %mul3A_93 = arith.constant 2 : i32
    %mul3A_94 = arith.muli %mul3A_93, %arg0 : i32
    %add3A_95 = arith.constant 1 : i32
    %add3A_96 = arith.addi %mul3A_94, %add3A_95 : i32
    %mul3A_97 = arith.constant 250 : i32
    %mul3A_98 = arith.muli %arg1, %mul3A_97 : i32
    %mul3A_99 = arith.constant 16 : i32
    %mul3A_100 = arith.muli %add3A_96, %mul3A_99 : i32
    %add3A_101 = arith.addi %mul3A_100, %arg1 : i32
    %mul3A_102 = arith.constant 250 : i32
    %mul3A_103 = arith.muli %add3A_101, %mul3A_102 : i32
    %mul3A_104 = arith.constant 624 : i32
    %mul3A_105 = arith.muli %arg1, %mul3A_104 : i32
    "tpu.region"() ({
      %run_scoped3A = tpu.sem_alloc : memref<!tpu.dma_semaphore, #tpu.memory_space<semaphore_mem>>
      %dma_start3A_193 = arith.constant 0 : i32
      %dma_start3A_194 = tpu.memref_slice %arg18[%mul3A_105, %dma_start3A_193] : memref<10000x128xf32, #tpu.memory_space<vmem_shared>> -> memref<624x128xf32, #tpu.memory_space<vmem_shared>>
      tpu.enqueue_dma source(%arg7 : memref<624x128xf32, #tpu.memory_space<hbm>>) target(%dma_start3A_194 : memref<624x128xf32, #tpu.memory_space<vmem_shared>>) target_semaphore(%run_scoped3A : memref<!tpu.dma_semaphore, #tpu.memory_space<semaphore_mem>>)
      %dma_wait3A_195 = arith.constant 0 : i32
      %dma_wait3A_196 = tpu.memref_slice %arg18[%mul3A_105, %dma_wait3A_195] : memref<10000x128xf32, #tpu.memory_space<vmem_shared>> -> memref<624x128xf32, #tpu.memory_space<vmem_shared>>
      tpu.wait_dma2 semaphore(%run_scoped3A : memref<!tpu.dma_semaphore, #tpu.memory_space<semaphore_mem>>) src(%arg7 : memref<624x128xf32, #tpu.memory_space<hbm>>) dst(%dma_wait3A_196 : memref<624x128xf32, #tpu.memory_space<vmem_shared>>)
      tpu.yield
    }) : () -> ()
    %eq3A_106 = arith.constant 15 : i32
    %eq3A_107 = arith.cmpi eq, %arg1, %eq3A_106 : i32
    %convert_element_type3A_108 = arith.extui %eq3A_107 : i1 to i32
    %cond3A_109 = arith.constant 0 : i32
    %cond3A_110 = arith.cmpi ne, %convert_element_type3A_108, %cond3A_109 : i32
    scf.if %cond3A_110 {
      "tpu.region"() ({
        %run_scoped3A = tpu.sem_alloc : memref<!tpu.dma_semaphore, #tpu.memory_space<semaphore_mem>>
        %dma_start3A_193 = arith.constant 9984 : i32
        %dma_start3A_194 = arith.constant 0 : i32
        %dma_start3A_195 = tpu.memref_slice %arg18[%dma_start3A_193, %dma_start3A_194] : memref<10000x128xf32, #tpu.memory_space<vmem_shared>> -> memref<16x128xf32, #tpu.memory_space<vmem_shared>>
        %dma_start3A_196 = arith.constant 0 : i32
        %dma_start3A_197 = arith.constant 0 : i32
        %dma_start3A_198 = tpu.memref_slice %arg7[%dma_start3A_196, %dma_start3A_197] : memref<624x128xf32, #tpu.memory_space<hbm>> -> memref<16x128xf32, #tpu.memory_space<hbm>>
        tpu.enqueue_dma source(%dma_start3A_198 : memref<16x128xf32, #tpu.memory_space<hbm>>) target(%dma_start3A_195 : memref<16x128xf32, #tpu.memory_space<vmem_shared>>) target_semaphore(%run_scoped3A : memref<!tpu.dma_semaphore, #tpu.memory_space<semaphore_mem>>)
        %dma_wait3A_199 = arith.constant 9984 : i32
        %dma_wait3A_200 = arith.constant 0 : i32
        %dma_wait3A_201 = tpu.memref_slice %arg18[%dma_wait3A_199, %dma_wait3A_200] : memref<10000x128xf32, #tpu.memory_space<vmem_shared>> -> memref<16x128xf32, #tpu.memory_space<vmem_shared>>
        %dma_wait3A_202 = arith.constant 0 : i32
        %dma_wait3A_203 = arith.constant 0 : i32
        %dma_wait3A_204 = tpu.memref_slice %arg7[%dma_wait3A_202, %dma_wait3A_203] : memref<624x128xf32, #tpu.memory_space<hbm>> -> memref<16x128xf32, #tpu.memory_space<hbm>>
        tpu.wait_dma2 semaphore(%run_scoped3A : memref<!tpu.dma_semaphore, #tpu.memory_space<semaphore_mem>>) src(%dma_wait3A_204 : memref<16x128xf32, #tpu.memory_space<hbm>>) dst(%dma_wait3A_201 : memref<16x128xf32, #tpu.memory_space<vmem_shared>>)
        tpu.yield
      }) : () -> ()
    } else {
    }
    %barrier3A_111 = arith.constant 0 : index
    tpu.barrier barrier_id(%barrier3A_111)
    %add3A_112 = arith.constant 0 : i32
    %add3A_113 = arith.addi %mul3A_98, %add3A_112 : i32
    %dma_start3A_114 = arith.constant 0 : i32
    %dma_start3A_115 = tpu.memref_slice %arg6[%add3A_113, %dma_start3A_114] : memref<4000x80xi32, #tpu.memory_space<hbm>> -> memref<1x80xi32, #tpu.memory_space<hbm>>
    %dma_start3A_116 = arith.constant 0 : i32
    %dma_start3A_117 = tpu.memref_slice %arg6[%add3A_113, %dma_start3A_116] : memref<4000x80xi32, #tpu.memory_space<hbm>> -> memref<1x80xi32, #tpu.memory_space<hbm>>
    tpu.enqueue_dma source(%dma_start3A_117 : memref<1x80xi32, #tpu.memory_space<hbm>>) target(%arg10 : memref<1x80xi32, #tpu.memory_space<vmem>>) target_semaphore(%arg19 : memref<!tpu.dma_semaphore, #tpu.memory_space<semaphore_mem>>)
    %add3A_118 = arith.constant 0 : i32
    %add3A_119 = arith.addi %mul3A_103, %add3A_118 : i32
    %dma_start3A_120 = arith.constant 0 : i32
    %dma_start3A_121 = tpu.memref_slice %arg4[%add3A_119, %dma_start3A_120] : memref<16000x80xi32, #tpu.memory_space<hbm>> -> memref<1x80xi32, #tpu.memory_space<hbm>>
    %dma_start3A_122 = arith.constant 0 : i32
    %dma_start3A_123 = tpu.memref_slice %arg4[%add3A_119, %dma_start3A_122] : memref<16000x80xi32, #tpu.memory_space<hbm>> -> memref<1x80xi32, #tpu.memory_space<hbm>>
    tpu.enqueue_dma source(%dma_start3A_123 : memref<1x80xi32, #tpu.memory_space<hbm>>) target(%arg12 : memref<1x80xi32, #tpu.memory_space<vmem>>) target_semaphore(%arg19 : memref<!tpu.dma_semaphore, #tpu.memory_space<semaphore_mem>>)
    %add3A_124 = arith.constant 1 : i32
    %add3A_125 = arith.addi %mul3A_98, %add3A_124 : i32
    %dma_start3A_126 = arith.constant 0 : i32
    %dma_start3A_127 = tpu.memref_slice %arg6[%add3A_125, %dma_start3A_126] : memref<4000x80xi32, #tpu.memory_space<hbm>> -> memref<1x80xi32, #tpu.memory_space<hbm>>
    %dma_start3A_128 = arith.constant 0 : i32
    %dma_start3A_129 = tpu.memref_slice %arg6[%add3A_125, %dma_start3A_128] : memref<4000x80xi32, #tpu.memory_space<hbm>> -> memref<1x80xi32, #tpu.memory_space<hbm>>
    tpu.enqueue_dma source(%dma_start3A_129 : memref<1x80xi32, #tpu.memory_space<hbm>>) target(%arg11 : memref<1x80xi32, #tpu.memory_space<vmem>>) target_semaphore(%arg20 : memref<!tpu.dma_semaphore, #tpu.memory_space<semaphore_mem>>)
    %add3A_130 = arith.constant 1 : i32
    %add3A_131 = arith.addi %mul3A_103, %add3A_130 : i32
    %dma_start3A_132 = arith.constant 0 : i32
    %dma_start3A_133 = tpu.memref_slice %arg4[%add3A_131, %dma_start3A_132] : memref<16000x80xi32, #tpu.memory_space<hbm>> -> memref<1x80xi32, #tpu.memory_space<hbm>>
    %dma_start3A_134 = arith.constant 0 : i32
    %dma_start3A_135 = tpu.memref_slice %arg4[%add3A_131, %dma_start3A_134] : memref<16000x80xi32, #tpu.memory_space<hbm>> -> memref<1x80xi32, #tpu.memory_space<hbm>>
    tpu.enqueue_dma source(%dma_start3A_135 : memref<1x80xi32, #tpu.memory_space<hbm>>) target(%arg13 : memref<1x80xi32, #tpu.memory_space<vmem>>) target_semaphore(%arg20 : memref<!tpu.dma_semaphore, #tpu.memory_space<semaphore_mem>>)
    %add3A_136 = arith.constant 0 : i32
    %add3A_137 = arith.addi %mul3A_98, %add3A_136 : i32
    %dma_wait3A_138 = arith.constant 0 : i32
    %dma_wait3A_139 = tpu.memref_slice %arg6[%add3A_137, %dma_wait3A_138] : memref<4000x80xi32, #tpu.memory_space<hbm>> -> memref<1x80xi32, #tpu.memory_space<hbm>>
    %dma_wait3A_140 = arith.constant 0 : i32
    %dma_wait3A_141 = tpu.memref_slice %arg6[%add3A_137, %dma_wait3A_140] : memref<4000x80xi32, #tpu.memory_space<hbm>> -> memref<1x80xi32, #tpu.memory_space<hbm>>
    tpu.wait_dma2 semaphore(%arg19 : memref<!tpu.dma_semaphore, #tpu.memory_space<semaphore_mem>>) src(%dma_wait3A_141 : memref<1x80xi32, #tpu.memory_space<hbm>>) dst(%arg10 : memref<1x80xi32, #tpu.memory_space<vmem>>)
    %add3A_142 = arith.constant 0 : i32
    %add3A_143 = arith.addi %mul3A_103, %add3A_142 : i32
    %dma_wait3A_144 = arith.constant 0 : i32
    %dma_wait3A_145 = tpu.memref_slice %arg4[%add3A_143, %dma_wait3A_144] : memref<16000x80xi32, #tpu.memory_space<hbm>> -> memref<1x80xi32, #tpu.memory_space<hbm>>
    %dma_wait3A_146 = arith.constant 0 : i32
    %dma_wait3A_147 = tpu.memref_slice %arg4[%add3A_143, %dma_wait3A_146] : memref<16000x80xi32, #tpu.memory_space<hbm>> -> memref<1x80xi32, #tpu.memory_space<hbm>>
    tpu.wait_dma2 semaphore(%arg19 : memref<!tpu.dma_semaphore, #tpu.memory_space<semaphore_mem>>) src(%dma_wait3A_147 : memref<1x80xi32, #tpu.memory_space<hbm>>) dst(%arg12 : memref<1x80xi32, #tpu.memory_space<vmem>>)
    %dma_start3A_148 = arith.constant 0 : i32
    %dma_start3A_149 = arith.constant 0 : i32
    %dma_start3A_150 = tpu.memref_slice %arg10[%dma_start3A_148, %dma_start3A_149] : memref<1x80xi32, #tpu.memory_space<vmem>> -> memref<1x80xi32, #tpu.memory_space<vmem>>
    %dma_start3A_151 = tpu.memref_squeeze %dma_start3A_150 : memref<1x80xi32, #tpu.memory_space<vmem>> -> memref<80xi32, #tpu.memory_space<vmem>>
    %dma_start3A_152 = arith.constant 0 : i32
    %dma_start3A_153 = tpu.memref_slice %arg2[%dma_start3A_152] : memref<104857600xf32, #tpu.memory_space<hbm>> -> memref<104857600xf32, #tpu.memory_space<hbm>>
    tpu.enqueue_indirect_dma source(%dma_start3A_153 : memref<104857600xf32, #tpu.memory_space<hbm>>) target(%arg14 : memref<80xf32, #tpu.memory_space<vmem>>) offsets(%dma_start3A_151 : memref<80xi32, #tpu.memory_space<vmem>>) semaphore(%arg21 : memref<!tpu.dma_semaphore, #tpu.memory_space<semaphore_mem>>)
    %dma_start3A_154 = arith.constant 0 : i32
    %dma_start3A_155 = arith.constant 0 : i32
    %dma_start3A_156 = tpu.memref_slice %arg12[%dma_start3A_154, %dma_start3A_155] : memref<1x80xi32, #tpu.memory_space<vmem>> -> memref<1x80xi32, #tpu.memory_space<vmem>>
    %dma_start3A_157 = tpu.memref_squeeze %dma_start3A_156 : memref<1x80xi32, #tpu.memory_space<vmem>> -> memref<80xi32, #tpu.memory_space<vmem>>
    %dma_start3A_158 = arith.constant 0 : i32
    %dma_start3A_159 = arith.constant 0 : i32
    %dma_start3A_160 = tpu.memref_slice %arg3[%dma_start3A_158, %dma_start3A_159] : memref<40000x128xf32, #tpu.memory_space<hbm>> -> memref<40000x128xf32, #tpu.memory_space<hbm>>
    tpu.enqueue_indirect_dma source(%dma_start3A_160 : memref<40000x128xf32, #tpu.memory_space<hbm>>) target(%arg16 : memref<80x128xf32, #tpu.memory_space<vmem>>) offsets(%dma_start3A_157 : memref<80xi32, #tpu.memory_space<vmem>>) semaphore(%arg21 : memref<!tpu.dma_semaphore, #tpu.memory_space<semaphore_mem>>)
    %scan3A_161 = arith.constant 0 : i32
    %scan3A_162 = arith.constant 125 : i32
    %scan3A_163 = arith.addi %scan3A_161, %scan3A_162 : i32
    %scan3A_164 = arith.constant 1 : i32
    scf.for %scan3A_193 = %scan3A_161 to %scan3A_163 step %scan3A_164  : i32 {
      %mul3A_194 = arith.constant 1 : i32
      %mul3A_195 = arith.muli %scan3A_193, %mul3A_194 : i32
      %add3A_196 = arith.constant 0 : i32
      %add3A_197 = arith.addi %add3A_196, %mul3A_195 : i32
      %mul3A_198 = arith.constant 2 : i32
      %mul3A_199 = arith.muli %mul3A_198, %add3A_197 : i32
      %add3A_200 = arith.constant 1 : i32
      %add3A_201 = arith.addi %mul3A_199, %add3A_200 : i32
      %gt3A = arith.constant 0 : i32
      %gt3A_202 = arith.cmpi sgt, %add3A_197, %gt3A : i32
      %convert_element_type3A_203 = arith.extui %gt3A_202 : i1 to i32
      %cond3A_204 = arith.constant 0 : i32
      %cond3A_205 = arith.cmpi ne, %convert_element_type3A_203, %cond3A_204 : i32
      scf.if %cond3A_205 {
        %sub3A = arith.constant 2 : i32
        %sub3A_338 = arith.subi %add3A_201, %sub3A : i32
        %dma_wait3A_339 = arith.constant 0 : i32
        %dma_wait3A_340 = tpu.memref_slice %arg9[%sub3A_338, %dma_wait3A_339] : memref<250x80xi32, #tpu.memory_space<vmem>> -> memref<1x80xi32, #tpu.memory_space<vmem>>
        %dma_wait3A_341 = tpu.memref_squeeze %dma_wait3A_340 : memref<1x80xi32, #tpu.memory_space<vmem>> -> memref<80xi32, #tpu.memory_space<vmem>>
        %dma_wait3A_342 = arith.constant 0 : i32
        %dma_wait3A_343 = arith.constant 0 : i32
        %dma_wait3A_344 = tpu.memref_slice %arg18[%dma_wait3A_342, %dma_wait3A_343] : memref<10000x128xf32, #tpu.memory_space<vmem_shared>> -> memref<10000x128xf32, #tpu.memory_space<vmem_shared>>
        tpu.wait_indirect_dma semaphore(%arg24 : memref<!tpu.dma_semaphore, #tpu.memory_space<semaphore_mem>>) src(%arg17 : memref<80x128xf32, #tpu.memory_space<vmem>>) dst(%dma_wait3A_344 : memref<10000x128xf32, #tpu.memory_space<vmem_shared>>)
      } else {
      }
      %add3A_206 = arith.addi %mul3A_98, %add3A_201 : i32
      %dma_wait3A_207 = arith.constant 0 : i32
      %dma_wait3A_208 = tpu.memref_slice %arg6[%add3A_206, %dma_wait3A_207] : memref<4000x80xi32, #tpu.memory_space<hbm>> -> memref<1x80xi32, #tpu.memory_space<hbm>>
      %dma_wait3A_209 = arith.constant 0 : i32
      %dma_wait3A_210 = tpu.memref_slice %arg6[%add3A_206, %dma_wait3A_209] : memref<4000x80xi32, #tpu.memory_space<hbm>> -> memref<1x80xi32, #tpu.memory_space<hbm>>
      tpu.wait_dma2 semaphore(%arg20 : memref<!tpu.dma_semaphore, #tpu.memory_space<semaphore_mem>>) src(%dma_wait3A_210 : memref<1x80xi32, #tpu.memory_space<hbm>>) dst(%arg11 : memref<1x80xi32, #tpu.memory_space<vmem>>)
      %add3A_211 = arith.addi %mul3A_103, %add3A_201 : i32
      %dma_wait3A_212 = arith.constant 0 : i32
      %dma_wait3A_213 = tpu.memref_slice %arg4[%add3A_211, %dma_wait3A_212] : memref<16000x80xi32, #tpu.memory_space<hbm>> -> memref<1x80xi32, #tpu.memory_space<hbm>>
      %dma_wait3A_214 = arith.constant 0 : i32
      %dma_wait3A_215 = tpu.memref_slice %arg4[%add3A_211, %dma_wait3A_214] : memref<16000x80xi32, #tpu.memory_space<hbm>> -> memref<1x80xi32, #tpu.memory_space<hbm>>
      tpu.wait_dma2 semaphore(%arg20 : memref<!tpu.dma_semaphore, #tpu.memory_space<semaphore_mem>>) src(%dma_wait3A_215 : memref<1x80xi32, #tpu.memory_space<hbm>>) dst(%arg13 : memref<1x80xi32, #tpu.memory_space<vmem>>)
      %dma_start3A_216 = arith.constant 0 : i32
      %dma_start3A_217 = arith.constant 0 : i32
      %dma_start3A_218 = tpu.memref_slice %arg11[%dma_start3A_216, %dma_start3A_217] : memref<1x80xi32, #tpu.memory_space<vmem>> -> memref<1x80xi32, #tpu.memory_space<vmem>>
      %dma_start3A_219 = tpu.memref_squeeze %dma_start3A_218 : memref<1x80xi32, #tpu.memory_space<vmem>> -> memref<80xi32, #tpu.memory_space<vmem>>
      %dma_start3A_220 = arith.constant 0 : i32
      %dma_start3A_221 = tpu.memref_slice %arg2[%dma_start3A_220] : memref<104857600xf32, #tpu.memory_space<hbm>> -> memref<104857600xf32, #tpu.memory_space<hbm>>
      tpu.enqueue_indirect_dma source(%dma_start3A_221 : memref<104857600xf32, #tpu.memory_space<hbm>>) target(%arg15 : memref<80xf32, #tpu.memory_space<vmem>>) offsets(%dma_start3A_219 : memref<80xi32, #tpu.memory_space<vmem>>) semaphore(%arg22 : memref<!tpu.dma_semaphore, #tpu.memory_space<semaphore_mem>>)
      %dma_start3A_222 = arith.constant 0 : i32
      %dma_start3A_223 = arith.constant 0 : i32
      %dma_start3A_224 = tpu.memref_slice %arg13[%dma_start3A_222, %dma_start3A_223] : memref<1x80xi32, #tpu.memory_space<vmem>> -> memref<1x80xi32, #tpu.memory_space<vmem>>
      %dma_start3A_225 = tpu.memref_squeeze %dma_start3A_224 : memref<1x80xi32, #tpu.memory_space<vmem>> -> memref<80xi32, #tpu.memory_space<vmem>>
      %dma_start3A_226 = arith.constant 0 : i32
      %dma_start3A_227 = arith.constant 0 : i32
      %dma_start3A_228 = tpu.memref_slice %arg3[%dma_start3A_226, %dma_start3A_227] : memref<40000x128xf32, #tpu.memory_space<hbm>> -> memref<40000x128xf32, #tpu.memory_space<hbm>>
      tpu.enqueue_indirect_dma source(%dma_start3A_228 : memref<40000x128xf32, #tpu.memory_space<hbm>>) target(%arg17 : memref<80x128xf32, #tpu.memory_space<vmem>>) offsets(%dma_start3A_225 : memref<80xi32, #tpu.memory_space<vmem>>) semaphore(%arg22 : memref<!tpu.dma_semaphore, #tpu.memory_space<semaphore_mem>>)
      %dma_wait3A_229 = arith.constant 0 : i32
      %dma_wait3A_230 = arith.constant 0 : i32
      %dma_wait3A_231 = tpu.memref_slice %arg10[%dma_wait3A_229, %dma_wait3A_230] : memref<1x80xi32, #tpu.memory_space<vmem>> -> memref<1x80xi32, #tpu.memory_space<vmem>>
      %dma_wait3A_232 = tpu.memref_squeeze %dma_wait3A_231 : memref<1x80xi32, #tpu.memory_space<vmem>> -> memref<80xi32, #tpu.memory_space<vmem>>
      %dma_wait3A_233 = arith.constant 0 : i32
      %dma_wait3A_234 = tpu.memref_slice %arg2[%dma_wait3A_233] : memref<104857600xf32, #tpu.memory_space<hbm>> -> memref<104857600xf32, #tpu.memory_space<hbm>>
      tpu.wait_indirect_dma semaphore(%arg21 : memref<!tpu.dma_semaphore, #tpu.memory_space<semaphore_mem>>) src(%dma_wait3A_234 : memref<104857600xf32, #tpu.memory_space<hbm>>) dst(%arg14 : memref<80xf32, #tpu.memory_space<vmem>>)
      %dma_wait3A_235 = arith.constant 0 : i32
      %dma_wait3A_236 = arith.constant 0 : i32
      %dma_wait3A_237 = tpu.memref_slice %arg12[%dma_wait3A_235, %dma_wait3A_236] : memref<1x80xi32, #tpu.memory_space<vmem>> -> memref<1x80xi32, #tpu.memory_space<vmem>>
      %dma_wait3A_238 = tpu.memref_squeeze %dma_wait3A_237 : memref<1x80xi32, #tpu.memory_space<vmem>> -> memref<80xi32, #tpu.memory_space<vmem>>
      %dma_wait3A_239 = arith.constant 0 : i32
      %dma_wait3A_240 = arith.constant 0 : i32
      %dma_wait3A_241 = tpu.memref_slice %arg3[%dma_wait3A_239, %dma_wait3A_240] : memref<40000x128xf32, #tpu.memory_space<hbm>> -> memref<40000x128xf32, #tpu.memory_space<hbm>>
      tpu.wait_indirect_dma semaphore(%arg21 : memref<!tpu.dma_semaphore, #tpu.memory_space<semaphore_mem>>) src(%dma_wait3A_241 : memref<40000x128xf32, #tpu.memory_space<hbm>>) dst(%arg16 : memref<80x128xf32, #tpu.memory_space<vmem>>)
      %lt3A = arith.constant 124 : i32
      %lt3A_242 = arith.cmpi slt, %add3A_197, %lt3A : i32
      %convert_element_type3A_243 = arith.extui %lt3A_242 : i1 to i32
      %cond3A_244 = arith.constant 0 : i32
      %cond3A_245 = arith.cmpi ne, %convert_element_type3A_243, %cond3A_244 : i32
      scf.if %cond3A_245 {
        %add3A_338 = arith.constant 2 : i32
        %add3A_339 = arith.addi %mul3A_199, %add3A_338 : i32
        %add3A_340 = arith.addi %mul3A_98, %add3A_339 : i32
        %dma_start3A_341 = arith.constant 0 : i32
        %dma_start3A_342 = tpu.memref_slice %arg6[%add3A_340, %dma_start3A_341] : memref<4000x80xi32, #tpu.memory_space<hbm>> -> memref<1x80xi32, #tpu.memory_space<hbm>>
        %dma_start3A_343 = arith.constant 0 : i32
        %dma_start3A_344 = tpu.memref_slice %arg6[%add3A_340, %dma_start3A_343] : memref<4000x80xi32, #tpu.memory_space<hbm>> -> memref<1x80xi32, #tpu.memory_space<hbm>>
        tpu.enqueue_dma source(%dma_start3A_344 : memref<1x80xi32, #tpu.memory_space<hbm>>) target(%arg10 : memref<1x80xi32, #tpu.memory_space<vmem>>) target_semaphore(%arg19 : memref<!tpu.dma_semaphore, #tpu.memory_space<semaphore_mem>>)
        %add3A_345 = arith.addi %mul3A_103, %add3A_339 : i32
        %dma_start3A_346 = arith.constant 0 : i32
        %dma_start3A_347 = tpu.memref_slice %arg4[%add3A_345, %dma_start3A_346] : memref<16000x80xi32, #tpu.memory_space<hbm>> -> memref<1x80xi32, #tpu.memory_space<hbm>>
        %dma_start3A_348 = arith.constant 0 : i32
        %dma_start3A_349 = tpu.memref_slice %arg4[%add3A_345, %dma_start3A_348] : memref<16000x80xi32, #tpu.memory_space<hbm>> -> memref<1x80xi32, #tpu.memory_space<hbm>>
        tpu.enqueue_dma source(%dma_start3A_349 : memref<1x80xi32, #tpu.memory_space<hbm>>) target(%arg12 : memref<1x80xi32, #tpu.memory_space<vmem>>) target_semaphore(%arg19 : memref<!tpu.dma_semaphore, #tpu.memory_space<semaphore_mem>>)
      } else {
      }
      %get3A = arith.constant 0 : index
      %get3A_246 = tpu.vector_load %arg14[%get3A] {strides = array<i32>} : memref<80xf32, #tpu.memory_space<vmem>>, vector<16xf32>,
      %exp3A = math.exp %get3A_246 : vector<16xf32>
      %swap3A = arith.constant 0 : index
      %swap3A_247 = tpu.vector_load %arg14[%swap3A] {strides = array<i32>} : memref<80xf32, #tpu.memory_space<vmem>>, vector<16xf32>,
      tpu.vector_store %arg14[%swap3A], %exp3A {strides = array<i32>} : memref<80xf32, #tpu.memory_space<vmem>>, vector<16xf32>,
      %get3A_248 = arith.constant 16 : index
      %get3A_249 = tpu.vector_load %arg14[%get3A_248] {strides = array<i32>} : memref<80xf32, #tpu.memory_space<vmem>>, vector<16xf32>,
      %exp3A_250 = math.exp %get3A_249 : vector<16xf32>
      %swap3A_251 = arith.constant 16 : index
      %swap3A_252 = tpu.vector_load %arg14[%swap3A_251] {strides = array<i32>} : memref<80xf32, #tpu.memory_space<vmem>>, vector<16xf32>,
      tpu.vector_store %arg14[%swap3A_251], %exp3A_250 {strides = array<i32>} : memref<80xf32, #tpu.memory_space<vmem>>, vector<16xf32>,
      %get3A_253 = arith.constant 32 : index
      %get3A_254 = tpu.vector_load %arg14[%get3A_253] {strides = array<i32>} : memref<80xf32, #tpu.memory_space<vmem>>, vector<16xf32>,
      %exp3A_255 = math.exp %get3A_254 : vector<16xf32>
      %swap3A_256 = arith.constant 32 : index
      %swap3A_257 = tpu.vector_load %arg14[%swap3A_256] {strides = array<i32>} : memref<80xf32, #tpu.memory_space<vmem>>, vector<16xf32>,
      tpu.vector_store %arg14[%swap3A_256], %exp3A_255 {strides = array<i32>} : memref<80xf32, #tpu.memory_space<vmem>>, vector<16xf32>,
      %get3A_258 = arith.constant 48 : index
      %get3A_259 = tpu.vector_load %arg14[%get3A_258] {strides = array<i32>} : memref<80xf32, #tpu.memory_space<vmem>>, vector<16xf32>,
      %exp3A_260 = math.exp %get3A_259 : vector<16xf32>
      %swap3A_261 = arith.constant 48 : index
      %swap3A_262 = tpu.vector_load %arg14[%swap3A_261] {strides = array<i32>} : memref<80xf32, #tpu.memory_space<vmem>>, vector<16xf32>,
      tpu.vector_store %arg14[%swap3A_261], %exp3A_260 {strides = array<i32>} : memref<80xf32, #tpu.memory_space<vmem>>, vector<16xf32>,
      %get3A_263 = arith.constant 64 : index
      %get3A_264 = tpu.vector_load %arg14[%get3A_263] {strides = array<i32>} : memref<80xf32, #tpu.memory_space<vmem>>, vector<16xf32>,
      %exp3A_265 = math.exp %get3A_264 : vector<16xf32>
      %swap3A_266 = arith.constant 64 : index
      %swap3A_267 = tpu.vector_load %arg14[%swap3A_266] {strides = array<i32>} : memref<80xf32, #tpu.memory_space<vmem>>, vector<16xf32>,
      tpu.vector_store %arg14[%swap3A_266], %exp3A_265 {strides = array<i32>} : memref<80xf32, #tpu.memory_space<vmem>>, vector<16xf32>,
      %scan3A_268 = arith.constant 0 : i32
      %scan3A_269 = arith.constant 80 : i32
      %scan3A_270 = arith.addi %scan3A_268, %scan3A_269 : i32
      %scan3A_271 = arith.constant 1 : i32
      scf.for %scan3A_338 = %scan3A_268 to %scan3A_270 step %scan3A_271  : i32 {
        %mul3A_339 = arith.constant 1 : i32
        %mul3A_340 = arith.muli %scan3A_338, %mul3A_339 : i32
        %add3A_341 = arith.constant 0 : i32
        %add3A_342 = arith.addi %add3A_341, %mul3A_340 : i32
        %broadcast_in_dim3A = vector.broadcast %add3A_342 : i32 to vector<16xi32>
        %gather3A = tpu.vector_load_idx %arg14[%broadcast_in_dim3A] : memref<80xf32, #tpu.memory_space<vmem>>[vector<16xi32>], vector<16xf32>,
        %get3A_343 = arith.index_cast %add3A_342 : i32 to index
        %get3A_344 = arith.constant 0 : index
        %get3A_345 = tpu.vector_load %arg16[%get3A_343, %get3A_344] {strides = array<i32>} : memref<80x128xf32, #tpu.memory_space<vmem>>, vector<16xf32>,
        %mul3A_346 = arith.mulf %get3A_345, %gather3A : vector<16xf32>
        %swap3A_347 = arith.index_cast %add3A_342 : i32 to index
        %swap3A_348 = arith.constant 0 : index
        %swap3A_349 = tpu.vector_load %arg16[%swap3A_347, %swap3A_348] {strides = array<i32>} : memref<80x128xf32, #tpu.memory_space<vmem>>, vector<16xf32>,
        tpu.vector_store %arg16[%swap3A_347, %swap3A_348], %mul3A_346 {strides = array<i32>} : memref<80x128xf32, #tpu.memory_space<vmem>>, vector<16xf32>,
        %get3A_350 = arith.index_cast %add3A_342 : i32 to index
        %get3A_351 = arith.constant 16 : index
        %get3A_352 = tpu.vector_load %arg16[%get3A_350, %get3A_351] {strides = array<i32>} : memref<80x128xf32, #tpu.memory_space<vmem>>, vector<16xf32>,
        %mul3A_353 = arith.mulf %get3A_352, %gather3A : vector<16xf32>
        %swap3A_354 = arith.index_cast %add3A_342 : i32 to index
        %swap3A_355 = arith.constant 16 : index
        %swap3A_356 = tpu.vector_load %arg16[%swap3A_354, %swap3A_355] {strides = array<i32>} : memref<80x128xf32, #tpu.memory_space<vmem>>, vector<16xf32>,
        tpu.vector_store %arg16[%swap3A_354, %swap3A_355], %mul3A_353 {strides = array<i32>} : memref<80x128xf32, #tpu.memory_space<vmem>>, vector<16xf32>,
        %get3A_357 = arith.index_cast %add3A_342 : i32 to index
        %get3A_358 = arith.constant 32 : index
        %get3A_359 = tpu.vector_load %arg16[%get3A_357, %get3A_358] {strides = array<i32>} : memref<80x128xf32, #tpu.memory_space<vmem>>, vector<16xf32>,
        %mul3A_360 = arith.mulf %get3A_359, %gather3A : vector<16xf32>
        %swap3A_361 = arith.index_cast %add3A_342 : i32 to index
        %swap3A_362 = arith.constant 32 : index
        %swap3A_363 = tpu.vector_load %arg16[%swap3A_361, %swap3A_362] {strides = array<i32>} : memref<80x128xf32, #tpu.memory_space<vmem>>, vector<16xf32>,
        tpu.vector_store %arg16[%swap3A_361, %swap3A_362], %mul3A_360 {strides = array<i32>} : memref<80x128xf32, #tpu.memory_space<vmem>>, vector<16xf32>,
        %get3A_364 = arith.index_cast %add3A_342 : i32 to index
        %get3A_365 = arith.constant 48 : index
        %get3A_366 = tpu.vector_load %arg16[%get3A_364, %get3A_365] {strides = array<i32>} : memref<80x128xf32, #tpu.memory_space<vmem>>, vector<16xf32>,
        %mul3A_367 = arith.mulf %get3A_366, %gather3A : vector<16xf32>
        %swap3A_368 = arith.index_cast %add3A_342 : i32 to index
        %swap3A_369 = arith.constant 48 : index
        %swap3A_370 = tpu.vector_load %arg16[%swap3A_368, %swap3A_369] {strides = array<i32>} : memref<80x128xf32, #tpu.memory_space<vmem>>, vector<16xf32>,
        tpu.vector_store %arg16[%swap3A_368, %swap3A_369], %mul3A_367 {strides = array<i32>} : memref<80x128xf32, #tpu.memory_space<vmem>>, vector<16xf32>,
        %get3A_371 = arith.index_cast %add3A_342 : i32 to index
        %get3A_372 = arith.constant 64 : index
        %get3A_373 = tpu.vector_load %arg16[%get3A_371, %get3A_372] {strides = array<i32>} : memref<80x128xf32, #tpu.memory_space<vmem>>, vector<16xf32>,
        %mul3A_374 = arith.mulf %get3A_373, %gather3A : vector<16xf32>
        %swap3A_375 = arith.index_cast %add3A_342 : i32 to index
        %swap3A_376 = arith.constant 64 : index
        %swap3A_377 = tpu.vector_load %arg16[%swap3A_375, %swap3A_376] {strides = array<i32>} : memref<80x128xf32, #tpu.memory_space<vmem>>, vector<16xf32>,
        tpu.vector_store %arg16[%swap3A_375, %swap3A_376], %mul3A_374 {strides = array<i32>} : memref<80x128xf32, #tpu.memory_space<vmem>>, vector<16xf32>,
        %get3A_378 = arith.index_cast %add3A_342 : i32 to index
        %get3A_379 = arith.constant 80 : index
        %get3A_380 = tpu.vector_load %arg16[%get3A_378, %get3A_379] {strides = array<i32>} : memref<80x128xf32, #tpu.memory_space<vmem>>, vector<16xf32>,
        %mul3A_381 = arith.mulf %get3A_380, %gather3A : vector<16xf32>
        %swap3A_382 = arith.index_cast %add3A_342 : i32 to index
        %swap3A_383 = arith.constant 80 : index
        %swap3A_384 = tpu.vector_load %arg16[%swap3A_382, %swap3A_383] {strides = array<i32>} : memref<80x128xf32, #tpu.memory_space<vmem>>, vector<16xf32>,
        tpu.vector_store %arg16[%swap3A_382, %swap3A_383], %mul3A_381 {strides = array<i32>} : memref<80x128xf32, #tpu.memory_space<vmem>>, vector<16xf32>,
        %get3A_385 = arith.index_cast %add3A_342 : i32 to index
        %get3A_386 = arith.constant 96 : index
        %get3A_387 = tpu.vector_load %arg16[%get3A_385, %get3A_386] {strides = array<i32>} : memref<80x128xf32, #tpu.memory_space<vmem>>, vector<16xf32>,
        %mul3A_388 = arith.mulf %get3A_387, %gather3A : vector<16xf32>
        %swap3A_389 = arith.index_cast %add3A_342 : i32 to index
        %swap3A_390 = arith.constant 96 : index
        %swap3A_391 = tpu.vector_load %arg16[%swap3A_389, %swap3A_390] {strides = array<i32>} : memref<80x128xf32, #tpu.memory_space<vmem>>, vector<16xf32>,
        tpu.vector_store %arg16[%swap3A_389, %swap3A_390], %mul3A_388 {strides = array<i32>} : memref<80x128xf32, #tpu.memory_space<vmem>>, vector<16xf32>,
        %get3A_392 = arith.index_cast %add3A_342 : i32 to index
        %get3A_393 = arith.constant 112 : index
        %get3A_394 = tpu.vector_load %arg16[%get3A_392, %get3A_393] {strides = array<i32>} : memref<80x128xf32, #tpu.memory_space<vmem>>, vector<16xf32>,
        %mul3A_395 = arith.mulf %get3A_394, %gather3A : vector<16xf32>
        %swap3A_396 = arith.index_cast %add3A_342 : i32 to index
        %swap3A_397 = arith.constant 112 : index
        %swap3A_398 = tpu.vector_load %arg16[%swap3A_396, %swap3A_397] {strides = array<i32>} : memref<80x128xf32, #tpu.memory_space<vmem>>, vector<16xf32>,
        tpu.vector_store %arg16[%swap3A_396, %swap3A_397], %mul3A_395 {strides = array<i32>} : memref<80x128xf32, #tpu.memory_space<vmem>>, vector<16xf32>,
      }
      %scan3A_272 = arith.constant 80 : i32
      %dma_start3A_273 = arith.constant 0 : i32
      %dma_start3A_274 = tpu.memref_slice %arg9[%mul3A_199, %dma_start3A_273] : memref<250x80xi32, #tpu.memory_space<vmem>> -> memref<1x80xi32, #tpu.memory_space<vmem>>
      %dma_start3A_275 = tpu.memref_squeeze %dma_start3A_274 : memref<1x80xi32, #tpu.memory_space<vmem>> -> memref<80xi32, #tpu.memory_space<vmem>>
      %dma_start3A_276 = arith.constant 0 : i32
      %dma_start3A_277 = arith.constant 0 : i32
      %dma_start3A_278 = tpu.memref_slice %arg18[%dma_start3A_276, %dma_start3A_277] : memref<10000x128xf32, #tpu.memory_space<vmem_shared>> -> memref<10000x128xf32, #tpu.memory_space<vmem_shared>>
      tpu.enqueue_indirect_dma source(%arg16 : memref<80x128xf32, #tpu.memory_space<vmem>>) target(%dma_start3A_278 : memref<10000x128xf32, #tpu.memory_space<vmem_shared>>) offsets(%dma_start3A_275 : memref<80xi32, #tpu.memory_space<vmem>>) semaphore(%arg23 : memref<!tpu.dma_semaphore, #tpu.memory_space<semaphore_mem>>) {add = true}
      %lt3A_279 = arith.constant 124 : i32
      %lt3A_280 = arith.cmpi slt, %add3A_197, %lt3A_279 : i32
      %convert_element_type3A_281 = arith.extui %lt3A_280 : i1 to i32
      %cond3A_282 = arith.constant 0 : i32
      %cond3A_283 = arith.cmpi ne, %convert_element_type3A_281, %cond3A_282 : i32
      scf.if %cond3A_283 {
        %dma_wait3A_338 = arith.constant 0 : i32
        %dma_wait3A_339 = tpu.memref_slice %arg9[%mul3A_199, %dma_wait3A_338] : memref<250x80xi32, #tpu.memory_space<vmem>> -> memref<1x80xi32, #tpu.memory_space<vmem>>
        %dma_wait3A_340 = tpu.memref_squeeze %dma_wait3A_339 : memref<1x80xi32, #tpu.memory_space<vmem>> -> memref<80xi32, #tpu.memory_space<vmem>>
        %dma_wait3A_341 = arith.constant 0 : i32
        %dma_wait3A_342 = arith.constant 0 : i32
        %dma_wait3A_343 = tpu.memref_slice %arg18[%dma_wait3A_341, %dma_wait3A_342] : memref<10000x128xf32, #tpu.memory_space<vmem_shared>> -> memref<10000x128xf32, #tpu.memory_space<vmem_shared>>
        tpu.wait_indirect_dma semaphore(%arg23 : memref<!tpu.dma_semaphore, #tpu.memory_space<semaphore_mem>>) src(%arg16 : memref<80x128xf32, #tpu.memory_space<vmem>>) dst(%dma_wait3A_343 : memref<10000x128xf32, #tpu.memory_space<vmem_shared>>)
        %add3A_344 = arith.constant 2 : i32
        %add3A_345 = arith.addi %mul3A_199, %add3A_344 : i32
        %add3A_346 = arith.addi %mul3A_98, %add3A_345 : i32
        %dma_wait3A_347 = arith.constant 0 : i32
        %dma_wait3A_348 = tpu.memref_slice %arg6[%add3A_346, %dma_wait3A_347] : memref<4000x80xi32, #tpu.memory_space<hbm>> -> memref<1x80xi32, #tpu.memory_space<hbm>>
        %dma_wait3A_349 = arith.constant 0 : i32
        %dma_wait3A_350 = tpu.memref_slice %arg6[%add3A_346, %dma_wait3A_349] : memref<4000x80xi32, #tpu.memory_space<hbm>> -> memref<1x80xi32, #tpu.memory_space<hbm>>
        tpu.wait_dma2 semaphore(%arg19 : memref<!tpu.dma_semaphore, #tpu.memory_space<semaphore_mem>>) src(%dma_wait3A_350 : memref<1x80xi32, #tpu.memory_space<hbm>>) dst(%arg10 : memref<1x80xi32, #tpu.memory_space<vmem>>)
        %add3A_351 = arith.addi %mul3A_103, %add3A_345 : i32
        %dma_wait3A_352 = arith.constant 0 : i32
        %dma_wait3A_353 = tpu.memref_slice %arg4[%add3A_351, %dma_wait3A_352] : memref<16000x80xi32, #tpu.memory_space<hbm>> -> memref<1x80xi32, #tpu.memory_space<hbm>>
        %dma_wait3A_354 = arith.constant 0 : i32
        %dma_wait3A_355 = tpu.memref_slice %arg4[%add3A_351, %dma_wait3A_354] : memref<16000x80xi32, #tpu.memory_space<hbm>> -> memref<1x80xi32, #tpu.memory_space<hbm>>
        tpu.wait_dma2 semaphore(%arg19 : memref<!tpu.dma_semaphore, #tpu.memory_space<semaphore_mem>>) src(%dma_wait3A_355 : memref<1x80xi32, #tpu.memory_space<hbm>>) dst(%arg12 : memref<1x80xi32, #tpu.memory_space<vmem>>)
        %dma_start3A_356 = arith.constant 0 : i32
        %dma_start3A_357 = arith.constant 0 : i32
        %dma_start3A_358 = tpu.memref_slice %arg10[%dma_start3A_356, %dma_start3A_357] : memref<1x80xi32, #tpu.memory_space<vmem>> -> memref<1x80xi32, #tpu.memory_space<vmem>>
        %dma_start3A_359 = tpu.memref_squeeze %dma_start3A_358 : memref<1x80xi32, #tpu.memory_space<vmem>> -> memref<80xi32, #tpu.memory_space<vmem>>
        %dma_start3A_360 = arith.constant 0 : i32
        %dma_start3A_361 = tpu.memref_slice %arg2[%dma_start3A_360] : memref<104857600xf32, #tpu.memory_space<hbm>> -> memref<104857600xf32, #tpu.memory_space<hbm>>
        tpu.enqueue_indirect_dma source(%dma_start3A_361 : memref<104857600xf32, #tpu.memory_space<hbm>>) target(%arg14 : memref<80xf32, #tpu.memory_space<vmem>>) offsets(%dma_start3A_359 : memref<80xi32, #tpu.memory_space<vmem>>) semaphore(%arg21 : memref<!tpu.dma_semaphore, #tpu.memory_space<semaphore_mem>>)
        %dma_start3A_362 = arith.constant 0 : i32
        %dma_start3A_363 = arith.constant 0 : i32
        %dma_start3A_364 = tpu.memref_slice %arg12[%dma_start3A_362, %dma_start3A_363] : memref<1x80xi32, #tpu.memory_space<vmem>> -> memref<1x80xi32, #tpu.memory_space<vmem>>
        %dma_start3A_365 = tpu.memref_squeeze %dma_start3A_364 : memref<1x80xi32, #tpu.memory_space<vmem>> -> memref<80xi32, #tpu.memory_space<vmem>>
        %dma_start3A_366 = arith.constant 0 : i32
        %dma_start3A_367 = arith.constant 0 : i32
        %dma_start3A_368 = tpu.memref_slice %arg3[%dma_start3A_366, %dma_start3A_367] : memref<40000x128xf32, #tpu.memory_space<hbm>> -> memref<40000x128xf32, #tpu.memory_space<hbm>>
        tpu.enqueue_indirect_dma source(%dma_start3A_368 : memref<40000x128xf32, #tpu.memory_space<hbm>>) target(%arg16 : memref<80x128xf32, #tpu.memory_space<vmem>>) offsets(%dma_start3A_365 : memref<80xi32, #tpu.memory_space<vmem>>) semaphore(%arg21 : memref<!tpu.dma_semaphore, #tpu.memory_space<semaphore_mem>>)
      } else {
      }
      %dma_wait3A_284 = arith.constant 0 : i32
      %dma_wait3A_285 = arith.constant 0 : i32
      %dma_wait3A_286 = tpu.memref_slice %arg11[%dma_wait3A_284, %dma_wait3A_285] : memref<1x80xi32, #tpu.memory_space<vmem>> -> memref<1x80xi32, #tpu.memory_space<vmem>>
      %dma_wait3A_287 = tpu.memref_squeeze %dma_wait3A_286 : memref<1x80xi32, #tpu.memory_space<vmem>> -> memref<80xi32, #tpu.memory_space<vmem>>
      %dma_wait3A_288 = arith.constant 0 : i32
      %dma_wait3A_289 = tpu.memref_slice %arg2[%dma_wait3A_288] : memref<104857600xf32, #tpu.memory_space<hbm>> -> memref<104857600xf32, #tpu.memory_space<hbm>>
      tpu.wait_indirect_dma semaphore(%arg22 : memref<!tpu.dma_semaphore, #tpu.memory_space<semaphore_mem>>) src(%dma_wait3A_289 : memref<104857600xf32, #tpu.memory_space<hbm>>) dst(%arg15 : memref<80xf32, #tpu.memory_space<vmem>>)
      %dma_wait3A_290 = arith.constant 0 : i32
      %dma_wait3A_291 = arith.constant 0 : i32
      %dma_wait3A_292 = tpu.memref_slice %arg13[%dma_wait3A_290, %dma_wait3A_291] : memref<1x80xi32, #tpu.memory_space<vmem>> -> memref<1x80xi32, #tpu.memory_space<vmem>>
      %dma_wait3A_293 = tpu.memref_squeeze %dma_wait3A_292 : memref<1x80xi32, #tpu.memory_space<vmem>> -> memref<80xi32, #tpu.memory_space<vmem>>
      %dma_wait3A_294 = arith.constant 0 : i32
      %dma_wait3A_295 = arith.constant 0 : i32
      %dma_wait3A_296 = tpu.memref_slice %arg3[%dma_wait3A_294, %dma_wait3A_295] : memref<40000x128xf32, #tpu.memory_space<hbm>> -> memref<40000x128xf32, #tpu.memory_space<hbm>>
      tpu.wait_indirect_dma semaphore(%arg22 : memref<!tpu.dma_semaphore, #tpu.memory_space<semaphore_mem>>) src(%dma_wait3A_296 : memref<40000x128xf32, #tpu.memory_space<hbm>>) dst(%arg17 : memref<80x128xf32, #tpu.memory_space<vmem>>)
      %lt3A_297 = arith.constant 124 : i32
      %lt3A_298 = arith.cmpi slt, %add3A_197, %lt3A_297 : i32
      %convert_element_type3A_299 = arith.extui %lt3A_298 : i1 to i32
      %cond3A_300 = arith.constant 0 : i32
      %cond3A_301 = arith.cmpi ne, %convert_element_type3A_299, %cond3A_300 : i32
      scf.if %cond3A_301 {
        %add3A_338 = arith.constant 2 : i32
        %add3A_339 = arith.addi %add3A_201, %add3A_338 : i32
        %add3A_340 = arith.addi %mul3A_98, %add3A_339 : i32
        %dma_start3A_341 = arith.constant 0 : i32
        %dma_start3A_342 = tpu.memref_slice %arg6[%add3A_340, %dma_start3A_341] : memref<4000x80xi32, #tpu.memory_space<hbm>> -> memref<1x80xi32, #tpu.memory_space<hbm>>
        %dma_start3A_343 = arith.constant 0 : i32
        %dma_start3A_344 = tpu.memref_slice %arg6[%add3A_340, %dma_start3A_343] : memref<4000x80xi32, #tpu.memory_space<hbm>> -> memref<1x80xi32, #tpu.memory_space<hbm>>
        tpu.enqueue_dma source(%dma_start3A_344 : memref<1x80xi32, #tpu.memory_space<hbm>>) target(%arg11 : memref<1x80xi32, #tpu.memory_space<vmem>>) target_semaphore(%arg20 : memref<!tpu.dma_semaphore, #tpu.memory_space<semaphore_mem>>)
        %add3A_345 = arith.addi %mul3A_103, %add3A_339 : i32
        %dma_start3A_346 = arith.constant 0 : i32
        %dma_start3A_347 = tpu.memref_slice %arg4[%add3A_345, %dma_start3A_346] : memref<16000x80xi32, #tpu.memory_space<hbm>> -> memref<1x80xi32, #tpu.memory_space<hbm>>
        %dma_start3A_348 = arith.constant 0 : i32
        %dma_start3A_349 = tpu.memref_slice %arg4[%add3A_345, %dma_start3A_348] : memref<16000x80xi32, #tpu.memory_space<hbm>> -> memref<1x80xi32, #tpu.memory_space<hbm>>
        tpu.enqueue_dma source(%dma_start3A_349 : memref<1x80xi32, #tpu.memory_space<hbm>>) target(%arg13 : memref<1x80xi32, #tpu.memory_space<vmem>>) target_semaphore(%arg20 : memref<!tpu.dma_semaphore, #tpu.memory_space<semaphore_mem>>)
      } else {
      }
      %get3A_302 = arith.constant 0 : index
      %get3A_303 = tpu.vector_load %arg15[%get3A_302] {strides = array<i32>} : memref<80xf32, #tpu.memory_space<vmem>>, vector<16xf32>,
      %exp3A_304 = math.exp %get3A_303 : vector<16xf32>
      %swap3A_305 = arith.constant 0 : index
      %swap3A_306 = tpu.vector_load %arg15[%swap3A_305] {strides = array<i32>} : memref<80xf32, #tpu.memory_space<vmem>>, vector<16xf32>,
      tpu.vector_store %arg15[%swap3A_305], %exp3A_304 {strides = array<i32>} : memref<80xf32, #tpu.memory_space<vmem>>, vector<16xf32>,
      %get3A_307 = arith.constant 16 : index
      %get3A_308 = tpu.vector_load %arg15[%get3A_307] {strides = array<i32>} : memref<80xf32, #tpu.memory_space<vmem>>, vector<16xf32>,
      %exp3A_309 = math.exp %get3A_308 : vector<16xf32>
      %swap3A_310 = arith.constant 16 : index
      %swap3A_311 = tpu.vector_load %arg15[%swap3A_310] {strides = array<i32>} : memref<80xf32, #tpu.memory_space<vmem>>, vector<16xf32>,
      tpu.vector_store %arg15[%swap3A_310], %exp3A_309 {strides = array<i32>} : memref<80xf32, #tpu.memory_space<vmem>>, vector<16xf32>,
      %get3A_312 = arith.constant 32 : index
      %get3A_313 = tpu.vector_load %arg15[%get3A_312] {strides = array<i32>} : memref<80xf32, #tpu.memory_space<vmem>>, vector<16xf32>,
      %exp3A_314 = math.exp %get3A_313 : vector<16xf32>
      %swap3A_315 = arith.constant 32 : index
      %swap3A_316 = tpu.vector_load %arg15[%swap3A_315] {strides = array<i32>} : memref<80xf32, #tpu.memory_space<vmem>>, vector<16xf32>,
      tpu.vector_store %arg15[%swap3A_315], %exp3A_314 {strides = array<i32>} : memref<80xf32, #tpu.memory_space<vmem>>, vector<16xf32>,
      %get3A_317 = arith.constant 48 : index
      %get3A_318 = tpu.vector_load %arg15[%get3A_317] {strides = array<i32>} : memref<80xf32, #tpu.memory_space<vmem>>, vector<16xf32>,
      %exp3A_319 = math.exp %get3A_318 : vector<16xf32>
      %swap3A_320 = arith.constant 48 : index
      %swap3A_321 = tpu.vector_load %arg15[%swap3A_320] {strides = array<i32>} : memref<80xf32, #tpu.memory_space<vmem>>, vector<16xf32>,
      tpu.vector_store %arg15[%swap3A_320], %exp3A_319 {strides = array<i32>} : memref<80xf32, #tpu.memory_space<vmem>>, vector<16xf32>,
      %get3A_322 = arith.constant 64 : index
      %get3A_323 = tpu.vector_load %arg15[%get3A_322] {strides = array<i32>} : memref<80xf32, #tpu.memory_space<vmem>>, vector<16xf32>,
      %exp3A_324 = math.exp %get3A_323 : vector<16xf32>
      %swap3A_325 = arith.constant 64 : index
      %swap3A_326 = tpu.vector_load %arg15[%swap3A_325] {strides = array<i32>} : memref<80xf32, #tpu.memory_space<vmem>>, vector<16xf32>,
      tpu.vector_store %arg15[%swap3A_325], %exp3A_324 {strides = array<i32>} : memref<80xf32, #tpu.memory_space<vmem>>, vector<16xf32>,
      %scan3A_327 = arith.constant 0 : i32
      %scan3A_328 = arith.constant 80 : i32
      %scan3A_329 = arith.addi %scan3A_327, %scan3A_328 : i32
      %scan3A_330 = arith.constant 1 : i32
      scf.for %scan3A_338 = %scan3A_327 to %scan3A_329 step %scan3A_330  : i32 {
        %mul3A_339 = arith.constant 1 : i32
        %mul3A_340 = arith.muli %scan3A_338, %mul3A_339 : i32
        %add3A_341 = arith.constant 0 : i32
        %add3A_342 = arith.addi %add3A_341, %mul3A_340 : i32
        %broadcast_in_dim3A = vector.broadcast %add3A_342 : i32 to vector<16xi32>
        %gather3A = tpu.vector_load_idx %arg15[%broadcast_in_dim3A] : memref<80xf32, #tpu.memory_space<vmem>>[vector<16xi32>], vector<16xf32>,
        %get3A_343 = arith.index_cast %add3A_342 : i32 to index
        %get3A_344 = arith.constant 0 : index
        %get3A_345 = tpu.vector_load %arg17[%get3A_343, %get3A_344] {strides = array<i32>} : memref<80x128xf32, #tpu.memory_space<vmem>>, vector<16xf32>,
        %mul3A_346 = arith.mulf %get3A_345, %gather3A : vector<16xf32>
        %swap3A_347 = arith.index_cast %add3A_342 : i32 to index
        %swap3A_348 = arith.constant 0 : index
        %swap3A_349 = tpu.vector_load %arg17[%swap3A_347, %swap3A_348] {strides = array<i32>} : memref<80x128xf32, #tpu.memory_space<vmem>>, vector<16xf32>,
        tpu.vector_store %arg17[%swap3A_347, %swap3A_348], %mul3A_346 {strides = array<i32>} : memref<80x128xf32, #tpu.memory_space<vmem>>, vector<16xf32>,
        %get3A_350 = arith.index_cast %add3A_342 : i32 to index
        %get3A_351 = arith.constant 16 : index
        %get3A_352 = tpu.vector_load %arg17[%get3A_350, %get3A_351] {strides = array<i32>} : memref<80x128xf32, #tpu.memory_space<vmem>>, vector<16xf32>,
        %mul3A_353 = arith.mulf %get3A_352, %gather3A : vector<16xf32>
        %swap3A_354 = arith.index_cast %add3A_342 : i32 to index
        %swap3A_355 = arith.constant 16 : index
        %swap3A_356 = tpu.vector_load %arg17[%swap3A_354, %swap3A_355] {strides = array<i32>} : memref<80x128xf32, #tpu.memory_space<vmem>>, vector<16xf32>,
        tpu.vector_store %arg17[%swap3A_354, %swap3A_355], %mul3A_353 {strides = array<i32>} : memref<80x128xf32, #tpu.memory_space<vmem>>, vector<16xf32>,
        %get3A_357 = arith.index_cast %add3A_342 : i32 to index
        %get3A_358 = arith.constant 32 : index
        %get3A_359 = tpu.vector_load %arg17[%get3A_357, %get3A_358] {strides = array<i32>} : memref<80x128xf32, #tpu.memory_space<vmem>>, vector<16xf32>,
        %mul3A_360 = arith.mulf %get3A_359, %gather3A : vector<16xf32>
        %swap3A_361 = arith.index_cast %add3A_342 : i32 to index
        %swap3A_362 = arith.constant 32 : index
        %swap3A_363 = tpu.vector_load %arg17[%swap3A_361, %swap3A_362] {strides = array<i32>} : memref<80x128xf32, #tpu.memory_space<vmem>>, vector<16xf32>,
        tpu.vector_store %arg17[%swap3A_361, %swap3A_362], %mul3A_360 {strides = array<i32>} : memref<80x128xf32, #tpu.memory_space<vmem>>, vector<16xf32>,
        %get3A_364 = arith.index_cast %add3A_342 : i32 to index
        %get3A_365 = arith.constant 48 : index
        %get3A_366 = tpu.vector_load %arg17[%get3A_364, %get3A_365] {strides = array<i32>} : memref<80x128xf32, #tpu.memory_space<vmem>>, vector<16xf32>,
        %mul3A_367 = arith.mulf %get3A_366, %gather3A : vector<16xf32>
        %swap3A_368 = arith.index_cast %add3A_342 : i32 to index
        %swap3A_369 = arith.constant 48 : index
        %swap3A_370 = tpu.vector_load %arg17[%swap3A_368, %swap3A_369] {strides = array<i32>} : memref<80x128xf32, #tpu.memory_space<vmem>>, vector<16xf32>,
        tpu.vector_store %arg17[%swap3A_368, %swap3A_369], %mul3A_367 {strides = array<i32>} : memref<80x128xf32, #tpu.memory_space<vmem>>, vector<16xf32>,
        %get3A_371 = arith.index_cast %add3A_342 : i32 to index
        %get3A_372 = arith.constant 64 : index
        %get3A_373 = tpu.vector_load %arg17[%get3A_371, %get3A_372] {strides = array<i32>} : memref<80x128xf32, #tpu.memory_space<vmem>>, vector<16xf32>,
        %mul3A_374 = arith.mulf %get3A_373, %gather3A : vector<16xf32>
        %swap3A_375 = arith.index_cast %add3A_342 : i32 to index
        %swap3A_376 = arith.constant 64 : index
        %swap3A_377 = tpu.vector_load %arg17[%swap3A_375, %swap3A_376] {strides = array<i32>} : memref<80x128xf32, #tpu.memory_space<vmem>>, vector<16xf32>,
        tpu.vector_store %arg17[%swap3A_375, %swap3A_376], %mul3A_374 {strides = array<i32>} : memref<80x128xf32, #tpu.memory_space<vmem>>, vector<16xf32>,
        %get3A_378 = arith.index_cast %add3A_342 : i32 to index
        %get3A_379 = arith.constant 80 : index
        %get3A_380 = tpu.vector_load %arg17[%get3A_378, %get3A_379] {strides = array<i32>} : memref<80x128xf32, #tpu.memory_space<vmem>>, vector<16xf32>,
        %mul3A_381 = arith.mulf %get3A_380, %gather3A : vector<16xf32>
        %swap3A_382 = arith.index_cast %add3A_342 : i32 to index
        %swap3A_383 = arith.constant 80 : index
        %swap3A_384 = tpu.vector_load %arg17[%swap3A_382, %swap3A_383] {strides = array<i32>} : memref<80x128xf32, #tpu.memory_space<vmem>>, vector<16xf32>,
        tpu.vector_store %arg17[%swap3A_382, %swap3A_383], %mul3A_381 {strides = array<i32>} : memref<80x128xf32, #tpu.memory_space<vmem>>, vector<16xf32>,
        %get3A_385 = arith.index_cast %add3A_342 : i32 to index
        %get3A_386 = arith.constant 96 : index
        %get3A_387 = tpu.vector_load %arg17[%get3A_385, %get3A_386] {strides = array<i32>} : memref<80x128xf32, #tpu.memory_space<vmem>>, vector<16xf32>,
        %mul3A_388 = arith.mulf %get3A_387, %gather3A : vector<16xf32>
        %swap3A_389 = arith.index_cast %add3A_342 : i32 to index
        %swap3A_390 = arith.constant 96 : index
        %swap3A_391 = tpu.vector_load %arg17[%swap3A_389, %swap3A_390] {strides = array<i32>} : memref<80x128xf32, #tpu.memory_space<vmem>>, vector<16xf32>,
        tpu.vector_store %arg17[%swap3A_389, %swap3A_390], %mul3A_388 {strides = array<i32>} : memref<80x128xf32, #tpu.memory_space<vmem>>, vector<16xf32>,
        %get3A_392 = arith.index_cast %add3A_342 : i32 to index
        %get3A_393 = arith.constant 112 : index
        %get3A_394 = tpu.vector_load %arg17[%get3A_392, %get3A_393] {strides = array<i32>} : memref<80x128xf32, #tpu.memory_space<vmem>>, vector<16xf32>,
        %mul3A_395 = arith.mulf %get3A_394, %gather3A : vector<16xf32>
        %swap3A_396 = arith.index_cast %add3A_342 : i32 to index
        %swap3A_397 = arith.constant 112 : index
        %swap3A_398 = tpu.vector_load %arg17[%swap3A_396, %swap3A_397] {strides = array<i32>} : memref<80x128xf32, #tpu.memory_space<vmem>>, vector<16xf32>,
        tpu.vector_store %arg17[%swap3A_396, %swap3A_397], %mul3A_395 {strides = array<i32>} : memref<80x128xf32, #tpu.memory_space<vmem>>, vector<16xf32>,
      }
      %scan3A_331 = arith.constant 80 : i32
      %dma_start3A_332 = arith.constant 0 : i32
      %dma_start3A_333 = tpu.memref_slice %arg9[%add3A_201, %dma_start3A_332] : memref<250x80xi32, #tpu.memory_space<vmem>> -> memref<1x80xi32, #tpu.memory_space<vmem>>
      %dma_start3A_334 = tpu.memref_squeeze %dma_start3A_333 : memref<1x80xi32, #tpu.memory_space<vmem>> -> memref<80xi32, #tpu.memory_space<vmem>>
      %dma_start3A_335 = arith.constant 0 : i32
      %dma_start3A_336 = arith.constant 0 : i32
      %dma_start3A_337 = tpu.memref_slice %arg18[%dma_start3A_335, %dma_start3A_336] : memref<10000x128xf32, #tpu.memory_space<vmem_shared>> -> memref<10000x128xf32, #tpu.memory_space<vmem_shared>>
      tpu.enqueue_indirect_dma source(%arg17 : memref<80x128xf32, #tpu.memory_space<vmem>>) target(%dma_start3A_337 : memref<10000x128xf32, #tpu.memory_space<vmem_shared>>) offsets(%dma_start3A_334 : memref<80xi32, #tpu.memory_space<vmem>>) semaphore(%arg24 : memref<!tpu.dma_semaphore, #tpu.memory_space<semaphore_mem>>) {add = true}
    }
    %scan3A_165 = arith.constant 125 : i32
    %dma_wait3A_166 = arith.constant 248 : i32
    %dma_wait3A_167 = arith.constant 0 : i32
    %dma_wait3A_168 = tpu.memref_slice %arg9[%dma_wait3A_166, %dma_wait3A_167] : memref<250x80xi32, #tpu.memory_space<vmem>> -> memref<1x80xi32, #tpu.memory_space<vmem>>
    %dma_wait3A_169 = tpu.memref_squeeze %dma_wait3A_168 : memref<1x80xi32, #tpu.memory_space<vmem>> -> memref<80xi32, #tpu.memory_space<vmem>>
    %dma_wait3A_170 = arith.constant 0 : i32
    %dma_wait3A_171 = arith.constant 0 : i32
    %dma_wait3A_172 = tpu.memref_slice %arg18[%dma_wait3A_170, %dma_wait3A_171] : memref<10000x128xf32, #tpu.memory_space<vmem_shared>> -> memref<10000x128xf32, #tpu.memory_space<vmem_shared>>
    tpu.wait_indirect_dma semaphore(%arg23 : memref<!tpu.dma_semaphore, #tpu.memory_space<semaphore_mem>>) src(%arg16 : memref<80x128xf32, #tpu.memory_space<vmem>>) dst(%dma_wait3A_172 : memref<10000x128xf32, #tpu.memory_space<vmem_shared>>)
    %dma_wait3A_173 = arith.constant 249 : i32
    %dma_wait3A_174 = arith.constant 0 : i32
    %dma_wait3A_175 = tpu.memref_slice %arg9[%dma_wait3A_173, %dma_wait3A_174] : memref<250x80xi32, #tpu.memory_space<vmem>> -> memref<1x80xi32, #tpu.memory_space<vmem>>
    %dma_wait3A_176 = tpu.memref_squeeze %dma_wait3A_175 : memref<1x80xi32, #tpu.memory_space<vmem>> -> memref<80xi32, #tpu.memory_space<vmem>>
    %dma_wait3A_177 = arith.constant 0 : i32
    %dma_wait3A_178 = arith.constant 0 : i32
    %dma_wait3A_179 = tpu.memref_slice %arg18[%dma_wait3A_177, %dma_wait3A_178] : memref<10000x128xf32, #tpu.memory_space<vmem_shared>> -> memref<10000x128xf32, #tpu.memory_space<vmem_shared>>
    tpu.wait_indirect_dma semaphore(%arg24 : memref<!tpu.dma_semaphore, #tpu.memory_space<semaphore_mem>>) src(%arg17 : memref<80x128xf32, #tpu.memory_space<vmem>>) dst(%dma_wait3A_179 : memref<10000x128xf32, #tpu.memory_space<vmem_shared>>)
    %barrier3A_180 = arith.constant 0 : index
    tpu.barrier barrier_id(%barrier3A_180)
    %mul3A_181 = arith.constant 624 : i32
    %mul3A_182 = arith.muli %arg1, %mul3A_181 : i32
    %mul3A_183 = arith.constant 10000 : i32
    %mul3A_184 = arith.muli %add3A_96, %mul3A_183 : i32
    %mul3A_185 = arith.constant 624 : i32
    %mul3A_186 = arith.muli %arg1, %mul3A_185 : i32
    %add3A_187 = arith.addi %mul3A_184, %mul3A_186 : i32
    "tpu.region"() ({
      %run_scoped3A = tpu.sem_alloc : memref<!tpu.dma_semaphore, #tpu.memory_space<semaphore_mem>>
      %dma_start3A_193 = arith.constant 0 : i32
      %dma_start3A_194 = tpu.memref_slice %arg8[%add3A_187, %dma_start3A_193] : memref<40000x128xf32, #tpu.memory_space<hbm>> -> memref<624x128xf32, #tpu.memory_space<hbm>>
      %dma_start3A_195 = arith.constant 0 : i32
      %dma_start3A_196 = tpu.memref_slice %arg18[%mul3A_182, %dma_start3A_195] : memref<10000x128xf32, #tpu.memory_space<vmem_shared>> -> memref<624x128xf32, #tpu.memory_space<vmem_shared>>
      tpu.enqueue_dma source(%dma_start3A_196 : memref<624x128xf32, #tpu.memory_space<vmem_shared>>) target(%dma_start3A_194 : memref<624x128xf32, #tpu.memory_space<hbm>>) target_semaphore(%run_scoped3A : memref<!tpu.dma_semaphore, #tpu.memory_space<semaphore_mem>>)
      %dma_wait3A_197 = arith.constant 0 : i32
      %dma_wait3A_198 = tpu.memref_slice %arg8[%add3A_187, %dma_wait3A_197] : memref<40000x128xf32, #tpu.memory_space<hbm>> -> memref<624x128xf32, #tpu.memory_space<hbm>>
      %dma_wait3A_199 = arith.constant 0 : i32
      %dma_wait3A_200 = tpu.memref_slice %arg18[%mul3A_182, %dma_wait3A_199] : memref<10000x128xf32, #tpu.memory_space<vmem_shared>> -> memref<624x128xf32, #tpu.memory_space<vmem_shared>>
      tpu.wait_dma2 semaphore(%run_scoped3A : memref<!tpu.dma_semaphore, #tpu.memory_space<semaphore_mem>>) src(%dma_wait3A_200 : memref<624x128xf32, #tpu.memory_space<vmem_shared>>) dst(%dma_wait3A_198 : memref<624x128xf32, #tpu.memory_space<hbm>>)
      tpu.yield
    }) : () -> ()
    %eq3A_188 = arith.constant 15 : i32
    %eq3A_189 = arith.cmpi eq, %arg1, %eq3A_188 : i32
    %convert_element_type3A_190 = arith.extui %eq3A_189 : i1 to i32
    %cond3A_191 = arith.constant 0 : i32
    %cond3A_192 = arith.cmpi ne, %convert_element_type3A_190, %cond3A_191 : i32
    scf.if %cond3A_192 {
      %mul3A_193 = arith.constant 10000 : i32
      %mul3A_194 = arith.muli %add3A_96, %mul3A_193 : i32
      %add3A_195 = arith.constant 9984 : i32
      %add3A_196 = arith.addi %mul3A_194, %add3A_195 : i32
      "tpu.region"() ({
        %run_scoped3A = tpu.sem_alloc : memref<!tpu.dma_semaphore, #tpu.memory_space<semaphore_mem>>
        %dma_start3A_197 = arith.constant 0 : i32
        %dma_start3A_198 = tpu.memref_slice %arg8[%add3A_196, %dma_start3A_197] : memref<40000x128xf32, #tpu.memory_space<hbm>> -> memref<16x128xf32, #tpu.memory_space<hbm>>
        %dma_start3A_199 = arith.constant 9984 : i32
        %dma_start3A_200 = arith.constant 0 : i32
        %dma_start3A_201 = tpu.memref_slice %arg18[%dma_start3A_199, %dma_start3A_200] : memref<10000x128xf32, #tpu.memory_space<vmem_shared>> -> memref<16x128xf32, #tpu.memory_space<vmem_shared>>
        tpu.enqueue_dma source(%dma_start3A_201 : memref<16x128xf32, #tpu.memory_space<vmem_shared>>) target(%dma_start3A_198 : memref<16x128xf32, #tpu.memory_space<hbm>>) target_semaphore(%run_scoped3A : memref<!tpu.dma_semaphore, #tpu.memory_space<semaphore_mem>>)
        %dma_wait3A_202 = arith.constant 0 : i32
        %dma_wait3A_203 = tpu.memref_slice %arg8[%add3A_196, %dma_wait3A_202] : memref<40000x128xf32, #tpu.memory_space<hbm>> -> memref<16x128xf32, #tpu.memory_space<hbm>>
        %dma_wait3A_204 = arith.constant 9984 : i32
        %dma_wait3A_205 = arith.constant 0 : i32
        %dma_wait3A_206 = tpu.memref_slice %arg18[%dma_wait3A_204, %dma_wait3A_205] : memref<10000x128xf32, #tpu.memory_space<vmem_shared>> -> memref<16x128xf32, #tpu.memory_space<vmem_shared>>
        tpu.wait_dma2 semaphore(%run_scoped3A : memref<!tpu.dma_semaphore, #tpu.memory_space<semaphore_mem>>) src(%dma_wait3A_206 : memref<16x128xf32, #tpu.memory_space<vmem_shared>>) dst(%dma_wait3A_203 : memref<16x128xf32, #tpu.memory_space<hbm>>)
        tpu.yield
      }) : () -> ()
    } else {
    }
    return
  }
}

module attributes {stable_mosaic.version = 14 : i64} {
  func.func @_scores_kernel(%arg0: i32, %arg1: i32, %arg2: memref<1024x384xf32, #tpu.memory_space<vmem>>, %arg3: memref<1024x384xf32, #tpu.memory_space<vmem>>, %arg4: memref<1x1024x1024xf32, #tpu.memory_space<vmem>>) attributes {dimension_semantics = [#tpu.dimension_semantics<arbitrary>, #tpu.dimension_semantics<arbitrary>], iteration_bounds = array<i64: 10, 10>, scalar_prefetch = 0 : i64, scratch_operands = 0 : i64, tpu.core_type = #tpu.core_type<tc>, window_params = [{transform_indices = @transform_0, window_bounds = array<i64: 1024, 384>}, {transform_indices = @transform_1, window_bounds = array<i64: 1024, 384>}, {transform_indices = @transform_2, window_bounds = array<i64: 1, 1024, 1024>}]} {
    %get3A = arith.constant 0 : index
    %get3A_0 = arith.constant 0 : index
    %get3A_1 = vector.load %arg2[%get3A, %get3A_0] : memref<1024x384xf32, #tpu.memory_space<vmem>>, vector<1024x384xf32>
    %get3A_2 = arith.constant 0 : index
    %get3A_3 = arith.constant 0 : index
    %get3A_4 = vector.load %arg3[%get3A_2, %get3A_3] : memref<1024x384xf32, #tpu.memory_space<vmem>>, vector<1024x384xf32>
    %dot_general3A = arith.constant dense<0.000000e+00> : vector<1024x1024xf32>
    %dot_general3A_5 = tpu.matmul %get3A_1, %get3A_4, %dot_general3A {dimension_numbers = #tpu.dot_dimension_numbers<[1], [1], [0], [0], [0, 0, 1, 0], [], []>, transpose_lhs_hint = false} : vector<1024x384xf32>, vector<1024x384xf32>, vector<1024x1024xf32> -> vector<1024x1024xf32>
    %swap3A = arith.constant 0 : index
    %swap3A_6 = arith.constant 0 : index
    %swap3A_7 = arith.constant 0 : index
    %swap3A_8 = vector.load %arg4[%swap3A, %swap3A_6, %swap3A_7] : memref<1x1024x1024xf32, #tpu.memory_space<vmem>>, vector<1x1024x1024xf32>
    %swap3A_9 = vector.shape_cast %swap3A_8 : vector<1x1024x1024xf32> to vector<1024x1024xf32>
    %swap3A_10 = vector.shape_cast %dot_general3A_5 : vector<1024x1024xf32> to vector<1x1024x1024xf32>
    tpu.vector_store %arg4[%swap3A, %swap3A_6, %swap3A_7], %swap3A_10 {strides = array<i32>} : memref<1x1024x1024xf32, #tpu.memory_space<vmem>>, vector<1x1024x1024xf32>,
    return
  }
  func.func @transform_0(%arg0: i32, %arg1: i32) -> (i32, i32) {
    %c0_i32 = arith.constant 0 : i32
    %c0_i32_0 = arith.constant 0 : i32
    return %arg0, %c0_i32 : i32, i32
  }
  func.func @transform_1(%arg0: i32, %arg1: i32) -> (i32, i32) {
    %c0_i32 = arith.constant 0 : i32
    %c0_i32_0 = arith.constant 0 : i32
    return %arg1, %c0_i32 : i32, i32
  }
  func.func @transform_2(%arg0: i32, %arg1: i32) -> (i32, i32, i32) {
    %mul3A = arith.constant 10 : i32
    %mul3A_0 = arith.muli %arg0, %mul3A : i32
    %add3A = arith.addi %mul3A_0, %arg1 : i32
    %c0_i32 = arith.constant 0 : i32
    %c0_i32_1 = arith.constant 0 : i32
    %c0_i32_2 = arith.constant 0 : i32
    return %add3A, %c0_i32, %c0_i32_1 : i32, i32, i32
  }
}

module attributes {stable_mosaic.version = 14 : i64} {
  func.func @_embed_qkv_kernel(%arg0: i32, %arg1: memref<400x128xf32, #tpu.memory_space<vmem>>, %arg2: memref<128x384xf32, #tpu.memory_space<vmem>>, %arg3: memref<1x384xf32, #tpu.memory_space<vmem>>, %arg4: memref<384x1152xf32, #tpu.memory_space<vmem>>, %arg5: memref<1x1152xf32, #tpu.memory_space<vmem>>, %arg6: memref<400x384xf32, #tpu.memory_space<vmem>>, %arg7: memref<400x384xf32, #tpu.memory_space<vmem>>, %arg8: memref<4x400x128xf32, #tpu.memory_space<vmem>>) attributes {dimension_semantics = [#tpu.dimension_semantics<arbitrary>], iteration_bounds = array<i64: 25>, scalar_prefetch = 0 : i64, scratch_operands = 0 : i64, tpu.core_type = #tpu.core_type<tc>, window_params = [{transform_indices = @transform_0, window_bounds = array<i64: 400, 128>}, {pipeline_mode = #tpu.pipeline_mode<synchronous>, transform_indices = @transform_1, window_bounds = array<i64: 128, 384>}, {pipeline_mode = #tpu.pipeline_mode<synchronous>, transform_indices = @transform_2, window_bounds = array<i64: 1, 384>}, {pipeline_mode = #tpu.pipeline_mode<synchronous>, transform_indices = @transform_3, window_bounds = array<i64: 384, 1152>}, {pipeline_mode = #tpu.pipeline_mode<synchronous>, transform_indices = @transform_4, window_bounds = array<i64: 1, 1152>}, {transform_indices = @transform_5, window_bounds = array<i64: 400, 384>}, {transform_indices = @transform_6, window_bounds = array<i64: 400, 384>}, {transform_indices = @transform_7, window_bounds = array<i64: 4, 400, 128>}]} {
    %get3A = arith.constant 0 : index
    %get3A_0 = arith.constant 0 : index
    %get3A_1 = vector.load %arg1[%get3A, %get3A_0] : memref<400x128xf32, #tpu.memory_space<vmem>>, vector<400x128xf32>
    %get3A_2 = arith.constant 0 : index
    %get3A_3 = arith.constant 0 : index
    %get3A_4 = vector.load %arg2[%get3A_2, %get3A_3] : memref<128x384xf32, #tpu.memory_space<vmem>>, vector<128x384xf32>
    %dot_general3A = arith.constant dense<0.000000e+00> : vector<400x384xf32>
    %dot_general3A_5 = tpu.matmul %get3A_1, %get3A_4, %dot_general3A {dimension_numbers = #tpu.dot_dimension_numbers<[1], [0], [0], [1], [0, 0, 1, 1], [], []>, precision = #tpu.contract_precision<fp32>, transpose_lhs_hint = false} : vector<400x128xf32>, vector<128x384xf32>, vector<400x384xf32> -> vector<400x384xf32>
    %get3A_6 = arith.constant 0 : index
    %get3A_7 = arith.constant 0 : index
    %get3A_8 = vector.load %arg3[%get3A_6, %get3A_7] : memref<1x384xf32, #tpu.memory_space<vmem>>, vector<1x384xf32>
    %add3A = vector.broadcast %get3A_8 : vector<1x384xf32> to vector<400x384xf32>
    %add3A_9 = arith.addf %dot_general3A_5, %add3A : vector<400x384xf32>
    %get3A_10 = arith.constant 0 : index
    %get3A_11 = arith.constant 0 : index
    %get3A_12 = vector.load %arg4[%get3A_10, %get3A_11] : memref<384x1152xf32, #tpu.memory_space<vmem>>, vector<384x1152xf32>
    %dot_general3A_13 = arith.constant dense<0.000000e+00> : vector<400x1152xf32>
    %dot_general3A_14 = tpu.matmul %add3A_9, %get3A_12, %dot_general3A_13 {dimension_numbers = #tpu.dot_dimension_numbers<[1], [0], [0], [1], [0, 0, 1, 1], [], []>, precision = #tpu.contract_precision<fp32>, transpose_lhs_hint = false} : vector<400x384xf32>, vector<384x1152xf32>, vector<400x1152xf32> -> vector<400x1152xf32>
    %get3A_15 = arith.constant 0 : index
    %get3A_16 = arith.constant 0 : index
    %get3A_17 = vector.load %arg5[%get3A_15, %get3A_16] : memref<1x1152xf32, #tpu.memory_space<vmem>>, vector<1x1152xf32>
    %add3A_18 = vector.broadcast %get3A_17 : vector<1x1152xf32> to vector<400x1152xf32>
    %add3A_19 = arith.addf %dot_general3A_14, %add3A_18 : vector<400x1152xf32>
    %broadcast_in_dim3A = arith.constant 1.000000e+00 : f32
    %broadcast_in_dim3A_20 = vector.broadcast %broadcast_in_dim3A : f32 to vector<400x16xf32>
    %slice3A = vector.extract_strided_slice %add3A_19 {offsets = [0, 0], sizes = [400, 384], strides = [1, 1]} : vector<400x1152xf32> to vector<400x384xf32>
    %mul3A = arith.constant 0.0510310382 : f32
    %mul3A_21 = vector.broadcast %mul3A : f32 to vector<400x384xf32>
    %mul3A_22 = arith.mulf %slice3A, %mul3A_21 : vector<400x384xf32>
    %slice3A_23 = vector.extract_strided_slice %add3A_19 {offsets = [0, 384], sizes = [400, 384], strides = [1, 1]} : vector<400x1152xf32> to vector<400x384xf32>
    %slice3A_24 = vector.extract_strided_slice %add3A_19 {offsets = [0, 768], sizes = [400, 384], strides = [1, 1]} : vector<400x1152xf32> to vector<400x384xf32>
    %broadcast_in_dim3A_25 = arith.constant 0.000000e+00 : f32
    %broadcast_in_dim3A_26 = vector.broadcast %broadcast_in_dim3A_25 : f32 to vector<400x16xf32>
    %slice3A_27 = vector.extract_strided_slice %slice3A_24 {offsets = [0, 0], sizes = [400, 96], strides = [1, 1]} : vector<400x384xf32> to vector<400x96xf32>
    %concatenate3A = tpu.concatenate %slice3A_27, %broadcast_in_dim3A_20, %broadcast_in_dim3A_26 in 1 : vector<400x96xf32>, vector<400x16xf32>, vector<400x16xf32> -> vector<400x128xf32>
    %slice3A_28 = vector.extract_strided_slice %slice3A_24 {offsets = [0, 96], sizes = [400, 96], strides = [1, 1]} : vector<400x384xf32> to vector<400x96xf32>
    %concatenate3A_29 = tpu.concatenate %slice3A_28, %broadcast_in_dim3A_20, %broadcast_in_dim3A_26 in 1 : vector<400x96xf32>, vector<400x16xf32>, vector<400x16xf32> -> vector<400x128xf32>
    %slice3A_30 = vector.extract_strided_slice %slice3A_24 {offsets = [0, 192], sizes = [400, 96], strides = [1, 1]} : vector<400x384xf32> to vector<400x96xf32>
    %concatenate3A_31 = tpu.concatenate %slice3A_30, %broadcast_in_dim3A_20, %broadcast_in_dim3A_26 in 1 : vector<400x96xf32>, vector<400x16xf32>, vector<400x16xf32> -> vector<400x128xf32>
    %slice3A_32 = vector.extract_strided_slice %slice3A_24 {offsets = [0, 288], sizes = [400, 96], strides = [1, 1]} : vector<400x384xf32> to vector<400x96xf32>
    %concatenate3A_33 = tpu.concatenate %slice3A_32, %broadcast_in_dim3A_20, %broadcast_in_dim3A_26 in 1 : vector<400x96xf32>, vector<400x16xf32>, vector<400x16xf32> -> vector<400x128xf32>
    %stack3A = vector.shape_cast %concatenate3A : vector<400x128xf32> to vector<1x400x128xf32>
    %stack3A_34 = vector.shape_cast %concatenate3A_29 : vector<400x128xf32> to vector<1x400x128xf32>
    %stack3A_35 = vector.shape_cast %concatenate3A_31 : vector<400x128xf32> to vector<1x400x128xf32>
    %stack3A_36 = vector.shape_cast %concatenate3A_33 : vector<400x128xf32> to vector<1x400x128xf32>
    %stack3A_37 = tpu.concatenate %stack3A, %stack3A_34, %stack3A_35, %stack3A_36 in 0 : vector<1x400x128xf32>, vector<1x400x128xf32>, vector<1x400x128xf32>, vector<1x400x128xf32> -> vector<4x400x128xf32>
    %swap3A = arith.constant 0 : index
    %swap3A_38 = arith.constant 0 : index
    %swap3A_39 = vector.load %arg6[%swap3A, %swap3A_38] : memref<400x384xf32, #tpu.memory_space<vmem>>, vector<400x384xf32>
    tpu.vector_store %arg6[%swap3A, %swap3A_38], %mul3A_22 {strides = array<i32>} : memref<400x384xf32, #tpu.memory_space<vmem>>, vector<400x384xf32>,
    %swap3A_40 = arith.constant 0 : index
    %swap3A_41 = arith.constant 0 : index
    %swap3A_42 = vector.load %arg7[%swap3A_40, %swap3A_41] : memref<400x384xf32, #tpu.memory_space<vmem>>, vector<400x384xf32>
    tpu.vector_store %arg7[%swap3A_40, %swap3A_41], %slice3A_23 {strides = array<i32>} : memref<400x384xf32, #tpu.memory_space<vmem>>, vector<400x384xf32>,
    %swap3A_43 = arith.constant 0 : index
    %swap3A_44 = arith.constant 0 : index
    %swap3A_45 = arith.constant 0 : index
    %swap3A_46 = vector.load %arg8[%swap3A_43, %swap3A_44, %swap3A_45] : memref<4x400x128xf32, #tpu.memory_space<vmem>>, vector<4x400x128xf32>
    tpu.vector_store %arg8[%swap3A_43, %swap3A_44, %swap3A_45], %stack3A_37 {strides = array<i32>} : memref<4x400x128xf32, #tpu.memory_space<vmem>>, vector<4x400x128xf32>,
    return
  }
  func.func @transform_0(%arg0: i32) -> (i32, i32) {
    %c0_i32 = arith.constant 0 : i32
    %c0_i32_0 = arith.constant 0 : i32
    return %arg0, %c0_i32 : i32, i32
  }
  func.func @transform_1(%arg0: i32) -> (i32, i32) {
    %c0_i32 = arith.constant 0 : i32
    %c0_i32_0 = arith.constant 0 : i32
    %c0_i32_1 = arith.constant 0 : i32
    return %c0_i32, %c0_i32_0 : i32, i32
  }
  func.func @transform_2(%arg0: i32) -> (i32, i32) {
    %c0_i32 = arith.constant 0 : i32
    %c0_i32_0 = arith.constant 0 : i32
    %c0_i32_1 = arith.constant 0 : i32
    return %c0_i32, %c0_i32_0 : i32, i32
  }
  func.func @transform_3(%arg0: i32) -> (i32, i32) {
    %c0_i32 = arith.constant 0 : i32
    %c0_i32_0 = arith.constant 0 : i32
    %c0_i32_1 = arith.constant 0 : i32
    return %c0_i32, %c0_i32_0 : i32, i32
  }
  func.func @transform_4(%arg0: i32) -> (i32, i32) {
    %c0_i32 = arith.constant 0 : i32
    %c0_i32_0 = arith.constant 0 : i32
    %c0_i32_1 = arith.constant 0 : i32
    return %c0_i32, %c0_i32_0 : i32, i32
  }
  func.func @transform_5(%arg0: i32) -> (i32, i32) {
    %c0_i32 = arith.constant 0 : i32
    %c0_i32_0 = arith.constant 0 : i32
    return %arg0, %c0_i32 : i32, i32
  }
  func.func @transform_6(%arg0: i32) -> (i32, i32) {
    %c0_i32 = arith.constant 0 : i32
    %c0_i32_0 = arith.constant 0 : i32
    return %arg0, %c0_i32 : i32, i32
  }
  func.func @transform_7(%arg0: i32) -> (i32, i32, i32) {
    %c0_i32 = arith.constant 0 : i32
    %c0_i32_0 = arith.constant 0 : i32
    %c0_i32_1 = arith.constant 0 : i32
    return %c0_i32, %arg0, %c0_i32_0 : i32, i32, i32
  }
}

module attributes {stable_mosaic.version = 14 : i64} {
  func.func @_proj_qkv_kernel(%arg0: i32, %arg1: memref<4x400x128xf32, #tpu.memory_space<vmem>>, %arg2: memref<384x384xf32, #tpu.memory_space<vmem>>, %arg3: memref<1x384xf32, #tpu.memory_space<vmem>>, %arg4: memref<384x1152xf32, #tpu.memory_space<vmem>>, %arg5: memref<1x1152xf32, #tpu.memory_space<vmem>>, %arg6: memref<400x384xf32, #tpu.memory_space<vmem>>, %arg7: memref<400x384xf32, #tpu.memory_space<vmem>>, %arg8: memref<4x400x128xf32, #tpu.memory_space<vmem>>) attributes {dimension_semantics = [#tpu.dimension_semantics<arbitrary>], iteration_bounds = array<i64: 25>, scalar_prefetch = 0 : i64, scratch_operands = 0 : i64, tpu.core_type = #tpu.core_type<tc>, window_params = [{transform_indices = @transform_0, window_bounds = array<i64: 4, 400, 128>}, {pipeline_mode = #tpu.pipeline_mode<synchronous>, transform_indices = @transform_1, window_bounds = array<i64: 384, 384>}, {pipeline_mode = #tpu.pipeline_mode<synchronous>, transform_indices = @transform_2, window_bounds = array<i64: 1, 384>}, {pipeline_mode = #tpu.pipeline_mode<synchronous>, transform_indices = @transform_3, window_bounds = array<i64: 384, 1152>}, {pipeline_mode = #tpu.pipeline_mode<synchronous>, transform_indices = @transform_4, window_bounds = array<i64: 1, 1152>}, {transform_indices = @transform_5, window_bounds = array<i64: 400, 384>}, {transform_indices = @transform_6, window_bounds = array<i64: 400, 384>}, {transform_indices = @transform_7, window_bounds = array<i64: 4, 400, 128>}]} {
    %get3A = arith.constant 0 : index
    %get3A_0 = arith.constant 0 : index
    %get3A_1 = arith.constant 0 : index
    %get3A_2 = vector.load %arg1[%get3A, %get3A_0, %get3A_1] : memref<4x400x128xf32, #tpu.memory_space<vmem>>, vector<1x400x128xf32>
    %get3A_3 = vector.shape_cast %get3A_2 : vector<1x400x128xf32> to vector<400x128xf32>
    %slice3A = vector.extract_strided_slice %get3A_3 {offsets = [0, 96], sizes = [400, 1], strides = [1, 1]} : vector<400x128xf32> to vector<400x1xf32>
    %get3A_4 = arith.constant 0 : index
    %get3A_5 = arith.constant 0 : index
    %get3A_6 = arith.constant 0 : index
    %get3A_7 = vector.load %arg1[%get3A_4, %get3A_5, %get3A_6] : memref<4x400x128xf32, #tpu.memory_space<vmem>>, vector<1x400x128xf32>
    %get3A_8 = vector.shape_cast %get3A_7 : vector<1x400x128xf32> to vector<400x128xf32>
    %slice3A_9 = vector.extract_strided_slice %get3A_8 {offsets = [0, 0], sizes = [400, 96], strides = [1, 1]} : vector<400x128xf32> to vector<400x96xf32>
    %get3A_10 = arith.constant 1 : index
    %get3A_11 = arith.constant 0 : index
    %get3A_12 = arith.constant 0 : index
    %get3A_13 = vector.load %arg1[%get3A_10, %get3A_11, %get3A_12] : memref<4x400x128xf32, #tpu.memory_space<vmem>>, vector<1x400x128xf32>
    %get3A_14 = vector.shape_cast %get3A_13 : vector<1x400x128xf32> to vector<400x128xf32>
    %slice3A_15 = vector.extract_strided_slice %get3A_14 {offsets = [0, 0], sizes = [400, 96], strides = [1, 1]} : vector<400x128xf32> to vector<400x96xf32>
    %get3A_16 = arith.constant 2 : index
    %get3A_17 = arith.constant 0 : index
    %get3A_18 = arith.constant 0 : index
    %get3A_19 = vector.load %arg1[%get3A_16, %get3A_17, %get3A_18] : memref<4x400x128xf32, #tpu.memory_space<vmem>>, vector<1x400x128xf32>
    %get3A_20 = vector.shape_cast %get3A_19 : vector<1x400x128xf32> to vector<400x128xf32>
    %slice3A_21 = vector.extract_strided_slice %get3A_20 {offsets = [0, 0], sizes = [400, 96], strides = [1, 1]} : vector<400x128xf32> to vector<400x96xf32>
    %get3A_22 = arith.constant 3 : index
    %get3A_23 = arith.constant 0 : index
    %get3A_24 = arith.constant 0 : index
    %get3A_25 = vector.load %arg1[%get3A_22, %get3A_23, %get3A_24] : memref<4x400x128xf32, #tpu.memory_space<vmem>>, vector<1x400x128xf32>
    %get3A_26 = vector.shape_cast %get3A_25 : vector<1x400x128xf32> to vector<400x128xf32>
    %slice3A_27 = vector.extract_strided_slice %get3A_26 {offsets = [0, 0], sizes = [400, 96], strides = [1, 1]} : vector<400x128xf32> to vector<400x96xf32>
    %concatenate3A = tpu.concatenate %slice3A_9, %slice3A_15, %slice3A_21, %slice3A_27 in 1 : vector<400x96xf32>, vector<400x96xf32>, vector<400x96xf32>, vector<400x96xf32> -> vector<400x384xf32>
    %add3A = arith.constant 1.000000e-16 : f32
    %add3A_28 = vector.broadcast %add3A : f32 to vector<400x1xf32>
    %add3A_29 = arith.addf %slice3A, %add3A_28 : vector<400x1xf32>
    %div3A = vector.broadcast %add3A_29 : vector<400x1xf32> to vector<400x384xf32>
    %div3A_30 = arith.divf %concatenate3A, %div3A : vector<400x384xf32>
    %get3A_31 = arith.constant 0 : index
    %get3A_32 = arith.constant 0 : index
    %get3A_33 = vector.load %arg2[%get3A_31, %get3A_32] : memref<384x384xf32, #tpu.memory_space<vmem>>, vector<384x384xf32>
    %dot_general3A = arith.constant dense<0.000000e+00> : vector<400x384xf32>
    %dot_general3A_34 = tpu.matmul %div3A_30, %get3A_33, %dot_general3A {dimension_numbers = #tpu.dot_dimension_numbers<[1], [0], [0], [1], [0, 0, 1, 1], [], []>, precision = #tpu.contract_precision<fp32>, transpose_lhs_hint = false} : vector<400x384xf32>, vector<384x384xf32>, vector<400x384xf32> -> vector<400x384xf32>
    %get3A_35 = arith.constant 0 : index
    %get3A_36 = arith.constant 0 : index
    %get3A_37 = vector.load %arg3[%get3A_35, %get3A_36] : memref<1x384xf32, #tpu.memory_space<vmem>>, vector<1x384xf32>
    %add3A_38 = vector.broadcast %get3A_37 : vector<1x384xf32> to vector<400x384xf32>
    %add3A_39 = arith.addf %dot_general3A_34, %add3A_38 : vector<400x384xf32>
    %max3A = arith.constant 0.000000e+00 : f32
    %max3A_40 = vector.broadcast %max3A : f32 to vector<400x384xf32>
    %max3A_41 = arith.maximumf %add3A_39, %max3A_40 : vector<400x384xf32>
    %get3A_42 = arith.constant 0 : index
    %get3A_43 = arith.constant 0 : index
    %get3A_44 = vector.load %arg4[%get3A_42, %get3A_43] : memref<384x1152xf32, #tpu.memory_space<vmem>>, vector<384x1152xf32>
    %dot_general3A_45 = arith.constant dense<0.000000e+00> : vector<400x1152xf32>
    %dot_general3A_46 = tpu.matmul %max3A_41, %get3A_44, %dot_general3A_45 {dimension_numbers = #tpu.dot_dimension_numbers<[1], [0], [0], [1], [0, 0, 1, 1], [], []>, precision = #tpu.contract_precision<fp32>, transpose_lhs_hint = false} : vector<400x384xf32>, vector<384x1152xf32>, vector<400x1152xf32> -> vector<400x1152xf32>
    %get3A_47 = arith.constant 0 : index
    %get3A_48 = arith.constant 0 : index
    %get3A_49 = vector.load %arg5[%get3A_47, %get3A_48] : memref<1x1152xf32, #tpu.memory_space<vmem>>, vector<1x1152xf32>
    %add3A_50 = vector.broadcast %get3A_49 : vector<1x1152xf32> to vector<400x1152xf32>
    %add3A_51 = arith.addf %dot_general3A_46, %add3A_50 : vector<400x1152xf32>
    %broadcast_in_dim3A = arith.constant 1.000000e+00 : f32
    %broadcast_in_dim3A_52 = vector.broadcast %broadcast_in_dim3A : f32 to vector<400x16xf32>
    %slice3A_53 = vector.extract_strided_slice %add3A_51 {offsets = [0, 0], sizes = [400, 384], strides = [1, 1]} : vector<400x1152xf32> to vector<400x384xf32>
    %mul3A = arith.constant 0.0510310382 : f32
    %mul3A_54 = vector.broadcast %mul3A : f32 to vector<400x384xf32>
    %mul3A_55 = arith.mulf %slice3A_53, %mul3A_54 : vector<400x384xf32>
    %slice3A_56 = vector.extract_strided_slice %add3A_51 {offsets = [0, 384], sizes = [400, 384], strides = [1, 1]} : vector<400x1152xf32> to vector<400x384xf32>
    %slice3A_57 = vector.extract_strided_slice %add3A_51 {offsets = [0, 768], sizes = [400, 384], strides = [1, 1]} : vector<400x1152xf32> to vector<400x384xf32>
    %broadcast_in_dim3A_58 = arith.constant 0.000000e+00 : f32
    %broadcast_in_dim3A_59 = vector.broadcast %broadcast_in_dim3A_58 : f32 to vector<400x16xf32>
    %slice3A_60 = vector.extract_strided_slice %slice3A_57 {offsets = [0, 0], sizes = [400, 96], strides = [1, 1]} : vector<400x384xf32> to vector<400x96xf32>
    %concatenate3A_61 = tpu.concatenate %slice3A_60, %broadcast_in_dim3A_52, %broadcast_in_dim3A_59 in 1 : vector<400x96xf32>, vector<400x16xf32>, vector<400x16xf32> -> vector<400x128xf32>
    %slice3A_62 = vector.extract_strided_slice %slice3A_57 {offsets = [0, 96], sizes = [400, 96], strides = [1, 1]} : vector<400x384xf32> to vector<400x96xf32>
    %concatenate3A_63 = tpu.concatenate %slice3A_62, %broadcast_in_dim3A_52, %broadcast_in_dim3A_59 in 1 : vector<400x96xf32>, vector<400x16xf32>, vector<400x16xf32> -> vector<400x128xf32>
    %slice3A_64 = vector.extract_strided_slice %slice3A_57 {offsets = [0, 192], sizes = [400, 96], strides = [1, 1]} : vector<400x384xf32> to vector<400x96xf32>
    %concatenate3A_65 = tpu.concatenate %slice3A_64, %broadcast_in_dim3A_52, %broadcast_in_dim3A_59 in 1 : vector<400x96xf32>, vector<400x16xf32>, vector<400x16xf32> -> vector<400x128xf32>
    %slice3A_66 = vector.extract_strided_slice %slice3A_57 {offsets = [0, 288], sizes = [400, 96], strides = [1, 1]} : vector<400x384xf32> to vector<400x96xf32>
    %concatenate3A_67 = tpu.concatenate %slice3A_66, %broadcast_in_dim3A_52, %broadcast_in_dim3A_59 in 1 : vector<400x96xf32>, vector<400x16xf32>, vector<400x16xf32> -> vector<400x128xf32>
    %stack3A = vector.shape_cast %concatenate3A_61 : vector<400x128xf32> to vector<1x400x128xf32>
    %stack3A_68 = vector.shape_cast %concatenate3A_63 : vector<400x128xf32> to vector<1x400x128xf32>
    %stack3A_69 = vector.shape_cast %concatenate3A_65 : vector<400x128xf32> to vector<1x400x128xf32>
    %stack3A_70 = vector.shape_cast %concatenate3A_67 : vector<400x128xf32> to vector<1x400x128xf32>
    %stack3A_71 = tpu.concatenate %stack3A, %stack3A_68, %stack3A_69, %stack3A_70 in 0 : vector<1x400x128xf32>, vector<1x400x128xf32>, vector<1x400x128xf32>, vector<1x400x128xf32> -> vector<4x400x128xf32>
    %swap3A = arith.constant 0 : index
    %swap3A_72 = arith.constant 0 : index
    %swap3A_73 = vector.load %arg6[%swap3A, %swap3A_72] : memref<400x384xf32, #tpu.memory_space<vmem>>, vector<400x384xf32>
    tpu.vector_store %arg6[%swap3A, %swap3A_72], %mul3A_55 {strides = array<i32>} : memref<400x384xf32, #tpu.memory_space<vmem>>, vector<400x384xf32>,
    %swap3A_74 = arith.constant 0 : index
    %swap3A_75 = arith.constant 0 : index
    %swap3A_76 = vector.load %arg7[%swap3A_74, %swap3A_75] : memref<400x384xf32, #tpu.memory_space<vmem>>, vector<400x384xf32>
    tpu.vector_store %arg7[%swap3A_74, %swap3A_75], %slice3A_56 {strides = array<i32>} : memref<400x384xf32, #tpu.memory_space<vmem>>, vector<400x384xf32>,
    %swap3A_77 = arith.constant 0 : index
    %swap3A_78 = arith.constant 0 : index
    %swap3A_79 = arith.constant 0 : index
    %swap3A_80 = vector.load %arg8[%swap3A_77, %swap3A_78, %swap3A_79] : memref<4x400x128xf32, #tpu.memory_space<vmem>>, vector<4x400x128xf32>
    tpu.vector_store %arg8[%swap3A_77, %swap3A_78, %swap3A_79], %stack3A_71 {strides = array<i32>} : memref<4x400x128xf32, #tpu.memory_space<vmem>>, vector<4x400x128xf32>,
    return
  }
  func.func @transform_0(%arg0: i32) -> (i32, i32, i32) {
    %c0_i32 = arith.constant 0 : i32
    %c0_i32_0 = arith.constant 0 : i32
    %c0_i32_1 = arith.constant 0 : i32
    return %c0_i32, %arg0, %c0_i32_0 : i32, i32, i32
  }
  func.func @transform_1(%arg0: i32) -> (i32, i32) {
    %c0_i32 = arith.constant 0 : i32
    %c0_i32_0 = arith.constant 0 : i32
    %c0_i32_1 = arith.constant 0 : i32
    return %c0_i32, %c0_i32_0 : i32, i32
  }
  func.func @transform_2(%arg0: i32) -> (i32, i32) {
    %c0_i32 = arith.constant 0 : i32
    %c0_i32_0 = arith.constant 0 : i32
    %c0_i32_1 = arith.constant 0 : i32
    return %c0_i32, %c0_i32_0 : i32, i32
  }
  func.func @transform_3(%arg0: i32) -> (i32, i32) {
    %c0_i32 = arith.constant 0 : i32
    %c0_i32_0 = arith.constant 0 : i32
    %c0_i32_1 = arith.constant 0 : i32
    return %c0_i32, %c0_i32_0 : i32, i32
  }
  func.func @transform_4(%arg0: i32) -> (i32, i32) {
    %c0_i32 = arith.constant 0 : i32
    %c0_i32_0 = arith.constant 0 : i32
    %c0_i32_1 = arith.constant 0 : i32
    return %c0_i32, %c0_i32_0 : i32, i32
  }
  func.func @transform_5(%arg0: i32) -> (i32, i32) {
    %c0_i32 = arith.constant 0 : i32
    %c0_i32_0 = arith.constant 0 : i32
    return %arg0, %c0_i32 : i32, i32
  }
  func.func @transform_6(%arg0: i32) -> (i32, i32) {
    %c0_i32 = arith.constant 0 : i32
    %c0_i32_0 = arith.constant 0 : i32
    return %arg0, %c0_i32 : i32, i32
  }
  func.func @transform_7(%arg0: i32) -> (i32, i32, i32) {
    %c0_i32 = arith.constant 0 : i32
    %c0_i32_0 = arith.constant 0 : i32
    %c0_i32_1 = arith.constant 0 : i32
    return %c0_i32, %arg0, %c0_i32_0 : i32, i32, i32
  }
}

module attributes {stable_mosaic.version = 14 : i64} {
  func.func @_final_kernel(%arg0: i32, %arg1: memref<4x400x128xf32, #tpu.memory_space<vmem>>, %arg2: memref<384x384xf32, #tpu.memory_space<vmem>>, %arg3: memref<1x384xf32, #tpu.memory_space<vmem>>, %arg4: memref<384x40xf32, #tpu.memory_space<vmem>>, %arg5: memref<1x40xf32, #tpu.memory_space<vmem>>, %arg6: memref<400x40xf32, #tpu.memory_space<vmem>>) attributes {dimension_semantics = [#tpu.dimension_semantics<arbitrary>], iteration_bounds = array<i64: 25>, scalar_prefetch = 0 : i64, scratch_operands = 0 : i64, tpu.core_type = #tpu.core_type<tc>, window_params = [{transform_indices = @transform_0, window_bounds = array<i64: 4, 400, 128>}, {pipeline_mode = #tpu.pipeline_mode<synchronous>, transform_indices = @transform_1, window_bounds = array<i64: 384, 384>}, {pipeline_mode = #tpu.pipeline_mode<synchronous>, transform_indices = @transform_2, window_bounds = array<i64: 1, 384>}, {pipeline_mode = #tpu.pipeline_mode<synchronous>, transform_indices = @transform_3, window_bounds = array<i64: 384, 40>}, {pipeline_mode = #tpu.pipeline_mode<synchronous>, transform_indices = @transform_4, window_bounds = array<i64: 1, 40>}, {transform_indices = @transform_5, window_bounds = array<i64: 400, 40>}]} {
    %get3A = arith.constant 0 : index
    %get3A_0 = arith.constant 0 : index
    %get3A_1 = arith.constant 0 : index
    %get3A_2 = vector.load %arg1[%get3A, %get3A_0, %get3A_1] : memref<4x400x128xf32, #tpu.memory_space<vmem>>, vector<1x400x128xf32>
    %get3A_3 = vector.shape_cast %get3A_2 : vector<1x400x128xf32> to vector<400x128xf32>
    %slice3A = vector.extract_strided_slice %get3A_3 {offsets = [0, 96], sizes = [400, 1], strides = [1, 1]} : vector<400x128xf32> to vector<400x1xf32>
    %get3A_4 = arith.constant 0 : index
    %get3A_5 = arith.constant 0 : index
    %get3A_6 = arith.constant 0 : index
    %get3A_7 = vector.load %arg1[%get3A_4, %get3A_5, %get3A_6] : memref<4x400x128xf32, #tpu.memory_space<vmem>>, vector<1x400x128xf32>
    %get3A_8 = vector.shape_cast %get3A_7 : vector<1x400x128xf32> to vector<400x128xf32>
    %slice3A_9 = vector.extract_strided_slice %get3A_8 {offsets = [0, 0], sizes = [400, 96], strides = [1, 1]} : vector<400x128xf32> to vector<400x96xf32>
    %get3A_10 = arith.constant 1 : index
    %get3A_11 = arith.constant 0 : index
    %get3A_12 = arith.constant 0 : index
    %get3A_13 = vector.load %arg1[%get3A_10, %get3A_11, %get3A_12] : memref<4x400x128xf32, #tpu.memory_space<vmem>>, vector<1x400x128xf32>
    %get3A_14 = vector.shape_cast %get3A_13 : vector<1x400x128xf32> to vector<400x128xf32>
    %slice3A_15 = vector.extract_strided_slice %get3A_14 {offsets = [0, 0], sizes = [400, 96], strides = [1, 1]} : vector<400x128xf32> to vector<400x96xf32>
    %get3A_16 = arith.constant 2 : index
    %get3A_17 = arith.constant 0 : index
    %get3A_18 = arith.constant 0 : index
    %get3A_19 = vector.load %arg1[%get3A_16, %get3A_17, %get3A_18] : memref<4x400x128xf32, #tpu.memory_space<vmem>>, vector<1x400x128xf32>
    %get3A_20 = vector.shape_cast %get3A_19 : vector<1x400x128xf32> to vector<400x128xf32>
    %slice3A_21 = vector.extract_strided_slice %get3A_20 {offsets = [0, 0], sizes = [400, 96], strides = [1, 1]} : vector<400x128xf32> to vector<400x96xf32>
    %get3A_22 = arith.constant 3 : index
    %get3A_23 = arith.constant 0 : index
    %get3A_24 = arith.constant 0 : index
    %get3A_25 = vector.load %arg1[%get3A_22, %get3A_23, %get3A_24] : memref<4x400x128xf32, #tpu.memory_space<vmem>>, vector<1x400x128xf32>
    %get3A_26 = vector.shape_cast %get3A_25 : vector<1x400x128xf32> to vector<400x128xf32>
    %slice3A_27 = vector.extract_strided_slice %get3A_26 {offsets = [0, 0], sizes = [400, 96], strides = [1, 1]} : vector<400x128xf32> to vector<400x96xf32>
    %concatenate3A = tpu.concatenate %slice3A_9, %slice3A_15, %slice3A_21, %slice3A_27 in 1 : vector<400x96xf32>, vector<400x96xf32>, vector<400x96xf32>, vector<400x96xf32> -> vector<400x384xf32>
    %add3A = arith.constant 1.000000e-16 : f32
    %add3A_28 = vector.broadcast %add3A : f32 to vector<400x1xf32>
    %add3A_29 = arith.addf %slice3A, %add3A_28 : vector<400x1xf32>
    %div3A = vector.broadcast %add3A_29 : vector<400x1xf32> to vector<400x384xf32>
    %div3A_30 = arith.divf %concatenate3A, %div3A : vector<400x384xf32>
    %get3A_31 = arith.constant 0 : index
    %get3A_32 = arith.constant 0 : index
    %get3A_33 = vector.load %arg2[%get3A_31, %get3A_32] : memref<384x384xf32, #tpu.memory_space<vmem>>, vector<384x384xf32>
    %dot_general3A = arith.constant dense<0.000000e+00> : vector<400x384xf32>
    %dot_general3A_34 = tpu.matmul %div3A_30, %get3A_33, %dot_general3A {dimension_numbers = #tpu.dot_dimension_numbers<[1], [0], [0], [1], [0, 0, 1, 1], [], []>, precision = #tpu.contract_precision<fp32>, transpose_lhs_hint = false} : vector<400x384xf32>, vector<384x384xf32>, vector<400x384xf32> -> vector<400x384xf32>
    %get3A_35 = arith.constant 0 : index
    %get3A_36 = arith.constant 0 : index
    %get3A_37 = vector.load %arg3[%get3A_35, %get3A_36] : memref<1x384xf32, #tpu.memory_space<vmem>>, vector<1x384xf32>
    %add3A_38 = vector.broadcast %get3A_37 : vector<1x384xf32> to vector<400x384xf32>
    %add3A_39 = arith.addf %dot_general3A_34, %add3A_38 : vector<400x384xf32>
    %get3A_40 = arith.constant 0 : index
    %get3A_41 = arith.constant 0 : index
    %get3A_42 = vector.load %arg4[%get3A_40, %get3A_41] : memref<384x40xf32, #tpu.memory_space<vmem>>, vector<384x40xf32>
    %dot_general3A_43 = arith.constant dense<0.000000e+00> : vector<400x40xf32>
    %dot_general3A_44 = tpu.matmul %add3A_39, %get3A_42, %dot_general3A_43 {dimension_numbers = #tpu.dot_dimension_numbers<[1], [0], [0], [1], [0, 0, 1, 1], [], []>, precision = #tpu.contract_precision<fp32>, transpose_lhs_hint = false} : vector<400x384xf32>, vector<384x40xf32>, vector<400x40xf32> -> vector<400x40xf32>
    %get3A_45 = arith.constant 0 : index
    %get3A_46 = arith.constant 0 : index
    %get3A_47 = vector.load %arg5[%get3A_45, %get3A_46] : memref<1x40xf32, #tpu.memory_space<vmem>>, vector<1x40xf32>
    %add3A_48 = vector.broadcast %get3A_47 : vector<1x40xf32> to vector<400x40xf32>
    %add3A_49 = arith.addf %dot_general3A_44, %add3A_48 : vector<400x40xf32>
    %reduce_max3A = arith.constant dense<0xFF800000> : vector<400xf32>
    %reduce_max3A_50 = vector.multi_reduction <maximumf>, %add3A_49, %reduce_max3A [1] : vector<400x40xf32> to vector<400xf32>
    %broadcast_in_dim3A = vector.shape_cast %reduce_max3A_50 : vector<400xf32> to vector<400x1xf32>
    %sub3A = vector.broadcast %broadcast_in_dim3A : vector<400x1xf32> to vector<400x40xf32>
    %sub3A_51 = arith.subf %add3A_49, %sub3A : vector<400x40xf32>
    %exp3A = math.exp %sub3A_51 : vector<400x40xf32>
    %reduce_sum3A = arith.constant dense<0.000000e+00> : vector<400xf32>
    %reduce_sum3A_52 = vector.multi_reduction <add>, %exp3A, %reduce_sum3A [1] : vector<400x40xf32> to vector<400xf32>
    %broadcast_in_dim3A_53 = vector.shape_cast %reduce_sum3A_52 : vector<400xf32> to vector<400x1xf32>
    %log3A = math.log %broadcast_in_dim3A_53 : vector<400x1xf32>
    %add3A_54 = arith.addf %log3A, %broadcast_in_dim3A : vector<400x1xf32>
    %sub3A_55 = vector.broadcast %add3A_54 : vector<400x1xf32> to vector<400x40xf32>
    %sub3A_56 = arith.subf %add3A_49, %sub3A_55 : vector<400x40xf32>
    %swap3A = arith.constant 0 : index
    %swap3A_57 = arith.constant 0 : index
    %swap3A_58 = vector.load %arg6[%swap3A, %swap3A_57] : memref<400x40xf32, #tpu.memory_space<vmem>>, vector<400x40xf32>
    tpu.vector_store %arg6[%swap3A, %swap3A_57], %sub3A_56 {strides = array<i32>} : memref<400x40xf32, #tpu.memory_space<vmem>>, vector<400x40xf32>,
    return
  }
  func.func @transform_0(%arg0: i32) -> (i32, i32, i32) {
    %c0_i32 = arith.constant 0 : i32
    %c0_i32_0 = arith.constant 0 : i32
    %c0_i32_1 = arith.constant 0 : i32
    return %c0_i32, %arg0, %c0_i32_0 : i32, i32, i32
  }
  func.func @transform_1(%arg0: i32) -> (i32, i32) {
    %c0_i32 = arith.constant 0 : i32
    %c0_i32_0 = arith.constant 0 : i32
    %c0_i32_1 = arith.constant 0 : i32
    return %c0_i32, %c0_i32_0 : i32, i32
  }
  func.func @transform_2(%arg0: i32) -> (i32, i32) {
    %c0_i32 = arith.constant 0 : i32
    %c0_i32_0 = arith.constant 0 : i32
    %c0_i32_1 = arith.constant 0 : i32
    return %c0_i32, %c0_i32_0 : i32, i32
  }
  func.func @transform_3(%arg0: i32) -> (i32, i32) {
    %c0_i32 = arith.constant 0 : i32
    %c0_i32_0 = arith.constant 0 : i32
    %c0_i32_1 = arith.constant 0 : i32
    return %c0_i32, %c0_i32_0 : i32, i32
  }
  func.func @transform_4(%arg0: i32) -> (i32, i32) {
    %c0_i32 = arith.constant 0 : i32
    %c0_i32_0 = arith.constant 0 : i32
    %c0_i32_1 = arith.constant 0 : i32
    return %c0_i32, %c0_i32_0 : i32, i32
  }
  func.func @transform_5(%arg0: i32) -> (i32, i32) {
    %c0_i32 = arith.constant 0 : i32
    %c0_i32_0 = arith.constant 0 : i32
    return %arg0, %c0_i32 : i32, i32
  }
}

</mosaic_0001>

<sc_bundles>
// kernel: kernel.12.cloned.1.call-start
scs
__scs_entry_jumppad:
0x0: {  	(pc) =	sbr.rel $0x88, $3  }
0x1: {  	(tag) =	ssettag $0x0;
	lr =	simm.s32 $0x1  }
0x2: {  	[smem:$0x3F93] =	sst lr;
	_ =	strace $0xD0000000  }
0x3: {  	_ = 	snop  }
0x4: {  	_ = 	snop  }
0x5: {  	_ = 	snop  }
0x6: {  	_ = 	snop  }
0x7: {  	_ = 	snop  }
__scs_overlays_trampoline_lowered:
0x8: {  	[smem:$0x3FA2] =	sst s0  }
0x9: {  	[smem:$0x3FA3] =	sst s1  }
0xa: {  	[smem:$0x3FA4] =	sst s2  }
0xb: {  	[smem:$0x3FA5] =	sst s3  }
0xc: {  	[smem:$0x3FA6] =	sst s4  }
0xd: {  	[smem:$0x3FA7] =	sst s5  }
0xe: {  	[smem:$0x3FA8] =	sst s6  }
0xf: {  	[smem:$0x3FA9] =	sst s7  }
0x10: {  	[smem:$0x3FAA] =	sst s8  }
0x11: {  	[smem:$0x3FAB] =	sst s9;
	s0 =	simm.s32 @!p0 $0x0  }
0x12: {  	s1 =	sld [smem:$0x3F91];
	s0 =	simm.s32 @p0 $0x1  }
0x13: {  	[smem:$0x3FAC] =	sst s0;
	s0 =	simm.s32 @!p1 $0x0  }
0x14: {  	s2 =	sld [smem:$0x3F90];
	s0 =	simm.s32 @p1 $0x1  }
0x15: {  	[smem:$0x3FAD] =	sst s0;
	s0 =	simm.s32 @!p2 $0x0  }
0x16: {  	s3 =	sld [smem:$0x3FDB];
	s0 =	simm.s32 @p2 $0x1  }
0x17: {  	s4 =	simm.s32 $0x1BF5;
	[smem:$0x3FAF] =	sst s0  }
0x18: {  	s0 =	sld [smem:$0x3F92];
	_ =	swait.ge [sflag:s4], $0x0  }
0x19: {  	s7 =	sld [smem:$0x3F93]  }
0x1a: {  	s8 =	sadd.s32 $0xFFFFE003, lr  }
0x1b: {  	s9 =	sadd.s32 $0xFFFFFEF7, lr;
	s5 =	simm.s32 $0xFFFFFFFF;
	p2 =	slt.u32 s8, $0xFFFFF086  }
0x1c: {  	p1 =	slt.u32 s9, $0xF7A;
	s5 =	simm.s32 @!p2 $0x0  }
0x1d: {  	s5 =	simm.s32 @p1 $0x1;
	p0 =	seq.s32 s7, s2  }
0x1e: {  	s7 =	smul.u32 @!p0 $0xF7A, s2;
	p2 =	seq.s32 @!p0 s5, $0x0  }
0x1f: {  	s9 =	smul.u32 $0xF7A, s1;
	s8 =	simm.s32 @!p0 $0x1BF5;
	p2 =	por !p2, p0  }
0x20: {  	[sflag:s8] =	ssyncset.s32 @!p0 $0xFFFFF086;
	s6 =	sadd.s32 @!p0 s3, s7;
	s7 =	simm.s32 @!p0 $0x108  }
0x21: {  	s3 =	sadd.s32 s3, s9;
	s6 =	sadd.s32 @!p0 $0x88, s6;
	s7 =	simm.s32 @p2 $0x1082  }
0x22: {  	[simem:s7], [sflag:s8] =	dma.local @!p0 [hbm:s6], $0xF7A  }
0x23: {  	s9 =	sor.u32 $0xD0000000, s2;
	s6 =	simm.s32 $0x108;
	_ =	swait.ge @!p0 [sflag:s8], $0x0  }
0x24: {  	s3 =	sadd.s32 $0x88, s3;
	s6 =	simm.s32 @!p1 $0x1082;
	[sflag:s4] =	ssyncset.s32 $0xFFFFF086  }
0x25: {  	[simem:s6], [sflag:s4] =	dma.local [hbm:s3], $0xF7A  }
0x26: {  	[smem:$0x3F93] =	sst s1;
	(tag) =	ssettag s2;
	_ =	strace s9  }
0x27: {  	s1 =	sld [smem:$0x3FA3]  }
0x28: {  	s2 =	sld [smem:$0x3FA4]  }
0x29: {  	s4 =	sld [smem:$0x3FA6]  }
0x2a: {  	p0 =	seq.s32 s5, $0x0;
	s5 =	sld [smem:$0x3FA7]  }
0x2b: {  	s6 =	sld [smem:$0x3FA8]  }
0x2c: {  	s7 =	sld [smem:$0x3FA9]  }
0x2d: {  	s3 =	simm.s32 $0x108;
	s8 =	sld [smem:$0x3FAA]  }
0x2e: {  	s3 =	simm.s32 @!p0 $0x1082;
	s9 =	sld [smem:$0x3FAB]  }
0x2f: {  	lr =	sadd.s32 s0, s3;
	s0 =	sld [smem:$0x3FA2]  }
0x30: {  	s3 =	sld [smem:$0x3FA5]  }
0x31: {  	[smem:$0x3FAE] =	sst s10  }
0x32: {  	s10 =	sld [smem:$0x3FAC];
	_ =	sdelay $0x3  }
0x33: {  	p0 =	seq.s32 s10, $0x1;
	s10 =	sld [smem:$0x3FAE];
	_ =	sdelay $0x3  }
0x34: {  	[smem:$0x3FAE] =	sst s10  }
0x35: {  	s10 =	sld [smem:$0x3FAD];
	_ =	sdelay $0x3  }
0x36: {  	p1 =	seq.s32 s10, $0x1;
	s10 =	sld [smem:$0x3FAE];
	_ =	sdelay $0x3  }
0x37: {  	[smem:$0x3FAE] =	sst s10  }
0x38: {  	s10 =	sld [smem:$0x3FAF]  }
0x39: {  	_ = 	snop;
	(pc) =	sbr.ind lr, $3  }
0x3a: {  	_ = 	snop  }
0x3b: {  	_ = 	snop  }
0x3c: {  	p2 =	seq.s32 s10, $0x1;
	s10 =	sld [smem:$0x3FAE]  }
0x3d: {  	_ =	shalt  }
0x3e: {  	_ =	shalt  }
0x3f: {  	_ =	shalt  }
0x40: {  	_ =	shalt  }
0x41: {  	_ =	shalt  }
0x42: {  	_ =	shalt  }
0x43: {  	_ =	shalt  }
0x44: {  	_ =	shalt  }
0x45: {  	_ =	shalt  }
0x46: {  	_ =	shalt  }
0x47: {  	_ =	shalt  }
0x48: {  	_ =	shalt  }
0x49: {  	_ =	shalt  }
0x4a: {  	_ =	shalt  }
0x4b: {  	_ =	shalt  }
0x4c: {  	_ =	shalt  }
0x4d: {  	_ =	shalt  }
0x4e: {  	_ =	shalt  }
0x4f: {  	_ =	shalt  }
0x50: {  	_ =	shalt  }
0x51: {  	_ =	shalt  }
0x52: {  	_ =	shalt  }
0x53: {  	_ =	shalt  }
0x54: {  	_ =	shalt  }
0x55: {  	_ =	shalt  }
0x56: {  	_ =	shalt  }
0x57: {  	_ =	shalt  }
0x58: {  	_ =	shalt  }
0x59: {  	_ =	shalt  }
0x5a: {  	_ =	shalt  }
0x5b: {  	_ =	shalt  }
0x5c: {  	_ =	shalt  }
0x5d: {  	_ =	shalt  }
0x5e: {  	_ =	shalt  }
0x5f: {  	_ =	shalt  }
0x60: {  	_ =	shalt  }
0x61: {  	_ =	shalt  }
0x62: {  	_ =	shalt  }
0x63: {  	_ =	shalt  }
0x64: {  	_ =	shalt  }
0x65: {  	_ =	shalt  }
0x66: {  	_ =	shalt  }
0x67: {  	_ =	shalt  }
0x68: {  	_ =	shalt  }
0x69: {  	_ =	shalt  }
0x6a: {  	_ =	shalt  }
0x6b: {  	_ =	shalt  }
0x6c: {  	_ =	shalt  }
0x6d: {  	_ =	shalt  }
0x6e: {  	_ =	shalt  }
0x6f: {  	_ =	shalt  }
0x70: {  	_ =	shalt  }
0x71: {  	_ =	shalt  }
0x72: {  	_ =	shalt  }
0x73: {  	_ =	shalt  }
0x74: {  	_ =	shalt  }
0x75: {  	_ =	shalt  }
0x76: {  	_ =	shalt  }
0x77: {  	_ =	shalt  }
0x78: {  	_ =	shalt  }
0x79: {  	_ =	shalt  }
0x7a: {  	_ =	shalt  }
0x7b: {  	_ =	shalt  }
0x7c: {  	_ =	shalt  }
0x7d: {  	_ =	shalt  }
0x7e: {  	_ =	shalt  }
0x7f: {  	_ =	shalt  }
0x80: {  	_ =	shalt  }
0x81: {  	_ =	shalt  }
0x82: {  	_ =	shalt  }
0x83: {  	_ =	shalt  }
0x84: {  	_ =	shalt  }
0x85: {  	_ =	shalt  }
0x86: {  	_ =	shalt  }
0x87: {  	_ =	shalt  }
.Lfunc_end0:
.L_simem_size_0:
called_computation.3_lowered:
.L_overlay_start_0:
0x88: {  	s2 =	sld [smem:$0x3FD9]  }
0x89: {  	s3 =	sld [smem:$0x3FFE];
	_ =	sdelay $0x1  }
0x8a: {  	s1 =	srdreg.scid  }
0x8b: {  	s0 =	sand.u32 $0x1, s1  }
0x8c: {  	s17 =	sshll.u32 s0, $0xA;
	s2 =	sadd.s32 s3, s2  }
0x8d: {  	s2 =	sadd.s32 s2, s17  }
0x8e: {  	[smem:$0x3FBA] =	sst s2  }
0x8f: {  	_ = 	snop  }
0x90: {  	s2 =	sld [smem:$0x3FD0];
	(tm) =	ssettm $0x1  }
0x91: {  	s18 =	sld [smem:$0x3FFB];
	_ =	sdelay $0x3  }
0x92: {  	_ =	strace s18  }
0x93: {  	s3 =	sld [smem:$0x3FFC];
	_ =	sdelay $0x3  }
0x94: {  	_ =	strace s3  }
0x95: {  	s3 =	sld [smem:$0x3FFD];
	_ =	sdelay $0x3  }
0x96: {  	_ =	strace s3  }
0x97: {  	_ =	strace $0x8FFFFFFF  }
0x98: {  	s19 =	sld [smem:$0x3FDB];
	_ =	sdelay $0x1  }
0x99: {  	s4 =	simm.s32 $_scs_section_size  }
0x9a: {  	s5 =	simm.s32 $_size__tile_overlayer_lowered;
	s6 =	simm.s32 $_tile_overlayer_lowered  }
0x9b: {  	s22 =	simm.s32 $0x1BFF;
	s21 =	sshll.u32 s6, $0x1;
	s3 =	sadd.s32 s4, s19  }
0x9c: {  	s7 =	simm.s32 $0x0;
	s20 =	sshll.u32 s5, $0x1;
	s5 =	sadd.s32 s21, s3  }
0x9d: {  	[timem:s7], [sflag:s22] =	dma.local [hbm:s5], s20  }
0x9e: {  	_ =	swait.ge [sflag:s22], s20  }
0x9f: {  	s4 =	ssub.s32 $0x0, s20;
	[sflag:s22] =	ssyncset.done $0x0  }
0xa0: {  	[sflag:s22] =	ssyncadd.s32 s4;
	_ =	sdelay $0x1  }
0xa1: {  	s23 =	simm.s32 $0x1B8B  }
0xa2: {  	_ =	swait.ge [sflag:s23], $0x1  }
0xa3: {  	[sflag:s23] =	ssyncset.done $0x0  }
0xa4: {  	s25 =	simm.s32 $0x1B8E;
	s24 =	sld [smem:$0x3FFE];
	[sflag:s23] =	ssyncadd.s32 $0xFFFFFFFF  }
0xa5: {  	s26 =	simm.s32 $execute0_lowered;
	[smem:$0x3FD2] =	sst s25  }
0xa6: {  	s5 =	sshll.u32 s26, $0x1;
	_ =	strace $0x8000004F;
	[dreg:$0x1] =	wrdreg $0xFFFFFFFF  }
0xa7: {  	s28 =	simm.s32 $_size_execute0_lowered;
	s3 =	sadd.s32 s3, s5;
	[dreg:$0x0] =	wrdreg $0x0  }
0xa8: {  	s5 =	sshll.u32 s28, $0x1;
	[dreg:$0x2] =	wrdreg s3  }
0xa9: {  	[dreg:$0x3] =	wrdreg s5  }
0xaa: {  	[dreg:$0x4] =	wrdreg $0xC0  }
0xab: {  	_ =	task [dreg:s7], $0x5FFFF  }
0xac: {  	[dreg:$0x1] =	wrdreg $0xFFFFFFFF  }
0xad: {  	[dreg:$0x0] =	wrdreg $0x60  }
0xae: {  	[dreg:$0x2] =	wrdreg s24  }
0xaf: {  	[dreg:$0x3] =	wrdreg s2  }
0xb0: {  	[dreg:$0x4] =	wrdreg $0xA0000  }
0xb1: {  	[dreg:$0x5] =	wrdreg $0x9  }
0xb2: {  	_ =	task.clear_ibuf [dreg:s7], $0x6FFFF;
	_ =	strace $0x9000004F  }
0xb3: {  	s29 =	simm.s32 $0x9;
	_ =	strace $0x80000051  }
0xb4: {  	_ =	swait.ge [sflag:s29], $0x1  }
0xb5: {  	[sflag:s29] =	ssyncadd.s32 $0xFFFFFFFF  }
0xb6: {  	_ =	strace $0x90000051  }
0xb7: {  	_ =	sfence  }
0xb8: {  	s30 =	sld [smem:$0x0];
	_ =	sdelay $0x2  }
0xb9: {  	s31 =	sshll.u32 s1, $0xD;
	s1 =	sshrl.u32 s1, $0x2  }
0xba: {  	s3 =	sand.u32 $0x4000, s31;
	s1 =	sadd.s32 s1, s30  }
0xbb: {  	s0 =	sor.u32 s3, s0;
	s1 =	sshll.u32 s1, $0x11  }
0xbc: {  	s0 =	sor.u32 s1, s0  }
0xbd: {  	s0 =	sadd.s32 $0x8F2B, s0  }
0xbe: {  	[sflag:s0] =	ssyncadd.remote.s32 $0x1  }
0xbf: {  	_ =	sfence.sel $0xFFFF  }
0xc0: {  	[dreg:$0x0] =	wrdreg $0xFFFFFFFF;
	(pc) =	sbr.abs _section_cstart, $3  }
0xc1: {  	[dreg:$0x1] =	wrdreg $0xFFFFFFFF  }
0xc2: {  	_ =	task.clear_ibuf [dreg:s7], $0x2FFFF;
	_ =	strace $0x9FFFFFFF  }
0xc3: {  	(tm) =	ssettm $0x7FFFFFFF  }
tec
execute0_lowered:
.L_overlay_start_1:
0x0: {  	(tag) =	ssettag $0x1  }
0x1: {  	s0 =	rddreg [dreg:$0x0]  }
0x2: {  	s2 =	rddreg [dreg:$0x1]  }
0x3: {  	s1 =	rddreg [dreg:$0x2];
	s17 =	stileid.u32  }
0x4: {  	s3 =	simm.s32 $0x0;
	s20 =	srdreg.scid;
	s5 =	smul.u32 $0xFA, s17  }
0x5: {  	s30 =	simm.s32 $0x4E70;
	s31 =	simm.s32 $0x4F10;
	s11 =	smul.u32 $0x9C4, s17  }
0x6: {  	[smem:$0x7FF] =	sst s3;
	s4 =	sadd.s32 $0xECC800, s0;
	s14 =	smul.u32 $0x4E000, s17  }
0x7: {  	s3 =	sand.u32 $0x1, s20;
	s6 =	sadd.s32 $0x1B0400, s0;
	s16 =	smul.u32 $0x270, s17  }
0x8: {  	s8 =	sadd.s32 $0x29A00, s0;
	s10 =	sadd.s32 $0x33800, s0;
	s21 =	smul.u32 $0x4E20, s17  }
0x9: {  	s24 =	sadd.s32 $0x138000, s1;
	p0 =	sne.s32 s17, $0xF;
	_ =	strace $0x80000050  }
0xa: {  	s7 =	sshll.u32 s3, $0x5;
	s13 =	ssub.s32 $0x2, s3;
	s28 =	smul.u32 $0x4E20, s3  }
0xb: {  	[dreg:$0x6] =	wrdreg s24;
	s19 =	smul.u32 $0x271000, s3;
	s12 =	sor.u32 s17, s7  }
0xc: {  	s7 =	sadd.s32 $0x2800, s0;
	s0 =	sadd.s32 $0x36000, s0;
	s15 =	sshrl.u32 s13, $0x1  }
0xd: {  	s14 =	sshrl.u32 s14, $0x2;
	s2 =	sadd.s32 s2, s11;
	s25 =	sshrl.u32 s21, $0x3  }
0xe: {  	s11 =	sadd.s32 s8, s11;
	s9 =	smul.u32 $0xFA, s12;
	s13 =	ssub.s32 s13, s15  }
0xf: {  	[dreg:$0x4] =	wrdreg s2;
	s22 =	sadd.s32 s14, s1;
	s23 =	smul.u32 $0x9C4, s12  }
0x10: {  	s12 =	smul.u32 $0x4E20, s12;
	s26 =	sadd.s32 s8, s25;
	s14 =	sshllo.u32 s3, $0x1  }
0x11: {  	[dreg:$0x7] =	wrdreg s11;
	s29 =	sadd.s32 $0xA, s26;
	s18 =	smul.u32 $0x2710, s14  }
0x12: {  	s20 =	sshll.u32 s14, $0x4;
	[dreg:$0x5] =	wrdreg s22;
	s2 =	sadd.s32 s7, s23  }
0x13: {  	[dreg:$0x9] =	wrdreg s29;
	s11 =	sshrl.u32 s12, $0x3;
	s12 =	sadd.s32 s16, s28  }
0x14: {  	s3 =	sor.u32 s17, s20;
	s29 =	smax.u32 s13, $0x1;
	s13 =	simm.s32 $0x5000  }
0x15: {  	s17 =	simm.s32 $0x4FB0;
	s15 =	sshll.u32 s12, $0x4;
	s12 =	smul.u32 $0x138800, s14  }
0x16: {  	[dreg:$0x8] =	wrdreg s2;
	s2 =	sadd.s32 s7, s11;
	s21 =	smul.u32 $0x4E20, s3  }
0x17: {  	s11 =	sadd.s32 s16, s18;
	s24 =	smul.u32 $0x9C4, s3;
	[dreg:$0x11] =	wrdreg s29  }
0x18: {  	s18 =	simm.s32 $0x7800;
	s2 =	sadd.s32 $0xA, s2;
	s11 =	sshll.u32 s11, $0x4  }
0x19: {  	[dreg:$0xa] =	wrdreg s2;
	s2 =	sadd.s32 s0, s15;
	s11 =	sadd.s32 s0, s11  }
0x1a: {  	s23 =	sshrl.u32 s12, $0x3;
	s25 =	sshrl.u32 s21, $0x3;
	s21 =	smul.u32 $0xFA, s3  }
0x1b: {  	s28 =	sadd.s32 s7, s24;
	s15 =	simm.s32 $0x2;
	[dreg:$0xb] =	wrdreg s2  }
0x1c: {  	s2 =	sshrl.u32 s19, $0x3;
	[dreg:$0xc] =	wrdreg s11;
	s26 =	sadd.s32 s7, s25  }
0x1d: {  	[dreg:$0xe] =	wrdreg s28;
	s11 =	simm.s32 $0x4F60;
	s2 =	sadd.s32 s0, s2  }
0x1e: {  	s19 =	simm.s32 $0x3;
	s0 =	sadd.s32 s0, s23;
	s2 =	sadd.s32 $0x27000, s2  }
0x1f: {  	s23 =	simm.s32 $0x0;
	s0 =	sadd.s32 $0x27000, s0;
	[dreg:$0xd] =	wrdreg s2  }
0x20: {  	s2 =	sadd.s32 $0xA, s26;
	[dreg:$0x10] =	wrdreg s0;
	s26 =	simm.s32 $0x7  }
0x21: {  	s0 =	simm.s32 $0x1;
	[dreg:$0xf] =	wrdreg s2;
	s2 =	simm.s32 $0x50  }
.LBB2_1:
0x22: {  	s12 =	simm.s32 $0x0;
	s3 =	rddreg [dreg:$0x4]  }
0x23: {  	[tilespmem:s12], [sflag:$0x7] =	stream.linear.gather [hbm4b:s3+s12], $0x4E20, $0x38;
	[tilespmem:$0x1D880] =	vst v63  }
0x24: {  	s25 =	stileid.u32;
	_ =	swait.ge [sflag:s26], $0x4E20  }
0x25: {  	s3 =	sshll.u32 s25, $0x6;
	[sflag:s26] =	ssyncset.done $0x0  }
0x26: {  	s25 =	sshrl.u32 s22, $0x3;
	s24 =	sor.u32 $0x1C07, s3;
	[sflag:s26] =	ssyncadd.s32 $0xFFFFB1E0  }
0x27: {  	[spmem:s25], [sflag:s24] =	dma.local [hbm:s10], $0x2700  }
0x28: {  	_ =	swait.ge [sflag:s26], $0x2700  }
0x29: {  	[sflag:s26] =	ssyncset.done $0x0;
	s3 =	rddreg [dreg:$0x6]  }
0x2a: {  	[sflag:s26] =	ssyncadd.s32 $0xFFFFD900;
	s14 =	sshrl.u32 @!p0 s3, $0x3;
	s3 =	simm.s32 @!p0 $0x7  }
0x2b: {  	[spmem:s14], [sflag:s24] =	dma.local @!p0 [hbm:s10], $0x100  }
0x2c: {  	_ =	swait.ge @!p0 [sflag:s3], $0x100  }
0x2d: {  	[sflag:s3] =	ssyncset.done @!p0 $0x0  }
0x2e: {  	[sflag:s3] =	ssyncadd.s32 @!p0 $0xFFFFFF00  }
0x2f: {  	[bflag:$0x0] =	sbarrier.arrive $0xFFFF  }
0x30: {  	s16 =	simm.s32 $0x4E20;
	s28 =	rddreg [dreg:$0x7]  }
0x31: {  	[tilespmem:s16], [sflag:$0x1] =	stream.linear.gather [hbm4b:s28+s12], $0x50, $0x38;
	[tilespmem:$0x1D880] =	vst v63  }
0x32: {  	s20 =	simm.s32 $0x4EC0;
	s29 =	rddreg [dreg:$0x8]  }
0x33: {  	[tilespmem:s20], [sflag:$0x1] =	stream.linear.gather [hbm4b:s29+s12], $0x50, $0x38;
	[tilespmem:$0x1D880] =	vst v63  }
0x34: {  	s28 =	rddreg [dreg:$0x9]  }
0x35: {  	[tilespmem:s30], [sflag:$0x2] =	stream.linear.gather [hbm4b:s28+s12], $0x50, $0x38;
	[tilespmem:$0x1D880] =	vst v63  }
0x36: {  	s29 =	rddreg [dreg:$0xa]  }
0x37: {  	[tilespmem:s31], [sflag:$0x2] =	stream.linear.gather [hbm4b:s29+s12], $0x50, $0x38;
	[tilespmem:$0x1D880] =	vst v63  }
0x38: {  	_ =	swait.ge [sflag:s0], $0x50  }
0x39: {  	[sflag:s0] =	ssyncset.done $0x0  }
0x3a: {  	[sflag:s0] =	ssyncadd.s32 $0xFFFFFFB0  }
0x3b: {  	_ =	swait.ge [sflag:s0], $0x50  }
0x3c: {  	[sflag:s0] =	ssyncset.done $0x0  }
0x3d: {  	[sflag:s0] =	ssyncadd.s32 $0xFFFFFFB0  }
0x3e: {  	[tilespmem:s11], [sflag:$0x3] =	stream.indirect.gather [hbm4b:s4+s2], $0x1, s16, s2, $0xb8;
	[tilespmem:$0x1D880] =	vst v63  }
0x3f: {  	s16 =	simm.s32 $0x0  }
0x40: {  	[tilespmem:s13], [sflag:$0x3] =	stream.indirect.gather [hbm4b:s6+s2], $0x80, s20, s2, $0xb8;
	[tilespmem:$0x1D880] =	vst v63  }
.LBB2_2:
0x41: {  	p1 =	seq.s32 s16, $0x0  }
0x42: {  	s3 =	simm.s32 @!p1 $0x6  }
0x43: {  	_ =	swait.ge @!p1 [sflag:s3], $0x2800  }
0x44: {  	[sflag:s3] =	ssyncset.done @!p1 $0x0  }
0x45: {  	[sflag:s3] =	ssyncadd.s32 @!p1 $0xFFFFD800  }
0x46: {  	_ =	swait.ge [sflag:s15], $0x50  }
0x47: {  	[sflag:s15] =	ssyncset.done $0x0  }
0x48: {  	[sflag:s15] =	ssyncadd.s32 $0xFFFFFFB0  }
0x49: {  	_ =	swait.ge [sflag:s15], $0x50  }
0x4a: {  	[sflag:s15] =	ssyncset.done $0x0  }
0x4b: {  	[sflag:s15] =	ssyncadd.s32 $0xFFFFFFB0  }
0x4c: {  	[tilespmem:s17], [sflag:$0x4] =	stream.indirect.gather [hbm4b:s4+s2], $0x1, s30, s2, $0xb8;
	[tilespmem:$0x1D880] =	vst v63  }
0x4d: {  	_ = 	snop  }
0x4e: {  	[tilespmem:s18], [sflag:$0x4] =	stream.indirect.gather [hbm4b:s6+s2], $0x80, s31, s2, $0xb8;
	[tilespmem:$0x1D880] =	vst v63  }
0x4f: {  	s28 =	sshll.u32 s16, $0x1;
	p1 =	seq.s32 s16, $0x7C;
	_ =	swait.ge [sflag:s19], $0x50  }
0x50: {  	s3 =	sadd.s32 @!p1 $0x2, s28;
	[sflag:s19] =	ssyncset.done $0x0  }
0x51: {  	s12 =	sadd.s32 @!p1 s5, s3;
	[sflag:s19] =	ssyncadd.s32 $0xFFFFFFB0  }
0x52: {  	s20 =	simm.s32 @!p1 $0x0;
	s12 =	smul.u32 @!p1 $0xA, s12;
	_ =	swait.ge [sflag:s19], $0x2800  }
0x53: {  	s29 =	simm.s32 @!p1 $0x4E20;
	s3 =	sadd.s32 @!p1 s9, s3;
	[sflag:s19] =	ssyncset.done $0x0  }
0x54: {  	s3 =	smul.u32 @!p1 $0xA, s3;
	s12 =	sadd.s32 @!p1 s8, s12;
	[sflag:s19] =	ssyncadd.s32 $0xFFFFD800  }
0x55: {  	[tilespmem:s29], [sflag:$0x1] =	stream.linear.gather @!p1 [hbm4b:s12+s20], $0x50, $0x38;
	[tilespmem:$0x1D880] =	vst v63  }
0x56: {  	s3 =	sadd.s32 @!p1 s7, s3;
	s12 =	simm.s32 @!p1 $0x4EC0  }
0x57: {  	[tilespmem:s12], [sflag:$0x1] =	stream.linear.gather @!p1 [hbm4b:s3+s20], $0x50, $0x38;
	[tilespmem:$0x1D880] =	vst v63  }
0x58: {  	v0 =	vld [tilespmem:$0x4F60]  }
0x59: {  	v1 =	vld [tilespmem:$0x4F70]  }
0x5a: {  	v2 =	vld [tilespmem:$0x4F80]  }
0x5b: {  	v3 =	vld [tilespmem:$0x4F90]  }
0x5c: {  	v4 =	vld [tilespmem:$0x4FA0]  }
0x5d: {  	v0 =	vmul.f32 $1.442695020e+00, v0  }
0x5e: {  	v1 =	vmul.f32 $1.442695020e+00, v1  }
0x5f: {  	(erf) = vpow2.f32 v0;
	v0 =	vmul.f32 $1.442695020e+00, v2  }
0x60: {  	(erf) = vpow2.f32 v1;
	v1 =	vmul.f32 $1.442695020e+00, v3  }
0x61: {  	(erf) = vpow2.f32 v0;
	v0 =	vmul.f32 $1.442695020e+00, v4  }
0x62: {  	(erf) = vpow2.f32 v1  }
0x63: {  	(erf) = vpow2.f32 v0;
	_ =	sdelay $0x4  }
0x64: {  	v0 =	vpop (erf)  }
0x65: {  	v1 =	vpop (erf);
	[tilespmem:$0x4F60] =	vst v0  }
0x66: {  	v0 =	vpop (erf);
	[tilespmem:$0x4F70] =	vst v1  }
0x67: {  	s20 =	simm.s32 $0x0;
	v1 =	vpop (erf);
	[tilespmem:$0x4F80] =	vst v0  }
0x68: {  	[tilespmem:$0x4F90] =	vst v1;
	v0 =	vpop (erf);
	v1 =	vmov s20  }
0x69: {  	s3 =	simm.s32 $0x5040;
	[tilespmem:$0x4FA0] =	vst v0  }
0x6a: {  	v4 =	vld [tilespmem:s3+$0x30]  }
0x6b: {  	v7 =	vld [tilespmem:s3+$0x10]  }
0x6c: {  	v5 =	vld [tilespmem:s3+$0xFFFFFFC0]  }
0x6d: {  	v1 =	vld.idx.msk [tilespmem:v1+s11+$0x0], $0xffff  }
0x6e: {  	v9 =	vld [tilespmem:s3+$0xFFFFFFE0]  }
0x6f: {  	v0 =	vld [tilespmem:s3+$0xFFFFFFF0]  }
0x70: {  	v2 =	vld [tilespmem:s3+$0x20]  }
0x71: {  	v3 =	vld [tilespmem:s3+$0xFFFFFFD0]  }
0x72: {  	v8 =	vmul.f32 v4, v1;
	v4 =	vld [tilespmem:s3+$0x0]  }
0x73: {  	v6 =	vmul.f32 v5, v1  }
0x74: {  	s29 =	simm.s32 $0x1;
	s12 =	simm.s32 $0x5040;
	v5 =	vmul.f32 v9, v1;
	v7 =	vmul.f32 v7, v1  }
.LBB2_3:
0x75: {  	p2 =	sne.s32 s29, $0x4F  }
0x76: {  	v3 =	vmul.f32 v3, v1;
	v2 =	vmul.f32 v2, v1;
	[tilespmem:s3+$0x30] =	vst v8;
	s12 =	sadd.s32 $0x80, s12;
	s20 =	smov.u32 s29;
	s29 =	sadd.s32 $0x1, s29  }
0x77: {  	[tilespmem:s3+$0xFFFFFFC0] =	vst v6;
	v6 =	vmul.f32 v0, v1;
	v1 =	vmul.f32 v4, v1  }
0x78: {  	[tilespmem:s3+$0x10] =	vst v7  }
0x79: {  	v4 =	vmov s20;
	[tilespmem:s3+$0xFFFFFFE0] =	vst v5  }
0x7a: {  	v0 =	vld [tilespmem:s12+$0xFFFFFFF0];
	[tilespmem:s3+$0xFFFFFFF0] =	vst v6  }
0x7b: {  	v5 =	vld [tilespmem:s12+$0x30];
	[tilespmem:s3+$0x0] =	vst v1  }
0x7c: {  	v7 =	vld [tilespmem:s12+$0x10];
	[tilespmem:s3+$0x20] =	vst v2  }
0x7d: {  	v6 =	vld [tilespmem:s12+$0xFFFFFFC0];
	[tilespmem:s3+$0xFFFFFFD0] =	vst v3;
	s3 =	smov.u32 s12  }
0x7e: {  	v1 =	vld.idx.msk [tilespmem:v4+s11+$0x0], $0xffff  }
0x7f: {  	v9 =	vld [tilespmem:s12+$0xFFFFFFE0]  }
0x80: {  	v2 =	vld [tilespmem:s12+$0x20]  }
.Ltmp0:
0x81: {  	v3 =	vld [tilespmem:s12+$0xFFFFFFD0];
	(pc) =	sbr.rel @p2 .LBB2_3-.Ltmp0, $3  }
0x82: {  	v4 =	vld [tilespmem:s12+$0x0];
	_ =	sdelay $0x1  }
0x83: {  	v6 =	vmul.f32 v6, v1;
	v8 =	vmul.f32 v5, v1  }
0x84: {  	v7 =	vmul.f32 v7, v1;
	v5 =	vmul.f32 v9, v1  }
0x85: {  	[tilespmem:s3+$0x30] =	vst v8  }
0x86: {  	[tilespmem:s3+$0xFFFFFFC0] =	vst v6  }
0x87: {  	v0 =	vmul.f32 v0, v1;
	[tilespmem:s3+$0x10] =	vst v7  }
0x88: {  	v2 =	vmul.f32 v2, v1;
	[tilespmem:s3+$0xFFFFFFE0] =	vst v5  }
0x89: {  	v4 =	vmul.f32 v4, v1;
	[tilespmem:s3+$0xFFFFFFF0] =	vst v0  }
0x8a: {  	s12 =	smul.u32 $0x280, s16;
	v0 =	vmul.f32 v3, v1;
	[tilespmem:s3+$0x20] =	vst v2  }
0x8b: {  	[tilespmem:s3+$0x0] =	vst v4  }
0x8c: {  	s29 =	sshra.s32 s12, $0x2;
	[tilespmem:s3+$0xFFFFFFD0] =	vst v0;
	s3 =	simm.s32 @p1 $0x4  }
0x8d: {  	[spmem:s1] =	stream.indirect.scatter.add.f32 [tilespmem:s13], [sflag:$0x5], $0x80, s29, s2, $0xb8;
	[tilespmem:$0x1D880] =	vst v63  }
0x8e: {  	_ =	swait.ge @p1 [sflag:s3], $0x50  }
0x8f: {  	[sflag:s3] =	ssyncset.done @p1 $0x0  }
0x90: {  	[sflag:s3] =	ssyncadd.s32 @p1 $0xFFFFFFB0  }
0x91: {  	_ =	swait.ge @p1 [sflag:s3], $0x2800  }
0x92: {  	[sflag:s3] =	ssyncset.done @p1 $0x0  }
0x93: {  	[sflag:s3] =	ssyncadd.s32 @p1 $0xFFFFD800;
	s3 =	simm.s32 @!p1 $0x5  }
0x94: {  	_ =	swait.ge @!p1 [sflag:s3], $0x2800  }
0x95: {  	[sflag:s3] =	ssyncset.done @!p1 $0x0  }
0x96: {  	[sflag:s3] =	ssyncadd.s32 @!p1 $0xFFFFD800;
	s3 =	simm.s32 @!p1 $0x1  }
0x97: {  	_ =	swait.ge @!p1 [sflag:s3], $0x50  }
0x98: {  	[sflag:s3] =	ssyncset.done @!p1 $0x0  }
0x99: {  	[sflag:s3] =	ssyncadd.s32 @!p1 $0xFFFFFFB0  }
0x9a: {  	_ =	swait.ge @!p1 [sflag:s3], $0x50  }
0x9b: {  	s20 =	simm.s32 @!p1 $0x4F60;
	[sflag:s3] =	ssyncset.done @!p1 $0x0  }
0x9c: {  	s12 =	simm.s32 @!p1 $0x4E20;
	[sflag:s3] =	ssyncadd.s32 @!p1 $0xFFFFFFB0;
	s3 =	simm.s32 @!p1 $0x50  }
0x9d: {  	[tilespmem:s20], [sflag:$0x3] =	stream.indirect.gather @!p1 [hbm4b:s4+s3], $0x1, s12, s3, $0xb8;
	[tilespmem:$0x1D880] =	vst v63  }
0x9e: {  	s12 =	simm.s32 @!p1 $0x4EC0;
	s20 =	simm.s32 @!p1 $0x5000  }
0x9f: {  	[tilespmem:s20], [sflag:$0x3] =	stream.indirect.gather @!p1 [hbm4b:s6+s3], $0x80, s12, s3, $0xb8;
	[tilespmem:$0x1D880] =	vst v63  }
0xa0: {  	s3 =	simm.s32 @!p1 $0x4  }
0xa1: {  	_ =	swait.ge @!p1 [sflag:s3], $0x50  }
0xa2: {  	s12 =	sadd.s32 @!p1 $0x3, s28;
	[sflag:s3] =	ssyncset.done @!p1 $0x0  }
0xa3: {  	s20 =	sadd.s32 @!p1 s5, s12;
	[sflag:s3] =	ssyncadd.s32 @!p1 $0xFFFFFFB0  }
0xa4: {  	s12 =	sadd.s32 @!p1 s9, s12;
	s20 =	smul.u32 @!p1 $0xA, s20;
	_ =	swait.ge @!p1 [sflag:s3], $0x2800  }
0xa5: {  	s28 =	simm.s32 @!p1 $0x4E70;
	s12 =	smul.u32 @!p1 $0xA, s12;
	[sflag:s3] =	ssyncset.done @!p1 $0x0  }
0xa6: {  	[sflag:s3] =	ssyncadd.s32 @!p1 $0xFFFFD800;
	s3 =	sadd.s32 @!p1 s8, s20;
	s20 =	simm.s32 @!p1 $0x0  }
0xa7: {  	[tilespmem:s28], [sflag:$0x2] =	stream.linear.gather @!p1 [hbm4b:s3+s20], $0x50, $0x38;
	[tilespmem:$0x1D880] =	vst v63  }
0xa8: {  	s3 =	sadd.s32 @!p1 s7, s12;
	s12 =	simm.s32 @!p1 $0x4F10  }
0xa9: {  	[tilespmem:s12], [sflag:$0x2] =	stream.linear.gather @!p1 [hbm4b:s3+s20], $0x50, $0x38;
	[tilespmem:$0x1D880] =	vst v63  }
0xaa: {  	v0 =	vld [tilespmem:$0x4FB0]  }
0xab: {  	v1 =	vld [tilespmem:$0x4FC0]  }
0xac: {  	v2 =	vld [tilespmem:$0x4FD0]  }
0xad: {  	v3 =	vld [tilespmem:$0x4FE0]  }
0xae: {  	v4 =	vld [tilespmem:$0x4FF0]  }
0xaf: {  	v0 =	vmul.f32 $1.442695020e+00, v0  }
0xb0: {  	v1 =	vmul.f32 $1.442695020e+00, v1  }
0xb1: {  	(erf) = vpow2.f32 v0;
	v0 =	vmul.f32 $1.442695020e+00, v2  }
0xb2: {  	(erf) = vpow2.f32 v1;
	v1 =	vmul.f32 $1.442695020e+00, v3  }
0xb3: {  	(erf) = vpow2.f32 v0;
	v0 =	vmul.f32 $1.442695020e+00, v4  }
0xb4: {  	(erf) = vpow2.f32 v1  }
0xb5: {  	(erf) = vpow2.f32 v0;
	_ =	sdelay $0x4  }
0xb6: {  	v0 =	vpop (erf)  }
0xb7: {  	v1 =	vpop (erf);
	[tilespmem:$0x4FB0] =	vst v0  }
0xb8: {  	v0 =	vpop (erf);
	[tilespmem:$0x4FC0] =	vst v1  }
0xb9: {  	s20 =	simm.s32 $0x0;
	v1 =	vpop (erf);
	[tilespmem:$0x4FD0] =	vst v0  }
0xba: {  	[tilespmem:$0x4FE0] =	vst v1;
	v0 =	vpop (erf);
	v1 =	vmov s20  }
0xbb: {  	s3 =	simm.s32 $0x7840;
	[tilespmem:$0x4FF0] =	vst v0  }
0xbc: {  	v4 =	vld [tilespmem:s3+$0x30]  }
0xbd: {  	v7 =	vld [tilespmem:s3+$0x10]  }
0xbe: {  	v5 =	vld [tilespmem:s3+$0xFFFFFFC0]  }
0xbf: {  	v1 =	vld.idx.msk [tilespmem:v1+s17+$0x0], $0xffff  }
0xc0: {  	v9 =	vld [tilespmem:s3+$0xFFFFFFE0]  }
0xc1: {  	v0 =	vld [tilespmem:s3+$0xFFFFFFF0]  }
0xc2: {  	v2 =	vld [tilespmem:s3+$0x20]  }
0xc3: {  	v3 =	vld [tilespmem:s3+$0xFFFFFFD0]  }
0xc4: {  	v8 =	vmul.f32 v4, v1;
	v4 =	vld [tilespmem:s3+$0x0]  }
0xc5: {  	v6 =	vmul.f32 v5, v1  }
0xc6: {  	s28 =	simm.s32 $0x1;
	s12 =	simm.s32 $0x7840;
	v5 =	vmul.f32 v9, v1;
	v7 =	vmul.f32 v7, v1  }
.LBB2_5:
0xc7: {  	p1 =	sne.s32 s28, $0x4F  }
0xc8: {  	v3 =	vmul.f32 v3, v1;
	v2 =	vmul.f32 v2, v1;
	[tilespmem:s3+$0x30] =	vst v8;
	s12 =	sadd.s32 $0x80, s12;
	s20 =	smov.u32 s28;
	s28 =	sadd.s32 $0x1, s28  }
0xc9: {  	[tilespmem:s3+$0xFFFFFFC0] =	vst v6;
	v6 =	vmul.f32 v0, v1;
	v1 =	vmul.f32 v4, v1  }
0xca: {  	[tilespmem:s3+$0x10] =	vst v7  }
0xcb: {  	v4 =	vmov s20;
	[tilespmem:s3+$0xFFFFFFE0] =	vst v5  }
0xcc: {  	v0 =	vld [tilespmem:s12+$0xFFFFFFF0];
	[tilespmem:s3+$0xFFFFFFF0] =	vst v6  }
0xcd: {  	v5 =	vld [tilespmem:s12+$0x30];
	[tilespmem:s3+$0x0] =	vst v1  }
0xce: {  	v7 =	vld [tilespmem:s12+$0x10];
	[tilespmem:s3+$0x20] =	vst v2  }
0xcf: {  	v6 =	vld [tilespmem:s12+$0xFFFFFFC0];
	[tilespmem:s3+$0xFFFFFFD0] =	vst v3;
	s3 =	smov.u32 s12  }
0xd0: {  	v1 =	vld.idx.msk [tilespmem:v4+s17+$0x0], $0xffff  }
0xd1: {  	v9 =	vld [tilespmem:s12+$0xFFFFFFE0]  }
0xd2: {  	v2 =	vld [tilespmem:s12+$0x20]  }
.Ltmp1:
0xd3: {  	v3 =	vld [tilespmem:s12+$0xFFFFFFD0];
	(pc) =	sbr.rel @p1 .LBB2_5-.Ltmp1, $3  }
0xd4: {  	v4 =	vld [tilespmem:s12+$0x0];
	_ =	sdelay $0x1  }
0xd5: {  	v6 =	vmul.f32 v6, v1;
	v8 =	vmul.f32 v5, v1  }
0xd6: {  	v7 =	vmul.f32 v7, v1;
	v5 =	vmul.f32 v9, v1  }
0xd7: {  	[tilespmem:s3+$0x30] =	vst v8  }
0xd8: {  	[tilespmem:s3+$0xFFFFFFC0] =	vst v6  }
0xd9: {  	v0 =	vmul.f32 v0, v1;
	s16 =	sadd.s32 $0x1, s16;
	[tilespmem:s3+$0x10] =	vst v7  }
0xda: {  	v2 =	vmul.f32 v2, v1;
	[tilespmem:s3+$0xFFFFFFE0] =	vst v5;
	p1 =	sne.s32 s16, $0x7D  }
.Ltmp2:
0xdb: {  	v63 =	vmul.f32 v3, v1;
	[tilespmem:s3+$0xFFFFFFF0] =	vst v0;
	(pc) =	sbr.rel @p1 .LBB2_2-.Ltmp2, $4  }
0xdc: {  	v4 =	vmul.f32 v4, v1;
	[tilespmem:s3+$0x20] =	vst v2  }
0xdd: {  	[tilespmem:s3+$0xFFFFFFD0] =	vst v63  }
0xde: {  	s29 =	sadd.s32 $0x50, s29;
	[tilespmem:s3+$0x0] =	vst v4  }
0xdf: {  	[spmem:s1] =	stream.indirect.scatter.add.f32 [tilespmem:s18], [sflag:$0x6], $0x80, s29, s2, $0xb8;
	[tilespmem:$0x1D880] =	vst v63  }
0xe0: {  	s3 =	simm.s32 $0x5  }
0xe1: {  	_ =	swait.ge [sflag:s3], $0x2800  }
0xe2: {  	[sflag:s3] =	ssyncset.done $0x0  }
0xe3: {  	s16 =	simm.s32 $0x6;
	[sflag:s3] =	ssyncadd.s32 $0xFFFFD800  }
0xe4: {  	_ =	swait.ge [sflag:s16], $0x2800  }
0xe5: {  	[sflag:s16] =	ssyncset.done $0x0  }
0xe6: {  	[sflag:s16] =	ssyncadd.s32 $0xFFFFD800  }
0xe7: {  	[bflag:$0x0] =	sbarrier.arrive $0xFFFF  }
0xe8: {  	s20 =	rddreg [dreg:$0xb]  }
0xe9: {  	[hbm:s20], [sflag:s24] =	dma.local [spmem:s25], $0x2700  }
0xea: {  	_ =	swait.ge [sflag:s26], $0x2700  }
0xeb: {  	[sflag:s26] =	ssyncset.done $0x0  }
0xec: {  	s3 =	sshrl.u32 @p0 s22, $0x3;
	[sflag:s26] =	ssyncadd.s32 $0xFFFFD900  }
0xed: {  	[spmem:s3], [sflag:s24] =	dma.local @p0 [hbm:s10], $0x2700  }
0xee: {  	s3 =	simm.s32 @p0 $0x7  }
0xef: {  	_ =	swait.ge @p0 [sflag:s3], $0x2700  }
0xf0: {  	[sflag:s3] =	ssyncset.done @p0 $0x0  }
0xf1: {  	[sflag:s3] =	ssyncadd.s32 @p0 $0xFFFFD900;
	s3 =	rddreg [dreg:$0xd]  }
0xf2: {  	[hbm:s3], [sflag:s24] =	dma.local @!p0 [spmem:s14], $0x100  }
0xf3: {  	s3 =	simm.s32 @!p0 $0x7  }
0xf4: {  	_ =	swait.ge @!p0 [sflag:s3], $0x100  }
0xf5: {  	[sflag:s3] =	ssyncset.done @!p0 $0x0  }
0xf6: {  	s12 =	sshrl.u32 @!p0 s22, $0x3;
	[sflag:s3] =	ssyncadd.s32 @!p0 $0xFFFFFF00  }
0xf7: {  	[spmem:s12], [sflag:s24] =	dma.local @!p0 [hbm:s10], $0x2700  }
0xf8: {  	_ =	swait.ge @!p0 [sflag:s3], $0x2700  }
0xf9: {  	[sflag:s3] =	ssyncset.done @!p0 $0x0  }
0xfa: {  	[sflag:s3] =	ssyncadd.s32 @!p0 $0xFFFFD900  }
0xfb: {  	[spmem:s14], [sflag:s24] =	dma.local @!p0 [hbm:s10], $0x100  }
0xfc: {  	_ =	swait.ge @!p0 [sflag:s3], $0x100  }
0xfd: {  	[sflag:s3] =	ssyncset.done @!p0 $0x0  }
0xfe: {  	[sflag:s3] =	ssyncadd.s32 @!p0 $0xFFFFFF00  }
0xff: {  	[bflag:$0x0] =	sbarrier.arrive $0xFFFF  }
0x100: {  	s16 =	simm.s32 $0x0;
	s12 =	simm.s32 $0x4E20;
	s22 =	rddreg [dreg:$0x7]  }
0x101: {  	[tilespmem:s12], [sflag:$0x1] =	stream.linear.gather [hbm4b:s22+s16], $0x50, $0x38;
	[tilespmem:$0x1D880] =	vst v63  }
0x102: {  	s20 =	simm.s32 $0x4EC0;
	s29 =	rddreg [dreg:$0xe]  }
0x103: {  	[tilespmem:s20], [sflag:$0x1] =	stream.linear.gather [hbm4b:s29+s16], $0x50, $0x38;
	[tilespmem:$0x1D880] =	vst v63  }
0x104: {  	s22 =	rddreg [dreg:$0x9]  }
0x105: {  	[tilespmem:s30], [sflag:$0x2] =	stream.linear.gather [hbm4b:s22+s16], $0x50, $0x38;
	[tilespmem:$0x1D880] =	vst v63  }
0x106: {  	s29 =	rddreg [dreg:$0xf]  }
0x107: {  	[tilespmem:s31], [sflag:$0x2] =	stream.linear.gather [hbm4b:s29+s16], $0x50, $0x38;
	[tilespmem:$0x1D880] =	vst v63  }
0x108: {  	_ =	swait.ge [sflag:s0], $0x50  }
0x109: {  	[sflag:s0] =	ssyncset.done $0x0  }
0x10a: {  	[sflag:s0] =	ssyncadd.s32 $0xFFFFFFB0  }
0x10b: {  	_ =	swait.ge [sflag:s0], $0x50  }
0x10c: {  	[sflag:s0] =	ssyncset.done $0x0  }
0x10d: {  	[sflag:s0] =	ssyncadd.s32 $0xFFFFFFB0  }
0x10e: {  	[tilespmem:s11], [sflag:$0x3] =	stream.indirect.gather [hbm4b:s4+s2], $0x1, s12, s2, $0xb8;
	[tilespmem:$0x1D880] =	vst v63  }
0x10f: {  	s28 =	simm.s32 $0x0  }
0x110: {  	[tilespmem:s13], [sflag:$0x3] =	stream.indirect.gather [hbm4b:s6+s2], $0x80, s20, s2, $0xb8;
	[tilespmem:$0x1D880] =	vst v63  }
.LBB2_8:
0x111: {  	p1 =	seq.s32 s28, $0x0  }
0x112: {  	s3 =	simm.s32 @!p1 $0x6  }
0x113: {  	_ =	swait.ge @!p1 [sflag:s3], $0x2800  }
0x114: {  	[sflag:s3] =	ssyncset.done @!p1 $0x0  }
0x115: {  	[sflag:s3] =	ssyncadd.s32 @!p1 $0xFFFFD800  }
0x116: {  	_ =	swait.ge [sflag:s15], $0x50  }
0x117: {  	[sflag:s15] =	ssyncset.done $0x0  }
0x118: {  	[sflag:s15] =	ssyncadd.s32 $0xFFFFFFB0  }
0x119: {  	_ =	swait.ge [sflag:s15], $0x50  }
0x11a: {  	[sflag:s15] =	ssyncset.done $0x0  }
0x11b: {  	[sflag:s15] =	ssyncadd.s32 $0xFFFFFFB0  }
0x11c: {  	[tilespmem:s17], [sflag:$0x4] =	stream.indirect.gather [hbm4b:s4+s2], $0x1, s30, s2, $0xb8;
	[tilespmem:$0x1D880] =	vst v63  }
0x11d: {  	_ = 	snop  }
0x11e: {  	[tilespmem:s18], [sflag:$0x4] =	stream.indirect.gather [hbm4b:s6+s2], $0x80, s31, s2, $0xb8;
	[tilespmem:$0x1D880] =	vst v63  }
0x11f: {  	s29 =	sshll.u32 s28, $0x1;
	p1 =	seq.s32 s28, $0x7C;
	_ =	swait.ge [sflag:s19], $0x50  }
0x120: {  	s3 =	sadd.s32 @!p1 $0x2, s29;
	[sflag:s19] =	ssyncset.done $0x0  }
0x121: {  	s12 =	sadd.s32 @!p1 s5, s3;
	[sflag:s19] =	ssyncadd.s32 $0xFFFFFFB0  }
0x122: {  	s20 =	simm.s32 @!p1 $0x0;
	s12 =	smul.u32 @!p1 $0xA, s12;
	_ =	swait.ge [sflag:s19], $0x2800  }
0x123: {  	s22 =	simm.s32 @!p1 $0x4E20;
	s3 =	sadd.s32 @!p1 s21, s3;
	[sflag:s19] =	ssyncset.done $0x0  }
0x124: {  	s3 =	smul.u32 @!p1 $0xA, s3;
	s12 =	sadd.s32 @!p1 s8, s12;
	[sflag:s19] =	ssyncadd.s32 $0xFFFFD800  }
0x125: {  	[tilespmem:s22], [sflag:$0x1] =	stream.linear.gather @!p1 [hbm4b:s12+s20], $0x50, $0x38;
	[tilespmem:$0x1D880] =	vst v63  }
0x126: {  	s3 =	sadd.s32 @!p1 s7, s3;
	s12 =	simm.s32 @!p1 $0x4EC0  }
0x127: {  	[tilespmem:s12], [sflag:$0x1] =	stream.linear.gather @!p1 [hbm4b:s3+s20], $0x50, $0x38;
	[tilespmem:$0x1D880] =	vst v63  }
0x128: {  	v0 =	vld [tilespmem:$0x4F60]  }
0x129: {  	v1 =	vld [tilespmem:$0x4F70]  }
0x12a: {  	v2 =	vld [tilespmem:$0x4F80]  }
0x12b: {  	v3 =	vld [tilespmem:$0x4F90]  }
0x12c: {  	v4 =	vld [tilespmem:$0x4FA0]  }
0x12d: {  	v0 =	vmul.f32 $1.442695020e+00, v0  }
0x12e: {  	v1 =	vmul.f32 $1.442695020e+00, v1  }
0x12f: {  	(erf) = vpow2.f32 v0;
	v0 =	vmul.f32 $1.442695020e+00, v2  }
0x130: {  	(erf) = vpow2.f32 v1;
	v1 =	vmul.f32 $1.442695020e+00, v3  }
0x131: {  	(erf) = vpow2.f32 v0;
	v0 =	vmul.f32 $1.442695020e+00, v4  }
0x132: {  	(erf) = vpow2.f32 v1  }
0x133: {  	(erf) = vpow2.f32 v0;
	_ =	sdelay $0x4  }
0x134: {  	v0 =	vpop (erf)  }
0x135: {  	v1 =	vpop (erf);
	[tilespmem:$0x4F60] =	vst v0  }
0x136: {  	v0 =	vpop (erf);
	[tilespmem:$0x4F70] =	vst v1  }
0x137: {  	v1 =	vpop (erf);
	[tilespmem:$0x4F80] =	vst v0  }
0x138: {  	[tilespmem:$0x4F90] =	vst v1;
	v0 =	vpop (erf);
	v1 =	vmov s16  }
0x139: {  	s3 =	simm.s32 $0x5040;
	[tilespmem:$0x4FA0] =	vst v0  }
0x13a: {  	v4 =	vld [tilespmem:s3+$0x30]  }
0x13b: {  	v7 =	vld [tilespmem:s3+$0x10]  }
0x13c: {  	v5 =	vld [tilespmem:s3+$0xFFFFFFC0]  }
0x13d: {  	v1 =	vld.idx.msk [tilespmem:v1+s11+$0x0], $0xffff  }
0x13e: {  	v9 =	vld [tilespmem:s3+$0xFFFFFFE0]  }
0x13f: {  	v0 =	vld [tilespmem:s3+$0xFFFFFFF0]  }
0x140: {  	v2 =	vld [tilespmem:s3+$0x20]  }
0x141: {  	v3 =	vld [tilespmem:s3+$0xFFFFFFD0]  }
0x142: {  	v8 =	vmul.f32 v4, v1;
	v4 =	vld [tilespmem:s3+$0x0]  }
0x143: {  	v6 =	vmul.f32 v5, v1  }
0x144: {  	s12 =	simm.s32 $0x1;
	s20 =	simm.s32 $0x5040;
	v5 =	vmul.f32 v9, v1;
	v7 =	vmul.f32 v7, v1  }
.LBB2_9:
0x145: {  	p2 =	sne.s32 s12, $0x4F  }
0x146: {  	v3 =	vmul.f32 v3, v1;
	v2 =	vmul.f32 v2, v1;
	[tilespmem:s3+$0x30] =	vst v8;
	s20 =	sadd.s32 $0x80, s20;
	s22 =	smov.u32 s12;
	s12 =	sadd.s32 $0x1, s12  }
0x147: {  	[tilespmem:s3+$0xFFFFFFC0] =	vst v6;
	v6 =	vmul.f32 v0, v1;
	v1 =	vmul.f32 v4, v1  }
0x148: {  	[tilespmem:s3+$0x10] =	vst v7  }
0x149: {  	v4 =	vmov s22;
	[tilespmem:s3+$0xFFFFFFE0] =	vst v5  }
0x14a: {  	v0 =	vld [tilespmem:s20+$0xFFFFFFF0];
	[tilespmem:s3+$0xFFFFFFF0] =	vst v6  }
0x14b: {  	v5 =	vld [tilespmem:s20+$0x30];
	[tilespmem:s3+$0x0] =	vst v1  }
0x14c: {  	v7 =	vld [tilespmem:s20+$0x10];
	[tilespmem:s3+$0x20] =	vst v2  }
0x14d: {  	v6 =	vld [tilespmem:s20+$0xFFFFFFC0];
	[tilespmem:s3+$0xFFFFFFD0] =	vst v3;
	s3 =	smov.u32 s20  }
0x14e: {  	v1 =	vld.idx.msk [tilespmem:v4+s11+$0x0], $0xffff  }
0x14f: {  	v9 =	vld [tilespmem:s20+$0xFFFFFFE0]  }
0x150: {  	v2 =	vld [tilespmem:s20+$0x20]  }
.Ltmp3:
0x151: {  	v3 =	vld [tilespmem:s20+$0xFFFFFFD0];
	(pc) =	sbr.rel @p2 .LBB2_9-.Ltmp3, $3  }
0x152: {  	v4 =	vld [tilespmem:s20+$0x0];
	_ =	sdelay $0x1  }
0x153: {  	v6 =	vmul.f32 v6, v1;
	v8 =	vmul.f32 v5, v1  }
0x154: {  	v7 =	vmul.f32 v7, v1;
	v5 =	vmul.f32 v9, v1  }
0x155: {  	[tilespmem:s3+$0x30] =	vst v8  }
0x156: {  	[tilespmem:s3+$0xFFFFFFC0] =	vst v6  }
0x157: {  	v0 =	vmul.f32 v0, v1;
	[tilespmem:s3+$0x10] =	vst v7  }
0x158: {  	v2 =	vmul.f32 v2, v1;
	[tilespmem:s3+$0xFFFFFFE0] =	vst v5  }
0x159: {  	v4 =	vmul.f32 v4, v1;
	[tilespmem:s3+$0xFFFFFFF0] =	vst v0  }
0x15a: {  	s12 =	smul.u32 $0x280, s28;
	v0 =	vmul.f32 v3, v1;
	[tilespmem:s3+$0x20] =	vst v2  }
0x15b: {  	[tilespmem:s3+$0x0] =	vst v4  }
0x15c: {  	[tilespmem:s3+$0xFFFFFFD0] =	vst v0;
	s3 =	sshra.s32 s12, $0x2;
	s12 =	simm.s32 @p1 $0x4  }
0x15d: {  	[spmem:s1] =	stream.indirect.scatter.add.f32 [tilespmem:s13], [sflag:$0x5], $0x80, s3, s2, $0xb8;
	[tilespmem:$0x1D880] =	vst v63  }
0x15e: {  	_ =	swait.ge @p1 [sflag:s12], $0x50  }
0x15f: {  	[sflag:s12] =	ssyncset.done @p1 $0x0  }
0x160: {  	[sflag:s12] =	ssyncadd.s32 @p1 $0xFFFFFFB0  }
0x161: {  	_ =	swait.ge @p1 [sflag:s12], $0x2800  }
0x162: {  	[sflag:s12] =	ssyncset.done @p1 $0x0  }
0x163: {  	[sflag:s12] =	ssyncadd.s32 @p1 $0xFFFFD800;
	s12 =	simm.s32 @!p1 $0x5  }
0x164: {  	_ =	swait.ge @!p1 [sflag:s12], $0x2800  }
0x165: {  	[sflag:s12] =	ssyncset.done @!p1 $0x0  }
0x166: {  	[sflag:s12] =	ssyncadd.s32 @!p1 $0xFFFFD800;
	s12 =	simm.s32 @!p1 $0x1  }
0x167: {  	_ =	swait.ge @!p1 [sflag:s12], $0x50  }
0x168: {  	[sflag:s12] =	ssyncset.done @!p1 $0x0  }
0x169: {  	[sflag:s12] =	ssyncadd.s32 @!p1 $0xFFFFFFB0  }
0x16a: {  	_ =	swait.ge @!p1 [sflag:s12], $0x50  }
0x16b: {  	s20 =	simm.s32 @!p1 $0x4E20;
	[sflag:s12] =	ssyncset.done @!p1 $0x0  }
0x16c: {  	s22 =	simm.s32 @!p1 $0x4F60;
	[sflag:s12] =	ssyncadd.s32 @!p1 $0xFFFFFFB0;
	s12 =	simm.s32 @!p1 $0x50  }
0x16d: {  	[tilespmem:s22], [sflag:$0x3] =	stream.indirect.gather @!p1 [hbm4b:s4+s12], $0x1, s20, s12, $0xb8;
	[tilespmem:$0x1D880] =	vst v63  }
0x16e: {  	s20 =	simm.s32 @!p1 $0x4EC0;
	s22 =	simm.s32 @!p1 $0x5000  }
0x16f: {  	[tilespmem:s22], [sflag:$0x3] =	stream.indirect.gather @!p1 [hbm4b:s6+s12], $0x80, s20, s12, $0xb8;
	[tilespmem:$0x1D880] =	vst v63  }
0x170: {  	s12 =	simm.s32 @!p1 $0x4  }
0x171: {  	_ =	swait.ge @!p1 [sflag:s12], $0x50  }
0x172: {  	s20 =	sadd.s32 @!p1 $0x3, s29;
	[sflag:s12] =	ssyncset.done @!p1 $0x0  }
0x173: {  	s22 =	sadd.s32 @!p1 s5, s20;
	[sflag:s12] =	ssyncadd.s32 @!p1 $0xFFFFFFB0  }
0x174: {  	s20 =	sadd.s32 @!p1 s21, s20;
	s22 =	smul.u32 @!p1 $0xA, s22;
	_ =	swait.ge @!p1 [sflag:s12], $0x2800  }
0x175: {  	s29 =	simm.s32 @!p1 $0x4E70;
	s20 =	smul.u32 @!p1 $0xA, s20;
	[sflag:s12] =	ssyncset.done @!p1 $0x0  }
0x176: {  	[sflag:s12] =	ssyncadd.s32 @!p1 $0xFFFFD800;
	s12 =	sadd.s32 @!p1 s8, s22;
	s22 =	simm.s32 @!p1 $0x0  }
0x177: {  	[tilespmem:s29], [sflag:$0x2] =	stream.linear.gather @!p1 [hbm4b:s12+s22], $0x50, $0x38;
	[tilespmem:$0x1D880] =	vst v63  }
0x178: {  	s12 =	sadd.s32 @!p1 s7, s20;
	s20 =	simm.s32 @!p1 $0x4F10  }
0x179: {  	[tilespmem:s20], [sflag:$0x2] =	stream.linear.gather @!p1 [hbm4b:s12+s22], $0x50, $0x38;
	[tilespmem:$0x1D880] =	vst v63  }
0x17a: {  	v0 =	vld [tilespmem:$0x4FB0]  }
0x17b: {  	v1 =	vld [tilespmem:$0x4FC0]  }
0x17c: {  	v2 =	vld [tilespmem:$0x4FD0]  }
0x17d: {  	v3 =	vld [tilespmem:$0x4FE0]  }
0x17e: {  	v4 =	vld [tilespmem:$0x4FF0]  }
0x17f: {  	v0 =	vmul.f32 $1.442695020e+00, v0  }
0x180: {  	v1 =	vmul.f32 $1.442695020e+00, v1  }
0x181: {  	(erf) = vpow2.f32 v0;
	v0 =	vmul.f32 $1.442695020e+00, v2  }
0x182: {  	(erf) = vpow2.f32 v1;
	v1 =	vmul.f32 $1.442695020e+00, v3  }
0x183: {  	(erf) = vpow2.f32 v0;
	v0 =	vmul.f32 $1.442695020e+00, v4  }
0x184: {  	(erf) = vpow2.f32 v1  }
0x185: {  	(erf) = vpow2.f32 v0;
	_ =	sdelay $0x4  }
0x186: {  	v0 =	vpop (erf)  }
0x187: {  	v1 =	vpop (erf);
	[tilespmem:$0x4FB0] =	vst v0  }
0x188: {  	v0 =	vpop (erf);
	[tilespmem:$0x4FC0] =	vst v1  }
0x189: {  	s22 =	simm.s32 $0x0;
	v1 =	vpop (erf);
	[tilespmem:$0x4FD0] =	vst v0  }
0x18a: {  	[tilespmem:$0x4FE0] =	vst v1;
	v0 =	vpop (erf);
	v1 =	vmov s22  }
0x18b: {  	s29 =	simm.s32 $0x7840;
	[tilespmem:$0x4FF0] =	vst v0  }
0x18c: {  	v4 =	vld [tilespmem:s29+$0x30]  }
0x18d: {  	v7 =	vld [tilespmem:s29+$0x10]  }
0x18e: {  	v5 =	vld [tilespmem:s29+$0xFFFFFFC0]  }
0x18f: {  	v1 =	vld.idx.msk [tilespmem:v1+s17+$0x0], $0xffff  }
0x190: {  	v9 =	vld [tilespmem:s29+$0xFFFFFFE0]  }
0x191: {  	v0 =	vld [tilespmem:s29+$0xFFFFFFF0]  }
0x192: {  	v2 =	vld [tilespmem:s29+$0x20]  }
0x193: {  	v3 =	vld [tilespmem:s29+$0xFFFFFFD0]  }
0x194: {  	v8 =	vmul.f32 v4, v1;
	v4 =	vld [tilespmem:s29+$0x0]  }
0x195: {  	v6 =	vmul.f32 v5, v1  }
0x196: {  	s12 =	simm.s32 $0x1;
	s20 =	simm.s32 $0x7840;
	v5 =	vmul.f32 v9, v1;
	v7 =	vmul.f32 v7, v1  }
.LBB2_11:
0x197: {  	p1 =	sne.s32 s12, $0x4F  }
0x198: {  	v3 =	vmul.f32 v3, v1;
	v2 =	vmul.f32 v2, v1;
	[tilespmem:s29+$0x30] =	vst v8;
	s20 =	sadd.s32 $0x80, s20;
	s22 =	smov.u32 s12;
	s12 =	sadd.s32 $0x1, s12  }
0x199: {  	[tilespmem:s29+$0xFFFFFFC0] =	vst v6;
	v6 =	vmul.f32 v0, v1;
	v1 =	vmul.f32 v4, v1  }
0x19a: {  	[tilespmem:s29+$0x10] =	vst v7  }
0x19b: {  	v4 =	vmov s22;
	[tilespmem:s29+$0xFFFFFFE0] =	vst v5  }
0x19c: {  	v0 =	vld [tilespmem:s20+$0xFFFFFFF0];
	[tilespmem:s29+$0xFFFFFFF0] =	vst v6  }
0x19d: {  	v5 =	vld [tilespmem:s20+$0x30];
	[tilespmem:s29+$0x0] =	vst v1  }
0x19e: {  	v7 =	vld [tilespmem:s20+$0x10];
	[tilespmem:s29+$0x20] =	vst v2  }
0x19f: {  	v6 =	vld [tilespmem:s20+$0xFFFFFFC0];
	[tilespmem:s29+$0xFFFFFFD0] =	vst v3;
	s29 =	smov.u32 s20  }
0x1a0: {  	v1 =	vld.idx.msk [tilespmem:v4+s17+$0x0], $0xffff  }
0x1a1: {  	v9 =	vld [tilespmem:s20+$0xFFFFFFE0]  }
0x1a2: {  	v2 =	vld [tilespmem:s20+$0x20]  }
.Ltmp4:
0x1a3: {  	v3 =	vld [tilespmem:s20+$0xFFFFFFD0];
	(pc) =	sbr.rel @p1 .LBB2_11-.Ltmp4, $3  }
0x1a4: {  	v4 =	vld [tilespmem:s20+$0x0];
	_ =	sdelay $0x1  }
0x1a5: {  	v6 =	vmul.f32 v6, v1;
	v8 =	vmul.f32 v5, v1  }
0x1a6: {  	v7 =	vmul.f32 v7, v1;
	v5 =	vmul.f32 v9, v1  }
0x1a7: {  	[tilespmem:s29+$0x30] =	vst v8  }
0x1a8: {  	[tilespmem:s29+$0xFFFFFFC0] =	vst v6  }
0x1a9: {  	v0 =	vmul.f32 v0, v1;
	s28 =	sadd.s32 $0x1, s28;
	[tilespmem:s29+$0x10] =	vst v7  }
0x1aa: {  	v2 =	vmul.f32 v2, v1;
	[tilespmem:s29+$0xFFFFFFE0] =	vst v5;
	p1 =	sne.s32 s28, $0x7D  }
.Ltmp5:
0x1ab: {  	v63 =	vmul.f32 v3, v1;
	[tilespmem:s29+$0xFFFFFFF0] =	vst v0;
	(pc) =	sbr.rel @p1 .LBB2_8-.Ltmp5, $4  }
0x1ac: {  	v4 =	vmul.f32 v4, v1;
	[tilespmem:s29+$0x20] =	vst v2  }
0x1ad: {  	[tilespmem:s29+$0xFFFFFFD0] =	vst v63  }
0x1ae: {  	s3 =	sadd.s32 $0x50, s3;
	[tilespmem:s29+$0x0] =	vst v4  }
0x1af: {  	[spmem:s1] =	stream.indirect.scatter.add.f32 [tilespmem:s18], [sflag:$0x6], $0x80, s3, s2, $0xb8;
	[tilespmem:$0x1D880] =	vst v63  }
0x1b0: {  	s3 =	simm.s32 $0x5  }
0x1b1: {  	_ =	swait.ge [sflag:s3], $0x2800  }
0x1b2: {  	[sflag:s3] =	ssyncset.done $0x0  }
0x1b3: {  	s28 =	simm.s32 $0x6;
	[sflag:s3] =	ssyncadd.s32 $0xFFFFD800  }
0x1b4: {  	_ =	swait.ge [sflag:s28], $0x2800  }
0x1b5: {  	[sflag:s28] =	ssyncset.done $0x0  }
0x1b6: {  	[sflag:s28] =	ssyncadd.s32 $0xFFFFD800  }
0x1b7: {  	[bflag:$0x0] =	sbarrier.arrive $0xFFFF  }
0x1b8: {  	s29 =	rddreg [dreg:$0xc]  }
0x1b9: {  	[hbm:s29], [sflag:s24] =	dma.local [spmem:s25], $0x2700  }
0x1ba: {  	_ =	swait.ge [sflag:s26], $0x2700  }
0x1bb: {  	[sflag:s26] =	ssyncset.done $0x0  }
0x1bc: {  	s3 =	rddreg [dreg:$0x10];
	[sflag:s26] =	ssyncadd.s32 $0xFFFFD900  }
0x1bd: {  	[hbm:s3], [sflag:s24] =	dma.local @!p0 [spmem:s14], $0x100  }
0x1be: {  	s3 =	simm.s32 @!p0 $0x7  }
0x1bf: {  	_ =	swait.ge @!p0 [sflag:s3], $0x100  }
0x1c0: {  	s23 =	sadd.s32 $0x1, s23;
	s12 =	rddreg [dreg:$0x11]  }
0x1c1: {  	p1 =	sne.s32 s23, s12  }
.Ltmp6:
0x1c2: {  	_ = 	snop;
	(pc) =	sbr.rel @p1 .LBB2_1-.Ltmp6, $3  }
0x1c3: {  	_ =	sdelay $0x1  }
0x1c4: {  	[sflag:s3] =	ssyncset.done @!p0 $0x0  }
0x1c5: {  	s22 =	rddreg [dreg:$0x5];
	[sflag:s3] =	ssyncadd.s32 @!p0 $0xFFFFFF00  }
0x1c6: {  	_ =	sfence.sel $0x180000  }
0x1c7: {  	[bflag:$0x0] =	sbarrier.arrive $0xFFFF  }
0x1c8: {  	_ =	strace $0x90000050  }
0x1c9: {  	s0 =	stileid.u32;
	[bflag:$0x2] =	sbarrier.arrive $0xFFFF  }
0x1ca: {  	p0 =	sne.s32 s0, $0x0;
	s0 =	rddreg [dreg:$0x3]  }
0x1cb: {  	s0 =	sadd.s32 @!p0 $0x100000, s0  }
0x1cc: {  	[sflag:s0] =	ssyncadd.tile.s32 @!p0 $0x1;
	_ =	shalt  }
.Lfunc_end2:
_tile_overlayer_lowered:
.L_overlay_start_2:
0x1cd: {  	(tag) =	ssettag $0x2  }
0x1ce: {  	s0 =	rddreg [dreg:$0x0];
	s2 =	stileid.u32  }
0x1cf: {  	s1 =	rddreg [dreg:$0x1];
	p0 =	sne.s32 s2, $0x0  }
0x1d0: {  	s3 =	rddreg [dreg:$0x2];
	[bflag:$0x3] =	sbarrier.arrive $0xFFFF;
	s2 =	simm.s32 @!p0 $0x1C07  }
0x1d1: {  	[timem:s3], [sflag:s2] =	dma.local @!p0 [hbm:s0], s1  }
0x1d2: {  	s0 =	simm.s32 @!p0 $0x7  }
0x1d3: {  	_ =	swait.ge @!p0 [sflag:s0], s1  }
0x1d4: {  	s1 =	ssub.s32 @!p0 $0x0, s1;
	[sflag:s0] =	ssyncset.done @!p0 $0x0  }
0x1d5: {  	[sflag:s0] =	ssyncadd.s32 @!p0 s1  }
0x1d6: {  	[bflag:$0x3] =	sbarrier.arrive $0xFFFF  }
0x1d7: {  	_ =	shalt  }

// kernel: kernel.9.cloned.1.call-start
scs
__scs_entry_jumppad:
0x0: {  	(pc) =	sbr.rel $0x88, $3  }
0x1: {  	(tag) =	ssettag $0x0;
	lr =	simm.s32 $0x1  }
0x2: {  	[smem:$0x3F93] =	sst lr;
	_ =	strace $0xD0000000  }
0x3: {  	_ = 	snop  }
0x4: {  	_ = 	snop  }
0x5: {  	_ = 	snop  }
0x6: {  	_ = 	snop  }
0x7: {  	_ = 	snop  }
__scs_overlays_trampoline_lowered:
0x8: {  	[smem:$0x3FA2] =	sst s0  }
0x9: {  	[smem:$0x3FA3] =	sst s1  }
0xa: {  	[smem:$0x3FA4] =	sst s2  }
0xb: {  	[smem:$0x3FA5] =	sst s3  }
0xc: {  	[smem:$0x3FA6] =	sst s4  }
0xd: {  	[smem:$0x3FA7] =	sst s5  }
0xe: {  	[smem:$0x3FA8] =	sst s6  }
0xf: {  	[smem:$0x3FA9] =	sst s7  }
0x10: {  	[smem:$0x3FAA] =	sst s8  }
0x11: {  	[smem:$0x3FAB] =	sst s9;
	s0 =	simm.s32 @!p0 $0x0  }
0x12: {  	s1 =	sld [smem:$0x3F91];
	s0 =	simm.s32 @p0 $0x1  }
0x13: {  	[smem:$0x3FAC] =	sst s0;
	s0 =	simm.s32 @!p1 $0x0  }
0x14: {  	s2 =	sld [smem:$0x3F90];
	s0 =	simm.s32 @p1 $0x1  }
0x15: {  	[smem:$0x3FAD] =	sst s0;
	s0 =	simm.s32 @!p2 $0x0  }
0x16: {  	s3 =	sld [smem:$0x3FDB];
	s0 =	simm.s32 @p2 $0x1  }
0x17: {  	s4 =	simm.s32 $0x1BF5;
	[smem:$0x3FAF] =	sst s0  }
0x18: {  	s0 =	sld [smem:$0x3F92];
	_ =	swait.ge [sflag:s4], $0x0  }
0x19: {  	s7 =	sld [smem:$0x3F93]  }
0x1a: {  	s8 =	sadd.s32 $0xFFFFE003, lr  }
0x1b: {  	s9 =	sadd.s32 $0xFFFFFEF7, lr;
	s5 =	simm.s32 $0xFFFFFFFF;
	p2 =	slt.u32 s8, $0xFFFFF086  }
0x1c: {  	p1 =	slt.u32 s9, $0xF7A;
	s5 =	simm.s32 @!p2 $0x0  }
0x1d: {  	s5 =	simm.s32 @p1 $0x1;
	p0 =	seq.s32 s7, s2  }
0x1e: {  	s7 =	smul.u32 @!p0 $0xF7A, s2;
	p2 =	seq.s32 @!p0 s5, $0x0  }
0x1f: {  	s9 =	smul.u32 $0xF7A, s1;
	s8 =	simm.s32 @!p0 $0x1BF5;
	p2 =	por !p2, p0  }
0x20: {  	[sflag:s8] =	ssyncset.s32 @!p0 $0xFFFFF086;
	s6 =	sadd.s32 @!p0 s3, s7;
	s7 =	simm.s32 @!p0 $0x108  }
0x21: {  	s3 =	sadd.s32 s3, s9;
	s6 =	sadd.s32 @!p0 $0x88, s6;
	s7 =	simm.s32 @p2 $0x1082  }
0x22: {  	[simem:s7], [sflag:s8] =	dma.local @!p0 [hbm:s6], $0xF7A  }
0x23: {  	s9 =	sor.u32 $0xD0000000, s2;
	s6 =	simm.s32 $0x108;
	_ =	swait.ge @!p0 [sflag:s8], $0x0  }
0x24: {  	s3 =	sadd.s32 $0x88, s3;
	s6 =	simm.s32 @!p1 $0x1082;
	[sflag:s4] =	ssyncset.s32 $0xFFFFF086  }
0x25: {  	[simem:s6], [sflag:s4] =	dma.local [hbm:s3], $0xF7A  }
0x26: {  	[smem:$0x3F93] =	sst s1;
	(tag) =	ssettag s2;
	_ =	strace s9  }
0x27: {  	s1 =	sld [smem:$0x3FA3]  }
0x28: {  	s2 =	sld [smem:$0x3FA4]  }
0x29: {  	s4 =	sld [smem:$0x3FA6]  }
0x2a: {  	p0 =	seq.s32 s5, $0x0;
	s5 =	sld [smem:$0x3FA7]  }
0x2b: {  	s6 =	sld [smem:$0x3FA8]  }
0x2c: {  	s7 =	sld [smem:$0x3FA9]  }
0x2d: {  	s3 =	simm.s32 $0x108;
	s8 =	sld [smem:$0x3FAA]  }
0x2e: {  	s3 =	simm.s32 @!p0 $0x1082;
	s9 =	sld [smem:$0x3FAB]  }
0x2f: {  	lr =	sadd.s32 s0, s3;
	s0 =	sld [smem:$0x3FA2]  }
0x30: {  	s3 =	sld [smem:$0x3FA5]  }
0x31: {  	[smem:$0x3FAE] =	sst s10  }
0x32: {  	s10 =	sld [smem:$0x3FAC];
	_ =	sdelay $0x3  }
0x33: {  	p0 =	seq.s32 s10, $0x1;
	s10 =	sld [smem:$0x3FAE];
	_ =	sdelay $0x3  }
0x34: {  	[smem:$0x3FAE] =	sst s10  }
0x35: {  	s10 =	sld [smem:$0x3FAD];
	_ =	sdelay $0x3  }
0x36: {  	p1 =	seq.s32 s10, $0x1;
	s10 =	sld [smem:$0x3FAE];
	_ =	sdelay $0x3  }
0x37: {  	[smem:$0x3FAE] =	sst s10  }
0x38: {  	s10 =	sld [smem:$0x3FAF]  }
0x39: {  	_ = 	snop;
	(pc) =	sbr.ind lr, $3  }
0x3a: {  	_ = 	snop  }
0x3b: {  	_ = 	snop  }
0x3c: {  	p2 =	seq.s32 s10, $0x1;
	s10 =	sld [smem:$0x3FAE]  }
0x3d: {  	_ =	shalt  }
0x3e: {  	_ =	shalt  }
0x3f: {  	_ =	shalt  }
0x40: {  	_ =	shalt  }
0x41: {  	_ =	shalt  }
0x42: {  	_ =	shalt  }
0x43: {  	_ =	shalt  }
0x44: {  	_ =	shalt  }
0x45: {  	_ =	shalt  }
0x46: {  	_ =	shalt  }
0x47: {  	_ =	shalt  }
0x48: {  	_ =	shalt  }
0x49: {  	_ =	shalt  }
0x4a: {  	_ =	shalt  }
0x4b: {  	_ =	shalt  }
0x4c: {  	_ =	shalt  }
0x4d: {  	_ =	shalt  }
0x4e: {  	_ =	shalt  }
0x4f: {  	_ =	shalt  }
0x50: {  	_ =	shalt  }
0x51: {  	_ =	shalt  }
0x52: {  	_ =	shalt  }
0x53: {  	_ =	shalt  }
0x54: {  	_ =	shalt  }
0x55: {  	_ =	shalt  }
0x56: {  	_ =	shalt  }
0x57: {  	_ =	shalt  }
0x58: {  	_ =	shalt  }
0x59: {  	_ =	shalt  }
0x5a: {  	_ =	shalt  }
0x5b: {  	_ =	shalt  }
0x5c: {  	_ =	shalt  }
0x5d: {  	_ =	shalt  }
0x5e: {  	_ =	shalt  }
0x5f: {  	_ =	shalt  }
0x60: {  	_ =	shalt  }
0x61: {  	_ =	shalt  }
0x62: {  	_ =	shalt  }
0x63: {  	_ =	shalt  }
0x64: {  	_ =	shalt  }
0x65: {  	_ =	shalt  }
0x66: {  	_ =	shalt  }
0x67: {  	_ =	shalt  }
0x68: {  	_ =	shalt  }
0x69: {  	_ =	shalt  }
0x6a: {  	_ =	shalt  }
0x6b: {  	_ =	shalt  }
0x6c: {  	_ =	shalt  }
0x6d: {  	_ =	shalt  }
0x6e: {  	_ =	shalt  }
0x6f: {  	_ =	shalt  }
0x70: {  	_ =	shalt  }
0x71: {  	_ =	shalt  }
0x72: {  	_ =	shalt  }
0x73: {  	_ =	shalt  }
0x74: {  	_ =	shalt  }
0x75: {  	_ =	shalt  }
0x76: {  	_ =	shalt  }
0x77: {  	_ =	shalt  }
0x78: {  	_ =	shalt  }
0x79: {  	_ =	shalt  }
0x7a: {  	_ =	shalt  }
0x7b: {  	_ =	shalt  }
0x7c: {  	_ =	shalt  }
0x7d: {  	_ =	shalt  }
0x7e: {  	_ =	shalt  }
0x7f: {  	_ =	shalt  }
0x80: {  	_ =	shalt  }
0x81: {  	_ =	shalt  }
0x82: {  	_ =	shalt  }
0x83: {  	_ =	shalt  }
0x84: {  	_ =	shalt  }
0x85: {  	_ =	shalt  }
0x86: {  	_ =	shalt  }
0x87: {  	_ =	shalt  }
.Lfunc_end0:
.L_simem_size_0:
called_computation.2_lowered:
.L_overlay_start_0:
0x88: {  	s2 =	sld [smem:$0x3FD9]  }
0x89: {  	s3 =	sld [smem:$0x3FFE];
	_ =	sdelay $0x1  }
0x8a: {  	s1 =	srdreg.scid  }
0x8b: {  	s0 =	sand.u32 $0x1, s1  }
0x8c: {  	s17 =	sshll.u32 s0, $0xA;
	s2 =	sadd.s32 s3, s2  }
0x8d: {  	s2 =	sadd.s32 s2, s17  }
0x8e: {  	[smem:$0x3FBA] =	sst s2  }
0x8f: {  	_ = 	snop  }
0x90: {  	s2 =	sld [smem:$0x3FD0];
	(tm) =	ssettm $0x1  }
0x91: {  	s18 =	sld [smem:$0x3FFB];
	_ =	sdelay $0x3  }
0x92: {  	_ =	strace s18  }
0x93: {  	s3 =	sld [smem:$0x3FFC];
	_ =	sdelay $0x3  }
0x94: {  	_ =	strace s3  }
0x95: {  	s3 =	sld [smem:$0x3FFD];
	_ =	sdelay $0x3  }
0x96: {  	_ =	strace s3  }
0x97: {  	_ =	strace $0x8FFFFFFF  }
0x98: {  	s19 =	sld [smem:$0x3FDB];
	_ =	sdelay $0x1  }
0x99: {  	s4 =	simm.s32 $_scs_section_size  }
0x9a: {  	s5 =	simm.s32 $_size__tile_overlayer_lowered;
	s6 =	simm.s32 $_tile_overlayer_lowered  }
0x9b: {  	s22 =	simm.s32 $0x1BFF;
	s21 =	sshll.u32 s6, $0x1;
	s3 =	sadd.s32 s4, s19  }
0x9c: {  	s7 =	simm.s32 $0x0;
	s20 =	sshll.u32 s5, $0x1;
	s5 =	sadd.s32 s21, s3  }
0x9d: {  	[timem:s7], [sflag:s22] =	dma.local [hbm:s5], s20  }
0x9e: {  	_ =	swait.ge [sflag:s22], s20  }
0x9f: {  	s4 =	ssub.s32 $0x0, s20;
	[sflag:s22] =	ssyncset.done $0x0  }
0xa0: {  	[sflag:s22] =	ssyncadd.s32 s4;
	_ =	sdelay $0x1  }
0xa1: {  	s23 =	simm.s32 $0x1B8B  }
0xa2: {  	_ =	swait.ge [sflag:s23], $0x1  }
0xa3: {  	[sflag:s23] =	ssyncset.done $0x0  }
0xa4: {  	s25 =	simm.s32 $0x1B8E;
	s24 =	sld [smem:$0x3FFE];
	[sflag:s23] =	ssyncadd.s32 $0xFFFFFFFF  }
0xa5: {  	s26 =	simm.s32 $execute0_lowered;
	[smem:$0x3FD2] =	sst s25  }
0xa6: {  	s5 =	sshll.u32 s26, $0x1;
	_ =	strace $0x80000049;
	[dreg:$0x1] =	wrdreg $0xFFFFFFFF  }
0xa7: {  	s28 =	simm.s32 $_size_execute0_lowered;
	s3 =	sadd.s32 s3, s5;
	[dreg:$0x0] =	wrdreg $0x0  }
0xa8: {  	s5 =	sshll.u32 s28, $0x1;
	[dreg:$0x2] =	wrdreg s3  }
0xa9: {  	[dreg:$0x3] =	wrdreg s5  }
0xaa: {  	[dreg:$0x4] =	wrdreg $0xC0  }
0xab: {  	_ =	task [dreg:s7], $0x5FFFF  }
0xac: {  	[dreg:$0x1] =	wrdreg $0xFFFFFFFF  }
0xad: {  	[dreg:$0x0] =	wrdreg $0x60  }
0xae: {  	[dreg:$0x2] =	wrdreg s24  }
0xaf: {  	[dreg:$0x3] =	wrdreg s2  }
0xb0: {  	[dreg:$0x4] =	wrdreg $0xA0000  }
0xb1: {  	[dreg:$0x5] =	wrdreg $0x9  }
0xb2: {  	_ =	task.clear_ibuf [dreg:s7], $0x6FFFF;
	_ =	strace $0x90000049  }
0xb3: {  	s29 =	simm.s32 $0x9;
	_ =	strace $0x8000004B  }
0xb4: {  	_ =	swait.ge [sflag:s29], $0x1  }
0xb5: {  	[sflag:s29] =	ssyncadd.s32 $0xFFFFFFFF  }
0xb6: {  	_ =	strace $0x9000004B  }
0xb7: {  	_ =	sfence  }
0xb8: {  	s30 =	sld [smem:$0x0];
	_ =	sdelay $0x2  }
0xb9: {  	s31 =	sshll.u32 s1, $0xD;
	s1 =	sshrl.u32 s1, $0x2  }
0xba: {  	s3 =	sand.u32 $0x4000, s31;
	s1 =	sadd.s32 s1, s30  }
0xbb: {  	s0 =	sor.u32 s3, s0;
	s1 =	sshll.u32 s1, $0x11  }
0xbc: {  	s0 =	sor.u32 s1, s0  }
0xbd: {  	s0 =	sadd.s32 $0x8F2B, s0  }
0xbe: {  	[sflag:s0] =	ssyncadd.remote.s32 $0x1  }
0xbf: {  	_ =	sfence.sel $0xFFFF  }
0xc0: {  	[dreg:$0x0] =	wrdreg $0xFFFFFFFF;
	(pc) =	sbr.abs _section_cstart, $3  }
0xc1: {  	[dreg:$0x1] =	wrdreg $0xFFFFFFFF  }
0xc2: {  	_ =	task.clear_ibuf [dreg:s7], $0x2FFFF;
	_ =	strace $0x9FFFFFFF  }
0xc3: {  	(tm) =	ssettm $0x7FFFFFFF  }
tec
execute0_lowered:
.L_overlay_start_1:
0x0: {  	(tag) =	ssettag $0x1  }
0x1: {  	s0 =	rddreg [dreg:$0x0]  }
0x2: {  	s2 =	rddreg [dreg:$0x1]  }
0x3: {  	s1 =	rddreg [dreg:$0x2];
	s17 =	stileid.u32  }
0x4: {  	s3 =	simm.s32 $0x0;
	s20 =	srdreg.scid;
	s5 =	smul.u32 $0xFA, s17  }
0x5: {  	s30 =	simm.s32 $0x4E70;
	s31 =	simm.s32 $0x4F10;
	s11 =	smul.u32 $0x9C4, s17  }
0x6: {  	[smem:$0x7FF] =	sst s3;
	s3 =	sand.u32 $0x1, s20;
	s14 =	smul.u32 $0x4E000, s17  }
0x7: {  	s4 =	sadd.s32 $0xD94000, s0;
	s6 =	sadd.s32 $0x77C00, s0;
	s16 =	smul.u32 $0x270, s17  }
0x8: {  	s8 =	sadd.s32 $0x29A00, s0;
	s10 =	sadd.s32 $0x33800, s0;
	s21 =	smul.u32 $0x4E20, s17  }
0x9: {  	s24 =	sadd.s32 $0x138000, s1;
	p0 =	sne.s32 s17, $0xF;
	_ =	strace $0x8000004A  }
0xa: {  	s7 =	sshll.u32 s3, $0x5;
	s13 =	ssub.s32 $0x2, s3;
	s28 =	smul.u32 $0x4E20, s3  }
0xb: {  	[dreg:$0x6] =	wrdreg s24;
	s19 =	smul.u32 $0x271000, s3;
	s12 =	sor.u32 s17, s7  }
0xc: {  	s7 =	sadd.s32 $0x2800, s0;
	s0 =	sadd.s32 $0x114000, s0;
	s15 =	sshrl.u32 s13, $0x1  }
0xd: {  	s14 =	sshrl.u32 s14, $0x2;
	s2 =	sadd.s32 s2, s11;
	s25 =	sshrl.u32 s21, $0x3  }
0xe: {  	s11 =	sadd.s32 s8, s11;
	s9 =	smul.u32 $0xFA, s12;
	s13 =	ssub.s32 s13, s15  }
0xf: {  	[dreg:$0x4] =	wrdreg s2;
	s22 =	sadd.s32 s14, s1;
	s23 =	smul.u32 $0x9C4, s12  }
0x10: {  	s12 =	smul.u32 $0x4E20, s12;
	s26 =	sadd.s32 s8, s25;
	s14 =	sshllo.u32 s3, $0x1  }
0x11: {  	[dreg:$0x7] =	wrdreg s11;
	s29 =	sadd.s32 $0xA, s26;
	s18 =	smul.u32 $0x2710, s14  }
0x12: {  	s20 =	sshll.u32 s14, $0x4;
	[dreg:$0x5] =	wrdreg s22;
	s2 =	sadd.s32 s7, s23  }
0x13: {  	[dreg:$0x9] =	wrdreg s29;
	s11 =	sshrl.u32 s12, $0x3;
	s12 =	sadd.s32 s16, s28  }
0x14: {  	s3 =	sor.u32 s17, s20;
	s29 =	smax.u32 s13, $0x1;
	s13 =	simm.s32 $0x5000  }
0x15: {  	s17 =	simm.s32 $0x4FB0;
	s15 =	sshll.u32 s12, $0x4;
	s12 =	smul.u32 $0x138800, s14  }
0x16: {  	[dreg:$0x8] =	wrdreg s2;
	s2 =	sadd.s32 s7, s11;
	s21 =	smul.u32 $0x4E20, s3  }
0x17: {  	s11 =	sadd.s32 s16, s18;
	s24 =	smul.u32 $0x9C4, s3;
	[dreg:$0x11] =	wrdreg s29  }
0x18: {  	s18 =	simm.s32 $0x7800;
	s2 =	sadd.s32 $0xA, s2;
	s11 =	sshll.u32 s11, $0x4  }
0x19: {  	[dreg:$0xa] =	wrdreg s2;
	s2 =	sadd.s32 s0, s15;
	s11 =	sadd.s32 s0, s11  }
0x1a: {  	s23 =	sshrl.u32 s12, $0x3;
	s25 =	sshrl.u32 s21, $0x3;
	s21 =	smul.u32 $0xFA, s3  }
0x1b: {  	s28 =	sadd.s32 s7, s24;
	s15 =	simm.s32 $0x2;
	[dreg:$0xb] =	wrdreg s2  }
0x1c: {  	s2 =	sshrl.u32 s19, $0x3;
	[dreg:$0xc] =	wrdreg s11;
	s26 =	sadd.s32 s7, s25  }
0x1d: {  	[dreg:$0xe] =	wrdreg s28;
	s11 =	simm.s32 $0x4F60;
	s2 =	sadd.s32 s0, s2  }
0x1e: {  	s19 =	simm.s32 $0x3;
	s0 =	sadd.s32 s0, s23;
	s2 =	sadd.s32 $0x27000, s2  }
0x1f: {  	s23 =	simm.s32 $0x0;
	s0 =	sadd.s32 $0x27000, s0;
	[dreg:$0xd] =	wrdreg s2  }
0x20: {  	s2 =	sadd.s32 $0xA, s26;
	[dreg:$0x10] =	wrdreg s0;
	s26 =	simm.s32 $0x7  }
0x21: {  	s0 =	simm.s32 $0x1;
	[dreg:$0xf] =	wrdreg s2;
	s2 =	simm.s32 $0x50  }
.LBB2_1:
0x22: {  	s12 =	simm.s32 $0x0;
	s3 =	rddreg [dreg:$0x4]  }
0x23: {  	[tilespmem:s12], [sflag:$0x7] =	stream.linear.gather [hbm4b:s3+s12], $0x4E20, $0x38;
	[tilespmem:$0x1D880] =	vst v63  }
0x24: {  	s25 =	stileid.u32;
	_ =	swait.ge [sflag:s26], $0x4E20  }
0x25: {  	s3 =	sshll.u32 s25, $0x6;
	[sflag:s26] =	ssyncset.done $0x0  }
0x26: {  	s25 =	sshrl.u32 s22, $0x3;
	s24 =	sor.u32 $0x1C07, s3;
	[sflag:s26] =	ssyncadd.s32 $0xFFFFB1E0  }
0x27: {  	[spmem:s25], [sflag:s24] =	dma.local [hbm:s10], $0x2700  }
0x28: {  	_ =	swait.ge [sflag:s26], $0x2700  }
0x29: {  	[sflag:s26] =	ssyncset.done $0x0;
	s3 =	rddreg [dreg:$0x6]  }
0x2a: {  	[sflag:s26] =	ssyncadd.s32 $0xFFFFD900;
	s14 =	sshrl.u32 @!p0 s3, $0x3;
	s3 =	simm.s32 @!p0 $0x7  }
0x2b: {  	[spmem:s14], [sflag:s24] =	dma.local @!p0 [hbm:s10], $0x100  }
0x2c: {  	_ =	swait.ge @!p0 [sflag:s3], $0x100  }
0x2d: {  	[sflag:s3] =	ssyncset.done @!p0 $0x0  }
0x2e: {  	[sflag:s3] =	ssyncadd.s32 @!p0 $0xFFFFFF00  }
0x2f: {  	[bflag:$0x0] =	sbarrier.arrive $0xFFFF  }
0x30: {  	s16 =	simm.s32 $0x4E20;
	s28 =	rddreg [dreg:$0x7]  }
0x31: {  	[tilespmem:s16], [sflag:$0x1] =	stream.linear.gather [hbm4b:s28+s12], $0x50, $0x38;
	[tilespmem:$0x1D880] =	vst v63  }
0x32: {  	s20 =	simm.s32 $0x4EC0;
	s29 =	rddreg [dreg:$0x8]  }
0x33: {  	[tilespmem:s20], [sflag:$0x1] =	stream.linear.gather [hbm4b:s29+s12], $0x50, $0x38;
	[tilespmem:$0x1D880] =	vst v63  }
0x34: {  	s28 =	rddreg [dreg:$0x9]  }
0x35: {  	[tilespmem:s30], [sflag:$0x2] =	stream.linear.gather [hbm4b:s28+s12], $0x50, $0x38;
	[tilespmem:$0x1D880] =	vst v63  }
0x36: {  	s29 =	rddreg [dreg:$0xa]  }
0x37: {  	[tilespmem:s31], [sflag:$0x2] =	stream.linear.gather [hbm4b:s29+s12], $0x50, $0x38;
	[tilespmem:$0x1D880] =	vst v63  }
0x38: {  	_ =	swait.ge [sflag:s0], $0x50  }
0x39: {  	[sflag:s0] =	ssyncset.done $0x0  }
0x3a: {  	[sflag:s0] =	ssyncadd.s32 $0xFFFFFFB0  }
0x3b: {  	_ =	swait.ge [sflag:s0], $0x50  }
0x3c: {  	[sflag:s0] =	ssyncset.done $0x0  }
0x3d: {  	[sflag:s0] =	ssyncadd.s32 $0xFFFFFFB0  }
0x3e: {  	[tilespmem:s11], [sflag:$0x3] =	stream.indirect.gather [hbm4b:s4+s2], $0x1, s16, s2, $0xb8;
	[tilespmem:$0x1D880] =	vst v63  }
0x3f: {  	s16 =	simm.s32 $0x0  }
0x40: {  	[tilespmem:s13], [sflag:$0x3] =	stream.indirect.gather [hbm4b:s6+s2], $0x80, s20, s2, $0xb8;
	[tilespmem:$0x1D880] =	vst v63  }
.LBB2_2:
0x41: {  	p1 =	seq.s32 s16, $0x0  }
0x42: {  	s3 =	simm.s32 @!p1 $0x6  }
0x43: {  	_ =	swait.ge @!p1 [sflag:s3], $0x2800  }
0x44: {  	[sflag:s3] =	ssyncset.done @!p1 $0x0  }
0x45: {  	[sflag:s3] =	ssyncadd.s32 @!p1 $0xFFFFD800  }
0x46: {  	_ =	swait.ge [sflag:s15], $0x50  }
0x47: {  	[sflag:s15] =	ssyncset.done $0x0  }
0x48: {  	[sflag:s15] =	ssyncadd.s32 $0xFFFFFFB0  }
0x49: {  	_ =	swait.ge [sflag:s15], $0x50  }
0x4a: {  	[sflag:s15] =	ssyncset.done $0x0  }
0x4b: {  	[sflag:s15] =	ssyncadd.s32 $0xFFFFFFB0  }
0x4c: {  	[tilespmem:s17], [sflag:$0x4] =	stream.indirect.gather [hbm4b:s4+s2], $0x1, s30, s2, $0xb8;
	[tilespmem:$0x1D880] =	vst v63  }
0x4d: {  	_ = 	snop  }
0x4e: {  	[tilespmem:s18], [sflag:$0x4] =	stream.indirect.gather [hbm4b:s6+s2], $0x80, s31, s2, $0xb8;
	[tilespmem:$0x1D880] =	vst v63  }
0x4f: {  	s28 =	sshll.u32 s16, $0x1;
	p1 =	seq.s32 s16, $0x7C;
	_ =	swait.ge [sflag:s19], $0x50  }
0x50: {  	s3 =	sadd.s32 @!p1 $0x2, s28;
	[sflag:s19] =	ssyncset.done $0x0  }
0x51: {  	s12 =	sadd.s32 @!p1 s5, s3;
	[sflag:s19] =	ssyncadd.s32 $0xFFFFFFB0  }
0x52: {  	s20 =	simm.s32 @!p1 $0x0;
	s12 =	smul.u32 @!p1 $0xA, s12;
	_ =	swait.ge [sflag:s19], $0x2800  }
0x53: {  	s29 =	simm.s32 @!p1 $0x4E20;
	s3 =	sadd.s32 @!p1 s9, s3;
	[sflag:s19] =	ssyncset.done $0x0  }
0x54: {  	s3 =	smul.u32 @!p1 $0xA, s3;
	s12 =	sadd.s32 @!p1 s8, s12;
	[sflag:s19] =	ssyncadd.s32 $0xFFFFD800  }
0x55: {  	[tilespmem:s29], [sflag:$0x1] =	stream.linear.gather @!p1 [hbm4b:s12+s20], $0x50, $0x38;
	[tilespmem:$0x1D880] =	vst v63  }
0x56: {  	s3 =	sadd.s32 @!p1 s7, s3;
	s12 =	simm.s32 @!p1 $0x4EC0  }
0x57: {  	[tilespmem:s12], [sflag:$0x1] =	stream.linear.gather @!p1 [hbm4b:s3+s20], $0x50, $0x38;
	[tilespmem:$0x1D880] =	vst v63  }
0x58: {  	v0 =	vld [tilespmem:$0x4F60]  }
0x59: {  	v1 =	vld [tilespmem:$0x4F70]  }
0x5a: {  	v2 =	vld [tilespmem:$0x4F80]  }
0x5b: {  	v3 =	vld [tilespmem:$0x4F90]  }
0x5c: {  	v4 =	vld [tilespmem:$0x4FA0]  }
0x5d: {  	v0 =	vmul.f32 $1.442695020e+00, v0  }
0x5e: {  	v1 =	vmul.f32 $1.442695020e+00, v1  }
0x5f: {  	(erf) = vpow2.f32 v0;
	v0 =	vmul.f32 $1.442695020e+00, v2  }
0x60: {  	(erf) = vpow2.f32 v1;
	v1 =	vmul.f32 $1.442695020e+00, v3  }
0x61: {  	(erf) = vpow2.f32 v0;
	v0 =	vmul.f32 $1.442695020e+00, v4  }
0x62: {  	(erf) = vpow2.f32 v1  }
0x63: {  	(erf) = vpow2.f32 v0;
	_ =	sdelay $0x4  }
0x64: {  	v0 =	vpop (erf)  }
0x65: {  	v1 =	vpop (erf);
	[tilespmem:$0x4F60] =	vst v0  }
0x66: {  	v0 =	vpop (erf);
	[tilespmem:$0x4F70] =	vst v1  }
0x67: {  	s20 =	simm.s32 $0x0;
	v1 =	vpop (erf);
	[tilespmem:$0x4F80] =	vst v0  }
0x68: {  	[tilespmem:$0x4F90] =	vst v1;
	v0 =	vpop (erf);
	v1 =	vmov s20  }
0x69: {  	s3 =	simm.s32 $0x5040;
	[tilespmem:$0x4FA0] =	vst v0  }
0x6a: {  	v4 =	vld [tilespmem:s3+$0x30]  }
0x6b: {  	v7 =	vld [tilespmem:s3+$0x10]  }
0x6c: {  	v5 =	vld [tilespmem:s3+$0xFFFFFFC0]  }
0x6d: {  	v1 =	vld.idx.msk [tilespmem:v1+s11+$0x0], $0xffff  }
0x6e: {  	v9 =	vld [tilespmem:s3+$0xFFFFFFE0]  }
0x6f: {  	v0 =	vld [tilespmem:s3+$0xFFFFFFF0]  }
0x70: {  	v2 =	vld [tilespmem:s3+$0x20]  }
0x71: {  	v3 =	vld [tilespmem:s3+$0xFFFFFFD0]  }
0x72: {  	v8 =	vmul.f32 v4, v1;
	v4 =	vld [tilespmem:s3+$0x0]  }
0x73: {  	v6 =	vmul.f32 v5, v1  }
0x74: {  	s29 =	simm.s32 $0x1;
	s12 =	simm.s32 $0x5040;
	v5 =	vmul.f32 v9, v1;
	v7 =	vmul.f32 v7, v1  }
.LBB2_3:
0x75: {  	p2 =	sne.s32 s29, $0x4F  }
0x76: {  	v3 =	vmul.f32 v3, v1;
	v2 =	vmul.f32 v2, v1;
	[tilespmem:s3+$0x30] =	vst v8;
	s12 =	sadd.s32 $0x80, s12;
	s20 =	smov.u32 s29;
	s29 =	sadd.s32 $0x1, s29  }
0x77: {  	[tilespmem:s3+$0xFFFFFFC0] =	vst v6;
	v6 =	vmul.f32 v0, v1;
	v1 =	vmul.f32 v4, v1  }
0x78: {  	[tilespmem:s3+$0x10] =	vst v7  }
0x79: {  	v4 =	vmov s20;
	[tilespmem:s3+$0xFFFFFFE0] =	vst v5  }
0x7a: {  	v0 =	vld [tilespmem:s12+$0xFFFFFFF0];
	[tilespmem:s3+$0xFFFFFFF0] =	vst v6  }
0x7b: {  	v5 =	vld [tilespmem:s12+$0x30];
	[tilespmem:s3+$0x0] =	vst v1  }
0x7c: {  	v7 =	vld [tilespmem:s12+$0x10];
	[tilespmem:s3+$0x20] =	vst v2  }
0x7d: {  	v6 =	vld [tilespmem:s12+$0xFFFFFFC0];
	[tilespmem:s3+$0xFFFFFFD0] =	vst v3;
	s3 =	smov.u32 s12  }
0x7e: {  	v1 =	vld.idx.msk [tilespmem:v4+s11+$0x0], $0xffff  }
0x7f: {  	v9 =	vld [tilespmem:s12+$0xFFFFFFE0]  }
0x80: {  	v2 =	vld [tilespmem:s12+$0x20]  }
.Ltmp0:
0x81: {  	v3 =	vld [tilespmem:s12+$0xFFFFFFD0];
	(pc) =	sbr.rel @p2 .LBB2_3-.Ltmp0, $3  }
0x82: {  	v4 =	vld [tilespmem:s12+$0x0];
	_ =	sdelay $0x1  }
0x83: {  	v6 =	vmul.f32 v6, v1;
	v8 =	vmul.f32 v5, v1  }
0x84: {  	v7 =	vmul.f32 v7, v1;
	v5 =	vmul.f32 v9, v1  }
0x85: {  	[tilespmem:s3+$0x30] =	vst v8  }
0x86: {  	[tilespmem:s3+$0xFFFFFFC0] =	vst v6  }
0x87: {  	v0 =	vmul.f32 v0, v1;
	[tilespmem:s3+$0x10] =	vst v7  }
0x88: {  	v2 =	vmul.f32 v2, v1;
	[tilespmem:s3+$0xFFFFFFE0] =	vst v5  }
0x89: {  	v4 =	vmul.f32 v4, v1;
	[tilespmem:s3+$0xFFFFFFF0] =	vst v0  }
0x8a: {  	s12 =	smul.u32 $0x280, s16;
	v0 =	vmul.f32 v3, v1;
	[tilespmem:s3+$0x20] =	vst v2  }
0x8b: {  	[tilespmem:s3+$0x0] =	vst v4  }
0x8c: {  	s29 =	sshra.s32 s12, $0x2;
	[tilespmem:s3+$0xFFFFFFD0] =	vst v0;
	s3 =	simm.s32 @p1 $0x4  }
0x8d: {  	[spmem:s1] =	stream.indirect.scatter.add.f32 [tilespmem:s13], [sflag:$0x5], $0x80, s29, s2, $0xb8;
	[tilespmem:$0x1D880] =	vst v63  }
0x8e: {  	_ =	swait.ge @p1 [sflag:s3], $0x50  }
0x8f: {  	[sflag:s3] =	ssyncset.done @p1 $0x0  }
0x90: {  	[sflag:s3] =	ssyncadd.s32 @p1 $0xFFFFFFB0  }
0x91: {  	_ =	swait.ge @p1 [sflag:s3], $0x2800  }
0x92: {  	[sflag:s3] =	ssyncset.done @p1 $0x0  }
0x93: {  	[sflag:s3] =	ssyncadd.s32 @p1 $0xFFFFD800;
	s3 =	simm.s32 @!p1 $0x5  }
0x94: {  	_ =	swait.ge @!p1 [sflag:s3], $0x2800  }
0x95: {  	[sflag:s3] =	ssyncset.done @!p1 $0x0  }
0x96: {  	[sflag:s3] =	ssyncadd.s32 @!p1 $0xFFFFD800;
	s3 =	simm.s32 @!p1 $0x1  }
0x97: {  	_ =	swait.ge @!p1 [sflag:s3], $0x50  }
0x98: {  	[sflag:s3] =	ssyncset.done @!p1 $0x0  }
0x99: {  	[sflag:s3] =	ssyncadd.s32 @!p1 $0xFFFFFFB0  }
0x9a: {  	_ =	swait.ge @!p1 [sflag:s3], $0x50  }
0x9b: {  	s20 =	simm.s32 @!p1 $0x4F60;
	[sflag:s3] =	ssyncset.done @!p1 $0x0  }
0x9c: {  	s12 =	simm.s32 @!p1 $0x4E20;
	[sflag:s3] =	ssyncadd.s32 @!p1 $0xFFFFFFB0;
	s3 =	simm.s32 @!p1 $0x50  }
0x9d: {  	[tilespmem:s20], [sflag:$0x3] =	stream.indirect.gather @!p1 [hbm4b:s4+s3], $0x1, s12, s3, $0xb8;
	[tilespmem:$0x1D880] =	vst v63  }
0x9e: {  	s12 =	simm.s32 @!p1 $0x4EC0;
	s20 =	simm.s32 @!p1 $0x5000  }
0x9f: {  	[tilespmem:s20], [sflag:$0x3] =	stream.indirect.gather @!p1 [hbm4b:s6+s3], $0x80, s12, s3, $0xb8;
	[tilespmem:$0x1D880] =	vst v63  }
0xa0: {  	s3 =	simm.s32 @!p1 $0x4  }
0xa1: {  	_ =	swait.ge @!p1 [sflag:s3], $0x50  }
0xa2: {  	s12 =	sadd.s32 @!p1 $0x3, s28;
	[sflag:s3] =	ssyncset.done @!p1 $0x0  }
0xa3: {  	s20 =	sadd.s32 @!p1 s5, s12;
	[sflag:s3] =	ssyncadd.s32 @!p1 $0xFFFFFFB0  }
0xa4: {  	s12 =	sadd.s32 @!p1 s9, s12;
	s20 =	smul.u32 @!p1 $0xA, s20;
	_ =	swait.ge @!p1 [sflag:s3], $0x2800  }
0xa5: {  	s28 =	simm.s32 @!p1 $0x4E70;
	s12 =	smul.u32 @!p1 $0xA, s12;
	[sflag:s3] =	ssyncset.done @!p1 $0x0  }
0xa6: {  	[sflag:s3] =	ssyncadd.s32 @!p1 $0xFFFFD800;
	s3 =	sadd.s32 @!p1 s8, s20;
	s20 =	simm.s32 @!p1 $0x0  }
0xa7: {  	[tilespmem:s28], [sflag:$0x2] =	stream.linear.gather @!p1 [hbm4b:s3+s20], $0x50, $0x38;
	[tilespmem:$0x1D880] =	vst v63  }
0xa8: {  	s3 =	sadd.s32 @!p1 s7, s12;
	s12 =	simm.s32 @!p1 $0x4F10  }
0xa9: {  	[tilespmem:s12], [sflag:$0x2] =	stream.linear.gather @!p1 [hbm4b:s3+s20], $0x50, $0x38;
	[tilespmem:$0x1D880] =	vst v63  }
0xaa: {  	v0 =	vld [tilespmem:$0x4FB0]  }
0xab: {  	v1 =	vld [tilespmem:$0x4FC0]  }
0xac: {  	v2 =	vld [tilespmem:$0x4FD0]  }
0xad: {  	v3 =	vld [tilespmem:$0x4FE0]  }
0xae: {  	v4 =	vld [tilespmem:$0x4FF0]  }
0xaf: {  	v0 =	vmul.f32 $1.442695020e+00, v0  }
0xb0: {  	v1 =	vmul.f32 $1.442695020e+00, v1  }
0xb1: {  	(erf) = vpow2.f32 v0;
	v0 =	vmul.f32 $1.442695020e+00, v2  }
0xb2: {  	(erf) = vpow2.f32 v1;
	v1 =	vmul.f32 $1.442695020e+00, v3  }
0xb3: {  	(erf) = vpow2.f32 v0;
	v0 =	vmul.f32 $1.442695020e+00, v4  }
0xb4: {  	(erf) = vpow2.f32 v1  }
0xb5: {  	(erf) = vpow2.f32 v0;
	_ =	sdelay $0x4  }
0xb6: {  	v0 =	vpop (erf)  }
0xb7: {  	v1 =	vpop (erf);
	[tilespmem:$0x4FB0] =	vst v0  }
0xb8: {  	v0 =	vpop (erf);
	[tilespmem:$0x4FC0] =	vst v1  }
0xb9: {  	s20 =	simm.s32 $0x0;
	v1 =	vpop (erf);
	[tilespmem:$0x4FD0] =	vst v0  }
0xba: {  	[tilespmem:$0x4FE0] =	vst v1;
	v0 =	vpop (erf);
	v1 =	vmov s20  }
0xbb: {  	s3 =	simm.s32 $0x7840;
	[tilespmem:$0x4FF0] =	vst v0  }
0xbc: {  	v4 =	vld [tilespmem:s3+$0x30]  }
0xbd: {  	v7 =	vld [tilespmem:s3+$0x10]  }
0xbe: {  	v5 =	vld [tilespmem:s3+$0xFFFFFFC0]  }
0xbf: {  	v1 =	vld.idx.msk [tilespmem:v1+s17+$0x0], $0xffff  }
0xc0: {  	v9 =	vld [tilespmem:s3+$0xFFFFFFE0]  }
0xc1: {  	v0 =	vld [tilespmem:s3+$0xFFFFFFF0]  }
0xc2: {  	v2 =	vld [tilespmem:s3+$0x20]  }
0xc3: {  	v3 =	vld [tilespmem:s3+$0xFFFFFFD0]  }
0xc4: {  	v8 =	vmul.f32 v4, v1;
	v4 =	vld [tilespmem:s3+$0x0]  }
0xc5: {  	v6 =	vmul.f32 v5, v1  }
0xc6: {  	s28 =	simm.s32 $0x1;
	s12 =	simm.s32 $0x7840;
	v5 =	vmul.f32 v9, v1;
	v7 =	vmul.f32 v7, v1  }
.LBB2_5:
0xc7: {  	p1 =	sne.s32 s28, $0x4F  }
0xc8: {  	v3 =	vmul.f32 v3, v1;
	v2 =	vmul.f32 v2, v1;
	[tilespmem:s3+$0x30] =	vst v8;
	s12 =	sadd.s32 $0x80, s12;
	s20 =	smov.u32 s28;
	s28 =	sadd.s32 $0x1, s28  }
0xc9: {  	[tilespmem:s3+$0xFFFFFFC0] =	vst v6;
	v6 =	vmul.f32 v0, v1;
	v1 =	vmul.f32 v4, v1  }
0xca: {  	[tilespmem:s3+$0x10] =	vst v7  }
0xcb: {  	v4 =	vmov s20;
	[tilespmem:s3+$0xFFFFFFE0] =	vst v5  }
0xcc: {  	v0 =	vld [tilespmem:s12+$0xFFFFFFF0];
	[tilespmem:s3+$0xFFFFFFF0] =	vst v6  }
0xcd: {  	v5 =	vld [tilespmem:s12+$0x30];
	[tilespmem:s3+$0x0] =	vst v1  }
0xce: {  	v7 =	vld [tilespmem:s12+$0x10];
	[tilespmem:s3+$0x20] =	vst v2  }
0xcf: {  	v6 =	vld [tilespmem:s12+$0xFFFFFFC0];
	[tilespmem:s3+$0xFFFFFFD0] =	vst v3;
	s3 =	smov.u32 s12  }
0xd0: {  	v1 =	vld.idx.msk [tilespmem:v4+s17+$0x0], $0xffff  }
0xd1: {  	v9 =	vld [tilespmem:s12+$0xFFFFFFE0]  }
0xd2: {  	v2 =	vld [tilespmem:s12+$0x20]  }
.Ltmp1:
0xd3: {  	v3 =	vld [tilespmem:s12+$0xFFFFFFD0];
	(pc) =	sbr.rel @p1 .LBB2_5-.Ltmp1, $3  }
0xd4: {  	v4 =	vld [tilespmem:s12+$0x0];
	_ =	sdelay $0x1  }
0xd5: {  	v6 =	vmul.f32 v6, v1;
	v8 =	vmul.f32 v5, v1  }
0xd6: {  	v7 =	vmul.f32 v7, v1;
	v5 =	vmul.f32 v9, v1  }
0xd7: {  	[tilespmem:s3+$0x30] =	vst v8  }
0xd8: {  	[tilespmem:s3+$0xFFFFFFC0] =	vst v6  }
0xd9: {  	v0 =	vmul.f32 v0, v1;
	s16 =	sadd.s32 $0x1, s16;
	[tilespmem:s3+$0x10] =	vst v7  }
0xda: {  	v2 =	vmul.f32 v2, v1;
	[tilespmem:s3+$0xFFFFFFE0] =	vst v5;
	p1 =	sne.s32 s16, $0x7D  }
.Ltmp2:
0xdb: {  	v63 =	vmul.f32 v3, v1;
	[tilespmem:s3+$0xFFFFFFF0] =	vst v0;
	(pc) =	sbr.rel @p1 .LBB2_2-.Ltmp2, $4  }
0xdc: {  	v4 =	vmul.f32 v4, v1;
	[tilespmem:s3+$0x20] =	vst v2  }
0xdd: {  	[tilespmem:s3+$0xFFFFFFD0] =	vst v63  }
0xde: {  	s29 =	sadd.s32 $0x50, s29;
	[tilespmem:s3+$0x0] =	vst v4  }
0xdf: {  	[spmem:s1] =	stream.indirect.scatter.add.f32 [tilespmem:s18], [sflag:$0x6], $0x80, s29, s2, $0xb8;
	[tilespmem:$0x1D880] =	vst v63  }
0xe0: {  	s3 =	simm.s32 $0x5  }
0xe1: {  	_ =	swait.ge [sflag:s3], $0x2800  }
0xe2: {  	[sflag:s3] =	ssyncset.done $0x0  }
0xe3: {  	s16 =	simm.s32 $0x6;
	[sflag:s3] =	ssyncadd.s32 $0xFFFFD800  }
0xe4: {  	_ =	swait.ge [sflag:s16], $0x2800  }
0xe5: {  	[sflag:s16] =	ssyncset.done $0x0  }
0xe6: {  	[sflag:s16] =	ssyncadd.s32 $0xFFFFD800  }
0xe7: {  	[bflag:$0x0] =	sbarrier.arrive $0xFFFF  }
0xe8: {  	s20 =	rddreg [dreg:$0xb]  }
0xe9: {  	[hbm:s20], [sflag:s24] =	dma.local [spmem:s25], $0x2700  }
0xea: {  	_ =	swait.ge [sflag:s26], $0x2700  }
0xeb: {  	[sflag:s26] =	ssyncset.done $0x0  }
0xec: {  	s3 =	sshrl.u32 @p0 s22, $0x3;
	[sflag:s26] =	ssyncadd.s32 $0xFFFFD900  }
0xed: {  	[spmem:s3], [sflag:s24] =	dma.local @p0 [hbm:s10], $0x2700  }
0xee: {  	s3 =	simm.s32 @p0 $0x7  }
0xef: {  	_ =	swait.ge @p0 [sflag:s3], $0x2700  }
0xf0: {  	[sflag:s3] =	ssyncset.done @p0 $0x0  }
0xf1: {  	[sflag:s3] =	ssyncadd.s32 @p0 $0xFFFFD900;
	s3 =	rddreg [dreg:$0xd]  }
0xf2: {  	[hbm:s3], [sflag:s24] =	dma.local @!p0 [spmem:s14], $0x100  }
0xf3: {  	s3 =	simm.s32 @!p0 $0x7  }
0xf4: {  	_ =	swait.ge @!p0 [sflag:s3], $0x100  }
0xf5: {  	[sflag:s3] =	ssyncset.done @!p0 $0x0  }
0xf6: {  	s12 =	sshrl.u32 @!p0 s22, $0x3;
	[sflag:s3] =	ssyncadd.s32 @!p0 $0xFFFFFF00  }
0xf7: {  	[spmem:s12], [sflag:s24] =	dma.local @!p0 [hbm:s10], $0x2700  }
0xf8: {  	_ =	swait.ge @!p0 [sflag:s3], $0x2700  }
0xf9: {  	[sflag:s3] =	ssyncset.done @!p0 $0x0  }
0xfa: {  	[sflag:s3] =	ssyncadd.s32 @!p0 $0xFFFFD900  }
0xfb: {  	[spmem:s14], [sflag:s24] =	dma.local @!p0 [hbm:s10], $0x100  }
0xfc: {  	_ =	swait.ge @!p0 [sflag:s3], $0x100  }
0xfd: {  	[sflag:s3] =	ssyncset.done @!p0 $0x0  }
0xfe: {  	[sflag:s3] =	ssyncadd.s32 @!p0 $0xFFFFFF00  }
0xff: {  	[bflag:$0x0] =	sbarrier.arrive $0xFFFF  }
0x100: {  	s16 =	simm.s32 $0x0;
	s12 =	simm.s32 $0x4E20;
	s22 =	rddreg [dreg:$0x7]  }
0x101: {  	[tilespmem:s12], [sflag:$0x1] =	stream.linear.gather [hbm4b:s22+s16], $0x50, $0x38;
	[tilespmem:$0x1D880] =	vst v63  }
0x102: {  	s20 =	simm.s32 $0x4EC0;
	s29 =	rddreg [dreg:$0xe]  }
0x103: {  	[tilespmem:s20], [sflag:$0x1] =	stream.linear.gather [hbm4b:s29+s16], $0x50, $0x38;
	[tilespmem:$0x1D880] =	vst v63  }
0x104: {  	s22 =	rddreg [dreg:$0x9]  }
0x105: {  	[tilespmem:s30], [sflag:$0x2] =	stream.linear.gather [hbm4b:s22+s16], $0x50, $0x38;
	[tilespmem:$0x1D880] =	vst v63  }
0x106: {  	s29 =	rddreg [dreg:$0xf]  }
0x107: {  	[tilespmem:s31], [sflag:$0x2] =	stream.linear.gather [hbm4b:s29+s16], $0x50, $0x38;
	[tilespmem:$0x1D880] =	vst v63  }
0x108: {  	_ =	swait.ge [sflag:s0], $0x50  }
0x109: {  	[sflag:s0] =	ssyncset.done $0x0  }
0x10a: {  	[sflag:s0] =	ssyncadd.s32 $0xFFFFFFB0  }
0x10b: {  	_ =	swait.ge [sflag:s0], $0x50  }
0x10c: {  	[sflag:s0] =	ssyncset.done $0x0  }
0x10d: {  	[sflag:s0] =	ssyncadd.s32 $0xFFFFFFB0  }
0x10e: {  	[tilespmem:s11], [sflag:$0x3] =	stream.indirect.gather [hbm4b:s4+s2], $0x1, s12, s2, $0xb8;
	[tilespmem:$0x1D880] =	vst v63  }
0x10f: {  	s28 =	simm.s32 $0x0  }
0x110: {  	[tilespmem:s13], [sflag:$0x3] =	stream.indirect.gather [hbm4b:s6+s2], $0x80, s20, s2, $0xb8;
	[tilespmem:$0x1D880] =	vst v63  }
.LBB2_8:
0x111: {  	p1 =	seq.s32 s28, $0x0  }
0x112: {  	s3 =	simm.s32 @!p1 $0x6  }
0x113: {  	_ =	swait.ge @!p1 [sflag:s3], $0x2800  }
0x114: {  	[sflag:s3] =	ssyncset.done @!p1 $0x0  }
0x115: {  	[sflag:s3] =	ssyncadd.s32 @!p1 $0xFFFFD800  }
0x116: {  	_ =	swait.ge [sflag:s15], $0x50  }
0x117: {  	[sflag:s15] =	ssyncset.done $0x0  }
0x118: {  	[sflag:s15] =	ssyncadd.s32 $0xFFFFFFB0  }
0x119: {  	_ =	swait.ge [sflag:s15], $0x50  }
0x11a: {  	[sflag:s15] =	ssyncset.done $0x0  }
0x11b: {  	[sflag:s15] =	ssyncadd.s32 $0xFFFFFFB0  }
0x11c: {  	[tilespmem:s17], [sflag:$0x4] =	stream.indirect.gather [hbm4b:s4+s2], $0x1, s30, s2, $0xb8;
	[tilespmem:$0x1D880] =	vst v63  }
0x11d: {  	_ = 	snop  }
0x11e: {  	[tilespmem:s18], [sflag:$0x4] =	stream.indirect.gather [hbm4b:s6+s2], $0x80, s31, s2, $0xb8;
	[tilespmem:$0x1D880] =	vst v63  }
0x11f: {  	s29 =	sshll.u32 s28, $0x1;
	p1 =	seq.s32 s28, $0x7C;
	_ =	swait.ge [sflag:s19], $0x50  }
0x120: {  	s3 =	sadd.s32 @!p1 $0x2, s29;
	[sflag:s19] =	ssyncset.done $0x0  }
0x121: {  	s12 =	sadd.s32 @!p1 s5, s3;
	[sflag:s19] =	ssyncadd.s32 $0xFFFFFFB0  }
0x122: {  	s20 =	simm.s32 @!p1 $0x0;
	s12 =	smul.u32 @!p1 $0xA, s12;
	_ =	swait.ge [sflag:s19], $0x2800  }
0x123: {  	s22 =	simm.s32 @!p1 $0x4E20;
	s3 =	sadd.s32 @!p1 s21, s3;
	[sflag:s19] =	ssyncset.done $0x0  }
0x124: {  	s3 =	smul.u32 @!p1 $0xA, s3;
	s12 =	sadd.s32 @!p1 s8, s12;
	[sflag:s19] =	ssyncadd.s32 $0xFFFFD800  }
0x125: {  	[tilespmem:s22], [sflag:$0x1] =	stream.linear.gather @!p1 [hbm4b:s12+s20], $0x50, $0x38;
	[tilespmem:$0x1D880] =	vst v63  }
0x126: {  	s3 =	sadd.s32 @!p1 s7, s3;
	s12 =	simm.s32 @!p1 $0x4EC0  }
0x127: {  	[tilespmem:s12], [sflag:$0x1] =	stream.linear.gather @!p1 [hbm4b:s3+s20], $0x50, $0x38;
	[tilespmem:$0x1D880] =	vst v63  }
0x128: {  	v0 =	vld [tilespmem:$0x4F60]  }
0x129: {  	v1 =	vld [tilespmem:$0x4F70]  }
0x12a: {  	v2 =	vld [tilespmem:$0x4F80]  }
0x12b: {  	v3 =	vld [tilespmem:$0x4F90]  }
0x12c: {  	v4 =	vld [tilespmem:$0x4FA0]  }
0x12d: {  	v0 =	vmul.f32 $1.442695020e+00, v0  }
0x12e: {  	v1 =	vmul.f32 $1.442695020e+00, v1  }
0x12f: {  	(erf) = vpow2.f32 v0;
	v0 =	vmul.f32 $1.442695020e+00, v2  }
0x130: {  	(erf) = vpow2.f32 v1;
	v1 =	vmul.f32 $1.442695020e+00, v3  }
0x131: {  	(erf) = vpow2.f32 v0;
	v0 =	vmul.f32 $1.442695020e+00, v4  }
0x132: {  	(erf) = vpow2.f32 v1  }
0x133: {  	(erf) = vpow2.f32 v0;
	_ =	sdelay $0x4  }
0x134: {  	v0 =	vpop (erf)  }
0x135: {  	v1 =	vpop (erf);
	[tilespmem:$0x4F60] =	vst v0  }
0x136: {  	v0 =	vpop (erf);
	[tilespmem:$0x4F70] =	vst v1  }
0x137: {  	v1 =	vpop (erf);
	[tilespmem:$0x4F80] =	vst v0  }
0x138: {  	[tilespmem:$0x4F90] =	vst v1;
	v0 =	vpop (erf);
	v1 =	vmov s16  }
0x139: {  	s3 =	simm.s32 $0x5040;
	[tilespmem:$0x4FA0] =	vst v0  }
0x13a: {  	v4 =	vld [tilespmem:s3+$0x30]  }
0x13b: {  	v7 =	vld [tilespmem:s3+$0x10]  }
0x13c: {  	v5 =	vld [tilespmem:s3+$0xFFFFFFC0]  }
0x13d: {  	v1 =	vld.idx.msk [tilespmem:v1+s11+$0x0], $0xffff  }
0x13e: {  	v9 =	vld [tilespmem:s3+$0xFFFFFFE0]  }
0x13f: {  	v0 =	vld [tilespmem:s3+$0xFFFFFFF0]  }
0x140: {  	v2 =	vld [tilespmem:s3+$0x20]  }
0x141: {  	v3 =	vld [tilespmem:s3+$0xFFFFFFD0]  }
0x142: {  	v8 =	vmul.f32 v4, v1;
	v4 =	vld [tilespmem:s3+$0x0]  }
0x143: {  	v6 =	vmul.f32 v5, v1  }
0x144: {  	s12 =	simm.s32 $0x1;
	s20 =	simm.s32 $0x5040;
	v5 =	vmul.f32 v9, v1;
	v7 =	vmul.f32 v7, v1  }
.LBB2_9:
0x145: {  	p2 =	sne.s32 s12, $0x4F  }
0x146: {  	v3 =	vmul.f32 v3, v1;
	v2 =	vmul.f32 v2, v1;
	[tilespmem:s3+$0x30] =	vst v8;
	s20 =	sadd.s32 $0x80, s20;
	s22 =	smov.u32 s12;
	s12 =	sadd.s32 $0x1, s12  }
0x147: {  	[tilespmem:s3+$0xFFFFFFC0] =	vst v6;
	v6 =	vmul.f32 v0, v1;
	v1 =	vmul.f32 v4, v1  }
0x148: {  	[tilespmem:s3+$0x10] =	vst v7  }
0x149: {  	v4 =	vmov s22;
	[tilespmem:s3+$0xFFFFFFE0] =	vst v5  }
0x14a: {  	v0 =	vld [tilespmem:s20+$0xFFFFFFF0];
	[tilespmem:s3+$0xFFFFFFF0] =	vst v6  }
0x14b: {  	v5 =	vld [tilespmem:s20+$0x30];
	[tilespmem:s3+$0x0] =	vst v1  }
0x14c: {  	v7 =	vld [tilespmem:s20+$0x10];
	[tilespmem:s3+$0x20] =	vst v2  }
0x14d: {  	v6 =	vld [tilespmem:s20+$0xFFFFFFC0];
	[tilespmem:s3+$0xFFFFFFD0] =	vst v3;
	s3 =	smov.u32 s20  }
0x14e: {  	v1 =	vld.idx.msk [tilespmem:v4+s11+$0x0], $0xffff  }
0x14f: {  	v9 =	vld [tilespmem:s20+$0xFFFFFFE0]  }
0x150: {  	v2 =	vld [tilespmem:s20+$0x20]  }
.Ltmp3:
0x151: {  	v3 =	vld [tilespmem:s20+$0xFFFFFFD0];
	(pc) =	sbr.rel @p2 .LBB2_9-.Ltmp3, $3  }
0x152: {  	v4 =	vld [tilespmem:s20+$0x0];
	_ =	sdelay $0x1  }
0x153: {  	v6 =	vmul.f32 v6, v1;
	v8 =	vmul.f32 v5, v1  }
0x154: {  	v7 =	vmul.f32 v7, v1;
	v5 =	vmul.f32 v9, v1  }
0x155: {  	[tilespmem:s3+$0x30] =	vst v8  }
0x156: {  	[tilespmem:s3+$0xFFFFFFC0] =	vst v6  }
0x157: {  	v0 =	vmul.f32 v0, v1;
	[tilespmem:s3+$0x10] =	vst v7  }
0x158: {  	v2 =	vmul.f32 v2, v1;
	[tilespmem:s3+$0xFFFFFFE0] =	vst v5  }
0x159: {  	v4 =	vmul.f32 v4, v1;
	[tilespmem:s3+$0xFFFFFFF0] =	vst v0  }
0x15a: {  	s12 =	smul.u32 $0x280, s28;
	v0 =	vmul.f32 v3, v1;
	[tilespmem:s3+$0x20] =	vst v2  }
0x15b: {  	[tilespmem:s3+$0x0] =	vst v4  }
0x15c: {  	[tilespmem:s3+$0xFFFFFFD0] =	vst v0;
	s3 =	sshra.s32 s12, $0x2;
	s12 =	simm.s32 @p1 $0x4  }
0x15d: {  	[spmem:s1] =	stream.indirect.scatter.add.f32 [tilespmem:s13], [sflag:$0x5], $0x80, s3, s2, $0xb8;
	[tilespmem:$0x1D880] =	vst v63  }
0x15e: {  	_ =	swait.ge @p1 [sflag:s12], $0x50  }
0x15f: {  	[sflag:s12] =	ssyncset.done @p1 $0x0  }
0x160: {  	[sflag:s12] =	ssyncadd.s32 @p1 $0xFFFFFFB0  }
0x161: {  	_ =	swait.ge @p1 [sflag:s12], $0x2800  }
0x162: {  	[sflag:s12] =	ssyncset.done @p1 $0x0  }
0x163: {  	[sflag:s12] =	ssyncadd.s32 @p1 $0xFFFFD800;
	s12 =	simm.s32 @!p1 $0x5  }
0x164: {  	_ =	swait.ge @!p1 [sflag:s12], $0x2800  }
0x165: {  	[sflag:s12] =	ssyncset.done @!p1 $0x0  }
0x166: {  	[sflag:s12] =	ssyncadd.s32 @!p1 $0xFFFFD800;
	s12 =	simm.s32 @!p1 $0x1  }
0x167: {  	_ =	swait.ge @!p1 [sflag:s12], $0x50  }
0x168: {  	[sflag:s12] =	ssyncset.done @!p1 $0x0  }
0x169: {  	[sflag:s12] =	ssyncadd.s32 @!p1 $0xFFFFFFB0  }
0x16a: {  	_ =	swait.ge @!p1 [sflag:s12], $0x50  }
0x16b: {  	s20 =	simm.s32 @!p1 $0x4E20;
	[sflag:s12] =	ssyncset.done @!p1 $0x0  }
0x16c: {  	s22 =	simm.s32 @!p1 $0x4F60;
	[sflag:s12] =	ssyncadd.s32 @!p1 $0xFFFFFFB0;
	s12 =	simm.s32 @!p1 $0x50  }
0x16d: {  	[tilespmem:s22], [sflag:$0x3] =	stream.indirect.gather @!p1 [hbm4b:s4+s12], $0x1, s20, s12, $0xb8;
	[tilespmem:$0x1D880] =	vst v63  }
0x16e: {  	s20 =	simm.s32 @!p1 $0x4EC0;
	s22 =	simm.s32 @!p1 $0x5000  }
0x16f: {  	[tilespmem:s22], [sflag:$0x3] =	stream.indirect.gather @!p1 [hbm4b:s6+s12], $0x80, s20, s12, $0xb8;
	[tilespmem:$0x1D880] =	vst v63  }
0x170: {  	s12 =	simm.s32 @!p1 $0x4  }
0x171: {  	_ =	swait.ge @!p1 [sflag:s12], $0x50  }
0x172: {  	s20 =	sadd.s32 @!p1 $0x3, s29;
	[sflag:s12] =	ssyncset.done @!p1 $0x0  }
0x173: {  	s22 =	sadd.s32 @!p1 s5, s20;
	[sflag:s12] =	ssyncadd.s32 @!p1 $0xFFFFFFB0  }
0x174: {  	s20 =	sadd.s32 @!p1 s21, s20;
	s22 =	smul.u32 @!p1 $0xA, s22;
	_ =	swait.ge @!p1 [sflag:s12], $0x2800  }
0x175: {  	s29 =	simm.s32 @!p1 $0x4E70;
	s20 =	smul.u32 @!p1 $0xA, s20;
	[sflag:s12] =	ssyncset.done @!p1 $0x0  }
0x176: {  	[sflag:s12] =	ssyncadd.s32 @!p1 $0xFFFFD800;
	s12 =	sadd.s32 @!p1 s8, s22;
	s22 =	simm.s32 @!p1 $0x0  }
0x177: {  	[tilespmem:s29], [sflag:$0x2] =	stream.linear.gather @!p1 [hbm4b:s12+s22], $0x50, $0x38;
	[tilespmem:$0x1D880] =	vst v63  }
0x178: {  	s12 =	sadd.s32 @!p1 s7, s20;
	s20 =	simm.s32 @!p1 $0x4F10  }
0x179: {  	[tilespmem:s20], [sflag:$0x2] =	stream.linear.gather @!p1 [hbm4b:s12+s22], $0x50, $0x38;
	[tilespmem:$0x1D880] =	vst v63  }
0x17a: {  	v0 =	vld [tilespmem:$0x4FB0]  }
0x17b: {  	v1 =	vld [tilespmem:$0x4FC0]  }
0x17c: {  	v2 =	vld [tilespmem:$0x4FD0]  }
0x17d: {  	v3 =	vld [tilespmem:$0x4FE0]  }
0x17e: {  	v4 =	vld [tilespmem:$0x4FF0]  }
0x17f: {  	v0 =	vmul.f32 $1.442695020e+00, v0  }
0x180: {  	v1 =	vmul.f32 $1.442695020e+00, v1  }
0x181: {  	(erf) = vpow2.f32 v0;
	v0 =	vmul.f32 $1.442695020e+00, v2  }
0x182: {  	(erf) = vpow2.f32 v1;
	v1 =	vmul.f32 $1.442695020e+00, v3  }
0x183: {  	(erf) = vpow2.f32 v0;
	v0 =	vmul.f32 $1.442695020e+00, v4  }
0x184: {  	(erf) = vpow2.f32 v1  }
0x185: {  	(erf) = vpow2.f32 v0;
	_ =	sdelay $0x4  }
0x186: {  	v0 =	vpop (erf)  }
0x187: {  	v1 =	vpop (erf);
	[tilespmem:$0x4FB0] =	vst v0  }
0x188: {  	v0 =	vpop (erf);
	[tilespmem:$0x4FC0] =	vst v1  }
0x189: {  	s22 =	simm.s32 $0x0;
	v1 =	vpop (erf);
	[tilespmem:$0x4FD0] =	vst v0  }
0x18a: {  	[tilespmem:$0x4FE0] =	vst v1;
	v0 =	vpop (erf);
	v1 =	vmov s22  }
0x18b: {  	s29 =	simm.s32 $0x7840;
	[tilespmem:$0x4FF0] =	vst v0  }
0x18c: {  	v4 =	vld [tilespmem:s29+$0x30]  }
0x18d: {  	v7 =	vld [tilespmem:s29+$0x10]  }
0x18e: {  	v5 =	vld [tilespmem:s29+$0xFFFFFFC0]  }
0x18f: {  	v1 =	vld.idx.msk [tilespmem:v1+s17+$0x0], $0xffff  }
0x190: {  	v9 =	vld [tilespmem:s29+$0xFFFFFFE0]  }
0x191: {  	v0 =	vld [tilespmem:s29+$0xFFFFFFF0]  }
0x192: {  	v2 =	vld [tilespmem:s29+$0x20]  }
0x193: {  	v3 =	vld [tilespmem:s29+$0xFFFFFFD0]  }
0x194: {  	v8 =	vmul.f32 v4, v1;
	v4 =	vld [tilespmem:s29+$0x0]  }
0x195: {  	v6 =	vmul.f32 v5, v1  }
0x196: {  	s12 =	simm.s32 $0x1;
	s20 =	simm.s32 $0x7840;
	v5 =	vmul.f32 v9, v1;
	v7 =	vmul.f32 v7, v1  }
.LBB2_11:
0x197: {  	p1 =	sne.s32 s12, $0x4F  }
0x198: {  	v3 =	vmul.f32 v3, v1;
	v2 =	vmul.f32 v2, v1;
	[tilespmem:s29+$0x30] =	vst v8;
	s20 =	sadd.s32 $0x80, s20;
	s22 =	smov.u32 s12;
	s12 =	sadd.s32 $0x1, s12  }
0x199: {  	[tilespmem:s29+$0xFFFFFFC0] =	vst v6;
	v6 =	vmul.f32 v0, v1;
	v1 =	vmul.f32 v4, v1  }
0x19a: {  	[tilespmem:s29+$0x10] =	vst v7  }
0x19b: {  	v4 =	vmov s22;
	[tilespmem:s29+$0xFFFFFFE0] =	vst v5  }
0x19c: {  	v0 =	vld [tilespmem:s20+$0xFFFFFFF0];
	[tilespmem:s29+$0xFFFFFFF0] =	vst v6  }
0x19d: {  	v5 =	vld [tilespmem:s20+$0x30];
	[tilespmem:s29+$0x0] =	vst v1  }
0x19e: {  	v7 =	vld [tilespmem:s20+$0x10];
	[tilespmem:s29+$0x20] =	vst v2  }
0x19f: {  	v6 =	vld [tilespmem:s20+$0xFFFFFFC0];
	[tilespmem:s29+$0xFFFFFFD0] =	vst v3;
	s29 =	smov.u32 s20  }
0x1a0: {  	v1 =	vld.idx.msk [tilespmem:v4+s17+$0x0], $0xffff  }
0x1a1: {  	v9 =	vld [tilespmem:s20+$0xFFFFFFE0]  }
0x1a2: {  	v2 =	vld [tilespmem:s20+$0x20]  }
.Ltmp4:
0x1a3: {  	v3 =	vld [tilespmem:s20+$0xFFFFFFD0];
	(pc) =	sbr.rel @p1 .LBB2_11-.Ltmp4, $3  }
0x1a4: {  	v4 =	vld [tilespmem:s20+$0x0];
	_ =	sdelay $0x1  }
0x1a5: {  	v6 =	vmul.f32 v6, v1;
	v8 =	vmul.f32 v5, v1  }
0x1a6: {  	v7 =	vmul.f32 v7, v1;
	v5 =	vmul.f32 v9, v1  }
0x1a7: {  	[tilespmem:s29+$0x30] =	vst v8  }
0x1a8: {  	[tilespmem:s29+$0xFFFFFFC0] =	vst v6  }
0x1a9: {  	v0 =	vmul.f32 v0, v1;
	s28 =	sadd.s32 $0x1, s28;
	[tilespmem:s29+$0x10] =	vst v7  }
0x1aa: {  	v2 =	vmul.f32 v2, v1;
	[tilespmem:s29+$0xFFFFFFE0] =	vst v5;
	p1 =	sne.s32 s28, $0x7D  }
.Ltmp5:
0x1ab: {  	v63 =	vmul.f32 v3, v1;
	[tilespmem:s29+$0xFFFFFFF0] =	vst v0;
	(pc) =	sbr.rel @p1 .LBB2_8-.Ltmp5, $4  }
0x1ac: {  	v4 =	vmul.f32 v4, v1;
	[tilespmem:s29+$0x20] =	vst v2  }
0x1ad: {  	[tilespmem:s29+$0xFFFFFFD0] =	vst v63  }
0x1ae: {  	s3 =	sadd.s32 $0x50, s3;
	[tilespmem:s29+$0x0] =	vst v4  }
0x1af: {  	[spmem:s1] =	stream.indirect.scatter.add.f32 [tilespmem:s18], [sflag:$0x6], $0x80, s3, s2, $0xb8;
	[tilespmem:$0x1D880] =	vst v63  }
0x1b0: {  	s3 =	simm.s32 $0x5  }
0x1b1: {  	_ =	swait.ge [sflag:s3], $0x2800  }
0x1b2: {  	[sflag:s3] =	ssyncset.done $0x0  }
0x1b3: {  	s28 =	simm.s32 $0x6;
	[sflag:s3] =	ssyncadd.s32 $0xFFFFD800  }
0x1b4: {  	_ =	swait.ge [sflag:s28], $0x2800  }
0x1b5: {  	[sflag:s28] =	ssyncset.done $0x0  }
0x1b6: {  	[sflag:s28] =	ssyncadd.s32 $0xFFFFD800  }
0x1b7: {  	[bflag:$0x0] =	sbarrier.arrive $0xFFFF  }
0x1b8: {  	s29 =	rddreg [dreg:$0xc]  }
0x1b9: {  	[hbm:s29], [sflag:s24] =	dma.local [spmem:s25], $0x2700  }
0x1ba: {  	_ =	swait.ge [sflag:s26], $0x2700  }
0x1bb: {  	[sflag:s26] =	ssyncset.done $0x0  }
0x1bc: {  	s3 =	rddreg [dreg:$0x10];
	[sflag:s26] =	ssyncadd.s32 $0xFFFFD900  }
0x1bd: {  	[hbm:s3], [sflag:s24] =	dma.local @!p0 [spmem:s14], $0x100  }
0x1be: {  	s3 =	simm.s32 @!p0 $0x7  }
0x1bf: {  	_ =	swait.ge @!p0 [sflag:s3], $0x100  }
0x1c0: {  	s23 =	sadd.s32 $0x1, s23;
	s12 =	rddreg [dreg:$0x11]  }
0x1c1: {  	p1 =	sne.s32 s23, s12  }
.Ltmp6:
0x1c2: {  	_ = 	snop;
	(pc) =	sbr.rel @p1 .LBB2_1-.Ltmp6, $3  }
0x1c3: {  	_ =	sdelay $0x1  }
0x1c4: {  	[sflag:s3] =	ssyncset.done @!p0 $0x0  }
0x1c5: {  	s22 =	rddreg [dreg:$0x5];
	[sflag:s3] =	ssyncadd.s32 @!p0 $0xFFFFFF00  }
0x1c6: {  	_ =	sfence.sel $0x180000  }
0x1c7: {  	[bflag:$0x0] =	sbarrier.arrive $0xFFFF  }
0x1c8: {  	_ =	strace $0x9000004A  }
0x1c9: {  	s0 =	stileid.u32;
	[bflag:$0x2] =	sbarrier.arrive $0xFFFF  }
0x1ca: {  	p0 =	sne.s32 s0, $0x0;
	s0 =	rddreg [dreg:$0x3]  }
0x1cb: {  	s0 =	sadd.s32 @!p0 $0x100000, s0  }
0x1cc: {  	[sflag:s0] =	ssyncadd.tile.s32 @!p0 $0x1;
	_ =	shalt  }
.Lfunc_end2:
_tile_overlayer_lowered:
.L_overlay_start_2:
0x1cd: {  	(tag) =	ssettag $0x2  }
0x1ce: {  	s0 =	rddreg [dreg:$0x0];
	s2 =	stileid.u32  }
0x1cf: {  	s1 =	rddreg [dreg:$0x1];
	p0 =	sne.s32 s2, $0x0  }
0x1d0: {  	s3 =	rddreg [dreg:$0x2];
	[bflag:$0x3] =	sbarrier.arrive $0xFFFF;
	s2 =	simm.s32 @!p0 $0x1C07  }
0x1d1: {  	[timem:s3], [sflag:s2] =	dma.local @!p0 [hbm:s0], s1  }
0x1d2: {  	s0 =	simm.s32 @!p0 $0x7  }
0x1d3: {  	_ =	swait.ge @!p0 [sflag:s0], s1  }
0x1d4: {  	s1 =	ssub.s32 @!p0 $0x0, s1;
	[sflag:s0] =	ssyncset.done @!p0 $0x0  }
0x1d5: {  	[sflag:s0] =	ssyncadd.s32 @!p0 s1  }
0x1d6: {  	[bflag:$0x3] =	sbarrier.arrive $0xFFFF  }
0x1d7: {  	_ =	shalt  }

// kernel: sparse-core-data-format-call.1.cloned.1.call-start
scs
called_computation.1_lowered:
.L_overlay_start_0:
0x0: {  	s1 =	sld [smem:$0x3FD9]  }
0x1: {  	s2 =	sld [smem:$0x3FFE];
	_ =	sdelay $0x1  }
0x2: {  	s3 =	srdreg.scid  }
0x3: {  	s0 =	sand.u32 $0x1, s3  }
0x4: {  	s17 =	sshll.u32 s0, $0xA;
	s1 =	sadd.s32 s2, s1  }
0x5: {  	s1 =	sadd.s32 s1, s17  }
0x6: {  	[smem:$0x3FBA] =	sst s1  }
0x7: {  	_ = 	snop  }
0x8: {  	(tm) =	ssettm $0x1  }
0x9: {  	s18 =	sld [smem:$0x3FFB];
	_ =	sdelay $0x3  }
0xa: {  	_ =	strace s18  }
0xb: {  	s1 =	sld [smem:$0x3FFC];
	_ =	sdelay $0x3  }
0xc: {  	_ =	strace s1  }
0xd: {  	s1 =	sld [smem:$0x3FFD];
	_ =	sdelay $0x3  }
0xe: {  	_ =	strace s1  }
0xf: {  	_ =	strace $0x8FFFFFFF  }
0x10: {  	s19 =	sld [smem:$0x3FDB];
	_ =	sdelay $0x1  }
0x11: {  	s20 =	simm.s32 $_scs_section_size  }
0x12: {  	s4 =	simm.s32 $_size__tile_overlayer_lowered;
	s5 =	simm.s32 $_tile_overlayer_lowered  }
0x13: {  	s23 =	simm.s32 $0x1BFF;
	s22 =	sshll.u32 s5, $0x1;
	s1 =	sadd.s32 s20, s19  }
0x14: {  	s6 =	simm.s32 $0x0;
	s21 =	sshll.u32 s4, $0x1;
	s4 =	sadd.s32 s22, s1  }
0x15: {  	[timem:s6], [sflag:s23] =	dma.local [hbm:s4], s21  }
0x16: {  	_ =	swait.ge [sflag:s23], s21  }
0x17: {  	s2 =	ssub.s32 $0x0, s21;
	[sflag:s23] =	ssyncset.done $0x0  }
0x18: {  	[sflag:s23] =	ssyncadd.s32 s2;
	_ =	sdelay $0x1  }
0x19: {  	s24 =	simm.s32 $0x1B8B  }
0x1a: {  	_ =	swait.ge [sflag:s24], $0x1  }
0x1b: {  	[sflag:s24] =	ssyncset.done $0x0  }
0x1c: {  	s26 =	simm.s32 $0x1B8E;
	s25 =	sld [smem:$0x3FFE];
	[sflag:s24] =	ssyncadd.s32 $0xFFFFFFFF  }
0x1d: {  	s27 =	simm.s32 $execute0_lowered;
	[smem:$0x3FD2] =	sst s26  }
0x1e: {  	s4 =	sshll.u32 s27, $0x1;
	_ =	strace $0x80000046;
	[dreg:$0x1] =	wrdreg $0xFFFFFFFF  }
0x1f: {  	s28 =	simm.s32 $_size_execute0_lowered;
	s1 =	sadd.s32 s1, s4;
	[dreg:$0x0] =	wrdreg $0x0  }
0x20: {  	s4 =	sshll.u32 s28, $0x1;
	[dreg:$0x2] =	wrdreg s1  }
0x21: {  	[dreg:$0x3] =	wrdreg s4  }
0x22: {  	[dreg:$0x4] =	wrdreg $0xC0  }
0x23: {  	_ =	task [dreg:s6], $0x5FFFF  }
0x24: {  	[dreg:$0x1] =	wrdreg $0xFFFFFFFF  }
0x25: {  	[dreg:$0x0] =	wrdreg $0x60  }
0x26: {  	[dreg:$0x2] =	wrdreg s25  }
0x27: {  	[dreg:$0x3] =	wrdreg $0x9  }
0x28: {  	_ =	task.clear_ibuf [dreg:s6], $0x4FFFF;
	_ =	strace $0x90000046  }
0x29: {  	s29 =	simm.s32 $0x9;
	_ =	strace $0x80000048  }
0x2a: {  	_ =	swait.ge [sflag:s29], $0x1  }
0x2b: {  	[sflag:s29] =	ssyncadd.s32 $0xFFFFFFFF  }
0x2c: {  	_ =	strace $0x90000048  }
0x2d: {  	_ =	sfence  }
0x2e: {  	s30 =	sld [smem:$0x0];
	_ =	sdelay $0x2  }
0x2f: {  	s31 =	sshll.u32 s3, $0xD;
	s3 =	sshrl.u32 s3, $0x2  }
0x30: {  	s2 =	sand.u32 $0x4000, s31;
	s1 =	sadd.s32 s3, s30  }
0x31: {  	s0 =	sor.u32 s2, s0;
	s1 =	sshll.u32 s1, $0x11  }
0x32: {  	s0 =	sor.u32 s1, s0  }
0x33: {  	s0 =	sadd.s32 $0x8F2B, s0  }
0x34: {  	[sflag:s0] =	ssyncadd.remote.s32 $0x1  }
0x35: {  	_ =	sfence.sel $0xFFFF  }
0x36: {  	[dreg:$0x0] =	wrdreg $0xFFFFFFFF;
	(pc) =	sbr.abs _section_cstart, $3  }
0x37: {  	[dreg:$0x1] =	wrdreg $0xFFFFFFFF  }
0x38: {  	_ =	task.clear_ibuf [dreg:s6], $0x2FFFF;
	_ =	strace $0x9FFFFFFF  }
0x39: {  	(tm) =	ssettm $0x7FFFFFFF  }
tec
execute0_lowered:
.L_overlay_start_1:
0x0: {  	(tag) =	ssettag $0x1  }
0x1: {  	s0 =	srdreg.scid  }
0x2: {  	s1 =	sshll.u32 s0, $0x4  }
0x3: {  	s4 =	rddreg [dreg:$0x0];
	s0 =	stileid.u32;
	s1 =	sand.u32 $0x10, s1  }
0x4: {  	s7 =	simm.s32 $0x1;
	s8 =	simm.s32 $0x2;
	s1 =	sor.u32 s0, s1  }
0x5: {  	s9 =	simm.s32 $0x0;
	s12 =	simm.s32 $0x0;
	s2 =	sshll.u32 s1, $0x1  }
0x6: {  	s11 =	simm.s32 $0x0;
	s3 =	sadd.s32 $0x114000, s4;
	s6 =	ssub.s32 $0x3200, s2  }
.Ltmp0:
0x7: {  	s4 =	sadd.s32 $0xD94000, s4;
	s5 =	sand.u32 $0x3E, s6;
	(pc) =	sbr.rel .LBB1_1-.Ltmp0, $4  }
0x8: {  	s1 =	rddreg [dreg:$0x1];
	_ =	strace $0x80000047;
	p0 =	sne.s32 s5, $0x0  }
0x9: {  	s6 =	sshrl.u32 s6, $0x6;
	s5 =	simm.s32 $0x1;
	s7 =	simm.s32 @!p0 $0x0  }
0xa: {  	s10 =	smov.u32 s2;
	[sflag:s5] =	ssyncpa.u1 $0x0;
	s6 =	sadd.s32 s7, s6  }
0xb: {  	[sflag:s8] =	ssyncpa.u1 $0x0;
	s8 =	simm.s32 $0x0;
	s7 =	sadd.s32 $0x1, s6  }
.LBB1_9:
0xc: {  	s14 =	sadd.s32 $0x40, s10  }
0xd: {  	p1 =	sgt.s32 s14, $0x31FF  }
0xe: {  	s14 =	smov.u32 @p1 s2;
	p1 =	sne.s32 s11, s7  }
.Ltmp1:
0xf: {  	p0 =	slt.u32 s11, $0x2;
	(pc) =	sbr.rel @!p1 .LBB1_10-.Ltmp1, $4  }
0x10: {  	s13 =	simm.s32 @!p0 $0x2  }
0x11: {  	s15 =	sadd.s32 $0x1, s11;
	_ =	swait.ge @!p0 [sflag:s13], $0x4000  }
0x12: {  	s12 =	smov.u32 s10;
	s9 =	sadd.s32 $0x4000, s9;
	[sflag:s13] =	ssyncset.done @!p0 $0x0  }
0x13: {  	s11 =	smov.u32 s15;
	s10 =	smov.u32 s14;
	[sflag:s13] =	ssyncadd.s32 @!p0 $0xFFFFC000  }
.LBB1_1:
0x14: {  	p0 =	sge.u32 s11, s6  }
0x15: {  	s13 =	sxor.u32 @!p0 $0xFFFFFFFF, s11  }
0x16: {  	s31 =	sadd.s32 $0xFFFFFFFF, s11;
	s14 =	sshll.u32 @!p0 s10, $0xA;
	s13 =	sshll.u32 @!p0 s13, $0xE  }
0x17: {  	s15 =	simm.s32 @!p0 $0x0;
	s14 =	sadd.s32 @!p0 s3, s14;
	s13 =	sand.u32 @!p0 $0x4000, s13  }
0x18: {  	[tilespmem:s13], [sflag:$0x1] =	stream.linear.gather @!p0 [hbm4b:s14+s15], $0x4000, $0x38;
	[tilespmem:$0x10000] =	vst v63  }
0x19: {  	p0 =	sge.u32 s31, s6  }
.Ltmp2:
0x1a: {  	_ = 	snop;
	(pc) =	sbr.rel @p0 .LBB1_9-.Ltmp2, $1  }
0x1b: {  	_ =	sdelay $0x3  }
0x1c: {  	s13 =	sshll.u32 s9, $0x2  }
0x1d: {  	_ =	swait.ge [sflag:s5], $0x4000;
	s14 =	sshll.u32 s11, $0xE;
	s16 =	simm.s32 $0x0  }
0x1e: {  	p1 =	por $0x1, $0x1;
	s13 =	sand.u32 $0x10000, s13;
	[sflag:s5] =	ssyncset.done $0x0  }
0x1f: {  	s14 =	sand.u32 $0x4000, s14;
	s15 =	sshrl.u32 s13, $0x2;
	[sflag:s5] =	ssyncadd.s32 $0xFFFFC000  }
0x20: {  	s13 =	sor.u32 $0x8000, s14;
	s14 =	sadd.s32 $0x8040, s15;
	s15 =	sadd.s32 $0x40, s15  }
.LBB1_3:
0x21: {  	s16 =	sshll.u32 s16, $0x2  }
0x22: {  	p0 =	por p1, p1;
	s17 =	sshra.s32 s16, $0x2  }
0x23: {  	s18 =	simm.s32 $0x0;
	s16 =	sadd.s32 s17, s14;
	s17 =	sadd.s32 s17, s15  }
.LBB1_4:
0x24: {  	v0 =	vmov s17;
	_ =	sdelay $0x3  }
0x25: {  	s20 =	simm.s32 $0x0  }
0x26: {  	v6 =	vld.idx.msk [tilespmem:v0+s20+$0x30 ss:$0x1], $0xffff  }
0x27: {  	v7 =	vld.idx.msk [tilespmem:v0+s20+$0xFFFFFFC0 ss:$0x1], $0xffff  }
0x28: {  	v5 =	vld.idx.msk [tilespmem:v0+s20+$0xFFFFFFD0 ss:$0x1], $0xffff  }
0x29: {  	v4 =	vld.idx.msk [tilespmem:v0+s20+$0xFFFFFFE0 ss:$0x1], $0xffff  }
0x2a: {  	v3 =	vld.idx.msk [tilespmem:v0+s20+$0xFFFFFFF0 ss:$0x1], $0xffff  }
0x2b: {  	v1 =	vld.idx.msk [tilespmem:v0+s20+$0x0 ss:$0x1], $0xffff  }
0x2c: {  	v2 =	vld.idx.msk [tilespmem:v0+s20+$0x10 ss:$0x1], $0xffff;
	[tilespmem:s16+$0x30] =	vst v6  }
0x2d: {  	s19 =	simm.s32 $0x80;
	s21 =	simm.s32 $0x400;
	[tilespmem:s16+$0xFFFFFFC0] =	vst v7;
	v6 =	vld.idx.msk [tilespmem:v0+s20+$0x20 ss:$0x1], $0xffff;
	s20 =	smov.u32 s16  }
.LBB1_5:
0x2e: {  	p1 =	sne.s32 s21, $0xE00;
	v7 =	vld.idx.msk [tilespmem:v0+s19+$0x30 ss:$0x1], $0xffff;
	[tilespmem:s20+$0xFFFFFFD0] =	vst v5  }
0x2f: {  	v8 =	vld.idx.msk [tilespmem:v0+s19+$0xFFFFFFC0 ss:$0x1], $0xffff;
	[tilespmem:s20+$0xFFFFFFE0] =	vst v4  }
0x30: {  	v5 =	vld.idx.msk [tilespmem:v0+s19+$0xFFFFFFD0 ss:$0x1], $0xffff;
	[tilespmem:s20+$0xFFFFFFF0] =	vst v3  }
.Ltmp3:
0x31: {  	v4 =	vld.idx.msk [tilespmem:v0+s19+$0xFFFFFFE0 ss:$0x1], $0xffff;
	[tilespmem:s20+$0x0] =	vst v1;
	(pc) =	sbr.rel @p1 .LBB1_5-.Ltmp3, $4  }
0x32: {  	v3 =	vld.idx.msk [tilespmem:v0+s19+$0xFFFFFFF0 ss:$0x1], $0xffff;
	[tilespmem:s20+$0x10] =	vst v2  }
0x33: {  	v1 =	vld.idx.msk [tilespmem:v0+s19+$0x0 ss:$0x1], $0xffff;
	[tilespmem:s20+$0x20] =	vst v6;
	s20 =	sadd.s32 $0x400, s20  }
0x34: {  	v2 =	vld.idx.msk [tilespmem:v0+s19+$0x10 ss:$0x1], $0xffff;
	[tilespmem:s20+$0x30] =	vst v7  }
0x35: {  	[tilespmem:s20+$0xFFFFFFC0] =	vst v8;
	v6 =	vld.idx.msk [tilespmem:v0+s19+$0x20 ss:$0x1], $0xffff;
	s19 =	sshra.s32 s21, $0x2;
	s21 =	sadd.s32 $0x200, s21  }
0x36: {  	_ =	sdelay $0x2  }
0x37: {  	[tilespmem:s20+$0xFFFFFFD0] =	vst v5  }
0x38: {  	v56 =	vld.idx.msk [tilespmem:v0+s19+$0x30 ss:$0x1], $0xffff;
	[tilespmem:s20+$0xFFFFFFE0] =	vst v4  }
0x39: {  	v57 =	vld.idx.msk [tilespmem:v0+s19+$0xFFFFFFC0 ss:$0x1], $0xffff;
	[tilespmem:s20+$0xFFFFFFF0] =	vst v3  }
0x3a: {  	v58 =	vld.idx.msk [tilespmem:v0+s19+$0xFFFFFFD0 ss:$0x1], $0xffff;
	[tilespmem:s20+$0x0] =	vst v1  }
0x3b: {  	v59 =	vld.idx.msk [tilespmem:v0+s19+$0xFFFFFFE0 ss:$0x1], $0xffff;
	[tilespmem:s20+$0x10] =	vst v2  }
0x3c: {  	v60 =	vld.idx.msk [tilespmem:v0+s19+$0xFFFFFFF0 ss:$0x1], $0xffff;
	s31 =	sadd.s32 $0x400, s20;
	[tilespmem:s20+$0x20] =	vst v6  }
0x3d: {  	v61 =	vld.idx.msk [tilespmem:v0+s19+$0x0 ss:$0x1], $0xffff;
	[tilespmem:s31+$0x30] =	vst v56  }
0x3e: {  	v62 =	vld.idx.msk [tilespmem:v0+s19+$0x10 ss:$0x1], $0xffff;
	s18 =	sadd.s32 $0x1, s18;
	[tilespmem:s31+$0xFFFFFFC0] =	vst v57  }
0x3f: {  	v63 =	vld.idx.msk [tilespmem:v0+s19+$0x20 ss:$0x1], $0xffff;
	p1 =	sne.s32 s18, $0x8;
	[tilespmem:s31+$0xFFFFFFD0] =	vst v58  }
.Ltmp4:
0x40: {  	[tilespmem:s31+$0xFFFFFFE0] =	vst v59;
	(pc) =	sbr.rel @p1 .LBB1_4-.Ltmp4, $4  }
0x41: {  	[tilespmem:s31+$0xFFFFFFF0] =	vst v60  }
0x42: {  	[tilespmem:s31+$0x0] =	vst v61  }
0x43: {  	[tilespmem:s31+$0x10] =	vst v62  }
0x44: {  	s16 =	sadd.s32 $0x80, s16;
	s17 =	sadd.s32 $0x400, s17;
	[tilespmem:s31+$0x20] =	vst v63  }
.Ltmp5:
0x45: {  	(pc) =	sbr.rel @p0 .LBB1_3-.Ltmp5, $2  }
0x46: {  	_ =	sdelay $0x2  }
0x47: {  	s16 =	simm.s32 $0x2000;
	p1 =	por $0x0, $0x0  }
.Ltmp6:
0x48: {  	(pc) =	sbr.rel .LBB1_9-.Ltmp6, $4  }
0x49: {  	_ = 	snop  }
0x4a: {  	s12 =	sshll.u32 s12, $0xA  }
0x4b: {  	s12 =	sadd.s32 s4, s12  }
0x4c: {  	[hbm4b:s12+s8] =	stream.linear.scatter [tilespmem:s13], [sflag:$0x2], $0x4000, $0x38;
	[tilespmem:$0x10000] =	vst v63  }
.LBB1_10:
0x4d: {  	_ =	sfence.sel $0x180000  }
0x4e: {  	s2 =	simm.s32 $0x1;
	[bflag:$0x0] =	sbarrier.arrive $0xFFFF  }
0x4f: {  	s31 =	simm.s32 $0x2;
	[sflag:s2] =	ssyncpa.u1 $0x1  }
0x50: {  	[sflag:s31] =	ssyncpa.u1 $0x1  }
0x51: {  	p0 =	sne.s32 s0, $0x0;
	_ =	strace $0x90000047  }
0x52: {  	s0 =	sadd.s32 @!p0 $0x100000, s1;
	[bflag:$0x2] =	sbarrier.arrive $0xFFFF  }
0x53: {  	[sflag:s0] =	ssyncadd.tile.s32 @!p0 $0x1;
	_ =	shalt  }
.Lfunc_end1:
_tile_overlayer_lowered:
.L_overlay_start_2:
0x54: {  	(tag) =	ssettag $0x2  }
0x55: {  	s0 =	rddreg [dreg:$0x0];
	s2 =	stileid.u32  }
0x56: {  	s1 =	rddreg [dreg:$0x1];
	p0 =	sne.s32 s2, $0x0  }
0x57: {  	s3 =	rddreg [dreg:$0x2];
	[bflag:$0x3] =	sbarrier.arrive $0xFFFF;
	s2 =	simm.s32 @!p0 $0x1C01  }
0x58: {  	[timem:s3], [sflag:s2] =	dma.local @!p0 [hbm:s0], s1  }
0x59: {  	s0 =	simm.s32 @!p0 $0x1  }
0x5a: {  	_ =	swait.ge @!p0 [sflag:s0], s1  }
0x5b: {  	s1 =	ssub.s32 @!p0 $0x0, s1;
	[sflag:s0] =	ssyncset.done @!p0 $0x0  }
0x5c: {  	[sflag:s0] =	ssyncadd.s32 @!p0 s1  }
0x5d: {  	[bflag:$0x3] =	sbarrier.arrive $0xFFFF  }
0x5e: {  	_ =	shalt  }

// kernel: sparse-core-data-format-call.cloned.1.call-start
scs
called_computation_lowered:
.L_overlay_start_0:
0x0: {  	s1 =	sld [smem:$0x3FD9]  }
0x1: {  	s2 =	sld [smem:$0x3FFE];
	_ =	sdelay $0x1  }
0x2: {  	s3 =	srdreg.scid  }
0x3: {  	s0 =	sand.u32 $0x1, s3  }
0x4: {  	s17 =	sshll.u32 s0, $0xA;
	s1 =	sadd.s32 s2, s1  }
0x5: {  	s1 =	sadd.s32 s1, s17  }
0x6: {  	[smem:$0x3FBA] =	sst s1  }
0x7: {  	_ = 	snop  }
0x8: {  	(tm) =	ssettm $0x1  }
0x9: {  	s18 =	sld [smem:$0x3FFB];
	_ =	sdelay $0x3  }
0xa: {  	_ =	strace s18  }
0xb: {  	s1 =	sld [smem:$0x3FFC];
	_ =	sdelay $0x3  }
0xc: {  	_ =	strace s1  }
0xd: {  	s1 =	sld [smem:$0x3FFD];
	_ =	sdelay $0x3  }
0xe: {  	_ =	strace s1  }
0xf: {  	_ =	strace $0x8FFFFFFF  }
0x10: {  	s19 =	sld [smem:$0x3FDB];
	_ =	sdelay $0x1  }
0x11: {  	s20 =	simm.s32 $_scs_section_size  }
0x12: {  	s4 =	simm.s32 $_size__tile_overlayer_lowered;
	s5 =	simm.s32 $_tile_overlayer_lowered  }
0x13: {  	s23 =	simm.s32 $0x1BFF;
	s22 =	sshll.u32 s5, $0x1;
	s1 =	sadd.s32 s20, s19  }
0x14: {  	s6 =	simm.s32 $0x0;
	s21 =	sshll.u32 s4, $0x1;
	s4 =	sadd.s32 s22, s1  }
0x15: {  	[timem:s6], [sflag:s23] =	dma.local [hbm:s4], s21  }
0x16: {  	_ =	swait.ge [sflag:s23], s21  }
0x17: {  	s2 =	ssub.s32 $0x0, s21;
	[sflag:s23] =	ssyncset.done $0x0  }
0x18: {  	[sflag:s23] =	ssyncadd.s32 s2;
	_ =	sdelay $0x1  }
0x19: {  	s24 =	simm.s32 $0x1B8B  }
0x1a: {  	_ =	swait.ge [sflag:s24], $0x1  }
0x1b: {  	[sflag:s24] =	ssyncset.done $0x0  }
0x1c: {  	s26 =	simm.s32 $0x1B8E;
	s25 =	sld [smem:$0x3FFE];
	[sflag:s24] =	ssyncadd.s32 $0xFFFFFFFF  }
0x1d: {  	s27 =	simm.s32 $execute0_lowered;
	[smem:$0x3FD2] =	sst s26  }
0x1e: {  	s4 =	sshll.u32 s27, $0x1;
	_ =	strace $0x8000004C;
	[dreg:$0x1] =	wrdreg $0xFFFFFFFF  }
0x1f: {  	s28 =	simm.s32 $_size_execute0_lowered;
	s1 =	sadd.s32 s1, s4;
	[dreg:$0x0] =	wrdreg $0x0  }
0x20: {  	s4 =	sshll.u32 s28, $0x1;
	[dreg:$0x2] =	wrdreg s1  }
0x21: {  	[dreg:$0x3] =	wrdreg s4  }
0x22: {  	[dreg:$0x4] =	wrdreg $0xC0  }
0x23: {  	_ =	task [dreg:s6], $0x5FFFF  }
0x24: {  	[dreg:$0x1] =	wrdreg $0xFFFFFFFF  }
0x25: {  	[dreg:$0x0] =	wrdreg $0x60  }
0x26: {  	[dreg:$0x2] =	wrdreg s25  }
0x27: {  	[dreg:$0x3] =	wrdreg $0x9  }
0x28: {  	_ =	task.clear_ibuf [dreg:s6], $0x4FFFF;
	_ =	strace $0x9000004C  }
0x29: {  	s29 =	simm.s32 $0x9;
	_ =	strace $0x8000004E  }
0x2a: {  	_ =	swait.ge [sflag:s29], $0x1  }
0x2b: {  	[sflag:s29] =	ssyncadd.s32 $0xFFFFFFFF  }
0x2c: {  	_ =	strace $0x9000004E  }
0x2d: {  	_ =	sfence  }
0x2e: {  	s30 =	sld [smem:$0x0];
	_ =	sdelay $0x2  }
0x2f: {  	s31 =	sshll.u32 s3, $0xD;
	s3 =	sshrl.u32 s3, $0x2  }
0x30: {  	s2 =	sand.u32 $0x4000, s31;
	s1 =	sadd.s32 s3, s30  }
0x31: {  	s0 =	sor.u32 s2, s0;
	s1 =	sshll.u32 s1, $0x11  }
0x32: {  	s0 =	sor.u32 s1, s0  }
0x33: {  	s0 =	sadd.s32 $0x8F2B, s0  }
0x34: {  	[sflag:s0] =	ssyncadd.remote.s32 $0x1  }
0x35: {  	_ =	sfence.sel $0xFFFF  }
0x36: {  	[dreg:$0x0] =	wrdreg $0xFFFFFFFF;
	(pc) =	sbr.abs _section_cstart, $3  }
0x37: {  	[dreg:$0x1] =	wrdreg $0xFFFFFFFF  }
0x38: {  	_ =	task.clear_ibuf [dreg:s6], $0x2FFFF;
	_ =	strace $0x9FFFFFFF  }
0x39: {  	(tm) =	ssettm $0x7FFFFFFF  }
tec
execute0_lowered:
.L_overlay_start_1:
0x0: {  	(tag) =	ssettag $0x1  }
0x1: {  	s0 =	srdreg.scid  }
0x2: {  	s1 =	sshll.u32 s0, $0x4  }
0x3: {  	s4 =	rddreg [dreg:$0x0];
	s0 =	stileid.u32;
	s1 =	sand.u32 $0x10, s1  }
0x4: {  	s7 =	simm.s32 $0x1;
	s8 =	simm.s32 $0x2;
	s2 =	sor.u32 s0, s1  }
0x5: {  	s9 =	simm.s32 $0x0;
	s12 =	simm.s32 $0x0;
	s2 =	sshll.u32 s2, $0x1  }
0x6: {  	s11 =	simm.s32 $0x0;
	s3 =	sadd.s32 $0x24C800, s4;
	s6 =	ssub.s32 $0x3200, s2  }
.Ltmp0:
0x7: {  	s4 =	sadd.s32 $0xECC800, s4;
	s5 =	sand.u32 $0x3E, s6;
	(pc) =	sbr.rel .LBB1_1-.Ltmp0, $4  }
0x8: {  	s1 =	rddreg [dreg:$0x1];
	_ =	strace $0x8000004D;
	p0 =	sne.s32 s5, $0x0  }
0x9: {  	s6 =	sshrl.u32 s6, $0x6;
	s5 =	simm.s32 $0x1;
	s7 =	simm.s32 @!p0 $0x0  }
0xa: {  	s10 =	smov.u32 s2;
	[sflag:s5] =	ssyncpa.u1 $0x0;
	s6 =	sadd.s32 s7, s6  }
0xb: {  	[sflag:s8] =	ssyncpa.u1 $0x0;
	s8 =	simm.s32 $0x0;
	s7 =	sadd.s32 $0x1, s6  }
.LBB1_9:
0xc: {  	s14 =	sadd.s32 $0x40, s10  }
0xd: {  	p1 =	sgt.s32 s14, $0x31FF  }
0xe: {  	s14 =	smov.u32 @p1 s2;
	p1 =	sne.s32 s11, s7  }
.Ltmp1:
0xf: {  	p0 =	slt.u32 s11, $0x2;
	(pc) =	sbr.rel @!p1 .LBB1_10-.Ltmp1, $4  }
0x10: {  	s13 =	simm.s32 @!p0 $0x2  }
0x11: {  	s15 =	sadd.s32 $0x1, s11;
	_ =	swait.ge @!p0 [sflag:s13], $0x4000  }
0x12: {  	s12 =	smov.u32 s10;
	s9 =	sadd.s32 $0x4000, s9;
	[sflag:s13] =	ssyncset.done @!p0 $0x0  }
0x13: {  	s11 =	smov.u32 s15;
	s10 =	smov.u32 s14;
	[sflag:s13] =	ssyncadd.s32 @!p0 $0xFFFFC000  }
.LBB1_1:
0x14: {  	p0 =	sge.u32 s11, s6  }
0x15: {  	s13 =	sxor.u32 @!p0 $0xFFFFFFFF, s11  }
0x16: {  	s31 =	sadd.s32 $0xFFFFFFFF, s11;
	s14 =	sshll.u32 @!p0 s10, $0xA;
	s13 =	sshll.u32 @!p0 s13, $0xE  }
0x17: {  	s15 =	simm.s32 @!p0 $0x0;
	s14 =	sadd.s32 @!p0 s3, s14;
	s13 =	sand.u32 @!p0 $0x4000, s13  }
0x18: {  	[tilespmem:s13], [sflag:$0x1] =	stream.linear.gather @!p0 [hbm4b:s14+s15], $0x4000, $0x38;
	[tilespmem:$0x10000] =	vst v63  }
0x19: {  	p0 =	sge.u32 s31, s6  }
.Ltmp2:
0x1a: {  	_ = 	snop;
	(pc) =	sbr.rel @p0 .LBB1_9-.Ltmp2, $1  }
0x1b: {  	_ =	sdelay $0x3  }
0x1c: {  	s13 =	sshll.u32 s9, $0x2  }
0x1d: {  	_ =	swait.ge [sflag:s5], $0x4000;
	s14 =	sshll.u32 s11, $0xE;
	s16 =	simm.s32 $0x0  }
0x1e: {  	p1 =	por $0x1, $0x1;
	s13 =	sand.u32 $0x10000, s13;
	[sflag:s5] =	ssyncset.done $0x0  }
0x1f: {  	s14 =	sand.u32 $0x4000, s14;
	s15 =	sshrl.u32 s13, $0x2;
	[sflag:s5] =	ssyncadd.s32 $0xFFFFC000  }
0x20: {  	s13 =	sor.u32 $0x8000, s14;
	s14 =	sadd.s32 $0x8040, s15;
	s15 =	sadd.s32 $0x40, s15  }
.LBB1_3:
0x21: {  	s16 =	sshll.u32 s16, $0x2  }
0x22: {  	p0 =	por p1, p1;
	s17 =	sshra.s32 s16, $0x2  }
0x23: {  	s18 =	simm.s32 $0x0;
	s16 =	sadd.s32 s17, s14;
	s17 =	sadd.s32 s17, s15  }
.LBB1_4:
0x24: {  	v0 =	vmov s17;
	_ =	sdelay $0x3  }
0x25: {  	s20 =	simm.s32 $0x0  }
0x26: {  	v6 =	vld.idx.msk [tilespmem:v0+s20+$0x30 ss:$0x1], $0xffff  }
0x27: {  	v7 =	vld.idx.msk [tilespmem:v0+s20+$0xFFFFFFC0 ss:$0x1], $0xffff  }
0x28: {  	v5 =	vld.idx.msk [tilespmem:v0+s20+$0xFFFFFFD0 ss:$0x1], $0xffff  }
0x29: {  	v4 =	vld.idx.msk [tilespmem:v0+s20+$0xFFFFFFE0 ss:$0x1], $0xffff  }
0x2a: {  	v3 =	vld.idx.msk [tilespmem:v0+s20+$0xFFFFFFF0 ss:$0x1], $0xffff  }
0x2b: {  	v1 =	vld.idx.msk [tilespmem:v0+s20+$0x0 ss:$0x1], $0xffff  }
0x2c: {  	v2 =	vld.idx.msk [tilespmem:v0+s20+$0x10 ss:$0x1], $0xffff;
	[tilespmem:s16+$0x30] =	vst v6  }
0x2d: {  	s19 =	simm.s32 $0x80;
	s21 =	simm.s32 $0x400;
	[tilespmem:s16+$0xFFFFFFC0] =	vst v7;
	v6 =	vld.idx.msk [tilespmem:v0+s20+$0x20 ss:$0x1], $0xffff;
	s20 =	smov.u32 s16  }
.LBB1_5:
0x2e: {  	p1 =	sne.s32 s21, $0xE00;
	v7 =	vld.idx.msk [tilespmem:v0+s19+$0x30 ss:$0x1], $0xffff;
	[tilespmem:s20+$0xFFFFFFD0] =	vst v5  }
0x2f: {  	v8 =	vld.idx.msk [tilespmem:v0+s19+$0xFFFFFFC0 ss:$0x1], $0xffff;
	[tilespmem:s20+$0xFFFFFFE0] =	vst v4  }
0x30: {  	v5 =	vld.idx.msk [tilespmem:v0+s19+$0xFFFFFFD0 ss:$0x1], $0xffff;
	[tilespmem:s20+$0xFFFFFFF0] =	vst v3  }
.Ltmp3:
0x31: {  	v4 =	vld.idx.msk [tilespmem:v0+s19+$0xFFFFFFE0 ss:$0x1], $0xffff;
	[tilespmem:s20+$0x0] =	vst v1;
	(pc) =	sbr.rel @p1 .LBB1_5-.Ltmp3, $4  }
0x32: {  	v3 =	vld.idx.msk [tilespmem:v0+s19+$0xFFFFFFF0 ss:$0x1], $0xffff;
	[tilespmem:s20+$0x10] =	vst v2  }
0x33: {  	v1 =	vld.idx.msk [tilespmem:v0+s19+$0x0 ss:$0x1], $0xffff;
	[tilespmem:s20+$0x20] =	vst v6;
	s20 =	sadd.s32 $0x400, s20  }
0x34: {  	v2 =	vld.idx.msk [tilespmem:v0+s19+$0x10 ss:$0x1], $0xffff;
	[tilespmem:s20+$0x30] =	vst v7  }
0x35: {  	[tilespmem:s20+$0xFFFFFFC0] =	vst v8;
	v6 =	vld.idx.msk [tilespmem:v0+s19+$0x20 ss:$0x1], $0xffff;
	s19 =	sshra.s32 s21, $0x2;
	s21 =	sadd.s32 $0x200, s21  }
0x36: {  	_ =	sdelay $0x2  }
0x37: {  	[tilespmem:s20+$0xFFFFFFD0] =	vst v5  }
0x38: {  	v56 =	vld.idx.msk [tilespmem:v0+s19+$0x30 ss:$0x1], $0xffff;
	[tilespmem:s20+$0xFFFFFFE0] =	vst v4  }
0x39: {  	v57 =	vld.idx.msk [tilespmem:v0+s19+$0xFFFFFFC0 ss:$0x1], $0xffff;
	[tilespmem:s20+$0xFFFFFFF0] =	vst v3  }
0x3a: {  	v58 =	vld.idx.msk [tilespmem:v0+s19+$0xFFFFFFD0 ss:$0x1], $0xffff;
	[tilespmem:s20+$0x0] =	vst v1  }
0x3b: {  	v59 =	vld.idx.msk [tilespmem:v0+s19+$0xFFFFFFE0 ss:$0x1], $0xffff;
	[tilespmem:s20+$0x10] =	vst v2  }
0x3c: {  	v60 =	vld.idx.msk [tilespmem:v0+s19+$0xFFFFFFF0 ss:$0x1], $0xffff;
	s31 =	sadd.s32 $0x400, s20;
	[tilespmem:s20+$0x20] =	vst v6  }
0x3d: {  	v61 =	vld.idx.msk [tilespmem:v0+s19+$0x0 ss:$0x1], $0xffff;
	[tilespmem:s31+$0x30] =	vst v56  }
0x3e: {  	v62 =	vld.idx.msk [tilespmem:v0+s19+$0x10 ss:$0x1], $0xffff;
	s18 =	sadd.s32 $0x1, s18;
	[tilespmem:s31+$0xFFFFFFC0] =	vst v57  }
0x3f: {  	v63 =	vld.idx.msk [tilespmem:v0+s19+$0x20 ss:$0x1], $0xffff;
	p1 =	sne.s32 s18, $0x8;
	[tilespmem:s31+$0xFFFFFFD0] =	vst v58  }
.Ltmp4:
0x40: {  	[tilespmem:s31+$0xFFFFFFE0] =	vst v59;
	(pc) =	sbr.rel @p1 .LBB1_4-.Ltmp4, $4  }
0x41: {  	[tilespmem:s31+$0xFFFFFFF0] =	vst v60  }
0x42: {  	[tilespmem:s31+$0x0] =	vst v61  }
0x43: {  	[tilespmem:s31+$0x10] =	vst v62  }
0x44: {  	s16 =	sadd.s32 $0x80, s16;
	s17 =	sadd.s32 $0x400, s17;
	[tilespmem:s31+$0x20] =	vst v63  }
.Ltmp5:
0x45: {  	(pc) =	sbr.rel @p0 .LBB1_3-.Ltmp5, $2  }
0x46: {  	_ =	sdelay $0x2  }
0x47: {  	s16 =	simm.s32 $0x2000;
	p1 =	por $0x0, $0x0  }
.Ltmp6:
0x48: {  	(pc) =	sbr.rel .LBB1_9-.Ltmp6, $4  }
0x49: {  	_ = 	snop  }
0x4a: {  	s12 =	sshll.u32 s12, $0xA  }
0x4b: {  	s12 =	sadd.s32 s4, s12  }
0x4c: {  	[hbm4b:s12+s8] =	stream.linear.scatter [tilespmem:s13], [sflag:$0x2], $0x4000, $0x38;
	[tilespmem:$0x10000] =	vst v63  }
.LBB1_10:
0x4d: {  	_ =	sfence.sel $0x180000  }
0x4e: {  	s2 =	simm.s32 $0x1;
	[bflag:$0x0] =	sbarrier.arrive $0xFFFF  }
0x4f: {  	s31 =	simm.s32 $0x2;
	[sflag:s2] =	ssyncpa.u1 $0x1  }
0x50: {  	[sflag:s31] =	ssyncpa.u1 $0x1  }
0x51: {  	p0 =	sne.s32 s0, $0x0;
	_ =	strace $0x9000004D  }
0x52: {  	s0 =	sadd.s32 @!p0 $0x100000, s1;
	[bflag:$0x2] =	sbarrier.arrive $0xFFFF  }
0x53: {  	[sflag:s0] =	ssyncadd.tile.s32 @!p0 $0x1;
	_ =	shalt  }
.Lfunc_end1:
_tile_overlayer_lowered:
.L_overlay_start_2:
0x54: {  	(tag) =	ssettag $0x2  }
0x55: {  	s0 =	rddreg [dreg:$0x0];
	s2 =	stileid.u32  }
0x56: {  	s1 =	rddreg [dreg:$0x1];
	p0 =	sne.s32 s2, $0x0  }
0x57: {  	s3 =	rddreg [dreg:$0x2];
	[bflag:$0x3] =	sbarrier.arrive $0xFFFF;
	s2 =	simm.s32 @!p0 $0x1C01  }
0x58: {  	[timem:s3], [sflag:s2] =	dma.local @!p0 [hbm:s0], s1  }
0x59: {  	s0 =	simm.s32 @!p0 $0x1  }
0x5a: {  	_ =	swait.ge @!p0 [sflag:s0], s1  }
0x5b: {  	s1 =	ssub.s32 @!p0 $0x0, s1;
	[sflag:s0] =	ssyncset.done @!p0 $0x0  }
0x5c: {  	[sflag:s0] =	ssyncadd.s32 @!p0 s1  }
0x5d: {  	[bflag:$0x3] =	sbarrier.arrive $0xFFFF  }
0x5e: {  	_ =	shalt  }

</sc_bundles>
